<compile_context>
chip_gen: v7x
topology: tpu7x:2x2x1
jax: 0.10.2.dev20260603
libtpu: 0.0.44.dev20260713+nightly
codegen_flags: <defaults>
</compile_context>

<pallas_src>
import functools

import jax
import jax.numpy as jnp
from jax import lax
from jax.experimental import pallas as pl
from jax.experimental.pallas import tpu as pltpu
from jax.experimental.pallas import tpu_sc as plsc

NUM_NODES = {'paper': 100000, 'author': 100000, 'institution': 8740, 'field_of_study': 59965}
EDGE_TYPES = [('author', 'writes', 'paper'), ('paper', 'cites', 'paper'), ('paper', 'has_topic', 'field_of_study'), ('author', 'affiliated_with', 'institution'), ('institution', 'employs', 'author'), ('field_of_study', 'rev_topic', 'paper'), ('paper', 'written_by', 'author'), ('paper', 'referenced_by', 'paper')]
HIDDEN = 256
HEADS = 4
DH = HIDDEN // HEADS
E = 100000

NTILES = 16
NCORES = 2
ES = 6256
E_PAD = NTILES * ES
NB = ES // 16
B = 48
R = 2560
SR = R // NTILES
SEG = 512
EST = ES + B
NSLAB = NCORES * NTILES * EST + 8


def _seg_kernel(nch, xs_hbm, src_hbm, dst_hbm, asf_hbm, adf_hbm, amax_hbm,
                out_hbm, stage_hbm, stgd_hbm,
                srcb, dstb, clid,
                ibatch, mbatch, gbuf, sbuf, dbuf, asq, adq, sdidx, ddidx,
                amaxb, cntw, acc,
                mbuf, cbuf, gidx, dgidx, abuf, dabuf, cntb,
                meta_sh, cnt_sh, gsem, asem, bsem):
    c = lax.axis_index("c")
    s = lax.axis_index("s")
    h_pad = nch * R
    sbase = (c * NTILES + s) * EST

    pltpu.sync_copy(src_hbm.at[pl.ds(pl.multiple_of(s * ES, 8), ES)], srcb.at[pl.ds(0, ES)])
    pltpu.sync_copy(dst_hbm.at[pl.ds(pl.multiple_of(s * ES, 8), ES)], dstb)
    pltpu.sync_copy(amax_hbm, amaxb)

    zv = jnp.zeros((16,), jnp.float32)
    zi = jnp.zeros((16,), jnp.int32)
    srcb[pl.ds(ES, 16)] = zi

    lanes = lax.iota(jnp.int32, 16)
    qh = jnp.bitwise_and(lanes, 3)
    qe = jnp.right_shift(lanes, 2)
    amaxq = plsc.load_gather(amaxb, [qh])

    def chunk_body(ci, _):
        lo = c * h_pad + ci * R

        def comp_body(b, cnt):
            off = b * 16
            dl = dstb[pl.ds(off, 16)] - lo
            m = (dl >= 0) & (dl < R)
            cum = plsc.cumsum(jnp.where(m, 1, 0))
            plsc.store_scatter(clid, [cnt + cum - 1], off + lanes, mask=m)
            return cnt + jnp.max(cum)

        cnt = lax.fori_loop(0, NB, comp_body, jnp.int32(0))
        padv = jnp.full((16,), ES, jnp.int32)
        for j in range(B // 16):
            clid[pl.ds(cnt + j * 16, 16)] = padv

        nbat = (cnt + (B - 1)) // B

        def batch_body(k, _):
            base = k * B
            for j in range(B // 16):
                lidv = clid[pl.ds(base + j * 16, 16)]
                ibatch[pl.ds(j * 16, 16)] = plsc.load_gather(srcb, [lidv])
                ov = plsc.load_gather(dstb, [jnp.minimum(lidv, ES - 1)]) - lo
                mbatch[pl.ds(j * 16, 16)] = (base + j * 16 + lanes) * 4096 + ov
            for j2 in range(B // 4):
                lidq = plsc.load_gather(clid, [base + j2 * 4 + qe])
                srcq = plsc.load_gather(srcb, [jnp.minimum(lidq, ES)])
                sdidx[pl.ds(j2 * 16, 16)] = srcq * 4 + qh
                dstq = plsc.load_gather(dstb, [jnp.minimum(lidq, ES - 1)])
                ddidx[pl.ds(j2 * 16, 16)] = dstq * 4 + qh
            cp1 = pltpu.async_copy(asf_hbm.at[sdidx], asq, asem)
            cp2 = pltpu.async_copy(adf_hbm.at[ddidx], adq, bsem)
            cp3 = pltpu.async_copy(xs_hbm.at[ibatch], gbuf, gsem)
            cp1.wait()
            cp2.wait()
            for j2 in range(B * 4 // 16):
                av = asq[pl.ds(j2 * 16, 16)] + adq[pl.ds(j2 * 16, 16)]
                ev_ = jnp.maximum(av, 0.0) + 0.2 * jnp.minimum(av, 0.0)
                mv = adq[pl.ds(j2 * 16, 16)] + amaxq
                mb_ = jnp.maximum(mv, 0.0) + 0.2 * jnp.minimum(mv, 0.0)
                dbuf[pl.ds(j2 * 16, 16)] = jnp.exp(ev_ - mb_)
            cp3.wait()

            def edge_body(i, _):
                for r in (2 * i, 2 * i + 1):
                    idxv = jnp.full((16,), 4 * r, jnp.int32)
                    ev = [plsc.load_gather(dbuf, [idxv + h]) for h in range(4)]
                    for j in range(16):
                        sbuf[r, pl.ds(j * 16, 16)] = gbuf[r, pl.ds(j * 16, 16)] * ev[j // 4]
                return 0

            lax.fori_loop(0, B // 2, edge_body, 0)
            pltpu.sync_copy(sbuf, stage_hbm.at[pl.ds(pl.multiple_of(sbase + base, 8), B)])
            pltpu.sync_copy(dbuf, stgd_hbm.at[pl.ds(pl.multiple_of(4 * (sbase + base), 8), 4 * B)])
            pltpu.sync_copy(mbatch, meta_sh.at[pl.ds(pl.multiple_of(s * (ES + SEG) + base, 8), B)])
            return 0

        lax.fori_loop(0, nbat, batch_body, 0)
        cntw[pl.ds(0, 16)] = jnp.full((16,), cnt, jnp.int32)
        pltpu.sync_copy(cntw, cnt_sh.at[pl.ds(pl.multiple_of(s * 16, 8), 16)])
        plsc.subcore_barrier()

        own_lo = s * SR

        def zrow_body(r2, _):
            for j in range(17):
                acc[r2, pl.ds(j * 16, 16)] = zv
            return 0

        lax.fori_loop(0, SR, zrow_body, 0)
        pltpu.sync_copy(cnt_sh, cntb)
        wtail = jnp.full((16,), (s + 1) * SR, jnp.int32)

        def src_tile_body(s2, _):
            cnt2 = jnp.max(cntb[pl.ds(s2 * 16, 16)])
            gb = (c * NTILES + s2) * EST

            def seg_cond(st):
                return st < cnt2

            def seg_body(st):
                pltpu.sync_copy(meta_sh.at[pl.ds(pl.multiple_of(s2 * (ES + SEG) + st, 8), SEG)], mbuf.at[pl.ds(0, SEG)])
                n = jnp.minimum(cnt2 - st, SEG)

                def blk(b2, cc):
                    w = mbuf[pl.ds(b2 * 16, 16)]
                    dl = jnp.bitwise_and(w, 4095)
                    ok = ((b2 * 16 + lanes) < n) & (dl >= own_lo) & (dl < own_lo + SR)
                    cum = plsc.cumsum(jnp.where(ok, 1, 0))
                    plsc.store_scatter(cbuf, [cc + cum - 1], w, mask=ok)
                    return cc + jnp.max(cum)

                cc = lax.fori_loop(0, SEG // 16, blk, jnp.int32(0))
                for j in range(B // 16):
                    cbuf[pl.ds(cc + j * 16, 16)] = wtail
                nb2 = (cc + (B - 1)) // B

                def b2_body(k2, _):
                    for j in range(B // 16):
                        wv = cbuf[pl.ds(k2 * B + j * 16, 16)]
                        gidx[pl.ds(j * 16, 16)] = gb + jnp.right_shift(wv, 12)
                    for j2 in range(B // 4):
                        wq = plsc.load_gather(
                            cbuf, [k2 * B + j2 * 4 + jnp.right_shift(lanes, 2)])
                        dgidx[pl.ds(j2 * 16, 16)] = (
                            (gb + jnp.right_shift(wq, 12)) * 4 + jnp.bitwise_and(lanes, 3))
                    pltpu.async_copy(stage_hbm.at[gidx], abuf, asem).wait()
                    pltpu.async_copy(stgd_hbm.at[dgidx], dabuf, asem).wait()

                    def erow(i3, _):
                        for r3 in (2 * i3, 2 * i3 + 1):
                            wv = plsc.load_gather(cbuf, [jnp.full((16,), k2 * B + r3, jnp.int32)])
                            dlr = jnp.max(jnp.bitwise_and(wv, 4095)) - own_lo
                            for j in range(16):
                                acc[dlr, pl.ds(j * 16, 16)] = (
                                    acc[dlr, pl.ds(j * 16, 16)] + abuf[r3, pl.ds(j * 16, 16)])
                            dg = plsc.load_gather(dabuf, [r3 * 4 + jnp.minimum(lanes, 3)])
                            dv = jnp.where(lanes < 4, dg, zv)
                            acc[dlr, pl.ds(256, 16)] = acc[dlr, pl.ds(256, 16)] + dv
                        return 0

                    lax.fori_loop(0, B // 2, erow, 0)
                    return 0

                lax.fori_loop(0, nb2, b2_body, 0)
                return st + SEG

            lax.while_loop(seg_cond, seg_body, jnp.int32(0))
            return 0

        lax.fori_loop(0, NTILES, src_tile_body, 0)

        pltpu.sync_copy(acc.at[pl.ds(0, SR)], out_hbm.at[pl.ds(pl.multiple_of(lo + own_lo, 8), SR)])
        plsc.subcore_barrier()
        return 0

    lax.fori_loop(0, nch, chunk_body, 0)


@functools.partial(jax.jit, static_argnums=(6,))
def _sc_aggregate(xs, src, dst, asf, adf, amax16, nch):
    h_pad = nch * R
    mesh = plsc.VectorSubcoreMesh(core_axis_name="c", subcore_axis_name="s")
    f = pl.kernel(
        functools.partial(_seg_kernel, nch),
        compiler_params=pltpu.CompilerParams(needs_layout_passes=False),
        out_type=(
            jax.ShapeDtypeStruct((2 * h_pad, 272), jnp.float32),
            jax.ShapeDtypeStruct((NSLAB, 256), jnp.float32),
            jax.ShapeDtypeStruct((4 * NSLAB,), jnp.float32),
        ),
        mesh=mesh,
        scratch_types=[
            pltpu.VMEM((ES + 16,), jnp.int32),
            pltpu.VMEM((ES,), jnp.int32),
            pltpu.VMEM((ES + B,), jnp.int32),
            pltpu.VMEM((B,), jnp.int32),
            pltpu.VMEM((B,), jnp.int32),
            pltpu.VMEM((B, 256), jnp.float32),
            pltpu.VMEM((B, 256), jnp.float32),
            pltpu.VMEM((4 * B,), jnp.float32),
            pltpu.VMEM((4 * B,), jnp.float32),
            pltpu.VMEM((4 * B,), jnp.float32),
            pltpu.VMEM((4 * B,), jnp.int32),
            pltpu.VMEM((4 * B,), jnp.int32),
            pltpu.VMEM((16,), jnp.float32),
            pltpu.VMEM((16,), jnp.int32),
            pltpu.VMEM((SR + 8, 272), jnp.float32),
            pltpu.VMEM((SEG + 16,), jnp.int32),
            pltpu.VMEM((SEG + B + 16,), jnp.int32),
            pltpu.VMEM((B,), jnp.int32),
            pltpu.VMEM((4 * B,), jnp.int32),
            pltpu.VMEM((B, 256), jnp.float32),
            pltpu.VMEM((4 * B,), jnp.float32),
            pltpu.VMEM((256,), jnp.int32),
            pltpu.VMEM_SHARED((16 * (ES + SEG),), jnp.int32),
            pltpu.VMEM_SHARED((256,), jnp.int32),
            pltpu.SemaphoreType.DMA,
            pltpu.SemaphoreType.DMA,
            pltpu.SemaphoreType.DMA,
        ],
    )
    return f(xs, src, dst, asf, adf, amax16)


def _att_mat(att):
    return (att[:, :, None] * jnp.eye(HEADS, dtype=jnp.float32)[:, None, :]).reshape(HIDDEN, HEADS)


def _gat_sc(xs_feat, xd_feat, ei, p, n_dst):
    z = jnp.zeros((HIDDEN,), jnp.float32)
    z4 = jnp.zeros((HEADS,), jnp.float32)
    xs = _matmul_bias(xs_feat, p['Ws'], z)
    a_s = _matmul_bias(xs, _att_mat(p['att_s']), z4)
    a_d = _matmul_bias(xd_feat, p['Wd'] @ _att_mat(p['att_d']), z4)
    src, dst = ei[0].astype(jnp.int32), ei[1].astype(jnp.int32)
    amax = jnp.max(a_s, axis=0)

    src_p = jnp.pad(src, (0, E_PAD - E))
    dst_p = jnp.pad(dst, (0, E_PAD - E), constant_values=-1)
    asf = a_s.reshape(-1)
    adf = a_d.reshape(-1)
    amax16 = jnp.pad(amax, (0, 16 - HEADS))

    nch = -(-((n_dst + 1) // 2) // R)
    outs, _stg, _stgd = _sc_aggregate(xs, src_p, dst_p, asf, adf, amax16, nch)
    num = outs[:n_dst, :HIDDEN]
    den = outs[:n_dst, HIDDEN:HIDDEN + HEADS]
    out = num.reshape(n_dst, HEADS, DH) / (den[:, :, None] + 1e-16)
    return out.reshape(n_dst, HIDDEN) + p['b']


def _mm_kernel(x_ref, w_ref, b_ref, o_ref):
    o_ref[...] = jnp.dot(x_ref[...], w_ref[...],
                         preferred_element_type=jnp.float32) + b_ref[...]


def _matmul_bias(x, w, b, block_m=2048):
    m, k = x.shape
    n = w.shape[1]
    n_pad = (n + 127) // 128 * 128
    m_pad = (m + block_m - 1) // block_m * block_m
    if n_pad != n:
        w = jnp.pad(w, ((0, 0), (0, n_pad - n)))
        b = jnp.pad(b, ((0, n_pad - n),))
    if m_pad != m:
        x = jnp.pad(x, ((0, m_pad - m), (0, 0)))
    out = pl.pallas_call(
        _mm_kernel,
        grid=(m_pad // block_m,),
        in_specs=[
            pl.BlockSpec((block_m, k), lambda i: (i, 0)),
            pl.BlockSpec((k, n_pad), lambda i: (0, 0)),
            pl.BlockSpec((n_pad,), lambda i: (0,)),
        ],
        out_specs=pl.BlockSpec((block_m, n_pad), lambda i: (i, 0)),
        out_shape=jax.ShapeDtypeStruct((m_pad, n_pad), jnp.float32),
    )(x, w, b)
    return out[:m, :n]


def kernel(x_paper, edge_writes, edge_cites, edge_has_topic, edge_affiliated_with, edge_employs, edge_rev_topic, edge_written_by, edge_referenced_by, params):
    edges = {'writes': edge_writes, 'cites': edge_cites, 'has_topic': edge_has_topic, 'affiliated_with': edge_affiliated_with, 'employs': edge_employs, 'rev_topic': edge_rev_topic, 'written_by': edge_written_by, 'referenced_by': edge_referenced_by}
    h = {}
    for nt in NUM_NODES:
        feat = x_paper if nt == 'paper' else params['emb'][nt]
        h[nt] = _matmul_bias(feat, params['proj'][nt]['W'], params['proj'][nt]['b'])

    def hetero_layer(hin, conv):
        out = {nt: jnp.zeros((NUM_NODES[nt], HIDDEN), jnp.float32) for nt in NUM_NODES}
        for (s, r, d) in EDGE_TYPES:
            out[d] = out[d] + _gat_sc(hin[s], hin[d], edges[r], conv[r], NUM_NODES[d])
        return out

    h1 = {nt: jax.nn.relu(v) for nt, v in hetero_layer(h, params['conv1']).items()}
    h2 = hetero_layer(h1, params['conv2'])
    return _matmul_bias(h2['paper'], params['cls']['W'], params['cls']['b'])

# --- scband reference (transcript-rebuilt; emitter-appended) ---
"""Pipeline reference for scband-hetero-gatmodel-71622874628353 (READ-ONLY COPY).

The authoritative reference and input builder live on the scoring server;
editing this copy changes nothing except your own understanding.
"""

import jax, jax.numpy as jnp
import numpy as np

NUM_NODES = {'paper': 100000, 'author': 100000, 'institution': 8740, 'field_of_study': 59965}
EDGE_TYPES = [('author', 'writes', 'paper'), ('paper', 'cites', 'paper'), ('paper', 'has_topic', 'field_of_study'), ('author', 'affiliated_with', 'institution'), ('institution', 'employs', 'author'), ('field_of_study', 'rev_topic', 'paper'), ('paper', 'written_by', 'author'), ('paper', 'referenced_by', 'paper')]
HIDDEN = 256
HEADS = 4
DH = HIDDEN // HEADS
NUM_CLASSES = 349
E = 100000
IN_DIM = {'paper': 128, 'author': HIDDEN, 'institution': HIDDEN, 'field_of_study': HIDDEN}


def _glorot(key, shape):
    fan_in = shape[0]
    fan_out = shape[-1]
    lim = float(np.sqrt(6.0 / (fan_in + fan_out)))
    return jax.random.uniform(key, shape, jnp.float32, -lim, lim)


def setup_inputs(seed: int = 0):
    key = jax.random.key(seed)
    ks = iter([jax.random.fold_in(key, i) for i in range(200)])
    inp = {}
    inp['x_paper'] = jax.random.normal(next(ks), (NUM_NODES['paper'], 128), jnp.float32)
    for (s, r, d) in EDGE_TYPES:
        hi = min(NUM_NODES[s], NUM_NODES[d])
        inp['edge_' + r] = jax.random.randint(next(ks), (2, E), 0, hi)
    params = {'emb': {}, 'proj': {}, 'conv1': {}, 'conv2': {}, 'cls': {}}
    for nt in ['author', 'institution', 'field_of_study']:
        params['emb'][nt] = _glorot(next(ks), (NUM_NODES[nt], HIDDEN))
    for nt in NUM_NODES:
        params['proj'][nt] = {'W': _glorot(next(ks), (IN_DIM[nt], HIDDEN)), 'b': jnp.zeros((HIDDEN,), jnp.float32)}
    for cname in ['conv1', 'conv2']:
        for (s, r, d) in EDGE_TYPES:
            params[cname][r] = {'Ws': _glorot(next(ks), (HIDDEN, HIDDEN)), 'Wd': _glorot(next(ks), (HIDDEN, HIDDEN)), 'att_s': _glorot(next(ks), (HEADS, DH)), 'att_d': _glorot(next(ks), (HEADS, DH)), 'b': jnp.zeros((HIDDEN,), jnp.float32)}
    params['cls'] = {'W': _glorot(next(ks), (HIDDEN, NUM_CLASSES)), 'b': jnp.zeros((NUM_CLASSES,), jnp.float32)}
    inp['params'] = params
    return inp


def _gat(xs_feat, xd_feat, ei, p, n_dst):
    # PyG GATConv with (-1,-1) channels: separate src/dst linear maps, edge softmax per dst node.
    xs = (xs_feat @ p['Ws']).reshape(-1, HEADS, DH)
    xd = (xd_feat @ p['Wd']).reshape(-1, HEADS, DH)
    a_s = jnp.sum(xs * p['att_s'], axis=-1)
    a_d = jnp.sum(xd * p['att_d'], axis=-1)
    src, dst = ei[0], ei[1]
    e = jax.nn.leaky_relu(a_s[src] + a_d[dst], negative_slope=0.2)
    m = jax.ops.segment_max(e, dst, num_segments=n_dst)
    m = jnp.where(jnp.isfinite(m), m, 0.0)
    ex = jnp.exp(e - m[dst])
    den = jax.ops.segment_sum(ex, dst, num_segments=n_dst)
    alpha = ex / (den[dst] + 1e-16)
    out = jax.ops.segment_sum(alpha[:, :, None] * xs[src], dst, num_segments=n_dst)
    return out.reshape(n_dst, HIDDEN) + p['b']


def _forward(x_paper, edges, params):
    h = {}
    for nt in NUM_NODES:
        feat = x_paper if nt == 'paper' else params['emb'][nt]
        h[nt] = feat @ params['proj'][nt]['W'] + params['proj'][nt]['b']

    def hetero_layer(hin, conv):
        out = {nt: jnp.zeros((NUM_NODES[nt], HIDDEN), jnp.float32) for nt in NUM_NODES}
        for (s, r, d) in EDGE_TYPES:
            out[d] = out[d] + _gat(hin[s], hin[d], edges[r], conv[r], NUM_NODES[d])
        return out

    h1 = {nt: jax.nn.relu(v) for nt, v in hetero_layer(h, params['conv1']).items()}
    h2 = hetero_layer(h1, params['conv2'])
    return h2['paper'] @ params['cls']['W'] + params['cls']['b']


def reference(x_paper, edge_writes, edge_cites, edge_has_topic, edge_affiliated_with, edge_employs, edge_rev_topic, edge_written_by, edge_referenced_by, params):
    edges = {'writes': edge_writes, 'cites': edge_cites, 'has_topic': edge_has_topic, 'affiliated_with': edge_affiliated_with, 'employs': edge_employs, 'rev_topic': edge_rev_topic, 'written_by': edge_written_by, 'referenced_by': edge_referenced_by}
    return _forward(x_paper, edges, params)

if __name__ == "__main__":
    import jax
    _d = setup_inputs()
    print(jax.jit(kernel)(*tuple(_d.values())))

</pallas_src>

<mosaic_0001>
#map = affine_map<(d0, d1) -> (0, 0)>
#map1 = affine_map<(d0, d1) -> (0)>
module attributes {stable_mosaic.version = 14 : i64} {
  func.func @_seg_kernel(%arg0: i32, %arg1: i32, %arg2: memref<100000x256xf32, #tpu.memory_space<hbm>>, %arg3: memref<100096xi32, #tpu.memory_space<hbm>>, %arg4: memref<100096xi32, #tpu.memory_space<hbm>>, %arg5: memref<400000xf32, #tpu.memory_space<hbm>>, %arg6: memref<400000xf32, #tpu.memory_space<hbm>>, %arg7: memref<16xf32, #tpu.memory_space<hbm>>, %arg8: memref<102400x272xf32, #tpu.memory_space<hbm>>, %arg9: memref<201736x256xf32, #tpu.memory_space<hbm>>, %arg10: memref<806944xf32, #tpu.memory_space<hbm>>, %arg11: memref<6272xi32, #tpu.memory_space<vmem>>, %arg12: memref<6256xi32, #tpu.memory_space<vmem>>, %arg13: memref<6304xi32, #tpu.memory_space<vmem>>, %arg14: memref<48xi32, #tpu.memory_space<vmem>>, %arg15: memref<48xi32, #tpu.memory_space<vmem>>, %arg16: memref<48x256xf32, #tpu.memory_space<vmem>>, %arg17: memref<48x256xf32, #tpu.memory_space<vmem>>, %arg18: memref<192xf32, #tpu.memory_space<vmem>>, %arg19: memref<192xf32, #tpu.memory_space<vmem>>, %arg20: memref<192xf32, #tpu.memory_space<vmem>>, %arg21: memref<192xi32, #tpu.memory_space<vmem>>, %arg22: memref<192xi32, #tpu.memory_space<vmem>>, %arg23: memref<16xf32, #tpu.memory_space<vmem>>, %arg24: memref<16xi32, #tpu.memory_space<vmem>>, %arg25: memref<168x272xf32, #tpu.memory_space<vmem>>, %arg26: memref<528xi32, #tpu.memory_space<vmem>>, %arg27: memref<576xi32, #tpu.memory_space<vmem>>, %arg28: memref<48xi32, #tpu.memory_space<vmem>>, %arg29: memref<192xi32, #tpu.memory_space<vmem>>, %arg30: memref<48x256xf32, #tpu.memory_space<vmem>>, %arg31: memref<192xf32, #tpu.memory_space<vmem>>, %arg32: memref<256xi32, #tpu.memory_space<vmem>>, %arg33: memref<108288xi32, #tpu.memory_space<vmem_shared>>, %arg34: memref<256xi32, #tpu.memory_space<vmem_shared>>, %arg35: memref<!tpu.dma_semaphore, #tpu.memory_space<semaphore_mem>>, %arg36: memref<!tpu.dma_semaphore, #tpu.memory_space<semaphore_mem>>, %arg37: memref<!tpu.dma_semaphore, #tpu.memory_space<semaphore_mem>>) attributes {dimension_semantics = [#tpu.dimension_semantics<core_parallel>, #tpu.dimension_semantics<subcore_parallel>], iteration_bounds = array<i64: 2, 16>, scalar_prefetch = 0 : i64, scratch_operands = 27 : i64, tpu.core_type = #tpu.core_type<sc_vector_subcore>, window_params = [{transform_indices = #map}, {transform_indices = #map1}, {transform_indices = #map1}, {transform_indices = #map1}, {transform_indices = #map1}, {transform_indices = #map1}, {transform_indices = #map}, {transform_indices = #map}, {transform_indices = #map1}]} {
    %mul3A = arith.constant 16 : i32
    %mul3A_0 = arith.muli %arg0, %mul3A : i32
    %add3A = arith.addi %mul3A_0, %arg1 : i32
    %mul3A_1 = arith.constant 6304 : i32
    %mul3A_2 = arith.muli %add3A, %mul3A_1 : i32
    %mul3A_3 = arith.constant 6256 : i32
    %mul3A_4 = arith.muli %arg1, %mul3A_3 : i32
    %multiple_of3A = tpu.assume_multiple %mul3A_4, 8 : i32
    "tpu.region"() ({
      %run_scoped3A = tpu.sem_alloc : memref<!tpu.dma_semaphore, #tpu.memory_space<semaphore_mem>>
      %dma_start3A = arith.constant 0 : i32
      %dma_start3A_22 = tpu.memref_slice %arg11[%dma_start3A] : memref<6272xi32, #tpu.memory_space<vmem>> -> memref<6256xi32, #tpu.memory_space<vmem>>
      %dma_start3A_23 = tpu.memref_slice %arg3[%multiple_of3A] : memref<100096xi32, #tpu.memory_space<hbm>> -> memref<6256xi32, #tpu.memory_space<hbm>>
      %dma_start3A_24 = arith.constant 0 : i32
      %dma_start3A_25 = tpu.memref_slice %arg11[%dma_start3A_24] : memref<6272xi32, #tpu.memory_space<vmem>> -> memref<6256xi32, #tpu.memory_space<vmem>>
      %dma_start3A_26 = tpu.memref_slice %arg3[%multiple_of3A] : memref<100096xi32, #tpu.memory_space<hbm>> -> memref<6256xi32, #tpu.memory_space<hbm>>
      tpu.enqueue_dma source(%dma_start3A_26 : memref<6256xi32, #tpu.memory_space<hbm>>) target(%dma_start3A_25 : memref<6256xi32, #tpu.memory_space<vmem>>) target_semaphore(%run_scoped3A : memref<!tpu.dma_semaphore, #tpu.memory_space<semaphore_mem>>)
      %dma_wait3A = arith.constant 0 : i32
      %dma_wait3A_27 = tpu.memref_slice %arg11[%dma_wait3A] : memref<6272xi32, #tpu.memory_space<vmem>> -> memref<6256xi32, #tpu.memory_space<vmem>>
      %dma_wait3A_28 = tpu.memref_slice %arg3[%multiple_of3A] : memref<100096xi32, #tpu.memory_space<hbm>> -> memref<6256xi32, #tpu.memory_space<hbm>>
      %dma_wait3A_29 = arith.constant 0 : i32
      %dma_wait3A_30 = tpu.memref_slice %arg11[%dma_wait3A_29] : memref<6272xi32, #tpu.memory_space<vmem>> -> memref<6256xi32, #tpu.memory_space<vmem>>
      %dma_wait3A_31 = tpu.memref_slice %arg3[%multiple_of3A] : memref<100096xi32, #tpu.memory_space<hbm>> -> memref<6256xi32, #tpu.memory_space<hbm>>
      tpu.wait_dma2 semaphore(%run_scoped3A : memref<!tpu.dma_semaphore, #tpu.memory_space<semaphore_mem>>) src(%dma_wait3A_31 : memref<6256xi32, #tpu.memory_space<hbm>>) dst(%dma_wait3A_30 : memref<6256xi32, #tpu.memory_space<vmem>>)
      tpu.yield
    }) : () -> ()
    %mul3A_5 = arith.constant 6256 : i32
    %mul3A_6 = arith.muli %arg1, %mul3A_5 : i32
    %multiple_of3A_7 = tpu.assume_multiple %mul3A_6, 8 : i32
    "tpu.region"() ({
      %run_scoped3A = tpu.sem_alloc : memref<!tpu.dma_semaphore, #tpu.memory_space<semaphore_mem>>
      %dma_start3A = tpu.memref_slice %arg4[%multiple_of3A_7] : memref<100096xi32, #tpu.memory_space<hbm>> -> memref<6256xi32, #tpu.memory_space<hbm>>
      %dma_start3A_22 = tpu.memref_slice %arg4[%multiple_of3A_7] : memref<100096xi32, #tpu.memory_space<hbm>> -> memref<6256xi32, #tpu.memory_space<hbm>>
      tpu.enqueue_dma source(%dma_start3A_22 : memref<6256xi32, #tpu.memory_space<hbm>>) target(%arg12 : memref<6256xi32, #tpu.memory_space<vmem>>) target_semaphore(%run_scoped3A : memref<!tpu.dma_semaphore, #tpu.memory_space<semaphore_mem>>)
      %dma_wait3A = tpu.memref_slice %arg4[%multiple_of3A_7] : memref<100096xi32, #tpu.memory_space<hbm>> -> memref<6256xi32, #tpu.memory_space<hbm>>
      %dma_wait3A_23 = tpu.memref_slice %arg4[%multiple_of3A_7] : memref<100096xi32, #tpu.memory_space<hbm>> -> memref<6256xi32, #tpu.memory_space<hbm>>
      tpu.wait_dma2 semaphore(%run_scoped3A : memref<!tpu.dma_semaphore, #tpu.memory_space<semaphore_mem>>) src(%dma_wait3A_23 : memref<6256xi32, #tpu.memory_space<hbm>>) dst(%arg12 : memref<6256xi32, #tpu.memory_space<vmem>>)
      tpu.yield
    }) : () -> ()
    "tpu.region"() ({
      %run_scoped3A = tpu.sem_alloc : memref<!tpu.dma_semaphore, #tpu.memory_space<semaphore_mem>>
      tpu.enqueue_dma source(%arg7 : memref<16xf32, #tpu.memory_space<hbm>>) target(%arg23 : memref<16xf32, #tpu.memory_space<vmem>>) target_semaphore(%run_scoped3A : memref<!tpu.dma_semaphore, #tpu.memory_space<semaphore_mem>>)
      tpu.wait_dma2 semaphore(%run_scoped3A : memref<!tpu.dma_semaphore, #tpu.memory_space<semaphore_mem>>) src(%arg7 : memref<16xf32, #tpu.memory_space<hbm>>) dst(%arg23 : memref<16xf32, #tpu.memory_space<vmem>>)
      tpu.yield
    }) : () -> ()
    %broadcast_in_dim3A = arith.constant 0.000000e+00 : f32
    %broadcast_in_dim3A_8 = vector.broadcast %broadcast_in_dim3A : f32 to vector<16xf32>
    %broadcast_in_dim3A_9 = arith.constant 0 : i32
    %broadcast_in_dim3A_10 = vector.broadcast %broadcast_in_dim3A_9 : i32 to vector<16xi32>
    %swap3A = arith.constant 6256 : index
    %swap3A_11 = tpu.vector_load %arg11[%swap3A] {strides = array<i32>} : memref<6272xi32, #tpu.memory_space<vmem>>, vector<16xi32>,
    tpu.vector_store %arg11[%swap3A], %broadcast_in_dim3A_10 {strides = array<i32>} : memref<6272xi32, #tpu.memory_space<vmem>>, vector<16xi32>,
    %iota3A = tpu.iota {dimensions = array<i32: 0>} : vector<16xi32>
    %and3A = arith.constant 3 : i32
    %and3A_12 = vector.broadcast %and3A : i32 to vector<16xi32>
    %and3A_13 = arith.andi %iota3A, %and3A_12 : vector<16xi32>
    %shift_right_arithmetic3A = arith.constant 2 : i32
    %shift_right_arithmetic3A_14 = vector.broadcast %shift_right_arithmetic3A : i32 to vector<16xi32>
    %shift_right_arithmetic3A_15 = arith.shrsi %iota3A, %shift_right_arithmetic3A_14 : vector<16xi32>
    %gather3A = tpu.vector_load_idx %arg23[%and3A_13] : memref<16xf32, #tpu.memory_space<vmem>>[vector<16xi32>], vector<16xf32>,
    %scan3A = arith.constant 0 : i32
    %scan3A_16 = arith.constant 0 : i32
    %scan3A_17 = arith.constant 20 : i32
    %scan3A_18 = arith.addi %scan3A_16, %scan3A_17 : i32
    %scan3A_19 = arith.constant 1 : i32
    %scan3A_20 = scf.for %scan3A_22 = %scan3A_16 to %scan3A_18 step %scan3A_19 iter_args(%scan3A_23 = %scan3A) -> (i32)  : i32 {
      %mul3A_24 = arith.constant 51200 : i32
      %mul3A_25 = arith.muli %arg0, %mul3A_24 : i32
      %mul3A_26 = arith.constant 2560 : i32
      %mul3A_27 = arith.muli %scan3A_22, %mul3A_26 : i32
      %add3A_28 = arith.addi %mul3A_25, %mul3A_27 : i32
      %scan3A_29 = arith.constant 0 : i32
      %scan3A_30 = arith.constant 0 : i32
      %scan3A_31 = arith.constant 391 : i32
      %scan3A_32 = arith.addi %scan3A_30, %scan3A_31 : i32
      %scan3A_33 = arith.constant 1 : i32
      %scan3A_34 = scf.for %scan3A_111 = %scan3A_30 to %scan3A_32 step %scan3A_33 iter_args(%scan3A_112 = %scan3A_29) -> (i32)  : i32 {
        %mul3A_113 = arith.constant 16 : i32
        %mul3A_114 = arith.muli %scan3A_111, %mul3A_113 : i32
        %get3A = arith.index_cast %mul3A_114 : i32 to index
        %get3A_115 = tpu.vector_load %arg12[%get3A] {strides = array<i32>} : memref<6256xi32, #tpu.memory_space<vmem>>, vector<16xi32>,
        %sub3A_116 = vector.broadcast %add3A_28 : i32 to vector<16xi32>
        %sub3A_117 = arith.subi %get3A_115, %sub3A_116 : vector<16xi32>
        %ge3A = arith.constant 0 : i32
        %ge3A_118 = vector.broadcast %ge3A : i32 to vector<16xi32>
        %ge3A_119 = arith.cmpi sge, %sub3A_117, %ge3A_118 : vector<16xi32>
        %lt3A = arith.constant 2560 : i32
        %lt3A_120 = vector.broadcast %lt3A : i32 to vector<16xi32>
        %lt3A_121 = arith.cmpi slt, %sub3A_117, %lt3A_120 : vector<16xi32>
        %and3A_122 = arith.andi %ge3A_119, %lt3A_121 : vector<16xi1>
        %jit3A_123 = arith.constant 1 : i32
        %jit3A_124 = arith.constant 0 : i32
        %broadcast_in_dim3A_125 = vector.broadcast %jit3A_123 : i32 to vector<16xi32>
        %broadcast_in_dim3A_126 = vector.broadcast %jit3A_124 : i32 to vector<16xi32>
        %select_n3A_127 = arith.select %and3A_122, %broadcast_in_dim3A_125, %broadcast_in_dim3A_126 : vector<16xi1>, vector<16xi32>
        %broadcast_in_dim3A_128 = arith.constant true
        %broadcast_in_dim3A_129 = vector.broadcast %broadcast_in_dim3A_128 : i1 to vector<16xi1>
        %masked_cumsum3A = tpu.scan <sum>, %select_n3A_127 masked %broadcast_in_dim3A_129 : vector<16xi32>, vector<16xi1> -> vector<16xi32>
        %add3A_130 = vector.broadcast %scan3A_112 : i32 to vector<16xi32>
        %add3A_131 = arith.addi %add3A_130, %masked_cumsum3A : vector<16xi32>
        %sub3A_132 = arith.constant 1 : i32
        %sub3A_133 = vector.broadcast %sub3A_132 : i32 to vector<16xi32>
        %sub3A_134 = arith.subi %add3A_131, %sub3A_133 : vector<16xi32>
        %add3A_135 = vector.broadcast %mul3A_114 : i32 to vector<16xi32>
        %add3A_136 = arith.addi %add3A_135, %iota3A : vector<16xi32>
        tpu.vector_store_idx %arg13[%sub3A_134], %add3A_136 masked %and3A_122 : memref<6304xi32, #tpu.memory_space<vmem>>[vector<16xi32>], vector<16xi32>, vector<16xi1>
        %reduce_max3A = arith.constant true
        %reduce_max3A_137 = vector.broadcast %reduce_max3A : i1 to vector<16xi1>
        %reduce_max3A_138 = arith.constant -2147483648 : i32
        %reduce_max3A_139 = vector.broadcast %reduce_max3A_138 : i32 to vector<16xi32>
        %reduce_max3A_140 = arith.xori %masked_cumsum3A, %reduce_max3A_139 : vector<16xi32>
        %reduce_max3A_141 = tpu.scan <max>, %reduce_max3A_140 masked %reduce_max3A_137 : vector<16xi32>, vector<16xi1> -> vector<16xi32>
        %reduce_max3A_142 = arith.xori %reduce_max3A_141, %reduce_max3A_139 : vector<16xi32>
        %reduce_max3A_143 = vector.extract %reduce_max3A_142[15] : i32 from vector<16xi32>
        %add3A_144 = arith.addi %scan3A_112, %reduce_max3A_143 : i32
        scf.yield %add3A_144 : i32
      }
      %scan3A_35 = arith.constant 391 : i32
      %broadcast_in_dim3A_36 = arith.constant 6256 : i32
      %broadcast_in_dim3A_37 = vector.broadcast %broadcast_in_dim3A_36 : i32 to vector<16xi32>
      %add3A_38 = arith.constant 0 : i32
      %add3A_39 = arith.addi %scan3A_34, %add3A_38 : i32
      %swap3A_40 = arith.index_cast %add3A_39 : i32 to index
      %swap3A_41 = tpu.vector_load %arg13[%swap3A_40] {strides = array<i32>} : memref<6304xi32, #tpu.memory_space<vmem>>, vector<16xi32>,
      tpu.vector_store %arg13[%swap3A_40], %broadcast_in_dim3A_37 {strides = array<i32>} : memref<6304xi32, #tpu.memory_space<vmem>>, vector<16xi32>,
      %add3A_42 = arith.constant 16 : i32
      %add3A_43 = arith.addi %scan3A_34, %add3A_42 : i32
      %swap3A_44 = arith.index_cast %add3A_43 : i32 to index
      %swap3A_45 = tpu.vector_load %arg13[%swap3A_44] {strides = array<i32>} : memref<6304xi32, #tpu.memory_space<vmem>>, vector<16xi32>,
      tpu.vector_store %arg13[%swap3A_44], %broadcast_in_dim3A_37 {strides = array<i32>} : memref<6304xi32, #tpu.memory_space<vmem>>, vector<16xi32>,
      %add3A_46 = arith.constant 32 : i32
      %add3A_47 = arith.addi %scan3A_34, %add3A_46 : i32
      %swap3A_48 = arith.index_cast %add3A_47 : i32 to index
      %swap3A_49 = tpu.vector_load %arg13[%swap3A_48] {strides = array<i32>} : memref<6304xi32, #tpu.memory_space<vmem>>, vector<16xi32>,
      tpu.vector_store %arg13[%swap3A_48], %broadcast_in_dim3A_37 {strides = array<i32>} : memref<6304xi32, #tpu.memory_space<vmem>>, vector<16xi32>,
      %add3A_50 = arith.constant 47 : i32
      %add3A_51 = arith.addi %scan3A_34, %add3A_50 : i32
      %jit3A = arith.constant 48 : i32
      %div3A = arith.divsi %add3A_51, %jit3A : i32
      %sign3A = arith.constant 0 : i32
      %sign3A_52 = arith.cmpi sgt, %add3A_51, %sign3A : i32
      %sign3A_53 = arith.extui %sign3A_52 : i1 to i32
      %sign3A_54 = arith.constant 0 : i32
      %sign3A_55 = arith.cmpi slt, %add3A_51, %sign3A_54 : i32
      %sign3A_56 = arith.extui %sign3A_55 : i1 to i32
      %sign3A_57 = arith.subi %sign3A_53, %sign3A_56 : i32
      %sign3A_58 = arith.constant 0 : i32
      %sign3A_59 = arith.cmpi sgt, %jit3A, %sign3A_58 : i32
      %sign3A_60 = arith.extui %sign3A_59 : i1 to i32
      %sign3A_61 = arith.constant 0 : i32
      %sign3A_62 = arith.cmpi slt, %jit3A, %sign3A_61 : i32
      %sign3A_63 = arith.extui %sign3A_62 : i1 to i32
      %sign3A_64 = arith.subi %sign3A_60, %sign3A_63 : i32
      %ne3A = arith.cmpi ne, %sign3A_57, %sign3A_64 : i32
      %rem3A = arith.remsi %add3A_51, %jit3A : i32
      %ne3A_65 = arith.constant 0 : i32
      %ne3A_66 = arith.cmpi ne, %rem3A, %ne3A_65 : i32
      %and3A_67 = arith.andi %ne3A, %ne3A_66 : i1
      %sub3A = arith.constant 1 : i32
      %sub3A_68 = arith.subi %div3A, %sub3A : i32
      %select_n3A = arith.select %and3A_67, %sub3A_68, %div3A : i32
      %while3A = arith.constant 0 : i32
      %while3A_69 = arith.constant 0 : i32
      %while3A_70 = arith.subi %select_n3A, %while3A : i32
      %while3A_71 = arith.addi %while3A, %while3A_70 : i32
      %while3A_72 = arith.constant 1 : i32
      %while3A_73 = arith.divsi %while3A_70, %while3A_72 : i32
      %while3A_74 = arith.muli %while3A_73, %while3A_72 : i32
      %while3A_75 = arith.addi %while3A, %while3A_74 : i32
      %while3A_76 = arith.constant 1 : i32
      %while3A_77 = scf.for %while3A_111 = %while3A to %while3A_75 step %while3A_76 iter_args(%while3A_112 = %while3A_69) -> (i32)  : i32 {
        %mul3A_113 = arith.constant 48 : i32
        %mul3A_114 = arith.muli %while3A_111, %mul3A_113 : i32
        %add3A_115 = arith.constant 0 : i32
        %add3A_116 = arith.addi %mul3A_114, %add3A_115 : i32
        %get3A = arith.index_cast %add3A_116 : i32 to index
        %get3A_117 = tpu.vector_load %arg13[%get3A] {strides = array<i32>} : memref<6304xi32, #tpu.memory_space<vmem>>, vector<16xi32>,
        %gather3A_118 = tpu.vector_load_idx %arg11[%get3A_117] : memref<6272xi32, #tpu.memory_space<vmem>>[vector<16xi32>], vector<16xi32>,
        %swap3A_119 = arith.constant 0 : index
        %swap3A_120 = tpu.vector_load %arg14[%swap3A_119] {strides = array<i32>} : memref<48xi32, #tpu.memory_space<vmem>>, vector<16xi32>,
        tpu.vector_store %arg14[%swap3A_119], %gather3A_118 {strides = array<i32>} : memref<48xi32, #tpu.memory_space<vmem>>, vector<16xi32>,
        %min3A = arith.constant 6255 : i32
        %min3A_121 = vector.broadcast %min3A : i32 to vector<16xi32>
        %min3A_122 = arith.minsi %get3A_117, %min3A_121 : vector<16xi32>
        %gather3A_123 = tpu.vector_load_idx %arg12[%min3A_122] : memref<6256xi32, #tpu.memory_space<vmem>>[vector<16xi32>], vector<16xi32>,
        %sub3A_124 = vector.broadcast %add3A_28 : i32 to vector<16xi32>
        %sub3A_125 = arith.subi %gather3A_123, %sub3A_124 : vector<16xi32>
        %add3A_126 = arith.constant 0 : i32
        %add3A_127 = arith.addi %mul3A_114, %add3A_126 : i32
        %add3A_128 = vector.broadcast %add3A_127 : i32 to vector<16xi32>
        %add3A_129 = arith.addi %add3A_128, %iota3A : vector<16xi32>
        %mul3A_130 = arith.constant 4096 : i32
        %mul3A_131 = vector.broadcast %mul3A_130 : i32 to vector<16xi32>
        %mul3A_132 = arith.muli %add3A_129, %mul3A_131 : vector<16xi32>
        %add3A_133 = arith.addi %mul3A_132, %sub3A_125 : vector<16xi32>
        %swap3A_134 = arith.constant 0 : index
        %swap3A_135 = tpu.vector_load %arg15[%swap3A_134] {strides = array<i32>} : memref<48xi32, #tpu.memory_space<vmem>>, vector<16xi32>,
        tpu.vector_store %arg15[%swap3A_134], %add3A_133 {strides = array<i32>} : memref<48xi32, #tpu.memory_space<vmem>>, vector<16xi32>,
        %add3A_136 = arith.constant 16 : i32
        %add3A_137 = arith.addi %mul3A_114, %add3A_136 : i32
        %get3A_138 = arith.index_cast %add3A_137 : i32 to index
        %get3A_139 = tpu.vector_load %arg13[%get3A_138] {strides = array<i32>} : memref<6304xi32, #tpu.memory_space<vmem>>, vector<16xi32>,
        %gather3A_140 = tpu.vector_load_idx %arg11[%get3A_139] : memref<6272xi32, #tpu.memory_space<vmem>>[vector<16xi32>], vector<16xi32>,
        %swap3A_141 = arith.constant 16 : index
        %swap3A_142 = tpu.vector_load %arg14[%swap3A_141] {strides = array<i32>} : memref<48xi32, #tpu.memory_space<vmem>>, vector<16xi32>,
        tpu.vector_store %arg14[%swap3A_141], %gather3A_140 {strides = array<i32>} : memref<48xi32, #tpu.memory_space<vmem>>, vector<16xi32>,
        %min3A_143 = arith.constant 6255 : i32
        %min3A_144 = vector.broadcast %min3A_143 : i32 to vector<16xi32>
        %min3A_145 = arith.minsi %get3A_139, %min3A_144 : vector<16xi32>
        %gather3A_146 = tpu.vector_load_idx %arg12[%min3A_145] : memref<6256xi32, #tpu.memory_space<vmem>>[vector<16xi32>], vector<16xi32>,
        %sub3A_147 = vector.broadcast %add3A_28 : i32 to vector<16xi32>
        %sub3A_148 = arith.subi %gather3A_146, %sub3A_147 : vector<16xi32>
        %add3A_149 = arith.constant 16 : i32
        %add3A_150 = arith.addi %mul3A_114, %add3A_149 : i32
        %add3A_151 = vector.broadcast %add3A_150 : i32 to vector<16xi32>
        %add3A_152 = arith.addi %add3A_151, %iota3A : vector<16xi32>
        %mul3A_153 = arith.constant 4096 : i32
        %mul3A_154 = vector.broadcast %mul3A_153 : i32 to vector<16xi32>
        %mul3A_155 = arith.muli %add3A_152, %mul3A_154 : vector<16xi32>
        %add3A_156 = arith.addi %mul3A_155, %sub3A_148 : vector<16xi32>
        %swap3A_157 = arith.constant 16 : index
        %swap3A_158 = tpu.vector_load %arg15[%swap3A_157] {strides = array<i32>} : memref<48xi32, #tpu.memory_space<vmem>>, vector<16xi32>,
        tpu.vector_store %arg15[%swap3A_157], %add3A_156 {strides = array<i32>} : memref<48xi32, #tpu.memory_space<vmem>>, vector<16xi32>,
        %add3A_159 = arith.constant 32 : i32
        %add3A_160 = arith.addi %mul3A_114, %add3A_159 : i32
        %get3A_161 = arith.index_cast %add3A_160 : i32 to index
        %get3A_162 = tpu.vector_load %arg13[%get3A_161] {strides = array<i32>} : memref<6304xi32, #tpu.memory_space<vmem>>, vector<16xi32>,
        %gather3A_163 = tpu.vector_load_idx %arg11[%get3A_162] : memref<6272xi32, #tpu.memory_space<vmem>>[vector<16xi32>], vector<16xi32>,
        %swap3A_164 = arith.constant 32 : index
        %swap3A_165 = tpu.vector_load %arg14[%swap3A_164] {strides = array<i32>} : memref<48xi32, #tpu.memory_space<vmem>>, vector<16xi32>,
        tpu.vector_store %arg14[%swap3A_164], %gather3A_163 {strides = array<i32>} : memref<48xi32, #tpu.memory_space<vmem>>, vector<16xi32>,
        %min3A_166 = arith.constant 6255 : i32
        %min3A_167 = vector.broadcast %min3A_166 : i32 to vector<16xi32>
        %min3A_168 = arith.minsi %get3A_162, %min3A_167 : vector<16xi32>
        %gather3A_169 = tpu.vector_load_idx %arg12[%min3A_168] : memref<6256xi32, #tpu.memory_space<vmem>>[vector<16xi32>], vector<16xi32>,
        %sub3A_170 = vector.broadcast %add3A_28 : i32 to vector<16xi32>
        %sub3A_171 = arith.subi %gather3A_169, %sub3A_170 : vector<16xi32>
        %add3A_172 = arith.constant 32 : i32
        %add3A_173 = arith.addi %mul3A_114, %add3A_172 : i32
        %add3A_174 = vector.broadcast %add3A_173 : i32 to vector<16xi32>
        %add3A_175 = arith.addi %add3A_174, %iota3A : vector<16xi32>
        %mul3A_176 = arith.constant 4096 : i32
        %mul3A_177 = vector.broadcast %mul3A_176 : i32 to vector<16xi32>
        %mul3A_178 = arith.muli %add3A_175, %mul3A_177 : vector<16xi32>
        %add3A_179 = arith.addi %mul3A_178, %sub3A_171 : vector<16xi32>
        %swap3A_180 = arith.constant 32 : index
        %swap3A_181 = tpu.vector_load %arg15[%swap3A_180] {strides = array<i32>} : memref<48xi32, #tpu.memory_space<vmem>>, vector<16xi32>,
        tpu.vector_store %arg15[%swap3A_180], %add3A_179 {strides = array<i32>} : memref<48xi32, #tpu.memory_space<vmem>>, vector<16xi32>,
        %add3A_182 = arith.constant 0 : i32
        %add3A_183 = arith.addi %mul3A_114, %add3A_182 : i32
        %add3A_184 = vector.broadcast %add3A_183 : i32 to vector<16xi32>
        %add3A_185 = arith.addi %add3A_184, %shift_right_arithmetic3A_15 : vector<16xi32>
        %gather3A_186 = tpu.vector_load_idx %arg13[%add3A_185] : memref<6304xi32, #tpu.memory_space<vmem>>[vector<16xi32>], vector<16xi32>,
        %min3A_187 = arith.constant 6256 : i32
        %min3A_188 = vector.broadcast %min3A_187 : i32 to vector<16xi32>
        %min3A_189 = arith.minsi %gather3A_186, %min3A_188 : vector<16xi32>
        %gather3A_190 = tpu.vector_load_idx %arg11[%min3A_189] : memref<6272xi32, #tpu.memory_space<vmem>>[vector<16xi32>], vector<16xi32>,
        %mul3A_191 = arith.constant 4 : i32
        %mul3A_192 = vector.broadcast %mul3A_191 : i32 to vector<16xi32>
        %mul3A_193 = arith.muli %gather3A_190, %mul3A_192 : vector<16xi32>
        %add3A_194 = arith.addi %mul3A_193, %and3A_13 : vector<16xi32>
        %swap3A_195 = arith.constant 0 : index
        %swap3A_196 = tpu.vector_load %arg21[%swap3A_195] {strides = array<i32>} : memref<192xi32, #tpu.memory_space<vmem>>, vector<16xi32>,
        tpu.vector_store %arg21[%swap3A_195], %add3A_194 {strides = array<i32>} : memref<192xi32, #tpu.memory_space<vmem>>, vector<16xi32>,
        %min3A_197 = arith.constant 6255 : i32
        %min3A_198 = vector.broadcast %min3A_197 : i32 to vector<16xi32>
        %min3A_199 = arith.minsi %gather3A_186, %min3A_198 : vector<16xi32>
        %gather3A_200 = tpu.vector_load_idx %arg12[%min3A_199] : memref<6256xi32, #tpu.memory_space<vmem>>[vector<16xi32>], vector<16xi32>,
        %mul3A_201 = arith.constant 4 : i32
        %mul3A_202 = vector.broadcast %mul3A_201 : i32 to vector<16xi32>
        %mul3A_203 = arith.muli %gather3A_200, %mul3A_202 : vector<16xi32>
        %add3A_204 = arith.addi %mul3A_203, %and3A_13 : vector<16xi32>
        %swap3A_205 = arith.constant 0 : index
        %swap3A_206 = tpu.vector_load %arg22[%swap3A_205] {strides = array<i32>} : memref<192xi32, #tpu.memory_space<vmem>>, vector<16xi32>,
        tpu.vector_store %arg22[%swap3A_205], %add3A_204 {strides = array<i32>} : memref<192xi32, #tpu.memory_space<vmem>>, vector<16xi32>,
        %add3A_207 = arith.constant 4 : i32
        %add3A_208 = arith.addi %mul3A_114, %add3A_207 : i32
        %add3A_209 = vector.broadcast %add3A_208 : i32 to vector<16xi32>
        %add3A_210 = arith.addi %add3A_209, %shift_right_arithmetic3A_15 : vector<16xi32>
        %gather3A_211 = tpu.vector_load_idx %arg13[%add3A_210] : memref<6304xi32, #tpu.memory_space<vmem>>[vector<16xi32>], vector<16xi32>,
        %min3A_212 = arith.constant 6256 : i32
        %min3A_213 = vector.broadcast %min3A_212 : i32 to vector<16xi32>
        %min3A_214 = arith.minsi %gather3A_211, %min3A_213 : vector<16xi32>
        %gather3A_215 = tpu.vector_load_idx %arg11[%min3A_214] : memref<6272xi32, #tpu.memory_space<vmem>>[vector<16xi32>], vector<16xi32>,
        %mul3A_216 = arith.constant 4 : i32
        %mul3A_217 = vector.broadcast %mul3A_216 : i32 to vector<16xi32>
        %mul3A_218 = arith.muli %gather3A_215, %mul3A_217 : vector<16xi32>
        %add3A_219 = arith.addi %mul3A_218, %and3A_13 : vector<16xi32>
        %swap3A_220 = arith.constant 16 : index
        %swap3A_221 = tpu.vector_load %arg21[%swap3A_220] {strides = array<i32>} : memref<192xi32, #tpu.memory_space<vmem>>, vector<16xi32>,
        tpu.vector_store %arg21[%swap3A_220], %add3A_219 {strides = array<i32>} : memref<192xi32, #tpu.memory_space<vmem>>, vector<16xi32>,
        %min3A_222 = arith.constant 6255 : i32
        %min3A_223 = vector.broadcast %min3A_222 : i32 to vector<16xi32>
        %min3A_224 = arith.minsi %gather3A_211, %min3A_223 : vector<16xi32>
        %gather3A_225 = tpu.vector_load_idx %arg12[%min3A_224] : memref<6256xi32, #tpu.memory_space<vmem>>[vector<16xi32>], vector<16xi32>,
        %mul3A_226 = arith.constant 4 : i32
        %mul3A_227 = vector.broadcast %mul3A_226 : i32 to vector<16xi32>
        %mul3A_228 = arith.muli %gather3A_225, %mul3A_227 : vector<16xi32>
        %add3A_229 = arith.addi %mul3A_228, %and3A_13 : vector<16xi32>
        %swap3A_230 = arith.constant 16 : index
        %swap3A_231 = tpu.vector_load %arg22[%swap3A_230] {strides = array<i32>} : memref<192xi32, #tpu.memory_space<vmem>>, vector<16xi32>,
        tpu.vector_store %arg22[%swap3A_230], %add3A_229 {strides = array<i32>} : memref<192xi32, #tpu.memory_space<vmem>>, vector<16xi32>,
        %add3A_232 = arith.constant 8 : i32
        %add3A_233 = arith.addi %mul3A_114, %add3A_232 : i32
        %add3A_234 = vector.broadcast %add3A_233 : i32 to vector<16xi32>
        %add3A_235 = arith.addi %add3A_234, %shift_right_arithmetic3A_15 : vector<16xi32>
        %gather3A_236 = tpu.vector_load_idx %arg13[%add3A_235] : memref<6304xi32, #tpu.memory_space<vmem>>[vector<16xi32>], vector<16xi32>,
        %min3A_237 = arith.constant 6256 : i32
        %min3A_238 = vector.broadcast %min3A_237 : i32 to vector<16xi32>
        %min3A_239 = arith.minsi %gather3A_236, %min3A_238 : vector<16xi32>
        %gather3A_240 = tpu.vector_load_idx %arg11[%min3A_239] : memref<6272xi32, #tpu.memory_space<vmem>>[vector<16xi32>], vector<16xi32>,
        %mul3A_241 = arith.constant 4 : i32
        %mul3A_242 = vector.broadcast %mul3A_241 : i32 to vector<16xi32>
        %mul3A_243 = arith.muli %gather3A_240, %mul3A_242 : vector<16xi32>
        %add3A_244 = arith.addi %mul3A_243, %and3A_13 : vector<16xi32>
        %swap3A_245 = arith.constant 32 : index
        %swap3A_246 = tpu.vector_load %arg21[%swap3A_245] {strides = array<i32>} : memref<192xi32, #tpu.memory_space<vmem>>, vector<16xi32>,
        tpu.vector_store %arg21[%swap3A_245], %add3A_244 {strides = array<i32>} : memref<192xi32, #tpu.memory_space<vmem>>, vector<16xi32>,
        %min3A_247 = arith.constant 6255 : i32
        %min3A_248 = vector.broadcast %min3A_247 : i32 to vector<16xi32>
        %min3A_249 = arith.minsi %gather3A_236, %min3A_248 : vector<16xi32>
        %gather3A_250 = tpu.vector_load_idx %arg12[%min3A_249] : memref<6256xi32, #tpu.memory_space<vmem>>[vector<16xi32>], vector<16xi32>,
        %mul3A_251 = arith.constant 4 : i32
        %mul3A_252 = vector.broadcast %mul3A_251 : i32 to vector<16xi32>
        %mul3A_253 = arith.muli %gather3A_250, %mul3A_252 : vector<16xi32>
        %add3A_254 = arith.addi %mul3A_253, %and3A_13 : vector<16xi32>
        %swap3A_255 = arith.constant 32 : index
        %swap3A_256 = tpu.vector_load %arg22[%swap3A_255] {strides = array<i32>} : memref<192xi32, #tpu.memory_space<vmem>>, vector<16xi32>,
        tpu.vector_store %arg22[%swap3A_255], %add3A_254 {strides = array<i32>} : memref<192xi32, #tpu.memory_space<vmem>>, vector<16xi32>,
        %add3A_257 = arith.constant 12 : i32
        %add3A_258 = arith.addi %mul3A_114, %add3A_257 : i32
        %add3A_259 = vector.broadcast %add3A_258 : i32 to vector<16xi32>
        %add3A_260 = arith.addi %add3A_259, %shift_right_arithmetic3A_15 : vector<16xi32>
        %gather3A_261 = tpu.vector_load_idx %arg13[%add3A_260] : memref<6304xi32, #tpu.memory_space<vmem>>[vector<16xi32>], vector<16xi32>,
        %min3A_262 = arith.constant 6256 : i32
        %min3A_263 = vector.broadcast %min3A_262 : i32 to vector<16xi32>
        %min3A_264 = arith.minsi %gather3A_261, %min3A_263 : vector<16xi32>
        %gather3A_265 = tpu.vector_load_idx %arg11[%min3A_264] : memref<6272xi32, #tpu.memory_space<vmem>>[vector<16xi32>], vector<16xi32>,
        %mul3A_266 = arith.constant 4 : i32
        %mul3A_267 = vector.broadcast %mul3A_266 : i32 to vector<16xi32>
        %mul3A_268 = arith.muli %gather3A_265, %mul3A_267 : vector<16xi32>
        %add3A_269 = arith.addi %mul3A_268, %and3A_13 : vector<16xi32>
        %swap3A_270 = arith.constant 48 : index
        %swap3A_271 = tpu.vector_load %arg21[%swap3A_270] {strides = array<i32>} : memref<192xi32, #tpu.memory_space<vmem>>, vector<16xi32>,
        tpu.vector_store %arg21[%swap3A_270], %add3A_269 {strides = array<i32>} : memref<192xi32, #tpu.memory_space<vmem>>, vector<16xi32>,
        %min3A_272 = arith.constant 6255 : i32
        %min3A_273 = vector.broadcast %min3A_272 : i32 to vector<16xi32>
        %min3A_274 = arith.minsi %gather3A_261, %min3A_273 : vector<16xi32>
        %gather3A_275 = tpu.vector_load_idx %arg12[%min3A_274] : memref<6256xi32, #tpu.memory_space<vmem>>[vector<16xi32>], vector<16xi32>,
        %mul3A_276 = arith.constant 4 : i32
        %mul3A_277 = vector.broadcast %mul3A_276 : i32 to vector<16xi32>
        %mul3A_278 = arith.muli %gather3A_275, %mul3A_277 : vector<16xi32>
        %add3A_279 = arith.addi %mul3A_278, %and3A_13 : vector<16xi32>
        %swap3A_280 = arith.constant 48 : index
        %swap3A_281 = tpu.vector_load %arg22[%swap3A_280] {strides = array<i32>} : memref<192xi32, #tpu.memory_space<vmem>>, vector<16xi32>,
        tpu.vector_store %arg22[%swap3A_280], %add3A_279 {strides = array<i32>} : memref<192xi32, #tpu.memory_space<vmem>>, vector<16xi32>,
        %add3A_282 = arith.constant 16 : i32
        %add3A_283 = arith.addi %mul3A_114, %add3A_282 : i32
        %add3A_284 = vector.broadcast %add3A_283 : i32 to vector<16xi32>
        %add3A_285 = arith.addi %add3A_284, %shift_right_arithmetic3A_15 : vector<16xi32>
        %gather3A_286 = tpu.vector_load_idx %arg13[%add3A_285] : memref<6304xi32, #tpu.memory_space<vmem>>[vector<16xi32>], vector<16xi32>,
        %min3A_287 = arith.constant 6256 : i32
        %min3A_288 = vector.broadcast %min3A_287 : i32 to vector<16xi32>
        %min3A_289 = arith.minsi %gather3A_286, %min3A_288 : vector<16xi32>
        %gather3A_290 = tpu.vector_load_idx %arg11[%min3A_289] : memref<6272xi32, #tpu.memory_space<vmem>>[vector<16xi32>], vector<16xi32>,
        %mul3A_291 = arith.constant 4 : i32
        %mul3A_292 = vector.broadcast %mul3A_291 : i32 to vector<16xi32>
        %mul3A_293 = arith.muli %gather3A_290, %mul3A_292 : vector<16xi32>
        %add3A_294 = arith.addi %mul3A_293, %and3A_13 : vector<16xi32>
        %swap3A_295 = arith.constant 64 : index
        %swap3A_296 = tpu.vector_load %arg21[%swap3A_295] {strides = array<i32>} : memref<192xi32, #tpu.memory_space<vmem>>, vector<16xi32>,
        tpu.vector_store %arg21[%swap3A_295], %add3A_294 {strides = array<i32>} : memref<192xi32, #tpu.memory_space<vmem>>, vector<16xi32>,
        %min3A_297 = arith.constant 6255 : i32
        %min3A_298 = vector.broadcast %min3A_297 : i32 to vector<16xi32>
        %min3A_299 = arith.minsi %gather3A_286, %min3A_298 : vector<16xi32>
        %gather3A_300 = tpu.vector_load_idx %arg12[%min3A_299] : memref<6256xi32, #tpu.memory_space<vmem>>[vector<16xi32>], vector<16xi32>,
        %mul3A_301 = arith.constant 4 : i32
        %mul3A_302 = vector.broadcast %mul3A_301 : i32 to vector<16xi32>
        %mul3A_303 = arith.muli %gather3A_300, %mul3A_302 : vector<16xi32>
        %add3A_304 = arith.addi %mul3A_303, %and3A_13 : vector<16xi32>
        %swap3A_305 = arith.constant 64 : index
        %swap3A_306 = tpu.vector_load %arg22[%swap3A_305] {strides = array<i32>} : memref<192xi32, #tpu.memory_space<vmem>>, vector<16xi32>,
        tpu.vector_store %arg22[%swap3A_305], %add3A_304 {strides = array<i32>} : memref<192xi32, #tpu.memory_space<vmem>>, vector<16xi32>,
        %add3A_307 = arith.constant 20 : i32
        %add3A_308 = arith.addi %mul3A_114, %add3A_307 : i32
        %add3A_309 = vector.broadcast %add3A_308 : i32 to vector<16xi32>
        %add3A_310 = arith.addi %add3A_309, %shift_right_arithmetic3A_15 : vector<16xi32>
        %gather3A_311 = tpu.vector_load_idx %arg13[%add3A_310] : memref<6304xi32, #tpu.memory_space<vmem>>[vector<16xi32>], vector<16xi32>,
        %min3A_312 = arith.constant 6256 : i32
        %min3A_313 = vector.broadcast %min3A_312 : i32 to vector<16xi32>
        %min3A_314 = arith.minsi %gather3A_311, %min3A_313 : vector<16xi32>
        %gather3A_315 = tpu.vector_load_idx %arg11[%min3A_314] : memref<6272xi32, #tpu.memory_space<vmem>>[vector<16xi32>], vector<16xi32>,
        %mul3A_316 = arith.constant 4 : i32
        %mul3A_317 = vector.broadcast %mul3A_316 : i32 to vector<16xi32>
        %mul3A_318 = arith.muli %gather3A_315, %mul3A_317 : vector<16xi32>
        %add3A_319 = arith.addi %mul3A_318, %and3A_13 : vector<16xi32>
        %swap3A_320 = arith.constant 80 : index
        %swap3A_321 = tpu.vector_load %arg21[%swap3A_320] {strides = array<i32>} : memref<192xi32, #tpu.memory_space<vmem>>, vector<16xi32>,
        tpu.vector_store %arg21[%swap3A_320], %add3A_319 {strides = array<i32>} : memref<192xi32, #tpu.memory_space<vmem>>, vector<16xi32>,
        %min3A_322 = arith.constant 6255 : i32
        %min3A_323 = vector.broadcast %min3A_322 : i32 to vector<16xi32>
        %min3A_324 = arith.minsi %gather3A_311, %min3A_323 : vector<16xi32>
        %gather3A_325 = tpu.vector_load_idx %arg12[%min3A_324] : memref<6256xi32, #tpu.memory_space<vmem>>[vector<16xi32>], vector<16xi32>,
        %mul3A_326 = arith.constant 4 : i32
        %mul3A_327 = vector.broadcast %mul3A_326 : i32 to vector<16xi32>
        %mul3A_328 = arith.muli %gather3A_325, %mul3A_327 : vector<16xi32>
        %add3A_329 = arith.addi %mul3A_328, %and3A_13 : vector<16xi32>
        %swap3A_330 = arith.constant 80 : index
        %swap3A_331 = tpu.vector_load %arg22[%swap3A_330] {strides = array<i32>} : memref<192xi32, #tpu.memory_space<vmem>>, vector<16xi32>,
        tpu.vector_store %arg22[%swap3A_330], %add3A_329 {strides = array<i32>} : memref<192xi32, #tpu.memory_space<vmem>>, vector<16xi32>,
        %add3A_332 = arith.constant 24 : i32
        %add3A_333 = arith.addi %mul3A_114, %add3A_332 : i32
        %add3A_334 = vector.broadcast %add3A_333 : i32 to vector<16xi32>
        %add3A_335 = arith.addi %add3A_334, %shift_right_arithmetic3A_15 : vector<16xi32>
        %gather3A_336 = tpu.vector_load_idx %arg13[%add3A_335] : memref<6304xi32, #tpu.memory_space<vmem>>[vector<16xi32>], vector<16xi32>,
        %min3A_337 = arith.constant 6256 : i32
        %min3A_338 = vector.broadcast %min3A_337 : i32 to vector<16xi32>
        %min3A_339 = arith.minsi %gather3A_336, %min3A_338 : vector<16xi32>
        %gather3A_340 = tpu.vector_load_idx %arg11[%min3A_339] : memref<6272xi32, #tpu.memory_space<vmem>>[vector<16xi32>], vector<16xi32>,
        %mul3A_341 = arith.constant 4 : i32
        %mul3A_342 = vector.broadcast %mul3A_341 : i32 to vector<16xi32>
        %mul3A_343 = arith.muli %gather3A_340, %mul3A_342 : vector<16xi32>
        %add3A_344 = arith.addi %mul3A_343, %and3A_13 : vector<16xi32>
        %swap3A_345 = arith.constant 96 : index
        %swap3A_346 = tpu.vector_load %arg21[%swap3A_345] {strides = array<i32>} : memref<192xi32, #tpu.memory_space<vmem>>, vector<16xi32>,
        tpu.vector_store %arg21[%swap3A_345], %add3A_344 {strides = array<i32>} : memref<192xi32, #tpu.memory_space<vmem>>, vector<16xi32>,
        %min3A_347 = arith.constant 6255 : i32
        %min3A_348 = vector.broadcast %min3A_347 : i32 to vector<16xi32>
        %min3A_349 = arith.minsi %gather3A_336, %min3A_348 : vector<16xi32>
        %gather3A_350 = tpu.vector_load_idx %arg12[%min3A_349] : memref<6256xi32, #tpu.memory_space<vmem>>[vector<16xi32>], vector<16xi32>,
        %mul3A_351 = arith.constant 4 : i32
        %mul3A_352 = vector.broadcast %mul3A_351 : i32 to vector<16xi32>
        %mul3A_353 = arith.muli %gather3A_350, %mul3A_352 : vector<16xi32>
        %add3A_354 = arith.addi %mul3A_353, %and3A_13 : vector<16xi32>
        %swap3A_355 = arith.constant 96 : index
        %swap3A_356 = tpu.vector_load %arg22[%swap3A_355] {strides = array<i32>} : memref<192xi32, #tpu.memory_space<vmem>>, vector<16xi32>,
        tpu.vector_store %arg22[%swap3A_355], %add3A_354 {strides = array<i32>} : memref<192xi32, #tpu.memory_space<vmem>>, vector<16xi32>,
        %add3A_357 = arith.constant 28 : i32
        %add3A_358 = arith.addi %mul3A_114, %add3A_357 : i32
        %add3A_359 = vector.broadcast %add3A_358 : i32 to vector<16xi32>
        %add3A_360 = arith.addi %add3A_359, %shift_right_arithmetic3A_15 : vector<16xi32>
        %gather3A_361 = tpu.vector_load_idx %arg13[%add3A_360] : memref<6304xi32, #tpu.memory_space<vmem>>[vector<16xi32>], vector<16xi32>,
        %min3A_362 = arith.constant 6256 : i32
        %min3A_363 = vector.broadcast %min3A_362 : i32 to vector<16xi32>
        %min3A_364 = arith.minsi %gather3A_361, %min3A_363 : vector<16xi32>
        %gather3A_365 = tpu.vector_load_idx %arg11[%min3A_364] : memref<6272xi32, #tpu.memory_space<vmem>>[vector<16xi32>], vector<16xi32>,
        %mul3A_366 = arith.constant 4 : i32
        %mul3A_367 = vector.broadcast %mul3A_366 : i32 to vector<16xi32>
        %mul3A_368 = arith.muli %gather3A_365, %mul3A_367 : vector<16xi32>
        %add3A_369 = arith.addi %mul3A_368, %and3A_13 : vector<16xi32>
        %swap3A_370 = arith.constant 112 : index
        %swap3A_371 = tpu.vector_load %arg21[%swap3A_370] {strides = array<i32>} : memref<192xi32, #tpu.memory_space<vmem>>, vector<16xi32>,
        tpu.vector_store %arg21[%swap3A_370], %add3A_369 {strides = array<i32>} : memref<192xi32, #tpu.memory_space<vmem>>, vector<16xi32>,
        %min3A_372 = arith.constant 6255 : i32
        %min3A_373 = vector.broadcast %min3A_372 : i32 to vector<16xi32>
        %min3A_374 = arith.minsi %gather3A_361, %min3A_373 : vector<16xi32>
        %gather3A_375 = tpu.vector_load_idx %arg12[%min3A_374] : memref<6256xi32, #tpu.memory_space<vmem>>[vector<16xi32>], vector<16xi32>,
        %mul3A_376 = arith.constant 4 : i32
        %mul3A_377 = vector.broadcast %mul3A_376 : i32 to vector<16xi32>
        %mul3A_378 = arith.muli %gather3A_375, %mul3A_377 : vector<16xi32>
        %add3A_379 = arith.addi %mul3A_378, %and3A_13 : vector<16xi32>
        %swap3A_380 = arith.constant 112 : index
        %swap3A_381 = tpu.vector_load %arg22[%swap3A_380] {strides = array<i32>} : memref<192xi32, #tpu.memory_space<vmem>>, vector<16xi32>,
        tpu.vector_store %arg22[%swap3A_380], %add3A_379 {strides = array<i32>} : memref<192xi32, #tpu.memory_space<vmem>>, vector<16xi32>,
        %add3A_382 = arith.constant 32 : i32
        %add3A_383 = arith.addi %mul3A_114, %add3A_382 : i32
        %add3A_384 = vector.broadcast %add3A_383 : i32 to vector<16xi32>
        %add3A_385 = arith.addi %add3A_384, %shift_right_arithmetic3A_15 : vector<16xi32>
        %gather3A_386 = tpu.vector_load_idx %arg13[%add3A_385] : memref<6304xi32, #tpu.memory_space<vmem>>[vector<16xi32>], vector<16xi32>,
        %min3A_387 = arith.constant 6256 : i32
        %min3A_388 = vector.broadcast %min3A_387 : i32 to vector<16xi32>
        %min3A_389 = arith.minsi %gather3A_386, %min3A_388 : vector<16xi32>
        %gather3A_390 = tpu.vector_load_idx %arg11[%min3A_389] : memref<6272xi32, #tpu.memory_space<vmem>>[vector<16xi32>], vector<16xi32>,
        %mul3A_391 = arith.constant 4 : i32
        %mul3A_392 = vector.broadcast %mul3A_391 : i32 to vector<16xi32>
        %mul3A_393 = arith.muli %gather3A_390, %mul3A_392 : vector<16xi32>
        %add3A_394 = arith.addi %mul3A_393, %and3A_13 : vector<16xi32>
        %swap3A_395 = arith.constant 128 : index
        %swap3A_396 = tpu.vector_load %arg21[%swap3A_395] {strides = array<i32>} : memref<192xi32, #tpu.memory_space<vmem>>, vector<16xi32>,
        tpu.vector_store %arg21[%swap3A_395], %add3A_394 {strides = array<i32>} : memref<192xi32, #tpu.memory_space<vmem>>, vector<16xi32>,
        %min3A_397 = arith.constant 6255 : i32
        %min3A_398 = vector.broadcast %min3A_397 : i32 to vector<16xi32>
        %min3A_399 = arith.minsi %gather3A_386, %min3A_398 : vector<16xi32>
        %gather3A_400 = tpu.vector_load_idx %arg12[%min3A_399] : memref<6256xi32, #tpu.memory_space<vmem>>[vector<16xi32>], vector<16xi32>,
        %mul3A_401 = arith.constant 4 : i32
        %mul3A_402 = vector.broadcast %mul3A_401 : i32 to vector<16xi32>
        %mul3A_403 = arith.muli %gather3A_400, %mul3A_402 : vector<16xi32>
        %add3A_404 = arith.addi %mul3A_403, %and3A_13 : vector<16xi32>
        %swap3A_405 = arith.constant 128 : index
        %swap3A_406 = tpu.vector_load %arg22[%swap3A_405] {strides = array<i32>} : memref<192xi32, #tpu.memory_space<vmem>>, vector<16xi32>,
        tpu.vector_store %arg22[%swap3A_405], %add3A_404 {strides = array<i32>} : memref<192xi32, #tpu.memory_space<vmem>>, vector<16xi32>,
        %add3A_407 = arith.constant 36 : i32
        %add3A_408 = arith.addi %mul3A_114, %add3A_407 : i32
        %add3A_409 = vector.broadcast %add3A_408 : i32 to vector<16xi32>
        %add3A_410 = arith.addi %add3A_409, %shift_right_arithmetic3A_15 : vector<16xi32>
        %gather3A_411 = tpu.vector_load_idx %arg13[%add3A_410] : memref<6304xi32, #tpu.memory_space<vmem>>[vector<16xi32>], vector<16xi32>,
        %min3A_412 = arith.constant 6256 : i32
        %min3A_413 = vector.broadcast %min3A_412 : i32 to vector<16xi32>
        %min3A_414 = arith.minsi %gather3A_411, %min3A_413 : vector<16xi32>
        %gather3A_415 = tpu.vector_load_idx %arg11[%min3A_414] : memref<6272xi32, #tpu.memory_space<vmem>>[vector<16xi32>], vector<16xi32>,
        %mul3A_416 = arith.constant 4 : i32
        %mul3A_417 = vector.broadcast %mul3A_416 : i32 to vector<16xi32>
        %mul3A_418 = arith.muli %gather3A_415, %mul3A_417 : vector<16xi32>
        %add3A_419 = arith.addi %mul3A_418, %and3A_13 : vector<16xi32>
        %swap3A_420 = arith.constant 144 : index
        %swap3A_421 = tpu.vector_load %arg21[%swap3A_420] {strides = array<i32>} : memref<192xi32, #tpu.memory_space<vmem>>, vector<16xi32>,
        tpu.vector_store %arg21[%swap3A_420], %add3A_419 {strides = array<i32>} : memref<192xi32, #tpu.memory_space<vmem>>, vector<16xi32>,
        %min3A_422 = arith.constant 6255 : i32
        %min3A_423 = vector.broadcast %min3A_422 : i32 to vector<16xi32>
        %min3A_424 = arith.minsi %gather3A_411, %min3A_423 : vector<16xi32>
        %gather3A_425 = tpu.vector_load_idx %arg12[%min3A_424] : memref<6256xi32, #tpu.memory_space<vmem>>[vector<16xi32>], vector<16xi32>,
        %mul3A_426 = arith.constant 4 : i32
        %mul3A_427 = vector.broadcast %mul3A_426 : i32 to vector<16xi32>
        %mul3A_428 = arith.muli %gather3A_425, %mul3A_427 : vector<16xi32>
        %add3A_429 = arith.addi %mul3A_428, %and3A_13 : vector<16xi32>
        %swap3A_430 = arith.constant 144 : index
        %swap3A_431 = tpu.vector_load %arg22[%swap3A_430] {strides = array<i32>} : memref<192xi32, #tpu.memory_space<vmem>>, vector<16xi32>,
        tpu.vector_store %arg22[%swap3A_430], %add3A_429 {strides = array<i32>} : memref<192xi32, #tpu.memory_space<vmem>>, vector<16xi32>,
        %add3A_432 = arith.constant 40 : i32
        %add3A_433 = arith.addi %mul3A_114, %add3A_432 : i32
        %add3A_434 = vector.broadcast %add3A_433 : i32 to vector<16xi32>
        %add3A_435 = arith.addi %add3A_434, %shift_right_arithmetic3A_15 : vector<16xi32>
        %gather3A_436 = tpu.vector_load_idx %arg13[%add3A_435] : memref<6304xi32, #tpu.memory_space<vmem>>[vector<16xi32>], vector<16xi32>,
        %min3A_437 = arith.constant 6256 : i32
        %min3A_438 = vector.broadcast %min3A_437 : i32 to vector<16xi32>
        %min3A_439 = arith.minsi %gather3A_436, %min3A_438 : vector<16xi32>
        %gather3A_440 = tpu.vector_load_idx %arg11[%min3A_439] : memref<6272xi32, #tpu.memory_space<vmem>>[vector<16xi32>], vector<16xi32>,
        %mul3A_441 = arith.constant 4 : i32
        %mul3A_442 = vector.broadcast %mul3A_441 : i32 to vector<16xi32>
        %mul3A_443 = arith.muli %gather3A_440, %mul3A_442 : vector<16xi32>
        %add3A_444 = arith.addi %mul3A_443, %and3A_13 : vector<16xi32>
        %swap3A_445 = arith.constant 160 : index
        %swap3A_446 = tpu.vector_load %arg21[%swap3A_445] {strides = array<i32>} : memref<192xi32, #tpu.memory_space<vmem>>, vector<16xi32>,
        tpu.vector_store %arg21[%swap3A_445], %add3A_444 {strides = array<i32>} : memref<192xi32, #tpu.memory_space<vmem>>, vector<16xi32>,
        %min3A_447 = arith.constant 6255 : i32
        %min3A_448 = vector.broadcast %min3A_447 : i32 to vector<16xi32>
        %min3A_449 = arith.minsi %gather3A_436, %min3A_448 : vector<16xi32>
        %gather3A_450 = tpu.vector_load_idx %arg12[%min3A_449] : memref<6256xi32, #tpu.memory_space<vmem>>[vector<16xi32>], vector<16xi32>,
        %mul3A_451 = arith.constant 4 : i32
        %mul3A_452 = vector.broadcast %mul3A_451 : i32 to vector<16xi32>
        %mul3A_453 = arith.muli %gather3A_450, %mul3A_452 : vector<16xi32>
        %add3A_454 = arith.addi %mul3A_453, %and3A_13 : vector<16xi32>
        %swap3A_455 = arith.constant 160 : index
        %swap3A_456 = tpu.vector_load %arg22[%swap3A_455] {strides = array<i32>} : memref<192xi32, #tpu.memory_space<vmem>>, vector<16xi32>,
        tpu.vector_store %arg22[%swap3A_455], %add3A_454 {strides = array<i32>} : memref<192xi32, #tpu.memory_space<vmem>>, vector<16xi32>,
        %add3A_457 = arith.constant 44 : i32
        %add3A_458 = arith.addi %mul3A_114, %add3A_457 : i32
        %add3A_459 = vector.broadcast %add3A_458 : i32 to vector<16xi32>
        %add3A_460 = arith.addi %add3A_459, %shift_right_arithmetic3A_15 : vector<16xi32>
        %gather3A_461 = tpu.vector_load_idx %arg13[%add3A_460] : memref<6304xi32, #tpu.memory_space<vmem>>[vector<16xi32>], vector<16xi32>,
        %min3A_462 = arith.constant 6256 : i32
        %min3A_463 = vector.broadcast %min3A_462 : i32 to vector<16xi32>
        %min3A_464 = arith.minsi %gather3A_461, %min3A_463 : vector<16xi32>
        %gather3A_465 = tpu.vector_load_idx %arg11[%min3A_464] : memref<6272xi32, #tpu.memory_space<vmem>>[vector<16xi32>], vector<16xi32>,
        %mul3A_466 = arith.constant 4 : i32
        %mul3A_467 = vector.broadcast %mul3A_466 : i32 to vector<16xi32>
        %mul3A_468 = arith.muli %gather3A_465, %mul3A_467 : vector<16xi32>
        %add3A_469 = arith.addi %mul3A_468, %and3A_13 : vector<16xi32>
        %swap3A_470 = arith.constant 176 : index
        %swap3A_471 = tpu.vector_load %arg21[%swap3A_470] {strides = array<i32>} : memref<192xi32, #tpu.memory_space<vmem>>, vector<16xi32>,
        tpu.vector_store %arg21[%swap3A_470], %add3A_469 {strides = array<i32>} : memref<192xi32, #tpu.memory_space<vmem>>, vector<16xi32>,
        %min3A_472 = arith.constant 6255 : i32
        %min3A_473 = vector.broadcast %min3A_472 : i32 to vector<16xi32>
        %min3A_474 = arith.minsi %gather3A_461, %min3A_473 : vector<16xi32>
        %gather3A_475 = tpu.vector_load_idx %arg12[%min3A_474] : memref<6256xi32, #tpu.memory_space<vmem>>[vector<16xi32>], vector<16xi32>,
        %mul3A_476 = arith.constant 4 : i32
        %mul3A_477 = vector.broadcast %mul3A_476 : i32 to vector<16xi32>
        %mul3A_478 = arith.muli %gather3A_475, %mul3A_477 : vector<16xi32>
        %add3A_479 = arith.addi %mul3A_478, %and3A_13 : vector<16xi32>
        %swap3A_480 = arith.constant 176 : index
        %swap3A_481 = tpu.vector_load %arg22[%swap3A_480] {strides = array<i32>} : memref<192xi32, #tpu.memory_space<vmem>>, vector<16xi32>,
        tpu.vector_store %arg22[%swap3A_480], %add3A_479 {strides = array<i32>} : memref<192xi32, #tpu.memory_space<vmem>>, vector<16xi32>,
        %dma_start3A = arith.constant 0 : i32
        %dma_start3A_482 = tpu.memref_slice %arg5[%dma_start3A] : memref<400000xf32, #tpu.memory_space<hbm>> -> memref<400000xf32, #tpu.memory_space<hbm>>
        tpu.enqueue_indirect_dma source(%dma_start3A_482 : memref<400000xf32, #tpu.memory_space<hbm>>) target(%arg19 : memref<192xf32, #tpu.memory_space<vmem>>) offsets(%arg21 : memref<192xi32, #tpu.memory_space<vmem>>) semaphore(%arg36 : memref<!tpu.dma_semaphore, #tpu.memory_space<semaphore_mem>>)
        %dma_start3A_483 = arith.constant 0 : i32
        %dma_start3A_484 = tpu.memref_slice %arg6[%dma_start3A_483] : memref<400000xf32, #tpu.memory_space<hbm>> -> memref<400000xf32, #tpu.memory_space<hbm>>
        tpu.enqueue_indirect_dma source(%dma_start3A_484 : memref<400000xf32, #tpu.memory_space<hbm>>) target(%arg20 : memref<192xf32, #tpu.memory_space<vmem>>) offsets(%arg22 : memref<192xi32, #tpu.memory_space<vmem>>) semaphore(%arg37 : memref<!tpu.dma_semaphore, #tpu.memory_space<semaphore_mem>>)
        %dma_start3A_485 = arith.constant 0 : i32
        %dma_start3A_486 = arith.constant 0 : i32
        %dma_start3A_487 = tpu.memref_slice %arg2[%dma_start3A_485, %dma_start3A_486] : memref<100000x256xf32, #tpu.memory_space<hbm>> -> memref<100000x256xf32, #tpu.memory_space<hbm>>
        tpu.enqueue_indirect_dma source(%dma_start3A_487 : memref<100000x256xf32, #tpu.memory_space<hbm>>) target(%arg16 : memref<48x256xf32, #tpu.memory_space<vmem>>) offsets(%arg14 : memref<48xi32, #tpu.memory_space<vmem>>) semaphore(%arg35 : memref<!tpu.dma_semaphore, #tpu.memory_space<semaphore_mem>>)
        %dma_wait3A = arith.constant 0 : i32
        %dma_wait3A_488 = tpu.memref_slice %arg5[%dma_wait3A] : memref<400000xf32, #tpu.memory_space<hbm>> -> memref<400000xf32, #tpu.memory_space<hbm>>
        tpu.wait_indirect_dma semaphore(%arg36 : memref<!tpu.dma_semaphore, #tpu.memory_space<semaphore_mem>>) src(%dma_wait3A_488 : memref<400000xf32, #tpu.memory_space<hbm>>) dst(%arg19 : memref<192xf32, #tpu.memory_space<vmem>>)
        %dma_wait3A_489 = arith.constant 0 : i32
        %dma_wait3A_490 = tpu.memref_slice %arg6[%dma_wait3A_489] : memref<400000xf32, #tpu.memory_space<hbm>> -> memref<400000xf32, #tpu.memory_space<hbm>>
        tpu.wait_indirect_dma semaphore(%arg37 : memref<!tpu.dma_semaphore, #tpu.memory_space<semaphore_mem>>) src(%dma_wait3A_490 : memref<400000xf32, #tpu.memory_space<hbm>>) dst(%arg20 : memref<192xf32, #tpu.memory_space<vmem>>)
        %get3A_491 = arith.constant 0 : index
        %get3A_492 = tpu.vector_load %arg19[%get3A_491] {strides = array<i32>} : memref<192xf32, #tpu.memory_space<vmem>>, vector<16xf32>,
        %get3A_493 = arith.constant 0 : index
        %get3A_494 = tpu.vector_load %arg20[%get3A_493] {strides = array<i32>} : memref<192xf32, #tpu.memory_space<vmem>>, vector<16xf32>,
        %add3A_495 = arith.addf %get3A_492, %get3A_494 : vector<16xf32>
        %max3A = arith.constant 0.000000e+00 : f32
        %max3A_496 = vector.broadcast %max3A : f32 to vector<16xf32>
        %max3A_497 = arith.maximumf %add3A_495, %max3A_496 : vector<16xf32>
        %min3A_498 = arith.constant 0.000000e+00 : f32
        %min3A_499 = vector.broadcast %min3A_498 : f32 to vector<16xf32>
        %min3A_500 = arith.minimumf %add3A_495, %min3A_499 : vector<16xf32>
        %mul3A_501 = arith.constant 2.000000e-01 : f32
        %mul3A_502 = vector.broadcast %mul3A_501 : f32 to vector<16xf32>
        %mul3A_503 = arith.mulf %mul3A_502, %min3A_500 : vector<16xf32>
        %add3A_504 = arith.addf %max3A_497, %mul3A_503 : vector<16xf32>
        %get3A_505 = arith.constant 0 : index
        %get3A_506 = tpu.vector_load %arg20[%get3A_505] {strides = array<i32>} : memref<192xf32, #tpu.memory_space<vmem>>, vector<16xf32>,
        %add3A_507 = arith.addf %get3A_506, %gather3A : vector<16xf32>
        %max3A_508 = arith.constant 0.000000e+00 : f32
        %max3A_509 = vector.broadcast %max3A_508 : f32 to vector<16xf32>
        %max3A_510 = arith.maximumf %add3A_507, %max3A_509 : vector<16xf32>
        %min3A_511 = arith.constant 0.000000e+00 : f32
        %min3A_512 = vector.broadcast %min3A_511 : f32 to vector<16xf32>
        %min3A_513 = arith.minimumf %add3A_507, %min3A_512 : vector<16xf32>
        %mul3A_514 = arith.constant 2.000000e-01 : f32
        %mul3A_515 = vector.broadcast %mul3A_514 : f32 to vector<16xf32>
        %mul3A_516 = arith.mulf %mul3A_515, %min3A_513 : vector<16xf32>
        %add3A_517 = arith.addf %max3A_510, %mul3A_516 : vector<16xf32>
        %sub3A_518 = arith.subf %add3A_504, %add3A_517 : vector<16xf32>
        %exp3A = math.exp %sub3A_518 : vector<16xf32>
        %swap3A_519 = arith.constant 0 : index
        %swap3A_520 = tpu.vector_load %arg18[%swap3A_519] {strides = array<i32>} : memref<192xf32, #tpu.memory_space<vmem>>, vector<16xf32>,
        tpu.vector_store %arg18[%swap3A_519], %exp3A {strides = array<i32>} : memref<192xf32, #tpu.memory_space<vmem>>, vector<16xf32>,
        %get3A_521 = arith.constant 16 : index
        %get3A_522 = tpu.vector_load %arg19[%get3A_521] {strides = array<i32>} : memref<192xf32, #tpu.memory_space<vmem>>, vector<16xf32>,
        %get3A_523 = arith.constant 16 : index
        %get3A_524 = tpu.vector_load %arg20[%get3A_523] {strides = array<i32>} : memref<192xf32, #tpu.memory_space<vmem>>, vector<16xf32>,
        %add3A_525 = arith.addf %get3A_522, %get3A_524 : vector<16xf32>
        %max3A_526 = arith.constant 0.000000e+00 : f32
        %max3A_527 = vector.broadcast %max3A_526 : f32 to vector<16xf32>
        %max3A_528 = arith.maximumf %add3A_525, %max3A_527 : vector<16xf32>
        %min3A_529 = arith.constant 0.000000e+00 : f32
        %min3A_530 = vector.broadcast %min3A_529 : f32 to vector<16xf32>
        %min3A_531 = arith.minimumf %add3A_525, %min3A_530 : vector<16xf32>
        %mul3A_532 = arith.constant 2.000000e-01 : f32
        %mul3A_533 = vector.broadcast %mul3A_532 : f32 to vector<16xf32>
        %mul3A_534 = arith.mulf %mul3A_533, %min3A_531 : vector<16xf32>
        %add3A_535 = arith.addf %max3A_528, %mul3A_534 : vector<16xf32>
        %get3A_536 = arith.constant 16 : index
        %get3A_537 = tpu.vector_load %arg20[%get3A_536] {strides = array<i32>} : memref<192xf32, #tpu.memory_space<vmem>>, vector<16xf32>,
        %add3A_538 = arith.addf %get3A_537, %gather3A : vector<16xf32>
        %max3A_539 = arith.constant 0.000000e+00 : f32
        %max3A_540 = vector.broadcast %max3A_539 : f32 to vector<16xf32>
        %max3A_541 = arith.maximumf %add3A_538, %max3A_540 : vector<16xf32>
        %min3A_542 = arith.constant 0.000000e+00 : f32
        %min3A_543 = vector.broadcast %min3A_542 : f32 to vector<16xf32>
        %min3A_544 = arith.minimumf %add3A_538, %min3A_543 : vector<16xf32>
        %mul3A_545 = arith.constant 2.000000e-01 : f32
        %mul3A_546 = vector.broadcast %mul3A_545 : f32 to vector<16xf32>
        %mul3A_547 = arith.mulf %mul3A_546, %min3A_544 : vector<16xf32>
        %add3A_548 = arith.addf %max3A_541, %mul3A_547 : vector<16xf32>
        %sub3A_549 = arith.subf %add3A_535, %add3A_548 : vector<16xf32>
        %exp3A_550 = math.exp %sub3A_549 : vector<16xf32>
        %swap3A_551 = arith.constant 16 : index
        %swap3A_552 = tpu.vector_load %arg18[%swap3A_551] {strides = array<i32>} : memref<192xf32, #tpu.memory_space<vmem>>, vector<16xf32>,
        tpu.vector_store %arg18[%swap3A_551], %exp3A_550 {strides = array<i32>} : memref<192xf32, #tpu.memory_space<vmem>>, vector<16xf32>,
        %get3A_553 = arith.constant 32 : index
        %get3A_554 = tpu.vector_load %arg19[%get3A_553] {strides = array<i32>} : memref<192xf32, #tpu.memory_space<vmem>>, vector<16xf32>,
        %get3A_555 = arith.constant 32 : index
        %get3A_556 = tpu.vector_load %arg20[%get3A_555] {strides = array<i32>} : memref<192xf32, #tpu.memory_space<vmem>>, vector<16xf32>,
        %add3A_557 = arith.addf %get3A_554, %get3A_556 : vector<16xf32>
        %max3A_558 = arith.constant 0.000000e+00 : f32
        %max3A_559 = vector.broadcast %max3A_558 : f32 to vector<16xf32>
        %max3A_560 = arith.maximumf %add3A_557, %max3A_559 : vector<16xf32>
        %min3A_561 = arith.constant 0.000000e+00 : f32
        %min3A_562 = vector.broadcast %min3A_561 : f32 to vector<16xf32>
        %min3A_563 = arith.minimumf %add3A_557, %min3A_562 : vector<16xf32>
        %mul3A_564 = arith.constant 2.000000e-01 : f32
        %mul3A_565 = vector.broadcast %mul3A_564 : f32 to vector<16xf32>
        %mul3A_566 = arith.mulf %mul3A_565, %min3A_563 : vector<16xf32>
        %add3A_567 = arith.addf %max3A_560, %mul3A_566 : vector<16xf32>
        %get3A_568 = arith.constant 32 : index
        %get3A_569 = tpu.vector_load %arg20[%get3A_568] {strides = array<i32>} : memref<192xf32, #tpu.memory_space<vmem>>, vector<16xf32>,
        %add3A_570 = arith.addf %get3A_569, %gather3A : vector<16xf32>
        %max3A_571 = arith.constant 0.000000e+00 : f32
        %max3A_572 = vector.broadcast %max3A_571 : f32 to vector<16xf32>
        %max3A_573 = arith.maximumf %add3A_570, %max3A_572 : vector<16xf32>
        %min3A_574 = arith.constant 0.000000e+00 : f32
        %min3A_575 = vector.broadcast %min3A_574 : f32 to vector<16xf32>
        %min3A_576 = arith.minimumf %add3A_570, %min3A_575 : vector<16xf32>
        %mul3A_577 = arith.constant 2.000000e-01 : f32
        %mul3A_578 = vector.broadcast %mul3A_577 : f32 to vector<16xf32>
        %mul3A_579 = arith.mulf %mul3A_578, %min3A_576 : vector<16xf32>
        %add3A_580 = arith.addf %max3A_573, %mul3A_579 : vector<16xf32>
        %sub3A_581 = arith.subf %add3A_567, %add3A_580 : vector<16xf32>
        %exp3A_582 = math.exp %sub3A_581 : vector<16xf32>
        %swap3A_583 = arith.constant 32 : index
        %swap3A_584 = tpu.vector_load %arg18[%swap3A_583] {strides = array<i32>} : memref<192xf32, #tpu.memory_space<vmem>>, vector<16xf32>,
        tpu.vector_store %arg18[%swap3A_583], %exp3A_582 {strides = array<i32>} : memref<192xf32, #tpu.memory_space<vmem>>, vector<16xf32>,
        %get3A_585 = arith.constant 48 : index
        %get3A_586 = tpu.vector_load %arg19[%get3A_585] {strides = array<i32>} : memref<192xf32, #tpu.memory_space<vmem>>, vector<16xf32>,
        %get3A_587 = arith.constant 48 : index
        %get3A_588 = tpu.vector_load %arg20[%get3A_587] {strides = array<i32>} : memref<192xf32, #tpu.memory_space<vmem>>, vector<16xf32>,
        %add3A_589 = arith.addf %get3A_586, %get3A_588 : vector<16xf32>
        %max3A_590 = arith.constant 0.000000e+00 : f32
        %max3A_591 = vector.broadcast %max3A_590 : f32 to vector<16xf32>
        %max3A_592 = arith.maximumf %add3A_589, %max3A_591 : vector<16xf32>
        %min3A_593 = arith.constant 0.000000e+00 : f32
        %min3A_594 = vector.broadcast %min3A_593 : f32 to vector<16xf32>
        %min3A_595 = arith.minimumf %add3A_589, %min3A_594 : vector<16xf32>
        %mul3A_596 = arith.constant 2.000000e-01 : f32
        %mul3A_597 = vector.broadcast %mul3A_596 : f32 to vector<16xf32>
        %mul3A_598 = arith.mulf %mul3A_597, %min3A_595 : vector<16xf32>
        %add3A_599 = arith.addf %max3A_592, %mul3A_598 : vector<16xf32>
        %get3A_600 = arith.constant 48 : index
        %get3A_601 = tpu.vector_load %arg20[%get3A_600] {strides = array<i32>} : memref<192xf32, #tpu.memory_space<vmem>>, vector<16xf32>,
        %add3A_602 = arith.addf %get3A_601, %gather3A : vector<16xf32>
        %max3A_603 = arith.constant 0.000000e+00 : f32
        %max3A_604 = vector.broadcast %max3A_603 : f32 to vector<16xf32>
        %max3A_605 = arith.maximumf %add3A_602, %max3A_604 : vector<16xf32>
        %min3A_606 = arith.constant 0.000000e+00 : f32
        %min3A_607 = vector.broadcast %min3A_606 : f32 to vector<16xf32>
        %min3A_608 = arith.minimumf %add3A_602, %min3A_607 : vector<16xf32>
        %mul3A_609 = arith.constant 2.000000e-01 : f32
        %mul3A_610 = vector.broadcast %mul3A_609 : f32 to vector<16xf32>
        %mul3A_611 = arith.mulf %mul3A_610, %min3A_608 : vector<16xf32>
        %add3A_612 = arith.addf %max3A_605, %mul3A_611 : vector<16xf32>
        %sub3A_613 = arith.subf %add3A_599, %add3A_612 : vector<16xf32>
        %exp3A_614 = math.exp %sub3A_613 : vector<16xf32>
        %swap3A_615 = arith.constant 48 : index
        %swap3A_616 = tpu.vector_load %arg18[%swap3A_615] {strides = array<i32>} : memref<192xf32, #tpu.memory_space<vmem>>, vector<16xf32>,
        tpu.vector_store %arg18[%swap3A_615], %exp3A_614 {strides = array<i32>} : memref<192xf32, #tpu.memory_space<vmem>>, vector<16xf32>,
        %get3A_617 = arith.constant 64 : index
        %get3A_618 = tpu.vector_load %arg19[%get3A_617] {strides = array<i32>} : memref<192xf32, #tpu.memory_space<vmem>>, vector<16xf32>,
        %get3A_619 = arith.constant 64 : index
        %get3A_620 = tpu.vector_load %arg20[%get3A_619] {strides = array<i32>} : memref<192xf32, #tpu.memory_space<vmem>>, vector<16xf32>,
        %add3A_621 = arith.addf %get3A_618, %get3A_620 : vector<16xf32>
        %max3A_622 = arith.constant 0.000000e+00 : f32
        %max3A_623 = vector.broadcast %max3A_622 : f32 to vector<16xf32>
        %max3A_624 = arith.maximumf %add3A_621, %max3A_623 : vector<16xf32>
        %min3A_625 = arith.constant 0.000000e+00 : f32
        %min3A_626 = vector.broadcast %min3A_625 : f32 to vector<16xf32>
        %min3A_627 = arith.minimumf %add3A_621, %min3A_626 : vector<16xf32>
        %mul3A_628 = arith.constant 2.000000e-01 : f32
        %mul3A_629 = vector.broadcast %mul3A_628 : f32 to vector<16xf32>
        %mul3A_630 = arith.mulf %mul3A_629, %min3A_627 : vector<16xf32>
        %add3A_631 = arith.addf %max3A_624, %mul3A_630 : vector<16xf32>
        %get3A_632 = arith.constant 64 : index
        %get3A_633 = tpu.vector_load %arg20[%get3A_632] {strides = array<i32>} : memref<192xf32, #tpu.memory_space<vmem>>, vector<16xf32>,
        %add3A_634 = arith.addf %get3A_633, %gather3A : vector<16xf32>
        %max3A_635 = arith.constant 0.000000e+00 : f32
        %max3A_636 = vector.broadcast %max3A_635 : f32 to vector<16xf32>
        %max3A_637 = arith.maximumf %add3A_634, %max3A_636 : vector<16xf32>
        %min3A_638 = arith.constant 0.000000e+00 : f32
        %min3A_639 = vector.broadcast %min3A_638 : f32 to vector<16xf32>
        %min3A_640 = arith.minimumf %add3A_634, %min3A_639 : vector<16xf32>
        %mul3A_641 = arith.constant 2.000000e-01 : f32
        %mul3A_642 = vector.broadcast %mul3A_641 : f32 to vector<16xf32>
        %mul3A_643 = arith.mulf %mul3A_642, %min3A_640 : vector<16xf32>
        %add3A_644 = arith.addf %max3A_637, %mul3A_643 : vector<16xf32>
        %sub3A_645 = arith.subf %add3A_631, %add3A_644 : vector<16xf32>
        %exp3A_646 = math.exp %sub3A_645 : vector<16xf32>
        %swap3A_647 = arith.constant 64 : index
        %swap3A_648 = tpu.vector_load %arg18[%swap3A_647] {strides = array<i32>} : memref<192xf32, #tpu.memory_space<vmem>>, vector<16xf32>,
        tpu.vector_store %arg18[%swap3A_647], %exp3A_646 {strides = array<i32>} : memref<192xf32, #tpu.memory_space<vmem>>, vector<16xf32>,
        %get3A_649 = arith.constant 80 : index
        %get3A_650 = tpu.vector_load %arg19[%get3A_649] {strides = array<i32>} : memref<192xf32, #tpu.memory_space<vmem>>, vector<16xf32>,
        %get3A_651 = arith.constant 80 : index
        %get3A_652 = tpu.vector_load %arg20[%get3A_651] {strides = array<i32>} : memref<192xf32, #tpu.memory_space<vmem>>, vector<16xf32>,
        %add3A_653 = arith.addf %get3A_650, %get3A_652 : vector<16xf32>
        %max3A_654 = arith.constant 0.000000e+00 : f32
        %max3A_655 = vector.broadcast %max3A_654 : f32 to vector<16xf32>
        %max3A_656 = arith.maximumf %add3A_653, %max3A_655 : vector<16xf32>
        %min3A_657 = arith.constant 0.000000e+00 : f32
        %min3A_658 = vector.broadcast %min3A_657 : f32 to vector<16xf32>
        %min3A_659 = arith.minimumf %add3A_653, %min3A_658 : vector<16xf32>
        %mul3A_660 = arith.constant 2.000000e-01 : f32
        %mul3A_661 = vector.broadcast %mul3A_660 : f32 to vector<16xf32>
        %mul3A_662 = arith.mulf %mul3A_661, %min3A_659 : vector<16xf32>
        %add3A_663 = arith.addf %max3A_656, %mul3A_662 : vector<16xf32>
        %get3A_664 = arith.constant 80 : index
        %get3A_665 = tpu.vector_load %arg20[%get3A_664] {strides = array<i32>} : memref<192xf32, #tpu.memory_space<vmem>>, vector<16xf32>,
        %add3A_666 = arith.addf %get3A_665, %gather3A : vector<16xf32>
        %max3A_667 = arith.constant 0.000000e+00 : f32
        %max3A_668 = vector.broadcast %max3A_667 : f32 to vector<16xf32>
        %max3A_669 = arith.maximumf %add3A_666, %max3A_668 : vector<16xf32>
        %min3A_670 = arith.constant 0.000000e+00 : f32
        %min3A_671 = vector.broadcast %min3A_670 : f32 to vector<16xf32>
        %min3A_672 = arith.minimumf %add3A_666, %min3A_671 : vector<16xf32>
        %mul3A_673 = arith.constant 2.000000e-01 : f32
        %mul3A_674 = vector.broadcast %mul3A_673 : f32 to vector<16xf32>
        %mul3A_675 = arith.mulf %mul3A_674, %min3A_672 : vector<16xf32>
        %add3A_676 = arith.addf %max3A_669, %mul3A_675 : vector<16xf32>
        %sub3A_677 = arith.subf %add3A_663, %add3A_676 : vector<16xf32>
        %exp3A_678 = math.exp %sub3A_677 : vector<16xf32>
        %swap3A_679 = arith.constant 80 : index
        %swap3A_680 = tpu.vector_load %arg18[%swap3A_679] {strides = array<i32>} : memref<192xf32, #tpu.memory_space<vmem>>, vector<16xf32>,
        tpu.vector_store %arg18[%swap3A_679], %exp3A_678 {strides = array<i32>} : memref<192xf32, #tpu.memory_space<vmem>>, vector<16xf32>,
        %get3A_681 = arith.constant 96 : index
        %get3A_682 = tpu.vector_load %arg19[%get3A_681] {strides = array<i32>} : memref<192xf32, #tpu.memory_space<vmem>>, vector<16xf32>,
        %get3A_683 = arith.constant 96 : index
        %get3A_684 = tpu.vector_load %arg20[%get3A_683] {strides = array<i32>} : memref<192xf32, #tpu.memory_space<vmem>>, vector<16xf32>,
        %add3A_685 = arith.addf %get3A_682, %get3A_684 : vector<16xf32>
        %max3A_686 = arith.constant 0.000000e+00 : f32
        %max3A_687 = vector.broadcast %max3A_686 : f32 to vector<16xf32>
        %max3A_688 = arith.maximumf %add3A_685, %max3A_687 : vector<16xf32>
        %min3A_689 = arith.constant 0.000000e+00 : f32
        %min3A_690 = vector.broadcast %min3A_689 : f32 to vector<16xf32>
        %min3A_691 = arith.minimumf %add3A_685, %min3A_690 : vector<16xf32>
        %mul3A_692 = arith.constant 2.000000e-01 : f32
        %mul3A_693 = vector.broadcast %mul3A_692 : f32 to vector<16xf32>
        %mul3A_694 = arith.mulf %mul3A_693, %min3A_691 : vector<16xf32>
        %add3A_695 = arith.addf %max3A_688, %mul3A_694 : vector<16xf32>
        %get3A_696 = arith.constant 96 : index
        %get3A_697 = tpu.vector_load %arg20[%get3A_696] {strides = array<i32>} : memref<192xf32, #tpu.memory_space<vmem>>, vector<16xf32>,
        %add3A_698 = arith.addf %get3A_697, %gather3A : vector<16xf32>
        %max3A_699 = arith.constant 0.000000e+00 : f32
        %max3A_700 = vector.broadcast %max3A_699 : f32 to vector<16xf32>
        %max3A_701 = arith.maximumf %add3A_698, %max3A_700 : vector<16xf32>
        %min3A_702 = arith.constant 0.000000e+00 : f32
        %min3A_703 = vector.broadcast %min3A_702 : f32 to vector<16xf32>
        %min3A_704 = arith.minimumf %add3A_698, %min3A_703 : vector<16xf32>
        %mul3A_705 = arith.constant 2.000000e-01 : f32
        %mul3A_706 = vector.broadcast %mul3A_705 : f32 to vector<16xf32>
        %mul3A_707 = arith.mulf %mul3A_706, %min3A_704 : vector<16xf32>
        %add3A_708 = arith.addf %max3A_701, %mul3A_707 : vector<16xf32>
        %sub3A_709 = arith.subf %add3A_695, %add3A_708 : vector<16xf32>
        %exp3A_710 = math.exp %sub3A_709 : vector<16xf32>
        %swap3A_711 = arith.constant 96 : index
        %swap3A_712 = tpu.vector_load %arg18[%swap3A_711] {strides = array<i32>} : memref<192xf32, #tpu.memory_space<vmem>>, vector<16xf32>,
        tpu.vector_store %arg18[%swap3A_711], %exp3A_710 {strides = array<i32>} : memref<192xf32, #tpu.memory_space<vmem>>, vector<16xf32>,
        %get3A_713 = arith.constant 112 : index
        %get3A_714 = tpu.vector_load %arg19[%get3A_713] {strides = array<i32>} : memref<192xf32, #tpu.memory_space<vmem>>, vector<16xf32>,
        %get3A_715 = arith.constant 112 : index
        %get3A_716 = tpu.vector_load %arg20[%get3A_715] {strides = array<i32>} : memref<192xf32, #tpu.memory_space<vmem>>, vector<16xf32>,
        %add3A_717 = arith.addf %get3A_714, %get3A_716 : vector<16xf32>
        %max3A_718 = arith.constant 0.000000e+00 : f32
        %max3A_719 = vector.broadcast %max3A_718 : f32 to vector<16xf32>
        %max3A_720 = arith.maximumf %add3A_717, %max3A_719 : vector<16xf32>
        %min3A_721 = arith.constant 0.000000e+00 : f32
        %min3A_722 = vector.broadcast %min3A_721 : f32 to vector<16xf32>
        %min3A_723 = arith.minimumf %add3A_717, %min3A_722 : vector<16xf32>
        %mul3A_724 = arith.constant 2.000000e-01 : f32
        %mul3A_725 = vector.broadcast %mul3A_724 : f32 to vector<16xf32>
        %mul3A_726 = arith.mulf %mul3A_725, %min3A_723 : vector<16xf32>
        %add3A_727 = arith.addf %max3A_720, %mul3A_726 : vector<16xf32>
        %get3A_728 = arith.constant 112 : index
        %get3A_729 = tpu.vector_load %arg20[%get3A_728] {strides = array<i32>} : memref<192xf32, #tpu.memory_space<vmem>>, vector<16xf32>,
        %add3A_730 = arith.addf %get3A_729, %gather3A : vector<16xf32>
        %max3A_731 = arith.constant 0.000000e+00 : f32
        %max3A_732 = vector.broadcast %max3A_731 : f32 to vector<16xf32>
        %max3A_733 = arith.maximumf %add3A_730, %max3A_732 : vector<16xf32>
        %min3A_734 = arith.constant 0.000000e+00 : f32
        %min3A_735 = vector.broadcast %min3A_734 : f32 to vector<16xf32>
        %min3A_736 = arith.minimumf %add3A_730, %min3A_735 : vector<16xf32>
        %mul3A_737 = arith.constant 2.000000e-01 : f32
        %mul3A_738 = vector.broadcast %mul3A_737 : f32 to vector<16xf32>
        %mul3A_739 = arith.mulf %mul3A_738, %min3A_736 : vector<16xf32>
        %add3A_740 = arith.addf %max3A_733, %mul3A_739 : vector<16xf32>
        %sub3A_741 = arith.subf %add3A_727, %add3A_740 : vector<16xf32>
        %exp3A_742 = math.exp %sub3A_741 : vector<16xf32>
        %swap3A_743 = arith.constant 112 : index
        %swap3A_744 = tpu.vector_load %arg18[%swap3A_743] {strides = array<i32>} : memref<192xf32, #tpu.memory_space<vmem>>, vector<16xf32>,
        tpu.vector_store %arg18[%swap3A_743], %exp3A_742 {strides = array<i32>} : memref<192xf32, #tpu.memory_space<vmem>>, vector<16xf32>,
        %get3A_745 = arith.constant 128 : index
        %get3A_746 = tpu.vector_load %arg19[%get3A_745] {strides = array<i32>} : memref<192xf32, #tpu.memory_space<vmem>>, vector<16xf32>,
        %get3A_747 = arith.constant 128 : index
        %get3A_748 = tpu.vector_load %arg20[%get3A_747] {strides = array<i32>} : memref<192xf32, #tpu.memory_space<vmem>>, vector<16xf32>,
        %add3A_749 = arith.addf %get3A_746, %get3A_748 : vector<16xf32>
        %max3A_750 = arith.constant 0.000000e+00 : f32
        %max3A_751 = vector.broadcast %max3A_750 : f32 to vector<16xf32>
        %max3A_752 = arith.maximumf %add3A_749, %max3A_751 : vector<16xf32>
        %min3A_753 = arith.constant 0.000000e+00 : f32
        %min3A_754 = vector.broadcast %min3A_753 : f32 to vector<16xf32>
        %min3A_755 = arith.minimumf %add3A_749, %min3A_754 : vector<16xf32>
        %mul3A_756 = arith.constant 2.000000e-01 : f32
        %mul3A_757 = vector.broadcast %mul3A_756 : f32 to vector<16xf32>
        %mul3A_758 = arith.mulf %mul3A_757, %min3A_755 : vector<16xf32>
        %add3A_759 = arith.addf %max3A_752, %mul3A_758 : vector<16xf32>
        %get3A_760 = arith.constant 128 : index
        %get3A_761 = tpu.vector_load %arg20[%get3A_760] {strides = array<i32>} : memref<192xf32, #tpu.memory_space<vmem>>, vector<16xf32>,
        %add3A_762 = arith.addf %get3A_761, %gather3A : vector<16xf32>
        %max3A_763 = arith.constant 0.000000e+00 : f32
        %max3A_764 = vector.broadcast %max3A_763 : f32 to vector<16xf32>
        %max3A_765 = arith.maximumf %add3A_762, %max3A_764 : vector<16xf32>
        %min3A_766 = arith.constant 0.000000e+00 : f32
        %min3A_767 = vector.broadcast %min3A_766 : f32 to vector<16xf32>
        %min3A_768 = arith.minimumf %add3A_762, %min3A_767 : vector<16xf32>
        %mul3A_769 = arith.constant 2.000000e-01 : f32
        %mul3A_770 = vector.broadcast %mul3A_769 : f32 to vector<16xf32>
        %mul3A_771 = arith.mulf %mul3A_770, %min3A_768 : vector<16xf32>
        %add3A_772 = arith.addf %max3A_765, %mul3A_771 : vector<16xf32>
        %sub3A_773 = arith.subf %add3A_759, %add3A_772 : vector<16xf32>
        %exp3A_774 = math.exp %sub3A_773 : vector<16xf32>
        %swap3A_775 = arith.constant 128 : index
        %swap3A_776 = tpu.vector_load %arg18[%swap3A_775] {strides = array<i32>} : memref<192xf32, #tpu.memory_space<vmem>>, vector<16xf32>,
        tpu.vector_store %arg18[%swap3A_775], %exp3A_774 {strides = array<i32>} : memref<192xf32, #tpu.memory_space<vmem>>, vector<16xf32>,
        %get3A_777 = arith.constant 144 : index
        %get3A_778 = tpu.vector_load %arg19[%get3A_777] {strides = array<i32>} : memref<192xf32, #tpu.memory_space<vmem>>, vector<16xf32>,
        %get3A_779 = arith.constant 144 : index
        %get3A_780 = tpu.vector_load %arg20[%get3A_779] {strides = array<i32>} : memref<192xf32, #tpu.memory_space<vmem>>, vector<16xf32>,
        %add3A_781 = arith.addf %get3A_778, %get3A_780 : vector<16xf32>
        %max3A_782 = arith.constant 0.000000e+00 : f32
        %max3A_783 = vector.broadcast %max3A_782 : f32 to vector<16xf32>
        %max3A_784 = arith.maximumf %add3A_781, %max3A_783 : vector<16xf32>
        %min3A_785 = arith.constant 0.000000e+00 : f32
        %min3A_786 = vector.broadcast %min3A_785 : f32 to vector<16xf32>
        %min3A_787 = arith.minimumf %add3A_781, %min3A_786 : vector<16xf32>
        %mul3A_788 = arith.constant 2.000000e-01 : f32
        %mul3A_789 = vector.broadcast %mul3A_788 : f32 to vector<16xf32>
        %mul3A_790 = arith.mulf %mul3A_789, %min3A_787 : vector<16xf32>
        %add3A_791 = arith.addf %max3A_784, %mul3A_790 : vector<16xf32>
        %get3A_792 = arith.constant 144 : index
        %get3A_793 = tpu.vector_load %arg20[%get3A_792] {strides = array<i32>} : memref<192xf32, #tpu.memory_space<vmem>>, vector<16xf32>,
        %add3A_794 = arith.addf %get3A_793, %gather3A : vector<16xf32>
        %max3A_795 = arith.constant 0.000000e+00 : f32
        %max3A_796 = vector.broadcast %max3A_795 : f32 to vector<16xf32>
        %max3A_797 = arith.maximumf %add3A_794, %max3A_796 : vector<16xf32>
        %min3A_798 = arith.constant 0.000000e+00 : f32
        %min3A_799 = vector.broadcast %min3A_798 : f32 to vector<16xf32>
        %min3A_800 = arith.minimumf %add3A_794, %min3A_799 : vector<16xf32>
        %mul3A_801 = arith.constant 2.000000e-01 : f32
        %mul3A_802 = vector.broadcast %mul3A_801 : f32 to vector<16xf32>
        %mul3A_803 = arith.mulf %mul3A_802, %min3A_800 : vector<16xf32>
        %add3A_804 = arith.addf %max3A_797, %mul3A_803 : vector<16xf32>
        %sub3A_805 = arith.subf %add3A_791, %add3A_804 : vector<16xf32>
        %exp3A_806 = math.exp %sub3A_805 : vector<16xf32>
        %swap3A_807 = arith.constant 144 : index
        %swap3A_808 = tpu.vector_load %arg18[%swap3A_807] {strides = array<i32>} : memref<192xf32, #tpu.memory_space<vmem>>, vector<16xf32>,
        tpu.vector_store %arg18[%swap3A_807], %exp3A_806 {strides = array<i32>} : memref<192xf32, #tpu.memory_space<vmem>>, vector<16xf32>,
        %get3A_809 = arith.constant 160 : index
        %get3A_810 = tpu.vector_load %arg19[%get3A_809] {strides = array<i32>} : memref<192xf32, #tpu.memory_space<vmem>>, vector<16xf32>,
        %get3A_811 = arith.constant 160 : index
        %get3A_812 = tpu.vector_load %arg20[%get3A_811] {strides = array<i32>} : memref<192xf32, #tpu.memory_space<vmem>>, vector<16xf32>,
        %add3A_813 = arith.addf %get3A_810, %get3A_812 : vector<16xf32>
        %max3A_814 = arith.constant 0.000000e+00 : f32
        %max3A_815 = vector.broadcast %max3A_814 : f32 to vector<16xf32>
        %max3A_816 = arith.maximumf %add3A_813, %max3A_815 : vector<16xf32>
        %min3A_817 = arith.constant 0.000000e+00 : f32
        %min3A_818 = vector.broadcast %min3A_817 : f32 to vector<16xf32>
        %min3A_819 = arith.minimumf %add3A_813, %min3A_818 : vector<16xf32>
        %mul3A_820 = arith.constant 2.000000e-01 : f32
        %mul3A_821 = vector.broadcast %mul3A_820 : f32 to vector<16xf32>
        %mul3A_822 = arith.mulf %mul3A_821, %min3A_819 : vector<16xf32>
        %add3A_823 = arith.addf %max3A_816, %mul3A_822 : vector<16xf32>
        %get3A_824 = arith.constant 160 : index
        %get3A_825 = tpu.vector_load %arg20[%get3A_824] {strides = array<i32>} : memref<192xf32, #tpu.memory_space<vmem>>, vector<16xf32>,
        %add3A_826 = arith.addf %get3A_825, %gather3A : vector<16xf32>
        %max3A_827 = arith.constant 0.000000e+00 : f32
        %max3A_828 = vector.broadcast %max3A_827 : f32 to vector<16xf32>
        %max3A_829 = arith.maximumf %add3A_826, %max3A_828 : vector<16xf32>
        %min3A_830 = arith.constant 0.000000e+00 : f32
        %min3A_831 = vector.broadcast %min3A_830 : f32 to vector<16xf32>
        %min3A_832 = arith.minimumf %add3A_826, %min3A_831 : vector<16xf32>
        %mul3A_833 = arith.constant 2.000000e-01 : f32
        %mul3A_834 = vector.broadcast %mul3A_833 : f32 to vector<16xf32>
        %mul3A_835 = arith.mulf %mul3A_834, %min3A_832 : vector<16xf32>
        %add3A_836 = arith.addf %max3A_829, %mul3A_835 : vector<16xf32>
        %sub3A_837 = arith.subf %add3A_823, %add3A_836 : vector<16xf32>
        %exp3A_838 = math.exp %sub3A_837 : vector<16xf32>
        %swap3A_839 = arith.constant 160 : index
        %swap3A_840 = tpu.vector_load %arg18[%swap3A_839] {strides = array<i32>} : memref<192xf32, #tpu.memory_space<vmem>>, vector<16xf32>,
        tpu.vector_store %arg18[%swap3A_839], %exp3A_838 {strides = array<i32>} : memref<192xf32, #tpu.memory_space<vmem>>, vector<16xf32>,
        %get3A_841 = arith.constant 176 : index
        %get3A_842 = tpu.vector_load %arg19[%get3A_841] {strides = array<i32>} : memref<192xf32, #tpu.memory_space<vmem>>, vector<16xf32>,
        %get3A_843 = arith.constant 176 : index
        %get3A_844 = tpu.vector_load %arg20[%get3A_843] {strides = array<i32>} : memref<192xf32, #tpu.memory_space<vmem>>, vector<16xf32>,
        %add3A_845 = arith.addf %get3A_842, %get3A_844 : vector<16xf32>
        %max3A_846 = arith.constant 0.000000e+00 : f32
        %max3A_847 = vector.broadcast %max3A_846 : f32 to vector<16xf32>
        %max3A_848 = arith.maximumf %add3A_845, %max3A_847 : vector<16xf32>
        %min3A_849 = arith.constant 0.000000e+00 : f32
        %min3A_850 = vector.broadcast %min3A_849 : f32 to vector<16xf32>
        %min3A_851 = arith.minimumf %add3A_845, %min3A_850 : vector<16xf32>
        %mul3A_852 = arith.constant 2.000000e-01 : f32
        %mul3A_853 = vector.broadcast %mul3A_852 : f32 to vector<16xf32>
        %mul3A_854 = arith.mulf %mul3A_853, %min3A_851 : vector<16xf32>
        %add3A_855 = arith.addf %max3A_848, %mul3A_854 : vector<16xf32>
        %get3A_856 = arith.constant 176 : index
        %get3A_857 = tpu.vector_load %arg20[%get3A_856] {strides = array<i32>} : memref<192xf32, #tpu.memory_space<vmem>>, vector<16xf32>,
        %add3A_858 = arith.addf %get3A_857, %gather3A : vector<16xf32>
        %max3A_859 = arith.constant 0.000000e+00 : f32
        %max3A_860 = vector.broadcast %max3A_859 : f32 to vector<16xf32>
        %max3A_861 = arith.maximumf %add3A_858, %max3A_860 : vector<16xf32>
        %min3A_862 = arith.constant 0.000000e+00 : f32
        %min3A_863 = vector.broadcast %min3A_862 : f32 to vector<16xf32>
        %min3A_864 = arith.minimumf %add3A_858, %min3A_863 : vector<16xf32>
        %mul3A_865 = arith.constant 2.000000e-01 : f32
        %mul3A_866 = vector.broadcast %mul3A_865 : f32 to vector<16xf32>
        %mul3A_867 = arith.mulf %mul3A_866, %min3A_864 : vector<16xf32>
        %add3A_868 = arith.addf %max3A_861, %mul3A_867 : vector<16xf32>
        %sub3A_869 = arith.subf %add3A_855, %add3A_868 : vector<16xf32>
        %exp3A_870 = math.exp %sub3A_869 : vector<16xf32>
        %swap3A_871 = arith.constant 176 : index
        %swap3A_872 = tpu.vector_load %arg18[%swap3A_871] {strides = array<i32>} : memref<192xf32, #tpu.memory_space<vmem>>, vector<16xf32>,
        tpu.vector_store %arg18[%swap3A_871], %exp3A_870 {strides = array<i32>} : memref<192xf32, #tpu.memory_space<vmem>>, vector<16xf32>,
        %dma_wait3A_873 = arith.constant 0 : i32
        %dma_wait3A_874 = arith.constant 0 : i32
        %dma_wait3A_875 = tpu.memref_slice %arg2[%dma_wait3A_873, %dma_wait3A_874] : memref<100000x256xf32, #tpu.memory_space<hbm>> -> memref<100000x256xf32, #tpu.memory_space<hbm>>
        tpu.wait_indirect_dma semaphore(%arg35 : memref<!tpu.dma_semaphore, #tpu.memory_space<semaphore_mem>>) src(%dma_wait3A_875 : memref<100000x256xf32, #tpu.memory_space<hbm>>) dst(%arg16 : memref<48x256xf32, #tpu.memory_space<vmem>>)
        %scan3A_876 = arith.constant 0 : i32
        %scan3A_877 = arith.constant 0 : i32
        %scan3A_878 = arith.constant 24 : i32
        %scan3A_879 = arith.addi %scan3A_877, %scan3A_878 : i32
        %scan3A_880 = arith.constant 1 : i32
        %scan3A_881 = scf.for %scan3A_894 = %scan3A_877 to %scan3A_879 step %scan3A_880 iter_args(%scan3A_895 = %scan3A_876) -> (i32)  : i32 {
          %mul3A_896 = arith.constant 2 : i32
          %mul3A_897 = arith.muli %mul3A_896, %scan3A_894 : i32
          %mul3A_898 = arith.constant 2 : i32
          %mul3A_899 = arith.muli %mul3A_898, %scan3A_894 : i32
          %add3A_900 = arith.constant 1 : i32
          %add3A_901 = arith.addi %mul3A_899, %add3A_900 : i32
          %mul3A_902 = arith.constant 4 : i32
          %mul3A_903 = arith.muli %mul3A_902, %mul3A_897 : i32
          %broadcast_in_dim3A_904 = vector.broadcast %mul3A_903 : i32 to vector<16xi32>
          %add3A_905 = arith.constant 0 : i32
          %add3A_906 = vector.broadcast %add3A_905 : i32 to vector<16xi32>
          %add3A_907 = arith.addi %broadcast_in_dim3A_904, %add3A_906 : vector<16xi32>
          %gather3A_908 = tpu.vector_load_idx %arg18[%add3A_907] : memref<192xf32, #tpu.memory_space<vmem>>[vector<16xi32>], vector<16xf32>,
          %add3A_909 = arith.constant 1 : i32
          %add3A_910 = vector.broadcast %add3A_909 : i32 to vector<16xi32>
          %add3A_911 = arith.addi %broadcast_in_dim3A_904, %add3A_910 : vector<16xi32>
          %gather3A_912 = tpu.vector_load_idx %arg18[%add3A_911] : memref<192xf32, #tpu.memory_space<vmem>>[vector<16xi32>], vector<16xf32>,
          %add3A_913 = arith.constant 2 : i32
          %add3A_914 = vector.broadcast %add3A_913 : i32 to vector<16xi32>
          %add3A_915 = arith.addi %broadcast_in_dim3A_904, %add3A_914 : vector<16xi32>
          %gather3A_916 = tpu.vector_load_idx %arg18[%add3A_915] : memref<192xf32, #tpu.memory_space<vmem>>[vector<16xi32>], vector<16xf32>,
          %add3A_917 = arith.constant 3 : i32
          %add3A_918 = vector.broadcast %add3A_917 : i32 to vector<16xi32>
          %add3A_919 = arith.addi %broadcast_in_dim3A_904, %add3A_918 : vector<16xi32>
          %gather3A_920 = tpu.vector_load_idx %arg18[%add3A_919] : memref<192xf32, #tpu.memory_space<vmem>>[vector<16xi32>], vector<16xf32>,
          %get3A_921 = arith.index_cast %mul3A_897 : i32 to index
          %get3A_922 = arith.constant 0 : index
          %get3A_923 = tpu.vector_load %arg16[%get3A_921, %get3A_922] {strides = array<i32>} : memref<48x256xf32, #tpu.memory_space<vmem>>, vector<16xf32>,
          %mul3A_924 = arith.mulf %get3A_923, %gather3A_908 : vector<16xf32>
          %swap3A_925 = arith.index_cast %mul3A_897 : i32 to index
          %swap3A_926 = arith.constant 0 : index
          %swap3A_927 = tpu.vector_load %arg17[%swap3A_925, %swap3A_926] {strides = array<i32>} : memref<48x256xf32, #tpu.memory_space<vmem>>, vector<16xf32>,
          tpu.vector_store %arg17[%swap3A_925, %swap3A_926], %mul3A_924 {strides = array<i32>} : memref<48x256xf32, #tpu.memory_space<vmem>>, vector<16xf32>,
          %get3A_928 = arith.index_cast %mul3A_897 : i32 to index
          %get3A_929 = arith.constant 16 : index
          %get3A_930 = tpu.vector_load %arg16[%get3A_928, %get3A_929] {strides = array<i32>} : memref<48x256xf32, #tpu.memory_space<vmem>>, vector<16xf32>,
          %mul3A_931 = arith.mulf %get3A_930, %gather3A_908 : vector<16xf32>
          %swap3A_932 = arith.index_cast %mul3A_897 : i32 to index
          %swap3A_933 = arith.constant 16 : index
          %swap3A_934 = tpu.vector_load %arg17[%swap3A_932, %swap3A_933] {strides = array<i32>} : memref<48x256xf32, #tpu.memory_space<vmem>>, vector<16xf32>,
          tpu.vector_store %arg17[%swap3A_932, %swap3A_933], %mul3A_931 {strides = array<i32>} : memref<48x256xf32, #tpu.memory_space<vmem>>, vector<16xf32>,
          %get3A_935 = arith.index_cast %mul3A_897 : i32 to index
          %get3A_936 = arith.constant 32 : index
          %get3A_937 = tpu.vector_load %arg16[%get3A_935, %get3A_936] {strides = array<i32>} : memref<48x256xf32, #tpu.memory_space<vmem>>, vector<16xf32>,
          %mul3A_938 = arith.mulf %get3A_937, %gather3A_908 : vector<16xf32>
          %swap3A_939 = arith.index_cast %mul3A_897 : i32 to index
          %swap3A_940 = arith.constant 32 : index
          %swap3A_941 = tpu.vector_load %arg17[%swap3A_939, %swap3A_940] {strides = array<i32>} : memref<48x256xf32, #tpu.memory_space<vmem>>, vector<16xf32>,
          tpu.vector_store %arg17[%swap3A_939, %swap3A_940], %mul3A_938 {strides = array<i32>} : memref<48x256xf32, #tpu.memory_space<vmem>>, vector<16xf32>,
          %get3A_942 = arith.index_cast %mul3A_897 : i32 to index
          %get3A_943 = arith.constant 48 : index
          %get3A_944 = tpu.vector_load %arg16[%get3A_942, %get3A_943] {strides = array<i32>} : memref<48x256xf32, #tpu.memory_space<vmem>>, vector<16xf32>,
          %mul3A_945 = arith.mulf %get3A_944, %gather3A_908 : vector<16xf32>
          %swap3A_946 = arith.index_cast %mul3A_897 : i32 to index
          %swap3A_947 = arith.constant 48 : index
          %swap3A_948 = tpu.vector_load %arg17[%swap3A_946, %swap3A_947] {strides = array<i32>} : memref<48x256xf32, #tpu.memory_space<vmem>>, vector<16xf32>,
          tpu.vector_store %arg17[%swap3A_946, %swap3A_947], %mul3A_945 {strides = array<i32>} : memref<48x256xf32, #tpu.memory_space<vmem>>, vector<16xf32>,
          %get3A_949 = arith.index_cast %mul3A_897 : i32 to index
          %get3A_950 = arith.constant 64 : index
          %get3A_951 = tpu.vector_load %arg16[%get3A_949, %get3A_950] {strides = array<i32>} : memref<48x256xf32, #tpu.memory_space<vmem>>, vector<16xf32>,
          %mul3A_952 = arith.mulf %get3A_951, %gather3A_912 : vector<16xf32>
          %swap3A_953 = arith.index_cast %mul3A_897 : i32 to index
          %swap3A_954 = arith.constant 64 : index
          %swap3A_955 = tpu.vector_load %arg17[%swap3A_953, %swap3A_954] {strides = array<i32>} : memref<48x256xf32, #tpu.memory_space<vmem>>, vector<16xf32>,
          tpu.vector_store %arg17[%swap3A_953, %swap3A_954], %mul3A_952 {strides = array<i32>} : memref<48x256xf32, #tpu.memory_space<vmem>>, vector<16xf32>,
          %get3A_956 = arith.index_cast %mul3A_897 : i32 to index
          %get3A_957 = arith.constant 80 : index
          %get3A_958 = tpu.vector_load %arg16[%get3A_956, %get3A_957] {strides = array<i32>} : memref<48x256xf32, #tpu.memory_space<vmem>>, vector<16xf32>,
          %mul3A_959 = arith.mulf %get3A_958, %gather3A_912 : vector<16xf32>
          %swap3A_960 = arith.index_cast %mul3A_897 : i32 to index
          %swap3A_961 = arith.constant 80 : index
          %swap3A_962 = tpu.vector_load %arg17[%swap3A_960, %swap3A_961] {strides = array<i32>} : memref<48x256xf32, #tpu.memory_space<vmem>>, vector<16xf32>,
          tpu.vector_store %arg17[%swap3A_960, %swap3A_961], %mul3A_959 {strides = array<i32>} : memref<48x256xf32, #tpu.memory_space<vmem>>, vector<16xf32>,
          %get3A_963 = arith.index_cast %mul3A_897 : i32 to index
          %get3A_964 = arith.constant 96 : index
          %get3A_965 = tpu.vector_load %arg16[%get3A_963, %get3A_964] {strides = array<i32>} : memref<48x256xf32, #tpu.memory_space<vmem>>, vector<16xf32>,
          %mul3A_966 = arith.mulf %get3A_965, %gather3A_912 : vector<16xf32>
          %swap3A_967 = arith.index_cast %mul3A_897 : i32 to index
          %swap3A_968 = arith.constant 96 : index
          %swap3A_969 = tpu.vector_load %arg17[%swap3A_967, %swap3A_968] {strides = array<i32>} : memref<48x256xf32, #tpu.memory_space<vmem>>, vector<16xf32>,
          tpu.vector_store %arg17[%swap3A_967, %swap3A_968], %mul3A_966 {strides = array<i32>} : memref<48x256xf32, #tpu.memory_space<vmem>>, vector<16xf32>,
          %get3A_970 = arith.index_cast %mul3A_897 : i32 to index
          %get3A_971 = arith.constant 112 : index
          %get3A_972 = tpu.vector_load %arg16[%get3A_970, %get3A_971] {strides = array<i32>} : memref<48x256xf32, #tpu.memory_space<vmem>>, vector<16xf32>,
          %mul3A_973 = arith.mulf %get3A_972, %gather3A_912 : vector<16xf32>
          %swap3A_974 = arith.index_cast %mul3A_897 : i32 to index
          %swap3A_975 = arith.constant 112 : index
          %swap3A_976 = tpu.vector_load %arg17[%swap3A_974, %swap3A_975] {strides = array<i32>} : memref<48x256xf32, #tpu.memory_space<vmem>>, vector<16xf32>,
          tpu.vector_store %arg17[%swap3A_974, %swap3A_975], %mul3A_973 {strides = array<i32>} : memref<48x256xf32, #tpu.memory_space<vmem>>, vector<16xf32>,
          %get3A_977 = arith.index_cast %mul3A_897 : i32 to index
          %get3A_978 = arith.constant 128 : index
          %get3A_979 = tpu.vector_load %arg16[%get3A_977, %get3A_978] {strides = array<i32>} : memref<48x256xf32, #tpu.memory_space<vmem>>, vector<16xf32>,
          %mul3A_980 = arith.mulf %get3A_979, %gather3A_916 : vector<16xf32>
          %swap3A_981 = arith.index_cast %mul3A_897 : i32 to index
          %swap3A_982 = arith.constant 128 : index
          %swap3A_983 = tpu.vector_load %arg17[%swap3A_981, %swap3A_982] {strides = array<i32>} : memref<48x256xf32, #tpu.memory_space<vmem>>, vector<16xf32>,
          tpu.vector_store %arg17[%swap3A_981, %swap3A_982], %mul3A_980 {strides = array<i32>} : memref<48x256xf32, #tpu.memory_space<vmem>>, vector<16xf32>,
          %get3A_984 = arith.index_cast %mul3A_897 : i32 to index
          %get3A_985 = arith.constant 144 : index
          %get3A_986 = tpu.vector_load %arg16[%get3A_984, %get3A_985] {strides = array<i32>} : memref<48x256xf32, #tpu.memory_space<vmem>>, vector<16xf32>,
          %mul3A_987 = arith.mulf %get3A_986, %gather3A_916 : vector<16xf32>
          %swap3A_988 = arith.index_cast %mul3A_897 : i32 to index
          %swap3A_989 = arith.constant 144 : index
          %swap3A_990 = tpu.vector_load %arg17[%swap3A_988, %swap3A_989] {strides = array<i32>} : memref<48x256xf32, #tpu.memory_space<vmem>>, vector<16xf32>,
          tpu.vector_store %arg17[%swap3A_988, %swap3A_989], %mul3A_987 {strides = array<i32>} : memref<48x256xf32, #tpu.memory_space<vmem>>, vector<16xf32>,
          %get3A_991 = arith.index_cast %mul3A_897 : i32 to index
          %get3A_992 = arith.constant 160 : index
          %get3A_993 = tpu.vector_load %arg16[%get3A_991, %get3A_992] {strides = array<i32>} : memref<48x256xf32, #tpu.memory_space<vmem>>, vector<16xf32>,
          %mul3A_994 = arith.mulf %get3A_993, %gather3A_916 : vector<16xf32>
          %swap3A_995 = arith.index_cast %mul3A_897 : i32 to index
          %swap3A_996 = arith.constant 160 : index
          %swap3A_997 = tpu.vector_load %arg17[%swap3A_995, %swap3A_996] {strides = array<i32>} : memref<48x256xf32, #tpu.memory_space<vmem>>, vector<16xf32>,
          tpu.vector_store %arg17[%swap3A_995, %swap3A_996], %mul3A_994 {strides = array<i32>} : memref<48x256xf32, #tpu.memory_space<vmem>>, vector<16xf32>,
          %get3A_998 = arith.index_cast %mul3A_897 : i32 to index
          %get3A_999 = arith.constant 176 : index
          %get3A_1000 = tpu.vector_load %arg16[%get3A_998, %get3A_999] {strides = array<i32>} : memref<48x256xf32, #tpu.memory_space<vmem>>, vector<16xf32>,
          %mul3A_1001 = arith.mulf %get3A_1000, %gather3A_916 : vector<16xf32>
          %swap3A_1002 = arith.index_cast %mul3A_897 : i32 to index
          %swap3A_1003 = arith.constant 176 : index
          %swap3A_1004 = tpu.vector_load %arg17[%swap3A_1002, %swap3A_1003] {strides = array<i32>} : memref<48x256xf32, #tpu.memory_space<vmem>>, vector<16xf32>,
          tpu.vector_store %arg17[%swap3A_1002, %swap3A_1003], %mul3A_1001 {strides = array<i32>} : memref<48x256xf32, #tpu.memory_space<vmem>>, vector<16xf32>,
          %get3A_1005 = arith.index_cast %mul3A_897 : i32 to index
          %get3A_1006 = arith.constant 192 : index
          %get3A_1007 = tpu.vector_load %arg16[%get3A_1005, %get3A_1006] {strides = array<i32>} : memref<48x256xf32, #tpu.memory_space<vmem>>, vector<16xf32>,
          %mul3A_1008 = arith.mulf %get3A_1007, %gather3A_920 : vector<16xf32>
          %swap3A_1009 = arith.index_cast %mul3A_897 : i32 to index
          %swap3A_1010 = arith.constant 192 : index
          %swap3A_1011 = tpu.vector_load %arg17[%swap3A_1009, %swap3A_1010] {strides = array<i32>} : memref<48x256xf32, #tpu.memory_space<vmem>>, vector<16xf32>,
          tpu.vector_store %arg17[%swap3A_1009, %swap3A_1010], %mul3A_1008 {strides = array<i32>} : memref<48x256xf32, #tpu.memory_space<vmem>>, vector<16xf32>,
          %get3A_1012 = arith.index_cast %mul3A_897 : i32 to index
          %get3A_1013 = arith.constant 208 : index
          %get3A_1014 = tpu.vector_load %arg16[%get3A_1012, %get3A_1013] {strides = array<i32>} : memref<48x256xf32, #tpu.memory_space<vmem>>, vector<16xf32>,
          %mul3A_1015 = arith.mulf %get3A_1014, %gather3A_920 : vector<16xf32>
          %swap3A_1016 = arith.index_cast %mul3A_897 : i32 to index
          %swap3A_1017 = arith.constant 208 : index
          %swap3A_1018 = tpu.vector_load %arg17[%swap3A_1016, %swap3A_1017] {strides = array<i32>} : memref<48x256xf32, #tpu.memory_space<vmem>>, vector<16xf32>,
          tpu.vector_store %arg17[%swap3A_1016, %swap3A_1017], %mul3A_1015 {strides = array<i32>} : memref<48x256xf32, #tpu.memory_space<vmem>>, vector<16xf32>,
          %get3A_1019 = arith.index_cast %mul3A_897 : i32 to index
          %get3A_1020 = arith.constant 224 : index
          %get3A_1021 = tpu.vector_load %arg16[%get3A_1019, %get3A_1020] {strides = array<i32>} : memref<48x256xf32, #tpu.memory_space<vmem>>, vector<16xf32>,
          %mul3A_1022 = arith.mulf %get3A_1021, %gather3A_920 : vector<16xf32>
          %swap3A_1023 = arith.index_cast %mul3A_897 : i32 to index
          %swap3A_1024 = arith.constant 224 : index
          %swap3A_1025 = tpu.vector_load %arg17[%swap3A_1023, %swap3A_1024] {strides = array<i32>} : memref<48x256xf32, #tpu.memory_space<vmem>>, vector<16xf32>,
          tpu.vector_store %arg17[%swap3A_1023, %swap3A_1024], %mul3A_1022 {strides = array<i32>} : memref<48x256xf32, #tpu.memory_space<vmem>>, vector<16xf32>,
          %get3A_1026 = arith.index_cast %mul3A_897 : i32 to index
          %get3A_1027 = arith.constant 240 : index
          %get3A_1028 = tpu.vector_load %arg16[%get3A_1026, %get3A_1027] {strides = array<i32>} : memref<48x256xf32, #tpu.memory_space<vmem>>, vector<16xf32>,
          %mul3A_1029 = arith.mulf %get3A_1028, %gather3A_920 : vector<16xf32>
          %swap3A_1030 = arith.index_cast %mul3A_897 : i32 to index
          %swap3A_1031 = arith.constant 240 : index
          %swap3A_1032 = tpu.vector_load %arg17[%swap3A_1030, %swap3A_1031] {strides = array<i32>} : memref<48x256xf32, #tpu.memory_space<vmem>>, vector<16xf32>,
          tpu.vector_store %arg17[%swap3A_1030, %swap3A_1031], %mul3A_1029 {strides = array<i32>} : memref<48x256xf32, #tpu.memory_space<vmem>>, vector<16xf32>,
          %mul3A_1033 = arith.constant 4 : i32
          %mul3A_1034 = arith.muli %mul3A_1033, %add3A_901 : i32
          %broadcast_in_dim3A_1035 = vector.broadcast %mul3A_1034 : i32 to vector<16xi32>
          %add3A_1036 = arith.constant 0 : i32
          %add3A_1037 = vector.broadcast %add3A_1036 : i32 to vector<16xi32>
          %add3A_1038 = arith.addi %broadcast_in_dim3A_1035, %add3A_1037 : vector<16xi32>
          %gather3A_1039 = tpu.vector_load_idx %arg18[%add3A_1038] : memref<192xf32, #tpu.memory_space<vmem>>[vector<16xi32>], vector<16xf32>,
          %add3A_1040 = arith.constant 1 : i32
          %add3A_1041 = vector.broadcast %add3A_1040 : i32 to vector<16xi32>
          %add3A_1042 = arith.addi %broadcast_in_dim3A_1035, %add3A_1041 : vector<16xi32>
          %gather3A_1043 = tpu.vector_load_idx %arg18[%add3A_1042] : memref<192xf32, #tpu.memory_space<vmem>>[vector<16xi32>], vector<16xf32>,
          %add3A_1044 = arith.constant 2 : i32
          %add3A_1045 = vector.broadcast %add3A_1044 : i32 to vector<16xi32>
          %add3A_1046 = arith.addi %broadcast_in_dim3A_1035, %add3A_1045 : vector<16xi32>
          %gather3A_1047 = tpu.vector_load_idx %arg18[%add3A_1046] : memref<192xf32, #tpu.memory_space<vmem>>[vector<16xi32>], vector<16xf32>,
          %add3A_1048 = arith.constant 3 : i32
          %add3A_1049 = vector.broadcast %add3A_1048 : i32 to vector<16xi32>
          %add3A_1050 = arith.addi %broadcast_in_dim3A_1035, %add3A_1049 : vector<16xi32>
          %gather3A_1051 = tpu.vector_load_idx %arg18[%add3A_1050] : memref<192xf32, #tpu.memory_space<vmem>>[vector<16xi32>], vector<16xf32>,
          %get3A_1052 = arith.index_cast %add3A_901 : i32 to index
          %get3A_1053 = arith.constant 0 : index
          %get3A_1054 = tpu.vector_load %arg16[%get3A_1052, %get3A_1053] {strides = array<i32>} : memref<48x256xf32, #tpu.memory_space<vmem>>, vector<16xf32>,
          %mul3A_1055 = arith.mulf %get3A_1054, %gather3A_1039 : vector<16xf32>
          %swap3A_1056 = arith.index_cast %add3A_901 : i32 to index
          %swap3A_1057 = arith.constant 0 : index
          %swap3A_1058 = tpu.vector_load %arg17[%swap3A_1056, %swap3A_1057] {strides = array<i32>} : memref<48x256xf32, #tpu.memory_space<vmem>>, vector<16xf32>,
          tpu.vector_store %arg17[%swap3A_1056, %swap3A_1057], %mul3A_1055 {strides = array<i32>} : memref<48x256xf32, #tpu.memory_space<vmem>>, vector<16xf32>,
          %get3A_1059 = arith.index_cast %add3A_901 : i32 to index
          %get3A_1060 = arith.constant 16 : index
          %get3A_1061 = tpu.vector_load %arg16[%get3A_1059, %get3A_1060] {strides = array<i32>} : memref<48x256xf32, #tpu.memory_space<vmem>>, vector<16xf32>,
          %mul3A_1062 = arith.mulf %get3A_1061, %gather3A_1039 : vector<16xf32>
          %swap3A_1063 = arith.index_cast %add3A_901 : i32 to index
          %swap3A_1064 = arith.constant 16 : index
          %swap3A_1065 = tpu.vector_load %arg17[%swap3A_1063, %swap3A_1064] {strides = array<i32>} : memref<48x256xf32, #tpu.memory_space<vmem>>, vector<16xf32>,
          tpu.vector_store %arg17[%swap3A_1063, %swap3A_1064], %mul3A_1062 {strides = array<i32>} : memref<48x256xf32, #tpu.memory_space<vmem>>, vector<16xf32>,
          %get3A_1066 = arith.index_cast %add3A_901 : i32 to index
          %get3A_1067 = arith.constant 32 : index
          %get3A_1068 = tpu.vector_load %arg16[%get3A_1066, %get3A_1067] {strides = array<i32>} : memref<48x256xf32, #tpu.memory_space<vmem>>, vector<16xf32>,
          %mul3A_1069 = arith.mulf %get3A_1068, %gather3A_1039 : vector<16xf32>
          %swap3A_1070 = arith.index_cast %add3A_901 : i32 to index
          %swap3A_1071 = arith.constant 32 : index
          %swap3A_1072 = tpu.vector_load %arg17[%swap3A_1070, %swap3A_1071] {strides = array<i32>} : memref<48x256xf32, #tpu.memory_space<vmem>>, vector<16xf32>,
          tpu.vector_store %arg17[%swap3A_1070, %swap3A_1071], %mul3A_1069 {strides = array<i32>} : memref<48x256xf32, #tpu.memory_space<vmem>>, vector<16xf32>,
          %get3A_1073 = arith.index_cast %add3A_901 : i32 to index
          %get3A_1074 = arith.constant 48 : index
          %get3A_1075 = tpu.vector_load %arg16[%get3A_1073, %get3A_1074] {strides = array<i32>} : memref<48x256xf32, #tpu.memory_space<vmem>>, vector<16xf32>,
          %mul3A_1076 = arith.mulf %get3A_1075, %gather3A_1039 : vector<16xf32>
          %swap3A_1077 = arith.index_cast %add3A_901 : i32 to index
          %swap3A_1078 = arith.constant 48 : index
          %swap3A_1079 = tpu.vector_load %arg17[%swap3A_1077, %swap3A_1078] {strides = array<i32>} : memref<48x256xf32, #tpu.memory_space<vmem>>, vector<16xf32>,
          tpu.vector_store %arg17[%swap3A_1077, %swap3A_1078], %mul3A_1076 {strides = array<i32>} : memref<48x256xf32, #tpu.memory_space<vmem>>, vector<16xf32>,
          %get3A_1080 = arith.index_cast %add3A_901 : i32 to index
          %get3A_1081 = arith.constant 64 : index
          %get3A_1082 = tpu.vector_load %arg16[%get3A_1080, %get3A_1081] {strides = array<i32>} : memref<48x256xf32, #tpu.memory_space<vmem>>, vector<16xf32>,
          %mul3A_1083 = arith.mulf %get3A_1082, %gather3A_1043 : vector<16xf32>
          %swap3A_1084 = arith.index_cast %add3A_901 : i32 to index
          %swap3A_1085 = arith.constant 64 : index
          %swap3A_1086 = tpu.vector_load %arg17[%swap3A_1084, %swap3A_1085] {strides = array<i32>} : memref<48x256xf32, #tpu.memory_space<vmem>>, vector<16xf32>,
          tpu.vector_store %arg17[%swap3A_1084, %swap3A_1085], %mul3A_1083 {strides = array<i32>} : memref<48x256xf32, #tpu.memory_space<vmem>>, vector<16xf32>,
          %get3A_1087 = arith.index_cast %add3A_901 : i32 to index
          %get3A_1088 = arith.constant 80 : index
          %get3A_1089 = tpu.vector_load %arg16[%get3A_1087, %get3A_1088] {strides = array<i32>} : memref<48x256xf32, #tpu.memory_space<vmem>>, vector<16xf32>,
          %mul3A_1090 = arith.mulf %get3A_1089, %gather3A_1043 : vector<16xf32>
          %swap3A_1091 = arith.index_cast %add3A_901 : i32 to index
          %swap3A_1092 = arith.constant 80 : index
          %swap3A_1093 = tpu.vector_load %arg17[%swap3A_1091, %swap3A_1092] {strides = array<i32>} : memref<48x256xf32, #tpu.memory_space<vmem>>, vector<16xf32>,
          tpu.vector_store %arg17[%swap3A_1091, %swap3A_1092], %mul3A_1090 {strides = array<i32>} : memref<48x256xf32, #tpu.memory_space<vmem>>, vector<16xf32>,
          %get3A_1094 = arith.index_cast %add3A_901 : i32 to index
          %get3A_1095 = arith.constant 96 : index
          %get3A_1096 = tpu.vector_load %arg16[%get3A_1094, %get3A_1095] {strides = array<i32>} : memref<48x256xf32, #tpu.memory_space<vmem>>, vector<16xf32>,
          %mul3A_1097 = arith.mulf %get3A_1096, %gather3A_1043 : vector<16xf32>
          %swap3A_1098 = arith.index_cast %add3A_901 : i32 to index
          %swap3A_1099 = arith.constant 96 : index
          %swap3A_1100 = tpu.vector_load %arg17[%swap3A_1098, %swap3A_1099] {strides = array<i32>} : memref<48x256xf32, #tpu.memory_space<vmem>>, vector<16xf32>,
          tpu.vector_store %arg17[%swap3A_1098, %swap3A_1099], %mul3A_1097 {strides = array<i32>} : memref<48x256xf32, #tpu.memory_space<vmem>>, vector<16xf32>,
          %get3A_1101 = arith.index_cast %add3A_901 : i32 to index
          %get3A_1102 = arith.constant 112 : index
          %get3A_1103 = tpu.vector_load %arg16[%get3A_1101, %get3A_1102] {strides = array<i32>} : memref<48x256xf32, #tpu.memory_space<vmem>>, vector<16xf32>,
          %mul3A_1104 = arith.mulf %get3A_1103, %gather3A_1043 : vector<16xf32>
          %swap3A_1105 = arith.index_cast %add3A_901 : i32 to index
          %swap3A_1106 = arith.constant 112 : index
          %swap3A_1107 = tpu.vector_load %arg17[%swap3A_1105, %swap3A_1106] {strides = array<i32>} : memref<48x256xf32, #tpu.memory_space<vmem>>, vector<16xf32>,
          tpu.vector_store %arg17[%swap3A_1105, %swap3A_1106], %mul3A_1104 {strides = array<i32>} : memref<48x256xf32, #tpu.memory_space<vmem>>, vector<16xf32>,
          %get3A_1108 = arith.index_cast %add3A_901 : i32 to index
          %get3A_1109 = arith.constant 128 : index
          %get3A_1110 = tpu.vector_load %arg16[%get3A_1108, %get3A_1109] {strides = array<i32>} : memref<48x256xf32, #tpu.memory_space<vmem>>, vector<16xf32>,
          %mul3A_1111 = arith.mulf %get3A_1110, %gather3A_1047 : vector<16xf32>
          %swap3A_1112 = arith.index_cast %add3A_901 : i32 to index
          %swap3A_1113 = arith.constant 128 : index
          %swap3A_1114 = tpu.vector_load %arg17[%swap3A_1112, %swap3A_1113] {strides = array<i32>} : memref<48x256xf32, #tpu.memory_space<vmem>>, vector<16xf32>,
          tpu.vector_store %arg17[%swap3A_1112, %swap3A_1113], %mul3A_1111 {strides = array<i32>} : memref<48x256xf32, #tpu.memory_space<vmem>>, vector<16xf32>,
          %get3A_1115 = arith.index_cast %add3A_901 : i32 to index
          %get3A_1116 = arith.constant 144 : index
          %get3A_1117 = tpu.vector_load %arg16[%get3A_1115, %get3A_1116] {strides = array<i32>} : memref<48x256xf32, #tpu.memory_space<vmem>>, vector<16xf32>,
          %mul3A_1118 = arith.mulf %get3A_1117, %gather3A_1047 : vector<16xf32>
          %swap3A_1119 = arith.index_cast %add3A_901 : i32 to index
          %swap3A_1120 = arith.constant 144 : index
          %swap3A_1121 = tpu.vector_load %arg17[%swap3A_1119, %swap3A_1120] {strides = array<i32>} : memref<48x256xf32, #tpu.memory_space<vmem>>, vector<16xf32>,
          tpu.vector_store %arg17[%swap3A_1119, %swap3A_1120], %mul3A_1118 {strides = array<i32>} : memref<48x256xf32, #tpu.memory_space<vmem>>, vector<16xf32>,
          %get3A_1122 = arith.index_cast %add3A_901 : i32 to index
          %get3A_1123 = arith.constant 160 : index
          %get3A_1124 = tpu.vector_load %arg16[%get3A_1122, %get3A_1123] {strides = array<i32>} : memref<48x256xf32, #tpu.memory_space<vmem>>, vector<16xf32>,
          %mul3A_1125 = arith.mulf %get3A_1124, %gather3A_1047 : vector<16xf32>
          %swap3A_1126 = arith.index_cast %add3A_901 : i32 to index
          %swap3A_1127 = arith.constant 160 : index
          %swap3A_1128 = tpu.vector_load %arg17[%swap3A_1126, %swap3A_1127] {strides = array<i32>} : memref<48x256xf32, #tpu.memory_space<vmem>>, vector<16xf32>,
          tpu.vector_store %arg17[%swap3A_1126, %swap3A_1127], %mul3A_1125 {strides = array<i32>} : memref<48x256xf32, #tpu.memory_space<vmem>>, vector<16xf32>,
          %get3A_1129 = arith.index_cast %add3A_901 : i32 to index
          %get3A_1130 = arith.constant 176 : index
          %get3A_1131 = tpu.vector_load %arg16[%get3A_1129, %get3A_1130] {strides = array<i32>} : memref<48x256xf32, #tpu.memory_space<vmem>>, vector<16xf32>,
          %mul3A_1132 = arith.mulf %get3A_1131, %gather3A_1047 : vector<16xf32>
          %swap3A_1133 = arith.index_cast %add3A_901 : i32 to index
          %swap3A_1134 = arith.constant 176 : index
          %swap3A_1135 = tpu.vector_load %arg17[%swap3A_1133, %swap3A_1134] {strides = array<i32>} : memref<48x256xf32, #tpu.memory_space<vmem>>, vector<16xf32>,
          tpu.vector_store %arg17[%swap3A_1133, %swap3A_1134], %mul3A_1132 {strides = array<i32>} : memref<48x256xf32, #tpu.memory_space<vmem>>, vector<16xf32>,
          %get3A_1136 = arith.index_cast %add3A_901 : i32 to index
          %get3A_1137 = arith.constant 192 : index
          %get3A_1138 = tpu.vector_load %arg16[%get3A_1136, %get3A_1137] {strides = array<i32>} : memref<48x256xf32, #tpu.memory_space<vmem>>, vector<16xf32>,
          %mul3A_1139 = arith.mulf %get3A_1138, %gather3A_1051 : vector<16xf32>
          %swap3A_1140 = arith.index_cast %add3A_901 : i32 to index
          %swap3A_1141 = arith.constant 192 : index
          %swap3A_1142 = tpu.vector_load %arg17[%swap3A_1140, %swap3A_1141] {strides = array<i32>} : memref<48x256xf32, #tpu.memory_space<vmem>>, vector<16xf32>,
          tpu.vector_store %arg17[%swap3A_1140, %swap3A_1141], %mul3A_1139 {strides = array<i32>} : memref<48x256xf32, #tpu.memory_space<vmem>>, vector<16xf32>,
          %get3A_1143 = arith.index_cast %add3A_901 : i32 to index
          %get3A_1144 = arith.constant 208 : index
          %get3A_1145 = tpu.vector_load %arg16[%get3A_1143, %get3A_1144] {strides = array<i32>} : memref<48x256xf32, #tpu.memory_space<vmem>>, vector<16xf32>,
          %mul3A_1146 = arith.mulf %get3A_1145, %gather3A_1051 : vector<16xf32>
          %swap3A_1147 = arith.index_cast %add3A_901 : i32 to index
          %swap3A_1148 = arith.constant 208 : index
          %swap3A_1149 = tpu.vector_load %arg17[%swap3A_1147, %swap3A_1148] {strides = array<i32>} : memref<48x256xf32, #tpu.memory_space<vmem>>, vector<16xf32>,
          tpu.vector_store %arg17[%swap3A_1147, %swap3A_1148], %mul3A_1146 {strides = array<i32>} : memref<48x256xf32, #tpu.memory_space<vmem>>, vector<16xf32>,
          %get3A_1150 = arith.index_cast %add3A_901 : i32 to index
          %get3A_1151 = arith.constant 224 : index
          %get3A_1152 = tpu.vector_load %arg16[%get3A_1150, %get3A_1151] {strides = array<i32>} : memref<48x256xf32, #tpu.memory_space<vmem>>, vector<16xf32>,
          %mul3A_1153 = arith.mulf %get3A_1152, %gather3A_1051 : vector<16xf32>
          %swap3A_1154 = arith.index_cast %add3A_901 : i32 to index
          %swap3A_1155 = arith.constant 224 : index
          %swap3A_1156 = tpu.vector_load %arg17[%swap3A_1154, %swap3A_1155] {strides = array<i32>} : memref<48x256xf32, #tpu.memory_space<vmem>>, vector<16xf32>,
          tpu.vector_store %arg17[%swap3A_1154, %swap3A_1155], %mul3A_1153 {strides = array<i32>} : memref<48x256xf32, #tpu.memory_space<vmem>>, vector<16xf32>,
          %get3A_1157 = arith.index_cast %add3A_901 : i32 to index
          %get3A_1158 = arith.constant 240 : index
          %get3A_1159 = tpu.vector_load %arg16[%get3A_1157, %get3A_1158] {strides = array<i32>} : memref<48x256xf32, #tpu.memory_space<vmem>>, vector<16xf32>,
          %mul3A_1160 = arith.mulf %get3A_1159, %gather3A_1051 : vector<16xf32>
          %swap3A_1161 = arith.index_cast %add3A_901 : i32 to index
          %swap3A_1162 = arith.constant 240 : index
          %swap3A_1163 = tpu.vector_load %arg17[%swap3A_1161, %swap3A_1162] {strides = array<i32>} : memref<48x256xf32, #tpu.memory_space<vmem>>, vector<16xf32>,
          tpu.vector_store %arg17[%swap3A_1161, %swap3A_1162], %mul3A_1160 {strides = array<i32>} : memref<48x256xf32, #tpu.memory_space<vmem>>, vector<16xf32>,
          %scan3A_1164 = arith.constant 0 : i32
          scf.yield %scan3A_1164 : i32
        }
        %scan3A_882 = arith.constant 24 : i32
        %add3A_883 = arith.addi %mul3A_2, %mul3A_114 : i32
        %multiple_of3A_884 = tpu.assume_multiple %add3A_883, 8 : i32
        "tpu.region"() ({
          %run_scoped3A = tpu.sem_alloc : memref<!tpu.dma_semaphore, #tpu.memory_space<semaphore_mem>>
          %dma_start3A_894 = arith.constant 0 : i32
          %dma_start3A_895 = tpu.memref_slice %arg9[%multiple_of3A_884, %dma_start3A_894] : memref<201736x256xf32, #tpu.memory_space<hbm>> -> memref<48x256xf32, #tpu.memory_space<hbm>>
          %dma_start3A_896 = arith.constant 0 : i32
          %dma_start3A_897 = tpu.memref_slice %arg9[%multiple_of3A_884, %dma_start3A_896] : memref<201736x256xf32, #tpu.memory_space<hbm>> -> memref<48x256xf32, #tpu.memory_space<hbm>>
          tpu.enqueue_dma source(%arg17 : memref<48x256xf32, #tpu.memory_space<vmem>>) target(%dma_start3A_897 : memref<48x256xf32, #tpu.memory_space<hbm>>) target_semaphore(%run_scoped3A : memref<!tpu.dma_semaphore, #tpu.memory_space<semaphore_mem>>)
          %dma_wait3A_898 = arith.constant 0 : i32
          %dma_wait3A_899 = tpu.memref_slice %arg9[%multiple_of3A_884, %dma_wait3A_898] : memref<201736x256xf32, #tpu.memory_space<hbm>> -> memref<48x256xf32, #tpu.memory_space<hbm>>
          %dma_wait3A_900 = arith.constant 0 : i32
          %dma_wait3A_901 = tpu.memref_slice %arg9[%multiple_of3A_884, %dma_wait3A_900] : memref<201736x256xf32, #tpu.memory_space<hbm>> -> memref<48x256xf32, #tpu.memory_space<hbm>>
          tpu.wait_dma2 semaphore(%run_scoped3A : memref<!tpu.dma_semaphore, #tpu.memory_space<semaphore_mem>>) src(%arg17 : memref<48x256xf32, #tpu.memory_space<vmem>>) dst(%dma_wait3A_901 : memref<48x256xf32, #tpu.memory_space<hbm>>)
          tpu.yield
        }) : () -> ()
        %add3A_885 = arith.addi %mul3A_2, %mul3A_114 : i32
        %mul3A_886 = arith.constant 4 : i32
        %mul3A_887 = arith.muli %mul3A_886, %add3A_885 : i32
        %multiple_of3A_888 = tpu.assume_multiple %mul3A_887, 8 : i32
        "tpu.region"() ({
          %run_scoped3A = tpu.sem_alloc : memref<!tpu.dma_semaphore, #tpu.memory_space<semaphore_mem>>
          %dma_start3A_894 = tpu.memref_slice %arg10[%multiple_of3A_888] : memref<806944xf32, #tpu.memory_space<hbm>> -> memref<192xf32, #tpu.memory_space<hbm>>
          %dma_start3A_895 = tpu.memref_slice %arg10[%multiple_of3A_888] : memref<806944xf32, #tpu.memory_space<hbm>> -> memref<192xf32, #tpu.memory_space<hbm>>
          tpu.enqueue_dma source(%arg18 : memref<192xf32, #tpu.memory_space<vmem>>) target(%dma_start3A_895 : memref<192xf32, #tpu.memory_space<hbm>>) target_semaphore(%run_scoped3A : memref<!tpu.dma_semaphore, #tpu.memory_space<semaphore_mem>>)
          %dma_wait3A_896 = tpu.memref_slice %arg10[%multiple_of3A_888] : memref<806944xf32, #tpu.memory_space<hbm>> -> memref<192xf32, #tpu.memory_space<hbm>>
          %dma_wait3A_897 = tpu.memref_slice %arg10[%multiple_of3A_888] : memref<806944xf32, #tpu.memory_space<hbm>> -> memref<192xf32, #tpu.memory_space<hbm>>
          tpu.wait_dma2 semaphore(%run_scoped3A : memref<!tpu.dma_semaphore, #tpu.memory_space<semaphore_mem>>) src(%arg18 : memref<192xf32, #tpu.memory_space<vmem>>) dst(%dma_wait3A_897 : memref<192xf32, #tpu.memory_space<hbm>>)
          tpu.yield
        }) : () -> ()
        %mul3A_889 = arith.constant 6768 : i32
        %mul3A_890 = arith.muli %arg1, %mul3A_889 : i32
        %add3A_891 = arith.addi %mul3A_890, %mul3A_114 : i32
        %multiple_of3A_892 = tpu.assume_multiple %add3A_891, 8 : i32
        "tpu.region"() ({
          %run_scoped3A = tpu.sem_alloc : memref<!tpu.dma_semaphore, #tpu.memory_space<semaphore_mem>>
          %dma_start3A_894 = tpu.memref_slice %arg33[%multiple_of3A_892] : memref<108288xi32, #tpu.memory_space<vmem_shared>> -> memref<48xi32, #tpu.memory_space<vmem_shared>>
          %dma_start3A_895 = tpu.memref_slice %arg33[%multiple_of3A_892] : memref<108288xi32, #tpu.memory_space<vmem_shared>> -> memref<48xi32, #tpu.memory_space<vmem_shared>>
          tpu.enqueue_dma source(%arg15 : memref<48xi32, #tpu.memory_space<vmem>>) target(%dma_start3A_895 : memref<48xi32, #tpu.memory_space<vmem_shared>>) target_semaphore(%run_scoped3A : memref<!tpu.dma_semaphore, #tpu.memory_space<semaphore_mem>>)
          %dma_wait3A_896 = tpu.memref_slice %arg33[%multiple_of3A_892] : memref<108288xi32, #tpu.memory_space<vmem_shared>> -> memref<48xi32, #tpu.memory_space<vmem_shared>>
          %dma_wait3A_897 = tpu.memref_slice %arg33[%multiple_of3A_892] : memref<108288xi32, #tpu.memory_space<vmem_shared>> -> memref<48xi32, #tpu.memory_space<vmem_shared>>
          tpu.wait_dma2 semaphore(%run_scoped3A : memref<!tpu.dma_semaphore, #tpu.memory_space<semaphore_mem>>) src(%arg15 : memref<48xi32, #tpu.memory_space<vmem>>) dst(%dma_wait3A_897 : memref<48xi32, #tpu.memory_space<vmem_shared>>)
          tpu.yield
        }) : () -> ()
        %while3A_893 = arith.constant 0 : i32
        scf.yield %while3A_893 : i32
      }
      %while3A_78 = arith.constant 1 : i32
      %while3A_79 = scf.for %while3A_111 = %while3A_75 to %while3A_71 step %while3A_78 iter_args(%while3A_112 = %while3A_77) -> (i32)  : i32 {
        %mul3A_113 = arith.constant 48 : i32
        %mul3A_114 = arith.muli %while3A_111, %mul3A_113 : i32
        %add3A_115 = arith.constant 0 : i32
        %add3A_116 = arith.addi %mul3A_114, %add3A_115 : i32
        %get3A = arith.index_cast %add3A_116 : i32 to index
        %get3A_117 = tpu.vector_load %arg13[%get3A] {strides = array<i32>} : memref<6304xi32, #tpu.memory_space<vmem>>, vector<16xi32>,
        %gather3A_118 = tpu.vector_load_idx %arg11[%get3A_117] : memref<6272xi32, #tpu.memory_space<vmem>>[vector<16xi32>], vector<16xi32>,
        %swap3A_119 = arith.constant 0 : index
        %swap3A_120 = tpu.vector_load %arg14[%swap3A_119] {strides = array<i32>} : memref<48xi32, #tpu.memory_space<vmem>>, vector<16xi32>,
        tpu.vector_store %arg14[%swap3A_119], %gather3A_118 {strides = array<i32>} : memref<48xi32, #tpu.memory_space<vmem>>, vector<16xi32>,
        %min3A = arith.constant 6255 : i32
        %min3A_121 = vector.broadcast %min3A : i32 to vector<16xi32>
        %min3A_122 = arith.minsi %get3A_117, %min3A_121 : vector<16xi32>
        %gather3A_123 = tpu.vector_load_idx %arg12[%min3A_122] : memref<6256xi32, #tpu.memory_space<vmem>>[vector<16xi32>], vector<16xi32>,
        %sub3A_124 = vector.broadcast %add3A_28 : i32 to vector<16xi32>
        %sub3A_125 = arith.subi %gather3A_123, %sub3A_124 : vector<16xi32>
        %add3A_126 = arith.constant 0 : i32
        %add3A_127 = arith.addi %mul3A_114, %add3A_126 : i32
        %add3A_128 = vector.broadcast %add3A_127 : i32 to vector<16xi32>
        %add3A_129 = arith.addi %add3A_128, %iota3A : vector<16xi32>
        %mul3A_130 = arith.constant 4096 : i32
        %mul3A_131 = vector.broadcast %mul3A_130 : i32 to vector<16xi32>
        %mul3A_132 = arith.muli %add3A_129, %mul3A_131 : vector<16xi32>
        %add3A_133 = arith.addi %mul3A_132, %sub3A_125 : vector<16xi32>
        %swap3A_134 = arith.constant 0 : index
        %swap3A_135 = tpu.vector_load %arg15[%swap3A_134] {strides = array<i32>} : memref<48xi32, #tpu.memory_space<vmem>>, vector<16xi32>,
        tpu.vector_store %arg15[%swap3A_134], %add3A_133 {strides = array<i32>} : memref<48xi32, #tpu.memory_space<vmem>>, vector<16xi32>,
        %add3A_136 = arith.constant 16 : i32
        %add3A_137 = arith.addi %mul3A_114, %add3A_136 : i32
        %get3A_138 = arith.index_cast %add3A_137 : i32 to index
        %get3A_139 = tpu.vector_load %arg13[%get3A_138] {strides = array<i32>} : memref<6304xi32, #tpu.memory_space<vmem>>, vector<16xi32>,
        %gather3A_140 = tpu.vector_load_idx %arg11[%get3A_139] : memref<6272xi32, #tpu.memory_space<vmem>>[vector<16xi32>], vector<16xi32>,
        %swap3A_141 = arith.constant 16 : index
        %swap3A_142 = tpu.vector_load %arg14[%swap3A_141] {strides = array<i32>} : memref<48xi32, #tpu.memory_space<vmem>>, vector<16xi32>,
        tpu.vector_store %arg14[%swap3A_141], %gather3A_140 {strides = array<i32>} : memref<48xi32, #tpu.memory_space<vmem>>, vector<16xi32>,
        %min3A_143 = arith.constant 6255 : i32
        %min3A_144 = vector.broadcast %min3A_143 : i32 to vector<16xi32>
        %min3A_145 = arith.minsi %get3A_139, %min3A_144 : vector<16xi32>
        %gather3A_146 = tpu.vector_load_idx %arg12[%min3A_145] : memref<6256xi32, #tpu.memory_space<vmem>>[vector<16xi32>], vector<16xi32>,
        %sub3A_147 = vector.broadcast %add3A_28 : i32 to vector<16xi32>
        %sub3A_148 = arith.subi %gather3A_146, %sub3A_147 : vector<16xi32>
        %add3A_149 = arith.constant 16 : i32
        %add3A_150 = arith.addi %mul3A_114, %add3A_149 : i32
        %add3A_151 = vector.broadcast %add3A_150 : i32 to vector<16xi32>
        %add3A_152 = arith.addi %add3A_151, %iota3A : vector<16xi32>
        %mul3A_153 = arith.constant 4096 : i32
        %mul3A_154 = vector.broadcast %mul3A_153 : i32 to vector<16xi32>
        %mul3A_155 = arith.muli %add3A_152, %mul3A_154 : vector<16xi32>
        %add3A_156 = arith.addi %mul3A_155, %sub3A_148 : vector<16xi32>
        %swap3A_157 = arith.constant 16 : index
        %swap3A_158 = tpu.vector_load %arg15[%swap3A_157] {strides = array<i32>} : memref<48xi32, #tpu.memory_space<vmem>>, vector<16xi32>,
        tpu.vector_store %arg15[%swap3A_157], %add3A_156 {strides = array<i32>} : memref<48xi32, #tpu.memory_space<vmem>>, vector<16xi32>,
        %add3A_159 = arith.constant 32 : i32
        %add3A_160 = arith.addi %mul3A_114, %add3A_159 : i32
        %get3A_161 = arith.index_cast %add3A_160 : i32 to index
        %get3A_162 = tpu.vector_load %arg13[%get3A_161] {strides = array<i32>} : memref<6304xi32, #tpu.memory_space<vmem>>, vector<16xi32>,
        %gather3A_163 = tpu.vector_load_idx %arg11[%get3A_162] : memref<6272xi32, #tpu.memory_space<vmem>>[vector<16xi32>], vector<16xi32>,
        %swap3A_164 = arith.constant 32 : index
        %swap3A_165 = tpu.vector_load %arg14[%swap3A_164] {strides = array<i32>} : memref<48xi32, #tpu.memory_space<vmem>>, vector<16xi32>,
        tpu.vector_store %arg14[%swap3A_164], %gather3A_163 {strides = array<i32>} : memref<48xi32, #tpu.memory_space<vmem>>, vector<16xi32>,
        %min3A_166 = arith.constant 6255 : i32
        %min3A_167 = vector.broadcast %min3A_166 : i32 to vector<16xi32>
        %min3A_168 = arith.minsi %get3A_162, %min3A_167 : vector<16xi32>
        %gather3A_169 = tpu.vector_load_idx %arg12[%min3A_168] : memref<6256xi32, #tpu.memory_space<vmem>>[vector<16xi32>], vector<16xi32>,
        %sub3A_170 = vector.broadcast %add3A_28 : i32 to vector<16xi32>
        %sub3A_171 = arith.subi %gather3A_169, %sub3A_170 : vector<16xi32>
        %add3A_172 = arith.constant 32 : i32
        %add3A_173 = arith.addi %mul3A_114, %add3A_172 : i32
        %add3A_174 = vector.broadcast %add3A_173 : i32 to vector<16xi32>
        %add3A_175 = arith.addi %add3A_174, %iota3A : vector<16xi32>
        %mul3A_176 = arith.constant 4096 : i32
        %mul3A_177 = vector.broadcast %mul3A_176 : i32 to vector<16xi32>
        %mul3A_178 = arith.muli %add3A_175, %mul3A_177 : vector<16xi32>
        %add3A_179 = arith.addi %mul3A_178, %sub3A_171 : vector<16xi32>
        %swap3A_180 = arith.constant 32 : index
        %swap3A_181 = tpu.vector_load %arg15[%swap3A_180] {strides = array<i32>} : memref<48xi32, #tpu.memory_space<vmem>>, vector<16xi32>,
        tpu.vector_store %arg15[%swap3A_180], %add3A_179 {strides = array<i32>} : memref<48xi32, #tpu.memory_space<vmem>>, vector<16xi32>,
        %add3A_182 = arith.constant 0 : i32
        %add3A_183 = arith.addi %mul3A_114, %add3A_182 : i32
        %add3A_184 = vector.broadcast %add3A_183 : i32 to vector<16xi32>
        %add3A_185 = arith.addi %add3A_184, %shift_right_arithmetic3A_15 : vector<16xi32>
        %gather3A_186 = tpu.vector_load_idx %arg13[%add3A_185] : memref<6304xi32, #tpu.memory_space<vmem>>[vector<16xi32>], vector<16xi32>,
        %min3A_187 = arith.constant 6256 : i32
        %min3A_188 = vector.broadcast %min3A_187 : i32 to vector<16xi32>
        %min3A_189 = arith.minsi %gather3A_186, %min3A_188 : vector<16xi32>
        %gather3A_190 = tpu.vector_load_idx %arg11[%min3A_189] : memref<6272xi32, #tpu.memory_space<vmem>>[vector<16xi32>], vector<16xi32>,
        %mul3A_191 = arith.constant 4 : i32
        %mul3A_192 = vector.broadcast %mul3A_191 : i32 to vector<16xi32>
        %mul3A_193 = arith.muli %gather3A_190, %mul3A_192 : vector<16xi32>
        %add3A_194 = arith.addi %mul3A_193, %and3A_13 : vector<16xi32>
        %swap3A_195 = arith.constant 0 : index
        %swap3A_196 = tpu.vector_load %arg21[%swap3A_195] {strides = array<i32>} : memref<192xi32, #tpu.memory_space<vmem>>, vector<16xi32>,
        tpu.vector_store %arg21[%swap3A_195], %add3A_194 {strides = array<i32>} : memref<192xi32, #tpu.memory_space<vmem>>, vector<16xi32>,
        %min3A_197 = arith.constant 6255 : i32
        %min3A_198 = vector.broadcast %min3A_197 : i32 to vector<16xi32>
        %min3A_199 = arith.minsi %gather3A_186, %min3A_198 : vector<16xi32>
        %gather3A_200 = tpu.vector_load_idx %arg12[%min3A_199] : memref<6256xi32, #tpu.memory_space<vmem>>[vector<16xi32>], vector<16xi32>,
        %mul3A_201 = arith.constant 4 : i32
        %mul3A_202 = vector.broadcast %mul3A_201 : i32 to vector<16xi32>
        %mul3A_203 = arith.muli %gather3A_200, %mul3A_202 : vector<16xi32>
        %add3A_204 = arith.addi %mul3A_203, %and3A_13 : vector<16xi32>
        %swap3A_205 = arith.constant 0 : index
        %swap3A_206 = tpu.vector_load %arg22[%swap3A_205] {strides = array<i32>} : memref<192xi32, #tpu.memory_space<vmem>>, vector<16xi32>,
        tpu.vector_store %arg22[%swap3A_205], %add3A_204 {strides = array<i32>} : memref<192xi32, #tpu.memory_space<vmem>>, vector<16xi32>,
        %add3A_207 = arith.constant 4 : i32
        %add3A_208 = arith.addi %mul3A_114, %add3A_207 : i32
        %add3A_209 = vector.broadcast %add3A_208 : i32 to vector<16xi32>
        %add3A_210 = arith.addi %add3A_209, %shift_right_arithmetic3A_15 : vector<16xi32>
        %gather3A_211 = tpu.vector_load_idx %arg13[%add3A_210] : memref<6304xi32, #tpu.memory_space<vmem>>[vector<16xi32>], vector<16xi32>,
        %min3A_212 = arith.constant 6256 : i32
        %min3A_213 = vector.broadcast %min3A_212 : i32 to vector<16xi32>
        %min3A_214 = arith.minsi %gather3A_211, %min3A_213 : vector<16xi32>
        %gather3A_215 = tpu.vector_load_idx %arg11[%min3A_214] : memref<6272xi32, #tpu.memory_space<vmem>>[vector<16xi32>], vector<16xi32>,
        %mul3A_216 = arith.constant 4 : i32
        %mul3A_217 = vector.broadcast %mul3A_216 : i32 to vector<16xi32>
        %mul3A_218 = arith.muli %gather3A_215, %mul3A_217 : vector<16xi32>
        %add3A_219 = arith.addi %mul3A_218, %and3A_13 : vector<16xi32>
        %swap3A_220 = arith.constant 16 : index
        %swap3A_221 = tpu.vector_load %arg21[%swap3A_220] {strides = array<i32>} : memref<192xi32, #tpu.memory_space<vmem>>, vector<16xi32>,
        tpu.vector_store %arg21[%swap3A_220], %add3A_219 {strides = array<i32>} : memref<192xi32, #tpu.memory_space<vmem>>, vector<16xi32>,
        %min3A_222 = arith.constant 6255 : i32
        %min3A_223 = vector.broadcast %min3A_222 : i32 to vector<16xi32>
        %min3A_224 = arith.minsi %gather3A_211, %min3A_223 : vector<16xi32>
        %gather3A_225 = tpu.vector_load_idx %arg12[%min3A_224] : memref<6256xi32, #tpu.memory_space<vmem>>[vector<16xi32>], vector<16xi32>,
        %mul3A_226 = arith.constant 4 : i32
        %mul3A_227 = vector.broadcast %mul3A_226 : i32 to vector<16xi32>
        %mul3A_228 = arith.muli %gather3A_225, %mul3A_227 : vector<16xi32>
        %add3A_229 = arith.addi %mul3A_228, %and3A_13 : vector<16xi32>
        %swap3A_230 = arith.constant 16 : index
        %swap3A_231 = tpu.vector_load %arg22[%swap3A_230] {strides = array<i32>} : memref<192xi32, #tpu.memory_space<vmem>>, vector<16xi32>,
        tpu.vector_store %arg22[%swap3A_230], %add3A_229 {strides = array<i32>} : memref<192xi32, #tpu.memory_space<vmem>>, vector<16xi32>,
        %add3A_232 = arith.constant 8 : i32
        %add3A_233 = arith.addi %mul3A_114, %add3A_232 : i32
        %add3A_234 = vector.broadcast %add3A_233 : i32 to vector<16xi32>
        %add3A_235 = arith.addi %add3A_234, %shift_right_arithmetic3A_15 : vector<16xi32>
        %gather3A_236 = tpu.vector_load_idx %arg13[%add3A_235] : memref<6304xi32, #tpu.memory_space<vmem>>[vector<16xi32>], vector<16xi32>,
        %min3A_237 = arith.constant 6256 : i32
        %min3A_238 = vector.broadcast %min3A_237 : i32 to vector<16xi32>
        %min3A_239 = arith.minsi %gather3A_236, %min3A_238 : vector<16xi32>
        %gather3A_240 = tpu.vector_load_idx %arg11[%min3A_239] : memref<6272xi32, #tpu.memory_space<vmem>>[vector<16xi32>], vector<16xi32>,
        %mul3A_241 = arith.constant 4 : i32
        %mul3A_242 = vector.broadcast %mul3A_241 : i32 to vector<16xi32>
        %mul3A_243 = arith.muli %gather3A_240, %mul3A_242 : vector<16xi32>
        %add3A_244 = arith.addi %mul3A_243, %and3A_13 : vector<16xi32>
        %swap3A_245 = arith.constant 32 : index
        %swap3A_246 = tpu.vector_load %arg21[%swap3A_245] {strides = array<i32>} : memref<192xi32, #tpu.memory_space<vmem>>, vector<16xi32>,
        tpu.vector_store %arg21[%swap3A_245], %add3A_244 {strides = array<i32>} : memref<192xi32, #tpu.memory_space<vmem>>, vector<16xi32>,
        %min3A_247 = arith.constant 6255 : i32
        %min3A_248 = vector.broadcast %min3A_247 : i32 to vector<16xi32>
        %min3A_249 = arith.minsi %gather3A_236, %min3A_248 : vector<16xi32>
        %gather3A_250 = tpu.vector_load_idx %arg12[%min3A_249] : memref<6256xi32, #tpu.memory_space<vmem>>[vector<16xi32>], vector<16xi32>,
        %mul3A_251 = arith.constant 4 : i32
        %mul3A_252 = vector.broadcast %mul3A_251 : i32 to vector<16xi32>
        %mul3A_253 = arith.muli %gather3A_250, %mul3A_252 : vector<16xi32>
        %add3A_254 = arith.addi %mul3A_253, %and3A_13 : vector<16xi32>
        %swap3A_255 = arith.constant 32 : index
        %swap3A_256 = tpu.vector_load %arg22[%swap3A_255] {strides = array<i32>} : memref<192xi32, #tpu.memory_space<vmem>>, vector<16xi32>,
        tpu.vector_store %arg22[%swap3A_255], %add3A_254 {strides = array<i32>} : memref<192xi32, #tpu.memory_space<vmem>>, vector<16xi32>,
        %add3A_257 = arith.constant 12 : i32
        %add3A_258 = arith.addi %mul3A_114, %add3A_257 : i32
        %add3A_259 = vector.broadcast %add3A_258 : i32 to vector<16xi32>
        %add3A_260 = arith.addi %add3A_259, %shift_right_arithmetic3A_15 : vector<16xi32>
        %gather3A_261 = tpu.vector_load_idx %arg13[%add3A_260] : memref<6304xi32, #tpu.memory_space<vmem>>[vector<16xi32>], vector<16xi32>,
        %min3A_262 = arith.constant 6256 : i32
        %min3A_263 = vector.broadcast %min3A_262 : i32 to vector<16xi32>
        %min3A_264 = arith.minsi %gather3A_261, %min3A_263 : vector<16xi32>
        %gather3A_265 = tpu.vector_load_idx %arg11[%min3A_264] : memref<6272xi32, #tpu.memory_space<vmem>>[vector<16xi32>], vector<16xi32>,
        %mul3A_266 = arith.constant 4 : i32
        %mul3A_267 = vector.broadcast %mul3A_266 : i32 to vector<16xi32>
        %mul3A_268 = arith.muli %gather3A_265, %mul3A_267 : vector<16xi32>
        %add3A_269 = arith.addi %mul3A_268, %and3A_13 : vector<16xi32>
        %swap3A_270 = arith.constant 48 : index
        %swap3A_271 = tpu.vector_load %arg21[%swap3A_270] {strides = array<i32>} : memref<192xi32, #tpu.memory_space<vmem>>, vector<16xi32>,
        tpu.vector_store %arg21[%swap3A_270], %add3A_269 {strides = array<i32>} : memref<192xi32, #tpu.memory_space<vmem>>, vector<16xi32>,
        %min3A_272 = arith.constant 6255 : i32
        %min3A_273 = vector.broadcast %min3A_272 : i32 to vector<16xi32>
        %min3A_274 = arith.minsi %gather3A_261, %min3A_273 : vector<16xi32>
        %gather3A_275 = tpu.vector_load_idx %arg12[%min3A_274] : memref<6256xi32, #tpu.memory_space<vmem>>[vector<16xi32>], vector<16xi32>,
        %mul3A_276 = arith.constant 4 : i32
        %mul3A_277 = vector.broadcast %mul3A_276 : i32 to vector<16xi32>
        %mul3A_278 = arith.muli %gather3A_275, %mul3A_277 : vector<16xi32>
        %add3A_279 = arith.addi %mul3A_278, %and3A_13 : vector<16xi32>
        %swap3A_280 = arith.constant 48 : index
        %swap3A_281 = tpu.vector_load %arg22[%swap3A_280] {strides = array<i32>} : memref<192xi32, #tpu.memory_space<vmem>>, vector<16xi32>,
        tpu.vector_store %arg22[%swap3A_280], %add3A_279 {strides = array<i32>} : memref<192xi32, #tpu.memory_space<vmem>>, vector<16xi32>,
        %add3A_282 = arith.constant 16 : i32
        %add3A_283 = arith.addi %mul3A_114, %add3A_282 : i32
        %add3A_284 = vector.broadcast %add3A_283 : i32 to vector<16xi32>
        %add3A_285 = arith.addi %add3A_284, %shift_right_arithmetic3A_15 : vector<16xi32>
        %gather3A_286 = tpu.vector_load_idx %arg13[%add3A_285] : memref<6304xi32, #tpu.memory_space<vmem>>[vector<16xi32>], vector<16xi32>,
        %min3A_287 = arith.constant 6256 : i32
        %min3A_288 = vector.broadcast %min3A_287 : i32 to vector<16xi32>
        %min3A_289 = arith.minsi %gather3A_286, %min3A_288 : vector<16xi32>
        %gather3A_290 = tpu.vector_load_idx %arg11[%min3A_289] : memref<6272xi32, #tpu.memory_space<vmem>>[vector<16xi32>], vector<16xi32>,
        %mul3A_291 = arith.constant 4 : i32
        %mul3A_292 = vector.broadcast %mul3A_291 : i32 to vector<16xi32>
        %mul3A_293 = arith.muli %gather3A_290, %mul3A_292 : vector<16xi32>
        %add3A_294 = arith.addi %mul3A_293, %and3A_13 : vector<16xi32>
        %swap3A_295 = arith.constant 64 : index
        %swap3A_296 = tpu.vector_load %arg21[%swap3A_295] {strides = array<i32>} : memref<192xi32, #tpu.memory_space<vmem>>, vector<16xi32>,
        tpu.vector_store %arg21[%swap3A_295], %add3A_294 {strides = array<i32>} : memref<192xi32, #tpu.memory_space<vmem>>, vector<16xi32>,
        %min3A_297 = arith.constant 6255 : i32
        %min3A_298 = vector.broadcast %min3A_297 : i32 to vector<16xi32>
        %min3A_299 = arith.minsi %gather3A_286, %min3A_298 : vector<16xi32>
        %gather3A_300 = tpu.vector_load_idx %arg12[%min3A_299] : memref<6256xi32, #tpu.memory_space<vmem>>[vector<16xi32>], vector<16xi32>,
        %mul3A_301 = arith.constant 4 : i32
        %mul3A_302 = vector.broadcast %mul3A_301 : i32 to vector<16xi32>
        %mul3A_303 = arith.muli %gather3A_300, %mul3A_302 : vector<16xi32>
        %add3A_304 = arith.addi %mul3A_303, %and3A_13 : vector<16xi32>
        %swap3A_305 = arith.constant 64 : index
        %swap3A_306 = tpu.vector_load %arg22[%swap3A_305] {strides = array<i32>} : memref<192xi32, #tpu.memory_space<vmem>>, vector<16xi32>,
        tpu.vector_store %arg22[%swap3A_305], %add3A_304 {strides = array<i32>} : memref<192xi32, #tpu.memory_space<vmem>>, vector<16xi32>,
        %add3A_307 = arith.constant 20 : i32
        %add3A_308 = arith.addi %mul3A_114, %add3A_307 : i32
        %add3A_309 = vector.broadcast %add3A_308 : i32 to vector<16xi32>
        %add3A_310 = arith.addi %add3A_309, %shift_right_arithmetic3A_15 : vector<16xi32>
        %gather3A_311 = tpu.vector_load_idx %arg13[%add3A_310] : memref<6304xi32, #tpu.memory_space<vmem>>[vector<16xi32>], vector<16xi32>,
        %min3A_312 = arith.constant 6256 : i32
        %min3A_313 = vector.broadcast %min3A_312 : i32 to vector<16xi32>
        %min3A_314 = arith.minsi %gather3A_311, %min3A_313 : vector<16xi32>
        %gather3A_315 = tpu.vector_load_idx %arg11[%min3A_314] : memref<6272xi32, #tpu.memory_space<vmem>>[vector<16xi32>], vector<16xi32>,
        %mul3A_316 = arith.constant 4 : i32
        %mul3A_317 = vector.broadcast %mul3A_316 : i32 to vector<16xi32>
        %mul3A_318 = arith.muli %gather3A_315, %mul3A_317 : vector<16xi32>
        %add3A_319 = arith.addi %mul3A_318, %and3A_13 : vector<16xi32>
        %swap3A_320 = arith.constant 80 : index
        %swap3A_321 = tpu.vector_load %arg21[%swap3A_320] {strides = array<i32>} : memref<192xi32, #tpu.memory_space<vmem>>, vector<16xi32>,
        tpu.vector_store %arg21[%swap3A_320], %add3A_319 {strides = array<i32>} : memref<192xi32, #tpu.memory_space<vmem>>, vector<16xi32>,
        %min3A_322 = arith.constant 6255 : i32
        %min3A_323 = vector.broadcast %min3A_322 : i32 to vector<16xi32>
        %min3A_324 = arith.minsi %gather3A_311, %min3A_323 : vector<16xi32>
        %gather3A_325 = tpu.vector_load_idx %arg12[%min3A_324] : memref<6256xi32, #tpu.memory_space<vmem>>[vector<16xi32>], vector<16xi32>,
        %mul3A_326 = arith.constant 4 : i32
        %mul3A_327 = vector.broadcast %mul3A_326 : i32 to vector<16xi32>
        %mul3A_328 = arith.muli %gather3A_325, %mul3A_327 : vector<16xi32>
        %add3A_329 = arith.addi %mul3A_328, %and3A_13 : vector<16xi32>
        %swap3A_330 = arith.constant 80 : index
        %swap3A_331 = tpu.vector_load %arg22[%swap3A_330] {strides = array<i32>} : memref<192xi32, #tpu.memory_space<vmem>>, vector<16xi32>,
        tpu.vector_store %arg22[%swap3A_330], %add3A_329 {strides = array<i32>} : memref<192xi32, #tpu.memory_space<vmem>>, vector<16xi32>,
        %add3A_332 = arith.constant 24 : i32
        %add3A_333 = arith.addi %mul3A_114, %add3A_332 : i32
        %add3A_334 = vector.broadcast %add3A_333 : i32 to vector<16xi32>
        %add3A_335 = arith.addi %add3A_334, %shift_right_arithmetic3A_15 : vector<16xi32>
        %gather3A_336 = tpu.vector_load_idx %arg13[%add3A_335] : memref<6304xi32, #tpu.memory_space<vmem>>[vector<16xi32>], vector<16xi32>,
        %min3A_337 = arith.constant 6256 : i32
        %min3A_338 = vector.broadcast %min3A_337 : i32 to vector<16xi32>
        %min3A_339 = arith.minsi %gather3A_336, %min3A_338 : vector<16xi32>
        %gather3A_340 = tpu.vector_load_idx %arg11[%min3A_339] : memref<6272xi32, #tpu.memory_space<vmem>>[vector<16xi32>], vector<16xi32>,
        %mul3A_341 = arith.constant 4 : i32
        %mul3A_342 = vector.broadcast %mul3A_341 : i32 to vector<16xi32>
        %mul3A_343 = arith.muli %gather3A_340, %mul3A_342 : vector<16xi32>
        %add3A_344 = arith.addi %mul3A_343, %and3A_13 : vector<16xi32>
        %swap3A_345 = arith.constant 96 : index
        %swap3A_346 = tpu.vector_load %arg21[%swap3A_345] {strides = array<i32>} : memref<192xi32, #tpu.memory_space<vmem>>, vector<16xi32>,
        tpu.vector_store %arg21[%swap3A_345], %add3A_344 {strides = array<i32>} : memref<192xi32, #tpu.memory_space<vmem>>, vector<16xi32>,
        %min3A_347 = arith.constant 6255 : i32
        %min3A_348 = vector.broadcast %min3A_347 : i32 to vector<16xi32>
        %min3A_349 = arith.minsi %gather3A_336, %min3A_348 : vector<16xi32>
        %gather3A_350 = tpu.vector_load_idx %arg12[%min3A_349] : memref<6256xi32, #tpu.memory_space<vmem>>[vector<16xi32>], vector<16xi32>,
        %mul3A_351 = arith.constant 4 : i32
        %mul3A_352 = vector.broadcast %mul3A_351 : i32 to vector<16xi32>
        %mul3A_353 = arith.muli %gather3A_350, %mul3A_352 : vector<16xi32>
        %add3A_354 = arith.addi %mul3A_353, %and3A_13 : vector<16xi32>
        %swap3A_355 = arith.constant 96 : index
        %swap3A_356 = tpu.vector_load %arg22[%swap3A_355] {strides = array<i32>} : memref<192xi32, #tpu.memory_space<vmem>>, vector<16xi32>,
        tpu.vector_store %arg22[%swap3A_355], %add3A_354 {strides = array<i32>} : memref<192xi32, #tpu.memory_space<vmem>>, vector<16xi32>,
        %add3A_357 = arith.constant 28 : i32
        %add3A_358 = arith.addi %mul3A_114, %add3A_357 : i32
        %add3A_359 = vector.broadcast %add3A_358 : i32 to vector<16xi32>
        %add3A_360 = arith.addi %add3A_359, %shift_right_arithmetic3A_15 : vector<16xi32>
        %gather3A_361 = tpu.vector_load_idx %arg13[%add3A_360] : memref<6304xi32, #tpu.memory_space<vmem>>[vector<16xi32>], vector<16xi32>,
        %min3A_362 = arith.constant 6256 : i32
        %min3A_363 = vector.broadcast %min3A_362 : i32 to vector<16xi32>
        %min3A_364 = arith.minsi %gather3A_361, %min3A_363 : vector<16xi32>
        %gather3A_365 = tpu.vector_load_idx %arg11[%min3A_364] : memref<6272xi32, #tpu.memory_space<vmem>>[vector<16xi32>], vector<16xi32>,
        %mul3A_366 = arith.constant 4 : i32
        %mul3A_367 = vector.broadcast %mul3A_366 : i32 to vector<16xi32>
        %mul3A_368 = arith.muli %gather3A_365, %mul3A_367 : vector<16xi32>
        %add3A_369 = arith.addi %mul3A_368, %and3A_13 : vector<16xi32>
        %swap3A_370 = arith.constant 112 : index
        %swap3A_371 = tpu.vector_load %arg21[%swap3A_370] {strides = array<i32>} : memref<192xi32, #tpu.memory_space<vmem>>, vector<16xi32>,
        tpu.vector_store %arg21[%swap3A_370], %add3A_369 {strides = array<i32>} : memref<192xi32, #tpu.memory_space<vmem>>, vector<16xi32>,
        %min3A_372 = arith.constant 6255 : i32
        %min3A_373 = vector.broadcast %min3A_372 : i32 to vector<16xi32>
        %min3A_374 = arith.minsi %gather3A_361, %min3A_373 : vector<16xi32>
        %gather3A_375 = tpu.vector_load_idx %arg12[%min3A_374] : memref<6256xi32, #tpu.memory_space<vmem>>[vector<16xi32>], vector<16xi32>,
        %mul3A_376 = arith.constant 4 : i32
        %mul3A_377 = vector.broadcast %mul3A_376 : i32 to vector<16xi32>
        %mul3A_378 = arith.muli %gather3A_375, %mul3A_377 : vector<16xi32>
        %add3A_379 = arith.addi %mul3A_378, %and3A_13 : vector<16xi32>
        %swap3A_380 = arith.constant 112 : index
        %swap3A_381 = tpu.vector_load %arg22[%swap3A_380] {strides = array<i32>} : memref<192xi32, #tpu.memory_space<vmem>>, vector<16xi32>,
        tpu.vector_store %arg22[%swap3A_380], %add3A_379 {strides = array<i32>} : memref<192xi32, #tpu.memory_space<vmem>>, vector<16xi32>,
        %add3A_382 = arith.constant 32 : i32
        %add3A_383 = arith.addi %mul3A_114, %add3A_382 : i32
        %add3A_384 = vector.broadcast %add3A_383 : i32 to vector<16xi32>
        %add3A_385 = arith.addi %add3A_384, %shift_right_arithmetic3A_15 : vector<16xi32>
        %gather3A_386 = tpu.vector_load_idx %arg13[%add3A_385] : memref<6304xi32, #tpu.memory_space<vmem>>[vector<16xi32>], vector<16xi32>,
        %min3A_387 = arith.constant 6256 : i32
        %min3A_388 = vector.broadcast %min3A_387 : i32 to vector<16xi32>
        %min3A_389 = arith.minsi %gather3A_386, %min3A_388 : vector<16xi32>
        %gather3A_390 = tpu.vector_load_idx %arg11[%min3A_389] : memref<6272xi32, #tpu.memory_space<vmem>>[vector<16xi32>], vector<16xi32>,
        %mul3A_391 = arith.constant 4 : i32
        %mul3A_392 = vector.broadcast %mul3A_391 : i32 to vector<16xi32>
        %mul3A_393 = arith.muli %gather3A_390, %mul3A_392 : vector<16xi32>
        %add3A_394 = arith.addi %mul3A_393, %and3A_13 : vector<16xi32>
        %swap3A_395 = arith.constant 128 : index
        %swap3A_396 = tpu.vector_load %arg21[%swap3A_395] {strides = array<i32>} : memref<192xi32, #tpu.memory_space<vmem>>, vector<16xi32>,
        tpu.vector_store %arg21[%swap3A_395], %add3A_394 {strides = array<i32>} : memref<192xi32, #tpu.memory_space<vmem>>, vector<16xi32>,
        %min3A_397 = arith.constant 6255 : i32
        %min3A_398 = vector.broadcast %min3A_397 : i32 to vector<16xi32>
        %min3A_399 = arith.minsi %gather3A_386, %min3A_398 : vector<16xi32>
        %gather3A_400 = tpu.vector_load_idx %arg12[%min3A_399] : memref<6256xi32, #tpu.memory_space<vmem>>[vector<16xi32>], vector<16xi32>,
        %mul3A_401 = arith.constant 4 : i32
        %mul3A_402 = vector.broadcast %mul3A_401 : i32 to vector<16xi32>
        %mul3A_403 = arith.muli %gather3A_400, %mul3A_402 : vector<16xi32>
        %add3A_404 = arith.addi %mul3A_403, %and3A_13 : vector<16xi32>
        %swap3A_405 = arith.constant 128 : index
        %swap3A_406 = tpu.vector_load %arg22[%swap3A_405] {strides = array<i32>} : memref<192xi32, #tpu.memory_space<vmem>>, vector<16xi32>,
        tpu.vector_store %arg22[%swap3A_405], %add3A_404 {strides = array<i32>} : memref<192xi32, #tpu.memory_space<vmem>>, vector<16xi32>,
        %add3A_407 = arith.constant 36 : i32
        %add3A_408 = arith.addi %mul3A_114, %add3A_407 : i32
        %add3A_409 = vector.broadcast %add3A_408 : i32 to vector<16xi32>
        %add3A_410 = arith.addi %add3A_409, %shift_right_arithmetic3A_15 : vector<16xi32>
        %gather3A_411 = tpu.vector_load_idx %arg13[%add3A_410] : memref<6304xi32, #tpu.memory_space<vmem>>[vector<16xi32>], vector<16xi32>,
        %min3A_412 = arith.constant 6256 : i32
        %min3A_413 = vector.broadcast %min3A_412 : i32 to vector<16xi32>
        %min3A_414 = arith.minsi %gather3A_411, %min3A_413 : vector<16xi32>
        %gather3A_415 = tpu.vector_load_idx %arg11[%min3A_414] : memref<6272xi32, #tpu.memory_space<vmem>>[vector<16xi32>], vector<16xi32>,
        %mul3A_416 = arith.constant 4 : i32
        %mul3A_417 = vector.broadcast %mul3A_416 : i32 to vector<16xi32>
        %mul3A_418 = arith.muli %gather3A_415, %mul3A_417 : vector<16xi32>
        %add3A_419 = arith.addi %mul3A_418, %and3A_13 : vector<16xi32>
        %swap3A_420 = arith.constant 144 : index
        %swap3A_421 = tpu.vector_load %arg21[%swap3A_420] {strides = array<i32>} : memref<192xi32, #tpu.memory_space<vmem>>, vector<16xi32>,
        tpu.vector_store %arg21[%swap3A_420], %add3A_419 {strides = array<i32>} : memref<192xi32, #tpu.memory_space<vmem>>, vector<16xi32>,
        %min3A_422 = arith.constant 6255 : i32
        %min3A_423 = vector.broadcast %min3A_422 : i32 to vector<16xi32>
        %min3A_424 = arith.minsi %gather3A_411, %min3A_423 : vector<16xi32>
        %gather3A_425 = tpu.vector_load_idx %arg12[%min3A_424] : memref<6256xi32, #tpu.memory_space<vmem>>[vector<16xi32>], vector<16xi32>,
        %mul3A_426 = arith.constant 4 : i32
        %mul3A_427 = vector.broadcast %mul3A_426 : i32 to vector<16xi32>
        %mul3A_428 = arith.muli %gather3A_425, %mul3A_427 : vector<16xi32>
        %add3A_429 = arith.addi %mul3A_428, %and3A_13 : vector<16xi32>
        %swap3A_430 = arith.constant 144 : index
        %swap3A_431 = tpu.vector_load %arg22[%swap3A_430] {strides = array<i32>} : memref<192xi32, #tpu.memory_space<vmem>>, vector<16xi32>,
        tpu.vector_store %arg22[%swap3A_430], %add3A_429 {strides = array<i32>} : memref<192xi32, #tpu.memory_space<vmem>>, vector<16xi32>,
        %add3A_432 = arith.constant 40 : i32
        %add3A_433 = arith.addi %mul3A_114, %add3A_432 : i32
        %add3A_434 = vector.broadcast %add3A_433 : i32 to vector<16xi32>
        %add3A_435 = arith.addi %add3A_434, %shift_right_arithmetic3A_15 : vector<16xi32>
        %gather3A_436 = tpu.vector_load_idx %arg13[%add3A_435] : memref<6304xi32, #tpu.memory_space<vmem>>[vector<16xi32>], vector<16xi32>,
        %min3A_437 = arith.constant 6256 : i32
        %min3A_438 = vector.broadcast %min3A_437 : i32 to vector<16xi32>
        %min3A_439 = arith.minsi %gather3A_436, %min3A_438 : vector<16xi32>
        %gather3A_440 = tpu.vector_load_idx %arg11[%min3A_439] : memref<6272xi32, #tpu.memory_space<vmem>>[vector<16xi32>], vector<16xi32>,
        %mul3A_441 = arith.constant 4 : i32
        %mul3A_442 = vector.broadcast %mul3A_441 : i32 to vector<16xi32>
        %mul3A_443 = arith.muli %gather3A_440, %mul3A_442 : vector<16xi32>
        %add3A_444 = arith.addi %mul3A_443, %and3A_13 : vector<16xi32>
        %swap3A_445 = arith.constant 160 : index
        %swap3A_446 = tpu.vector_load %arg21[%swap3A_445] {strides = array<i32>} : memref<192xi32, #tpu.memory_space<vmem>>, vector<16xi32>,
        tpu.vector_store %arg21[%swap3A_445], %add3A_444 {strides = array<i32>} : memref<192xi32, #tpu.memory_space<vmem>>, vector<16xi32>,
        %min3A_447 = arith.constant 6255 : i32
        %min3A_448 = vector.broadcast %min3A_447 : i32 to vector<16xi32>
        %min3A_449 = arith.minsi %gather3A_436, %min3A_448 : vector<16xi32>
        %gather3A_450 = tpu.vector_load_idx %arg12[%min3A_449] : memref<6256xi32, #tpu.memory_space<vmem>>[vector<16xi32>], vector<16xi32>,
        %mul3A_451 = arith.constant 4 : i32
        %mul3A_452 = vector.broadcast %mul3A_451 : i32 to vector<16xi32>
        %mul3A_453 = arith.muli %gather3A_450, %mul3A_452 : vector<16xi32>
        %add3A_454 = arith.addi %mul3A_453, %and3A_13 : vector<16xi32>
        %swap3A_455 = arith.constant 160 : index
        %swap3A_456 = tpu.vector_load %arg22[%swap3A_455] {strides = array<i32>} : memref<192xi32, #tpu.memory_space<vmem>>, vector<16xi32>,
        tpu.vector_store %arg22[%swap3A_455], %add3A_454 {strides = array<i32>} : memref<192xi32, #tpu.memory_space<vmem>>, vector<16xi32>,
        %add3A_457 = arith.constant 44 : i32
        %add3A_458 = arith.addi %mul3A_114, %add3A_457 : i32
        %add3A_459 = vector.broadcast %add3A_458 : i32 to vector<16xi32>
        %add3A_460 = arith.addi %add3A_459, %shift_right_arithmetic3A_15 : vector<16xi32>
        %gather3A_461 = tpu.vector_load_idx %arg13[%add3A_460] : memref<6304xi32, #tpu.memory_space<vmem>>[vector<16xi32>], vector<16xi32>,
        %min3A_462 = arith.constant 6256 : i32
        %min3A_463 = vector.broadcast %min3A_462 : i32 to vector<16xi32>
        %min3A_464 = arith.minsi %gather3A_461, %min3A_463 : vector<16xi32>
        %gather3A_465 = tpu.vector_load_idx %arg11[%min3A_464] : memref<6272xi32, #tpu.memory_space<vmem>>[vector<16xi32>], vector<16xi32>,
        %mul3A_466 = arith.constant 4 : i32
        %mul3A_467 = vector.broadcast %mul3A_466 : i32 to vector<16xi32>
        %mul3A_468 = arith.muli %gather3A_465, %mul3A_467 : vector<16xi32>
        %add3A_469 = arith.addi %mul3A_468, %and3A_13 : vector<16xi32>
        %swap3A_470 = arith.constant 176 : index
        %swap3A_471 = tpu.vector_load %arg21[%swap3A_470] {strides = array<i32>} : memref<192xi32, #tpu.memory_space<vmem>>, vector<16xi32>,
        tpu.vector_store %arg21[%swap3A_470], %add3A_469 {strides = array<i32>} : memref<192xi32, #tpu.memory_space<vmem>>, vector<16xi32>,
        %min3A_472 = arith.constant 6255 : i32
        %min3A_473 = vector.broadcast %min3A_472 : i32 to vector<16xi32>
        %min3A_474 = arith.minsi %gather3A_461, %min3A_473 : vector<16xi32>
        %gather3A_475 = tpu.vector_load_idx %arg12[%min3A_474] : memref<6256xi32, #tpu.memory_space<vmem>>[vector<16xi32>], vector<16xi32>,
        %mul3A_476 = arith.constant 4 : i32
        %mul3A_477 = vector.broadcast %mul3A_476 : i32 to vector<16xi32>
        %mul3A_478 = arith.muli %gather3A_475, %mul3A_477 : vector<16xi32>
        %add3A_479 = arith.addi %mul3A_478, %and3A_13 : vector<16xi32>
        %swap3A_480 = arith.constant 176 : index
        %swap3A_481 = tpu.vector_load %arg22[%swap3A_480] {strides = array<i32>} : memref<192xi32, #tpu.memory_space<vmem>>, vector<16xi32>,
        tpu.vector_store %arg22[%swap3A_480], %add3A_479 {strides = array<i32>} : memref<192xi32, #tpu.memory_space<vmem>>, vector<16xi32>,
        %dma_start3A = arith.constant 0 : i32
        %dma_start3A_482 = tpu.memref_slice %arg5[%dma_start3A] : memref<400000xf32, #tpu.memory_space<hbm>> -> memref<400000xf32, #tpu.memory_space<hbm>>
        tpu.enqueue_indirect_dma source(%dma_start3A_482 : memref<400000xf32, #tpu.memory_space<hbm>>) target(%arg19 : memref<192xf32, #tpu.memory_space<vmem>>) offsets(%arg21 : memref<192xi32, #tpu.memory_space<vmem>>) semaphore(%arg36 : memref<!tpu.dma_semaphore, #tpu.memory_space<semaphore_mem>>)
        %dma_start3A_483 = arith.constant 0 : i32
        %dma_start3A_484 = tpu.memref_slice %arg6[%dma_start3A_483] : memref<400000xf32, #tpu.memory_space<hbm>> -> memref<400000xf32, #tpu.memory_space<hbm>>
        tpu.enqueue_indirect_dma source(%dma_start3A_484 : memref<400000xf32, #tpu.memory_space<hbm>>) target(%arg20 : memref<192xf32, #tpu.memory_space<vmem>>) offsets(%arg22 : memref<192xi32, #tpu.memory_space<vmem>>) semaphore(%arg37 : memref<!tpu.dma_semaphore, #tpu.memory_space<semaphore_mem>>)
        %dma_start3A_485 = arith.constant 0 : i32
        %dma_start3A_486 = arith.constant 0 : i32
        %dma_start3A_487 = tpu.memref_slice %arg2[%dma_start3A_485, %dma_start3A_486] : memref<100000x256xf32, #tpu.memory_space<hbm>> -> memref<100000x256xf32, #tpu.memory_space<hbm>>
        tpu.enqueue_indirect_dma source(%dma_start3A_487 : memref<100000x256xf32, #tpu.memory_space<hbm>>) target(%arg16 : memref<48x256xf32, #tpu.memory_space<vmem>>) offsets(%arg14 : memref<48xi32, #tpu.memory_space<vmem>>) semaphore(%arg35 : memref<!tpu.dma_semaphore, #tpu.memory_space<semaphore_mem>>)
        %dma_wait3A = arith.constant 0 : i32
        %dma_wait3A_488 = tpu.memref_slice %arg5[%dma_wait3A] : memref<400000xf32, #tpu.memory_space<hbm>> -> memref<400000xf32, #tpu.memory_space<hbm>>
        tpu.wait_indirect_dma semaphore(%arg36 : memref<!tpu.dma_semaphore, #tpu.memory_space<semaphore_mem>>) src(%dma_wait3A_488 : memref<400000xf32, #tpu.memory_space<hbm>>) dst(%arg19 : memref<192xf32, #tpu.memory_space<vmem>>)
        %dma_wait3A_489 = arith.constant 0 : i32
        %dma_wait3A_490 = tpu.memref_slice %arg6[%dma_wait3A_489] : memref<400000xf32, #tpu.memory_space<hbm>> -> memref<400000xf32, #tpu.memory_space<hbm>>
        tpu.wait_indirect_dma semaphore(%arg37 : memref<!tpu.dma_semaphore, #tpu.memory_space<semaphore_mem>>) src(%dma_wait3A_490 : memref<400000xf32, #tpu.memory_space<hbm>>) dst(%arg20 : memref<192xf32, #tpu.memory_space<vmem>>)
        %get3A_491 = arith.constant 0 : index
        %get3A_492 = tpu.vector_load %arg19[%get3A_491] {strides = array<i32>} : memref<192xf32, #tpu.memory_space<vmem>>, vector<16xf32>,
        %get3A_493 = arith.constant 0 : index
        %get3A_494 = tpu.vector_load %arg20[%get3A_493] {strides = array<i32>} : memref<192xf32, #tpu.memory_space<vmem>>, vector<16xf32>,
        %add3A_495 = arith.addf %get3A_492, %get3A_494 : vector<16xf32>
        %max3A = arith.constant 0.000000e+00 : f32
        %max3A_496 = vector.broadcast %max3A : f32 to vector<16xf32>
        %max3A_497 = arith.maximumf %add3A_495, %max3A_496 : vector<16xf32>
        %min3A_498 = arith.constant 0.000000e+00 : f32
        %min3A_499 = vector.broadcast %min3A_498 : f32 to vector<16xf32>
        %min3A_500 = arith.minimumf %add3A_495, %min3A_499 : vector<16xf32>
        %mul3A_501 = arith.constant 2.000000e-01 : f32
        %mul3A_502 = vector.broadcast %mul3A_501 : f32 to vector<16xf32>
        %mul3A_503 = arith.mulf %mul3A_502, %min3A_500 : vector<16xf32>
        %add3A_504 = arith.addf %max3A_497, %mul3A_503 : vector<16xf32>
        %get3A_505 = arith.constant 0 : index
        %get3A_506 = tpu.vector_load %arg20[%get3A_505] {strides = array<i32>} : memref<192xf32, #tpu.memory_space<vmem>>, vector<16xf32>,
        %add3A_507 = arith.addf %get3A_506, %gather3A : vector<16xf32>
        %max3A_508 = arith.constant 0.000000e+00 : f32
        %max3A_509 = vector.broadcast %max3A_508 : f32 to vector<16xf32>
        %max3A_510 = arith.maximumf %add3A_507, %max3A_509 : vector<16xf32>
        %min3A_511 = arith.constant 0.000000e+00 : f32
        %min3A_512 = vector.broadcast %min3A_511 : f32 to vector<16xf32>
        %min3A_513 = arith.minimumf %add3A_507, %min3A_512 : vector<16xf32>
        %mul3A_514 = arith.constant 2.000000e-01 : f32
        %mul3A_515 = vector.broadcast %mul3A_514 : f32 to vector<16xf32>
        %mul3A_516 = arith.mulf %mul3A_515, %min3A_513 : vector<16xf32>
        %add3A_517 = arith.addf %max3A_510, %mul3A_516 : vector<16xf32>
        %sub3A_518 = arith.subf %add3A_504, %add3A_517 : vector<16xf32>
        %exp3A = math.exp %sub3A_518 : vector<16xf32>
        %swap3A_519 = arith.constant 0 : index
        %swap3A_520 = tpu.vector_load %arg18[%swap3A_519] {strides = array<i32>} : memref<192xf32, #tpu.memory_space<vmem>>, vector<16xf32>,
        tpu.vector_store %arg18[%swap3A_519], %exp3A {strides = array<i32>} : memref<192xf32, #tpu.memory_space<vmem>>, vector<16xf32>,
        %get3A_521 = arith.constant 16 : index
        %get3A_522 = tpu.vector_load %arg19[%get3A_521] {strides = array<i32>} : memref<192xf32, #tpu.memory_space<vmem>>, vector<16xf32>,
        %get3A_523 = arith.constant 16 : index
        %get3A_524 = tpu.vector_load %arg20[%get3A_523] {strides = array<i32>} : memref<192xf32, #tpu.memory_space<vmem>>, vector<16xf32>,
        %add3A_525 = arith.addf %get3A_522, %get3A_524 : vector<16xf32>
        %max3A_526 = arith.constant 0.000000e+00 : f32
        %max3A_527 = vector.broadcast %max3A_526 : f32 to vector<16xf32>
        %max3A_528 = arith.maximumf %add3A_525, %max3A_527 : vector<16xf32>
        %min3A_529 = arith.constant 0.000000e+00 : f32
        %min3A_530 = vector.broadcast %min3A_529 : f32 to vector<16xf32>
        %min3A_531 = arith.minimumf %add3A_525, %min3A_530 : vector<16xf32>
        %mul3A_532 = arith.constant 2.000000e-01 : f32
        %mul3A_533 = vector.broadcast %mul3A_532 : f32 to vector<16xf32>
        %mul3A_534 = arith.mulf %mul3A_533, %min3A_531 : vector<16xf32>
        %add3A_535 = arith.addf %max3A_528, %mul3A_534 : vector<16xf32>
        %get3A_536 = arith.constant 16 : index
        %get3A_537 = tpu.vector_load %arg20[%get3A_536] {strides = array<i32>} : memref<192xf32, #tpu.memory_space<vmem>>, vector<16xf32>,
        %add3A_538 = arith.addf %get3A_537, %gather3A : vector<16xf32>
        %max3A_539 = arith.constant 0.000000e+00 : f32
        %max3A_540 = vector.broadcast %max3A_539 : f32 to vector<16xf32>
        %max3A_541 = arith.maximumf %add3A_538, %max3A_540 : vector<16xf32>
        %min3A_542 = arith.constant 0.000000e+00 : f32
        %min3A_543 = vector.broadcast %min3A_542 : f32 to vector<16xf32>
        %min3A_544 = arith.minimumf %add3A_538, %min3A_543 : vector<16xf32>
        %mul3A_545 = arith.constant 2.000000e-01 : f32
        %mul3A_546 = vector.broadcast %mul3A_545 : f32 to vector<16xf32>
        %mul3A_547 = arith.mulf %mul3A_546, %min3A_544 : vector<16xf32>
        %add3A_548 = arith.addf %max3A_541, %mul3A_547 : vector<16xf32>
        %sub3A_549 = arith.subf %add3A_535, %add3A_548 : vector<16xf32>
        %exp3A_550 = math.exp %sub3A_549 : vector<16xf32>
        %swap3A_551 = arith.constant 16 : index
        %swap3A_552 = tpu.vector_load %arg18[%swap3A_551] {strides = array<i32>} : memref<192xf32, #tpu.memory_space<vmem>>, vector<16xf32>,
        tpu.vector_store %arg18[%swap3A_551], %exp3A_550 {strides = array<i32>} : memref<192xf32, #tpu.memory_space<vmem>>, vector<16xf32>,
        %get3A_553 = arith.constant 32 : index
        %get3A_554 = tpu.vector_load %arg19[%get3A_553] {strides = array<i32>} : memref<192xf32, #tpu.memory_space<vmem>>, vector<16xf32>,
        %get3A_555 = arith.constant 32 : index
        %get3A_556 = tpu.vector_load %arg20[%get3A_555] {strides = array<i32>} : memref<192xf32, #tpu.memory_space<vmem>>, vector<16xf32>,
        %add3A_557 = arith.addf %get3A_554, %get3A_556 : vector<16xf32>
        %max3A_558 = arith.constant 0.000000e+00 : f32
        %max3A_559 = vector.broadcast %max3A_558 : f32 to vector<16xf32>
        %max3A_560 = arith.maximumf %add3A_557, %max3A_559 : vector<16xf32>
        %min3A_561 = arith.constant 0.000000e+00 : f32
        %min3A_562 = vector.broadcast %min3A_561 : f32 to vector<16xf32>
        %min3A_563 = arith.minimumf %add3A_557, %min3A_562 : vector<16xf32>
        %mul3A_564 = arith.constant 2.000000e-01 : f32
        %mul3A_565 = vector.broadcast %mul3A_564 : f32 to vector<16xf32>
        %mul3A_566 = arith.mulf %mul3A_565, %min3A_563 : vector<16xf32>
        %add3A_567 = arith.addf %max3A_560, %mul3A_566 : vector<16xf32>
        %get3A_568 = arith.constant 32 : index
        %get3A_569 = tpu.vector_load %arg20[%get3A_568] {strides = array<i32>} : memref<192xf32, #tpu.memory_space<vmem>>, vector<16xf32>,
        %add3A_570 = arith.addf %get3A_569, %gather3A : vector<16xf32>
        %max3A_571 = arith.constant 0.000000e+00 : f32
        %max3A_572 = vector.broadcast %max3A_571 : f32 to vector<16xf32>
        %max3A_573 = arith.maximumf %add3A_570, %max3A_572 : vector<16xf32>
        %min3A_574 = arith.constant 0.000000e+00 : f32
        %min3A_575 = vector.broadcast %min3A_574 : f32 to vector<16xf32>
        %min3A_576 = arith.minimumf %add3A_570, %min3A_575 : vector<16xf32>
        %mul3A_577 = arith.constant 2.000000e-01 : f32
        %mul3A_578 = vector.broadcast %mul3A_577 : f32 to vector<16xf32>
        %mul3A_579 = arith.mulf %mul3A_578, %min3A_576 : vector<16xf32>
        %add3A_580 = arith.addf %max3A_573, %mul3A_579 : vector<16xf32>
        %sub3A_581 = arith.subf %add3A_567, %add3A_580 : vector<16xf32>
        %exp3A_582 = math.exp %sub3A_581 : vector<16xf32>
        %swap3A_583 = arith.constant 32 : index
        %swap3A_584 = tpu.vector_load %arg18[%swap3A_583] {strides = array<i32>} : memref<192xf32, #tpu.memory_space<vmem>>, vector<16xf32>,
        tpu.vector_store %arg18[%swap3A_583], %exp3A_582 {strides = array<i32>} : memref<192xf32, #tpu.memory_space<vmem>>, vector<16xf32>,
        %get3A_585 = arith.constant 48 : index
        %get3A_586 = tpu.vector_load %arg19[%get3A_585] {strides = array<i32>} : memref<192xf32, #tpu.memory_space<vmem>>, vector<16xf32>,
        %get3A_587 = arith.constant 48 : index
        %get3A_588 = tpu.vector_load %arg20[%get3A_587] {strides = array<i32>} : memref<192xf32, #tpu.memory_space<vmem>>, vector<16xf32>,
        %add3A_589 = arith.addf %get3A_586, %get3A_588 : vector<16xf32>
        %max3A_590 = arith.constant 0.000000e+00 : f32
        %max3A_591 = vector.broadcast %max3A_590 : f32 to vector<16xf32>
        %max3A_592 = arith.maximumf %add3A_589, %max3A_591 : vector<16xf32>
        %min3A_593 = arith.constant 0.000000e+00 : f32
        %min3A_594 = vector.broadcast %min3A_593 : f32 to vector<16xf32>
        %min3A_595 = arith.minimumf %add3A_589, %min3A_594 : vector<16xf32>
        %mul3A_596 = arith.constant 2.000000e-01 : f32
        %mul3A_597 = vector.broadcast %mul3A_596 : f32 to vector<16xf32>
        %mul3A_598 = arith.mulf %mul3A_597, %min3A_595 : vector<16xf32>
        %add3A_599 = arith.addf %max3A_592, %mul3A_598 : vector<16xf32>
        %get3A_600 = arith.constant 48 : index
        %get3A_601 = tpu.vector_load %arg20[%get3A_600] {strides = array<i32>} : memref<192xf32, #tpu.memory_space<vmem>>, vector<16xf32>,
        %add3A_602 = arith.addf %get3A_601, %gather3A : vector<16xf32>
        %max3A_603 = arith.constant 0.000000e+00 : f32
        %max3A_604 = vector.broadcast %max3A_603 : f32 to vector<16xf32>
        %max3A_605 = arith.maximumf %add3A_602, %max3A_604 : vector<16xf32>
        %min3A_606 = arith.constant 0.000000e+00 : f32
        %min3A_607 = vector.broadcast %min3A_606 : f32 to vector<16xf32>
        %min3A_608 = arith.minimumf %add3A_602, %min3A_607 : vector<16xf32>
        %mul3A_609 = arith.constant 2.000000e-01 : f32
        %mul3A_610 = vector.broadcast %mul3A_609 : f32 to vector<16xf32>
        %mul3A_611 = arith.mulf %mul3A_610, %min3A_608 : vector<16xf32>
        %add3A_612 = arith.addf %max3A_605, %mul3A_611 : vector<16xf32>
        %sub3A_613 = arith.subf %add3A_599, %add3A_612 : vector<16xf32>
        %exp3A_614 = math.exp %sub3A_613 : vector<16xf32>
        %swap3A_615 = arith.constant 48 : index
        %swap3A_616 = tpu.vector_load %arg18[%swap3A_615] {strides = array<i32>} : memref<192xf32, #tpu.memory_space<vmem>>, vector<16xf32>,
        tpu.vector_store %arg18[%swap3A_615], %exp3A_614 {strides = array<i32>} : memref<192xf32, #tpu.memory_space<vmem>>, vector<16xf32>,
        %get3A_617 = arith.constant 64 : index
        %get3A_618 = tpu.vector_load %arg19[%get3A_617] {strides = array<i32>} : memref<192xf32, #tpu.memory_space<vmem>>, vector<16xf32>,
        %get3A_619 = arith.constant 64 : index
        %get3A_620 = tpu.vector_load %arg20[%get3A_619] {strides = array<i32>} : memref<192xf32, #tpu.memory_space<vmem>>, vector<16xf32>,
        %add3A_621 = arith.addf %get3A_618, %get3A_620 : vector<16xf32>
        %max3A_622 = arith.constant 0.000000e+00 : f32
        %max3A_623 = vector.broadcast %max3A_622 : f32 to vector<16xf32>
        %max3A_624 = arith.maximumf %add3A_621, %max3A_623 : vector<16xf32>
        %min3A_625 = arith.constant 0.000000e+00 : f32
        %min3A_626 = vector.broadcast %min3A_625 : f32 to vector<16xf32>
        %min3A_627 = arith.minimumf %add3A_621, %min3A_626 : vector<16xf32>
        %mul3A_628 = arith.constant 2.000000e-01 : f32
        %mul3A_629 = vector.broadcast %mul3A_628 : f32 to vector<16xf32>
        %mul3A_630 = arith.mulf %mul3A_629, %min3A_627 : vector<16xf32>
        %add3A_631 = arith.addf %max3A_624, %mul3A_630 : vector<16xf32>
        %get3A_632 = arith.constant 64 : index
        %get3A_633 = tpu.vector_load %arg20[%get3A_632] {strides = array<i32>} : memref<192xf32, #tpu.memory_space<vmem>>, vector<16xf32>,
        %add3A_634 = arith.addf %get3A_633, %gather3A : vector<16xf32>
        %max3A_635 = arith.constant 0.000000e+00 : f32
        %max3A_636 = vector.broadcast %max3A_635 : f32 to vector<16xf32>
        %max3A_637 = arith.maximumf %add3A_634, %max3A_636 : vector<16xf32>
        %min3A_638 = arith.constant 0.000000e+00 : f32
        %min3A_639 = vector.broadcast %min3A_638 : f32 to vector<16xf32>
        %min3A_640 = arith.minimumf %add3A_634, %min3A_639 : vector<16xf32>
        %mul3A_641 = arith.constant 2.000000e-01 : f32
        %mul3A_642 = vector.broadcast %mul3A_641 : f32 to vector<16xf32>
        %mul3A_643 = arith.mulf %mul3A_642, %min3A_640 : vector<16xf32>
        %add3A_644 = arith.addf %max3A_637, %mul3A_643 : vector<16xf32>
        %sub3A_645 = arith.subf %add3A_631, %add3A_644 : vector<16xf32>
        %exp3A_646 = math.exp %sub3A_645 : vector<16xf32>
        %swap3A_647 = arith.constant 64 : index
        %swap3A_648 = tpu.vector_load %arg18[%swap3A_647] {strides = array<i32>} : memref<192xf32, #tpu.memory_space<vmem>>, vector<16xf32>,
        tpu.vector_store %arg18[%swap3A_647], %exp3A_646 {strides = array<i32>} : memref<192xf32, #tpu.memory_space<vmem>>, vector<16xf32>,
        %get3A_649 = arith.constant 80 : index
        %get3A_650 = tpu.vector_load %arg19[%get3A_649] {strides = array<i32>} : memref<192xf32, #tpu.memory_space<vmem>>, vector<16xf32>,
        %get3A_651 = arith.constant 80 : index
        %get3A_652 = tpu.vector_load %arg20[%get3A_651] {strides = array<i32>} : memref<192xf32, #tpu.memory_space<vmem>>, vector<16xf32>,
        %add3A_653 = arith.addf %get3A_650, %get3A_652 : vector<16xf32>
        %max3A_654 = arith.constant 0.000000e+00 : f32
        %max3A_655 = vector.broadcast %max3A_654 : f32 to vector<16xf32>
        %max3A_656 = arith.maximumf %add3A_653, %max3A_655 : vector<16xf32>
        %min3A_657 = arith.constant 0.000000e+00 : f32
        %min3A_658 = vector.broadcast %min3A_657 : f32 to vector<16xf32>
        %min3A_659 = arith.minimumf %add3A_653, %min3A_658 : vector<16xf32>
        %mul3A_660 = arith.constant 2.000000e-01 : f32
        %mul3A_661 = vector.broadcast %mul3A_660 : f32 to vector<16xf32>
        %mul3A_662 = arith.mulf %mul3A_661, %min3A_659 : vector<16xf32>
        %add3A_663 = arith.addf %max3A_656, %mul3A_662 : vector<16xf32>
        %get3A_664 = arith.constant 80 : index
        %get3A_665 = tpu.vector_load %arg20[%get3A_664] {strides = array<i32>} : memref<192xf32, #tpu.memory_space<vmem>>, vector<16xf32>,
        %add3A_666 = arith.addf %get3A_665, %gather3A : vector<16xf32>
        %max3A_667 = arith.constant 0.000000e+00 : f32
        %max3A_668 = vector.broadcast %max3A_667 : f32 to vector<16xf32>
        %max3A_669 = arith.maximumf %add3A_666, %max3A_668 : vector<16xf32>
        %min3A_670 = arith.constant 0.000000e+00 : f32
        %min3A_671 = vector.broadcast %min3A_670 : f32 to vector<16xf32>
        %min3A_672 = arith.minimumf %add3A_666, %min3A_671 : vector<16xf32>
        %mul3A_673 = arith.constant 2.000000e-01 : f32
        %mul3A_674 = vector.broadcast %mul3A_673 : f32 to vector<16xf32>
        %mul3A_675 = arith.mulf %mul3A_674, %min3A_672 : vector<16xf32>
        %add3A_676 = arith.addf %max3A_669, %mul3A_675 : vector<16xf32>
        %sub3A_677 = arith.subf %add3A_663, %add3A_676 : vector<16xf32>
        %exp3A_678 = math.exp %sub3A_677 : vector<16xf32>
        %swap3A_679 = arith.constant 80 : index
        %swap3A_680 = tpu.vector_load %arg18[%swap3A_679] {strides = array<i32>} : memref<192xf32, #tpu.memory_space<vmem>>, vector<16xf32>,
        tpu.vector_store %arg18[%swap3A_679], %exp3A_678 {strides = array<i32>} : memref<192xf32, #tpu.memory_space<vmem>>, vector<16xf32>,
        %get3A_681 = arith.constant 96 : index
        %get3A_682 = tpu.vector_load %arg19[%get3A_681] {strides = array<i32>} : memref<192xf32, #tpu.memory_space<vmem>>, vector<16xf32>,
        %get3A_683 = arith.constant 96 : index
        %get3A_684 = tpu.vector_load %arg20[%get3A_683] {strides = array<i32>} : memref<192xf32, #tpu.memory_space<vmem>>, vector<16xf32>,
        %add3A_685 = arith.addf %get3A_682, %get3A_684 : vector<16xf32>
        %max3A_686 = arith.constant 0.000000e+00 : f32
        %max3A_687 = vector.broadcast %max3A_686 : f32 to vector<16xf32>
        %max3A_688 = arith.maximumf %add3A_685, %max3A_687 : vector<16xf32>
        %min3A_689 = arith.constant 0.000000e+00 : f32
        %min3A_690 = vector.broadcast %min3A_689 : f32 to vector<16xf32>
        %min3A_691 = arith.minimumf %add3A_685, %min3A_690 : vector<16xf32>
        %mul3A_692 = arith.constant 2.000000e-01 : f32
        %mul3A_693 = vector.broadcast %mul3A_692 : f32 to vector<16xf32>
        %mul3A_694 = arith.mulf %mul3A_693, %min3A_691 : vector<16xf32>
        %add3A_695 = arith.addf %max3A_688, %mul3A_694 : vector<16xf32>
        %get3A_696 = arith.constant 96 : index
        %get3A_697 = tpu.vector_load %arg20[%get3A_696] {strides = array<i32>} : memref<192xf32, #tpu.memory_space<vmem>>, vector<16xf32>,
        %add3A_698 = arith.addf %get3A_697, %gather3A : vector<16xf32>
        %max3A_699 = arith.constant 0.000000e+00 : f32
        %max3A_700 = vector.broadcast %max3A_699 : f32 to vector<16xf32>
        %max3A_701 = arith.maximumf %add3A_698, %max3A_700 : vector<16xf32>
        %min3A_702 = arith.constant 0.000000e+00 : f32
        %min3A_703 = vector.broadcast %min3A_702 : f32 to vector<16xf32>
        %min3A_704 = arith.minimumf %add3A_698, %min3A_703 : vector<16xf32>
        %mul3A_705 = arith.constant 2.000000e-01 : f32
        %mul3A_706 = vector.broadcast %mul3A_705 : f32 to vector<16xf32>
        %mul3A_707 = arith.mulf %mul3A_706, %min3A_704 : vector<16xf32>
        %add3A_708 = arith.addf %max3A_701, %mul3A_707 : vector<16xf32>
        %sub3A_709 = arith.subf %add3A_695, %add3A_708 : vector<16xf32>
        %exp3A_710 = math.exp %sub3A_709 : vector<16xf32>
        %swap3A_711 = arith.constant 96 : index
        %swap3A_712 = tpu.vector_load %arg18[%swap3A_711] {strides = array<i32>} : memref<192xf32, #tpu.memory_space<vmem>>, vector<16xf32>,
        tpu.vector_store %arg18[%swap3A_711], %exp3A_710 {strides = array<i32>} : memref<192xf32, #tpu.memory_space<vmem>>, vector<16xf32>,
        %get3A_713 = arith.constant 112 : index
        %get3A_714 = tpu.vector_load %arg19[%get3A_713] {strides = array<i32>} : memref<192xf32, #tpu.memory_space<vmem>>, vector<16xf32>,
        %get3A_715 = arith.constant 112 : index
        %get3A_716 = tpu.vector_load %arg20[%get3A_715] {strides = array<i32>} : memref<192xf32, #tpu.memory_space<vmem>>, vector<16xf32>,
        %add3A_717 = arith.addf %get3A_714, %get3A_716 : vector<16xf32>
        %max3A_718 = arith.constant 0.000000e+00 : f32
        %max3A_719 = vector.broadcast %max3A_718 : f32 to vector<16xf32>
        %max3A_720 = arith.maximumf %add3A_717, %max3A_719 : vector<16xf32>
        %min3A_721 = arith.constant 0.000000e+00 : f32
        %min3A_722 = vector.broadcast %min3A_721 : f32 to vector<16xf32>
        %min3A_723 = arith.minimumf %add3A_717, %min3A_722 : vector<16xf32>
        %mul3A_724 = arith.constant 2.000000e-01 : f32
        %mul3A_725 = vector.broadcast %mul3A_724 : f32 to vector<16xf32>
        %mul3A_726 = arith.mulf %mul3A_725, %min3A_723 : vector<16xf32>
        %add3A_727 = arith.addf %max3A_720, %mul3A_726 : vector<16xf32>
        %get3A_728 = arith.constant 112 : index
        %get3A_729 = tpu.vector_load %arg20[%get3A_728] {strides = array<i32>} : memref<192xf32, #tpu.memory_space<vmem>>, vector<16xf32>,
        %add3A_730 = arith.addf %get3A_729, %gather3A : vector<16xf32>
        %max3A_731 = arith.constant 0.000000e+00 : f32
        %max3A_732 = vector.broadcast %max3A_731 : f32 to vector<16xf32>
        %max3A_733 = arith.maximumf %add3A_730, %max3A_732 : vector<16xf32>
        %min3A_734 = arith.constant 0.000000e+00 : f32
        %min3A_735 = vector.broadcast %min3A_734 : f32 to vector<16xf32>
        %min3A_736 = arith.minimumf %add3A_730, %min3A_735 : vector<16xf32>
        %mul3A_737 = arith.constant 2.000000e-01 : f32
        %mul3A_738 = vector.broadcast %mul3A_737 : f32 to vector<16xf32>
        %mul3A_739 = arith.mulf %mul3A_738, %min3A_736 : vector<16xf32>
        %add3A_740 = arith.addf %max3A_733, %mul3A_739 : vector<16xf32>
        %sub3A_741 = arith.subf %add3A_727, %add3A_740 : vector<16xf32>
        %exp3A_742 = math.exp %sub3A_741 : vector<16xf32>
        %swap3A_743 = arith.constant 112 : index
        %swap3A_744 = tpu.vector_load %arg18[%swap3A_743] {strides = array<i32>} : memref<192xf32, #tpu.memory_space<vmem>>, vector<16xf32>,
        tpu.vector_store %arg18[%swap3A_743], %exp3A_742 {strides = array<i32>} : memref<192xf32, #tpu.memory_space<vmem>>, vector<16xf32>,
        %get3A_745 = arith.constant 128 : index
        %get3A_746 = tpu.vector_load %arg19[%get3A_745] {strides = array<i32>} : memref<192xf32, #tpu.memory_space<vmem>>, vector<16xf32>,
        %get3A_747 = arith.constant 128 : index
        %get3A_748 = tpu.vector_load %arg20[%get3A_747] {strides = array<i32>} : memref<192xf32, #tpu.memory_space<vmem>>, vector<16xf32>,
        %add3A_749 = arith.addf %get3A_746, %get3A_748 : vector<16xf32>
        %max3A_750 = arith.constant 0.000000e+00 : f32
        %max3A_751 = vector.broadcast %max3A_750 : f32 to vector<16xf32>
        %max3A_752 = arith.maximumf %add3A_749, %max3A_751 : vector<16xf32>
        %min3A_753 = arith.constant 0.000000e+00 : f32
        %min3A_754 = vector.broadcast %min3A_753 : f32 to vector<16xf32>
        %min3A_755 = arith.minimumf %add3A_749, %min3A_754 : vector<16xf32>
        %mul3A_756 = arith.constant 2.000000e-01 : f32
        %mul3A_757 = vector.broadcast %mul3A_756 : f32 to vector<16xf32>
        %mul3A_758 = arith.mulf %mul3A_757, %min3A_755 : vector<16xf32>
        %add3A_759 = arith.addf %max3A_752, %mul3A_758 : vector<16xf32>
        %get3A_760 = arith.constant 128 : index
        %get3A_761 = tpu.vector_load %arg20[%get3A_760] {strides = array<i32>} : memref<192xf32, #tpu.memory_space<vmem>>, vector<16xf32>,
        %add3A_762 = arith.addf %get3A_761, %gather3A : vector<16xf32>
        %max3A_763 = arith.constant 0.000000e+00 : f32
        %max3A_764 = vector.broadcast %max3A_763 : f32 to vector<16xf32>
        %max3A_765 = arith.maximumf %add3A_762, %max3A_764 : vector<16xf32>
        %min3A_766 = arith.constant 0.000000e+00 : f32
        %min3A_767 = vector.broadcast %min3A_766 : f32 to vector<16xf32>
        %min3A_768 = arith.minimumf %add3A_762, %min3A_767 : vector<16xf32>
        %mul3A_769 = arith.constant 2.000000e-01 : f32
        %mul3A_770 = vector.broadcast %mul3A_769 : f32 to vector<16xf32>
        %mul3A_771 = arith.mulf %mul3A_770, %min3A_768 : vector<16xf32>
        %add3A_772 = arith.addf %max3A_765, %mul3A_771 : vector<16xf32>
        %sub3A_773 = arith.subf %add3A_759, %add3A_772 : vector<16xf32>
        %exp3A_774 = math.exp %sub3A_773 : vector<16xf32>
        %swap3A_775 = arith.constant 128 : index
        %swap3A_776 = tpu.vector_load %arg18[%swap3A_775] {strides = array<i32>} : memref<192xf32, #tpu.memory_space<vmem>>, vector<16xf32>,
        tpu.vector_store %arg18[%swap3A_775], %exp3A_774 {strides = array<i32>} : memref<192xf32, #tpu.memory_space<vmem>>, vector<16xf32>,
        %get3A_777 = arith.constant 144 : index
        %get3A_778 = tpu.vector_load %arg19[%get3A_777] {strides = array<i32>} : memref<192xf32, #tpu.memory_space<vmem>>, vector<16xf32>,
        %get3A_779 = arith.constant 144 : index
        %get3A_780 = tpu.vector_load %arg20[%get3A_779] {strides = array<i32>} : memref<192xf32, #tpu.memory_space<vmem>>, vector<16xf32>,
        %add3A_781 = arith.addf %get3A_778, %get3A_780 : vector<16xf32>
        %max3A_782 = arith.constant 0.000000e+00 : f32
        %max3A_783 = vector.broadcast %max3A_782 : f32 to vector<16xf32>
        %max3A_784 = arith.maximumf %add3A_781, %max3A_783 : vector<16xf32>
        %min3A_785 = arith.constant 0.000000e+00 : f32
        %min3A_786 = vector.broadcast %min3A_785 : f32 to vector<16xf32>
        %min3A_787 = arith.minimumf %add3A_781, %min3A_786 : vector<16xf32>
        %mul3A_788 = arith.constant 2.000000e-01 : f32
        %mul3A_789 = vector.broadcast %mul3A_788 : f32 to vector<16xf32>
        %mul3A_790 = arith.mulf %mul3A_789, %min3A_787 : vector<16xf32>
        %add3A_791 = arith.addf %max3A_784, %mul3A_790 : vector<16xf32>
        %get3A_792 = arith.constant 144 : index
        %get3A_793 = tpu.vector_load %arg20[%get3A_792] {strides = array<i32>} : memref<192xf32, #tpu.memory_space<vmem>>, vector<16xf32>,
        %add3A_794 = arith.addf %get3A_793, %gather3A : vector<16xf32>
        %max3A_795 = arith.constant 0.000000e+00 : f32
        %max3A_796 = vector.broadcast %max3A_795 : f32 to vector<16xf32>
        %max3A_797 = arith.maximumf %add3A_794, %max3A_796 : vector<16xf32>
        %min3A_798 = arith.constant 0.000000e+00 : f32
        %min3A_799 = vector.broadcast %min3A_798 : f32 to vector<16xf32>
        %min3A_800 = arith.minimumf %add3A_794, %min3A_799 : vector<16xf32>
        %mul3A_801 = arith.constant 2.000000e-01 : f32
        %mul3A_802 = vector.broadcast %mul3A_801 : f32 to vector<16xf32>
        %mul3A_803 = arith.mulf %mul3A_802, %min3A_800 : vector<16xf32>
        %add3A_804 = arith.addf %max3A_797, %mul3A_803 : vector<16xf32>
        %sub3A_805 = arith.subf %add3A_791, %add3A_804 : vector<16xf32>
        %exp3A_806 = math.exp %sub3A_805 : vector<16xf32>
        %swap3A_807 = arith.constant 144 : index
        %swap3A_808 = tpu.vector_load %arg18[%swap3A_807] {strides = array<i32>} : memref<192xf32, #tpu.memory_space<vmem>>, vector<16xf32>,
        tpu.vector_store %arg18[%swap3A_807], %exp3A_806 {strides = array<i32>} : memref<192xf32, #tpu.memory_space<vmem>>, vector<16xf32>,
        %get3A_809 = arith.constant 160 : index
        %get3A_810 = tpu.vector_load %arg19[%get3A_809] {strides = array<i32>} : memref<192xf32, #tpu.memory_space<vmem>>, vector<16xf32>,
        %get3A_811 = arith.constant 160 : index
        %get3A_812 = tpu.vector_load %arg20[%get3A_811] {strides = array<i32>} : memref<192xf32, #tpu.memory_space<vmem>>, vector<16xf32>,
        %add3A_813 = arith.addf %get3A_810, %get3A_812 : vector<16xf32>
        %max3A_814 = arith.constant 0.000000e+00 : f32
        %max3A_815 = vector.broadcast %max3A_814 : f32 to vector<16xf32>
        %max3A_816 = arith.maximumf %add3A_813, %max3A_815 : vector<16xf32>
        %min3A_817 = arith.constant 0.000000e+00 : f32
        %min3A_818 = vector.broadcast %min3A_817 : f32 to vector<16xf32>
        %min3A_819 = arith.minimumf %add3A_813, %min3A_818 : vector<16xf32>
        %mul3A_820 = arith.constant 2.000000e-01 : f32
        %mul3A_821 = vector.broadcast %mul3A_820 : f32 to vector<16xf32>
        %mul3A_822 = arith.mulf %mul3A_821, %min3A_819 : vector<16xf32>
        %add3A_823 = arith.addf %max3A_816, %mul3A_822 : vector<16xf32>
        %get3A_824 = arith.constant 160 : index
        %get3A_825 = tpu.vector_load %arg20[%get3A_824] {strides = array<i32>} : memref<192xf32, #tpu.memory_space<vmem>>, vector<16xf32>,
        %add3A_826 = arith.addf %get3A_825, %gather3A : vector<16xf32>
        %max3A_827 = arith.constant 0.000000e+00 : f32
        %max3A_828 = vector.broadcast %max3A_827 : f32 to vector<16xf32>
        %max3A_829 = arith.maximumf %add3A_826, %max3A_828 : vector<16xf32>
        %min3A_830 = arith.constant 0.000000e+00 : f32
        %min3A_831 = vector.broadcast %min3A_830 : f32 to vector<16xf32>
        %min3A_832 = arith.minimumf %add3A_826, %min3A_831 : vector<16xf32>
        %mul3A_833 = arith.constant 2.000000e-01 : f32
        %mul3A_834 = vector.broadcast %mul3A_833 : f32 to vector<16xf32>
        %mul3A_835 = arith.mulf %mul3A_834, %min3A_832 : vector<16xf32>
        %add3A_836 = arith.addf %max3A_829, %mul3A_835 : vector<16xf32>
        %sub3A_837 = arith.subf %add3A_823, %add3A_836 : vector<16xf32>
        %exp3A_838 = math.exp %sub3A_837 : vector<16xf32>
        %swap3A_839 = arith.constant 160 : index
        %swap3A_840 = tpu.vector_load %arg18[%swap3A_839] {strides = array<i32>} : memref<192xf32, #tpu.memory_space<vmem>>, vector<16xf32>,
        tpu.vector_store %arg18[%swap3A_839], %exp3A_838 {strides = array<i32>} : memref<192xf32, #tpu.memory_space<vmem>>, vector<16xf32>,
        %get3A_841 = arith.constant 176 : index
        %get3A_842 = tpu.vector_load %arg19[%get3A_841] {strides = array<i32>} : memref<192xf32, #tpu.memory_space<vmem>>, vector<16xf32>,
        %get3A_843 = arith.constant 176 : index
        %get3A_844 = tpu.vector_load %arg20[%get3A_843] {strides = array<i32>} : memref<192xf32, #tpu.memory_space<vmem>>, vector<16xf32>,
        %add3A_845 = arith.addf %get3A_842, %get3A_844 : vector<16xf32>
        %max3A_846 = arith.constant 0.000000e+00 : f32
        %max3A_847 = vector.broadcast %max3A_846 : f32 to vector<16xf32>
        %max3A_848 = arith.maximumf %add3A_845, %max3A_847 : vector<16xf32>
        %min3A_849 = arith.constant 0.000000e+00 : f32
        %min3A_850 = vector.broadcast %min3A_849 : f32 to vector<16xf32>
        %min3A_851 = arith.minimumf %add3A_845, %min3A_850 : vector<16xf32>
        %mul3A_852 = arith.constant 2.000000e-01 : f32
        %mul3A_853 = vector.broadcast %mul3A_852 : f32 to vector<16xf32>
        %mul3A_854 = arith.mulf %mul3A_853, %min3A_851 : vector<16xf32>
        %add3A_855 = arith.addf %max3A_848, %mul3A_854 : vector<16xf32>
        %get3A_856 = arith.constant 176 : index
        %get3A_857 = tpu.vector_load %arg20[%get3A_856] {strides = array<i32>} : memref<192xf32, #tpu.memory_space<vmem>>, vector<16xf32>,
        %add3A_858 = arith.addf %get3A_857, %gather3A : vector<16xf32>
        %max3A_859 = arith.constant 0.000000e+00 : f32
        %max3A_860 = vector.broadcast %max3A_859 : f32 to vector<16xf32>
        %max3A_861 = arith.maximumf %add3A_858, %max3A_860 : vector<16xf32>
        %min3A_862 = arith.constant 0.000000e+00 : f32
        %min3A_863 = vector.broadcast %min3A_862 : f32 to vector<16xf32>
        %min3A_864 = arith.minimumf %add3A_858, %min3A_863 : vector<16xf32>
        %mul3A_865 = arith.constant 2.000000e-01 : f32
        %mul3A_866 = vector.broadcast %mul3A_865 : f32 to vector<16xf32>
        %mul3A_867 = arith.mulf %mul3A_866, %min3A_864 : vector<16xf32>
        %add3A_868 = arith.addf %max3A_861, %mul3A_867 : vector<16xf32>
        %sub3A_869 = arith.subf %add3A_855, %add3A_868 : vector<16xf32>
        %exp3A_870 = math.exp %sub3A_869 : vector<16xf32>
        %swap3A_871 = arith.constant 176 : index
        %swap3A_872 = tpu.vector_load %arg18[%swap3A_871] {strides = array<i32>} : memref<192xf32, #tpu.memory_space<vmem>>, vector<16xf32>,
        tpu.vector_store %arg18[%swap3A_871], %exp3A_870 {strides = array<i32>} : memref<192xf32, #tpu.memory_space<vmem>>, vector<16xf32>,
        %dma_wait3A_873 = arith.constant 0 : i32
        %dma_wait3A_874 = arith.constant 0 : i32
        %dma_wait3A_875 = tpu.memref_slice %arg2[%dma_wait3A_873, %dma_wait3A_874] : memref<100000x256xf32, #tpu.memory_space<hbm>> -> memref<100000x256xf32, #tpu.memory_space<hbm>>
        tpu.wait_indirect_dma semaphore(%arg35 : memref<!tpu.dma_semaphore, #tpu.memory_space<semaphore_mem>>) src(%dma_wait3A_875 : memref<100000x256xf32, #tpu.memory_space<hbm>>) dst(%arg16 : memref<48x256xf32, #tpu.memory_space<vmem>>)
        %scan3A_876 = arith.constant 0 : i32
        %scan3A_877 = arith.constant 0 : i32
        %scan3A_878 = arith.constant 24 : i32
        %scan3A_879 = arith.addi %scan3A_877, %scan3A_878 : i32
        %scan3A_880 = arith.constant 1 : i32
        %scan3A_881 = scf.for %scan3A_894 = %scan3A_877 to %scan3A_879 step %scan3A_880 iter_args(%scan3A_895 = %scan3A_876) -> (i32)  : i32 {
          %mul3A_896 = arith.constant 2 : i32
          %mul3A_897 = arith.muli %mul3A_896, %scan3A_894 : i32
          %mul3A_898 = arith.constant 2 : i32
          %mul3A_899 = arith.muli %mul3A_898, %scan3A_894 : i32
          %add3A_900 = arith.constant 1 : i32
          %add3A_901 = arith.addi %mul3A_899, %add3A_900 : i32
          %mul3A_902 = arith.constant 4 : i32
          %mul3A_903 = arith.muli %mul3A_902, %mul3A_897 : i32
          %broadcast_in_dim3A_904 = vector.broadcast %mul3A_903 : i32 to vector<16xi32>
          %add3A_905 = arith.constant 0 : i32
          %add3A_906 = vector.broadcast %add3A_905 : i32 to vector<16xi32>
          %add3A_907 = arith.addi %broadcast_in_dim3A_904, %add3A_906 : vector<16xi32>
          %gather3A_908 = tpu.vector_load_idx %arg18[%add3A_907] : memref<192xf32, #tpu.memory_space<vmem>>[vector<16xi32>], vector<16xf32>,
          %add3A_909 = arith.constant 1 : i32
          %add3A_910 = vector.broadcast %add3A_909 : i32 to vector<16xi32>
          %add3A_911 = arith.addi %broadcast_in_dim3A_904, %add3A_910 : vector<16xi32>
          %gather3A_912 = tpu.vector_load_idx %arg18[%add3A_911] : memref<192xf32, #tpu.memory_space<vmem>>[vector<16xi32>], vector<16xf32>,
          %add3A_913 = arith.constant 2 : i32
          %add3A_914 = vector.broadcast %add3A_913 : i32 to vector<16xi32>
          %add3A_915 = arith.addi %broadcast_in_dim3A_904, %add3A_914 : vector<16xi32>
          %gather3A_916 = tpu.vector_load_idx %arg18[%add3A_915] : memref<192xf32, #tpu.memory_space<vmem>>[vector<16xi32>], vector<16xf32>,
          %add3A_917 = arith.constant 3 : i32
          %add3A_918 = vector.broadcast %add3A_917 : i32 to vector<16xi32>
          %add3A_919 = arith.addi %broadcast_in_dim3A_904, %add3A_918 : vector<16xi32>
          %gather3A_920 = tpu.vector_load_idx %arg18[%add3A_919] : memref<192xf32, #tpu.memory_space<vmem>>[vector<16xi32>], vector<16xf32>,
          %get3A_921 = arith.index_cast %mul3A_897 : i32 to index
          %get3A_922 = arith.constant 0 : index
          %get3A_923 = tpu.vector_load %arg16[%get3A_921, %get3A_922] {strides = array<i32>} : memref<48x256xf32, #tpu.memory_space<vmem>>, vector<16xf32>,
          %mul3A_924 = arith.mulf %get3A_923, %gather3A_908 : vector<16xf32>
          %swap3A_925 = arith.index_cast %mul3A_897 : i32 to index
          %swap3A_926 = arith.constant 0 : index
          %swap3A_927 = tpu.vector_load %arg17[%swap3A_925, %swap3A_926] {strides = array<i32>} : memref<48x256xf32, #tpu.memory_space<vmem>>, vector<16xf32>,
          tpu.vector_store %arg17[%swap3A_925, %swap3A_926], %mul3A_924 {strides = array<i32>} : memref<48x256xf32, #tpu.memory_space<vmem>>, vector<16xf32>,
          %get3A_928 = arith.index_cast %mul3A_897 : i32 to index
          %get3A_929 = arith.constant 16 : index
          %get3A_930 = tpu.vector_load %arg16[%get3A_928, %get3A_929] {strides = array<i32>} : memref<48x256xf32, #tpu.memory_space<vmem>>, vector<16xf32>,
          %mul3A_931 = arith.mulf %get3A_930, %gather3A_908 : vector<16xf32>
          %swap3A_932 = arith.index_cast %mul3A_897 : i32 to index
          %swap3A_933 = arith.constant 16 : index
          %swap3A_934 = tpu.vector_load %arg17[%swap3A_932, %swap3A_933] {strides = array<i32>} : memref<48x256xf32, #tpu.memory_space<vmem>>, vector<16xf32>,
          tpu.vector_store %arg17[%swap3A_932, %swap3A_933], %mul3A_931 {strides = array<i32>} : memref<48x256xf32, #tpu.memory_space<vmem>>, vector<16xf32>,
          %get3A_935 = arith.index_cast %mul3A_897 : i32 to index
          %get3A_936 = arith.constant 32 : index
          %get3A_937 = tpu.vector_load %arg16[%get3A_935, %get3A_936] {strides = array<i32>} : memref<48x256xf32, #tpu.memory_space<vmem>>, vector<16xf32>,
          %mul3A_938 = arith.mulf %get3A_937, %gather3A_908 : vector<16xf32>
          %swap3A_939 = arith.index_cast %mul3A_897 : i32 to index
          %swap3A_940 = arith.constant 32 : index
          %swap3A_941 = tpu.vector_load %arg17[%swap3A_939, %swap3A_940] {strides = array<i32>} : memref<48x256xf32, #tpu.memory_space<vmem>>, vector<16xf32>,
          tpu.vector_store %arg17[%swap3A_939, %swap3A_940], %mul3A_938 {strides = array<i32>} : memref<48x256xf32, #tpu.memory_space<vmem>>, vector<16xf32>,
          %get3A_942 = arith.index_cast %mul3A_897 : i32 to index
          %get3A_943 = arith.constant 48 : index
          %get3A_944 = tpu.vector_load %arg16[%get3A_942, %get3A_943] {strides = array<i32>} : memref<48x256xf32, #tpu.memory_space<vmem>>, vector<16xf32>,
          %mul3A_945 = arith.mulf %get3A_944, %gather3A_908 : vector<16xf32>
          %swap3A_946 = arith.index_cast %mul3A_897 : i32 to index
          %swap3A_947 = arith.constant 48 : index
          %swap3A_948 = tpu.vector_load %arg17[%swap3A_946, %swap3A_947] {strides = array<i32>} : memref<48x256xf32, #tpu.memory_space<vmem>>, vector<16xf32>,
          tpu.vector_store %arg17[%swap3A_946, %swap3A_947], %mul3A_945 {strides = array<i32>} : memref<48x256xf32, #tpu.memory_space<vmem>>, vector<16xf32>,
          %get3A_949 = arith.index_cast %mul3A_897 : i32 to index
          %get3A_950 = arith.constant 64 : index
          %get3A_951 = tpu.vector_load %arg16[%get3A_949, %get3A_950] {strides = array<i32>} : memref<48x256xf32, #tpu.memory_space<vmem>>, vector<16xf32>,
          %mul3A_952 = arith.mulf %get3A_951, %gather3A_912 : vector<16xf32>
          %swap3A_953 = arith.index_cast %mul3A_897 : i32 to index
          %swap3A_954 = arith.constant 64 : index
          %swap3A_955 = tpu.vector_load %arg17[%swap3A_953, %swap3A_954] {strides = array<i32>} : memref<48x256xf32, #tpu.memory_space<vmem>>, vector<16xf32>,
          tpu.vector_store %arg17[%swap3A_953, %swap3A_954], %mul3A_952 {strides = array<i32>} : memref<48x256xf32, #tpu.memory_space<vmem>>, vector<16xf32>,
          %get3A_956 = arith.index_cast %mul3A_897 : i32 to index
          %get3A_957 = arith.constant 80 : index
          %get3A_958 = tpu.vector_load %arg16[%get3A_956, %get3A_957] {strides = array<i32>} : memref<48x256xf32, #tpu.memory_space<vmem>>, vector<16xf32>,
          %mul3A_959 = arith.mulf %get3A_958, %gather3A_912 : vector<16xf32>
          %swap3A_960 = arith.index_cast %mul3A_897 : i32 to index
          %swap3A_961 = arith.constant 80 : index
          %swap3A_962 = tpu.vector_load %arg17[%swap3A_960, %swap3A_961] {strides = array<i32>} : memref<48x256xf32, #tpu.memory_space<vmem>>, vector<16xf32>,
          tpu.vector_store %arg17[%swap3A_960, %swap3A_961], %mul3A_959 {strides = array<i32>} : memref<48x256xf32, #tpu.memory_space<vmem>>, vector<16xf32>,
          %get3A_963 = arith.index_cast %mul3A_897 : i32 to index
          %get3A_964 = arith.constant 96 : index
          %get3A_965 = tpu.vector_load %arg16[%get3A_963, %get3A_964] {strides = array<i32>} : memref<48x256xf32, #tpu.memory_space<vmem>>, vector<16xf32>,
          %mul3A_966 = arith.mulf %get3A_965, %gather3A_912 : vector<16xf32>
          %swap3A_967 = arith.index_cast %mul3A_897 : i32 to index
          %swap3A_968 = arith.constant 96 : index
          %swap3A_969 = tpu.vector_load %arg17[%swap3A_967, %swap3A_968] {strides = array<i32>} : memref<48x256xf32, #tpu.memory_space<vmem>>, vector<16xf32>,
          tpu.vector_store %arg17[%swap3A_967, %swap3A_968], %mul3A_966 {strides = array<i32>} : memref<48x256xf32, #tpu.memory_space<vmem>>, vector<16xf32>,
          %get3A_970 = arith.index_cast %mul3A_897 : i32 to index
          %get3A_971 = arith.constant 112 : index
          %get3A_972 = tpu.vector_load %arg16[%get3A_970, %get3A_971] {strides = array<i32>} : memref<48x256xf32, #tpu.memory_space<vmem>>, vector<16xf32>,
          %mul3A_973 = arith.mulf %get3A_972, %gather3A_912 : vector<16xf32>
          %swap3A_974 = arith.index_cast %mul3A_897 : i32 to index
          %swap3A_975 = arith.constant 112 : index
          %swap3A_976 = tpu.vector_load %arg17[%swap3A_974, %swap3A_975] {strides = array<i32>} : memref<48x256xf32, #tpu.memory_space<vmem>>, vector<16xf32>,
          tpu.vector_store %arg17[%swap3A_974, %swap3A_975], %mul3A_973 {strides = array<i32>} : memref<48x256xf32, #tpu.memory_space<vmem>>, vector<16xf32>,
          %get3A_977 = arith.index_cast %mul3A_897 : i32 to index
          %get3A_978 = arith.constant 128 : index
          %get3A_979 = tpu.vector_load %arg16[%get3A_977, %get3A_978] {strides = array<i32>} : memref<48x256xf32, #tpu.memory_space<vmem>>, vector<16xf32>,
          %mul3A_980 = arith.mulf %get3A_979, %gather3A_916 : vector<16xf32>
          %swap3A_981 = arith.index_cast %mul3A_897 : i32 to index
          %swap3A_982 = arith.constant 128 : index
          %swap3A_983 = tpu.vector_load %arg17[%swap3A_981, %swap3A_982] {strides = array<i32>} : memref<48x256xf32, #tpu.memory_space<vmem>>, vector<16xf32>,
          tpu.vector_store %arg17[%swap3A_981, %swap3A_982], %mul3A_980 {strides = array<i32>} : memref<48x256xf32, #tpu.memory_space<vmem>>, vector<16xf32>,
          %get3A_984 = arith.index_cast %mul3A_897 : i32 to index
          %get3A_985 = arith.constant 144 : index
          %get3A_986 = tpu.vector_load %arg16[%get3A_984, %get3A_985] {strides = array<i32>} : memref<48x256xf32, #tpu.memory_space<vmem>>, vector<16xf32>,
          %mul3A_987 = arith.mulf %get3A_986, %gather3A_916 : vector<16xf32>
          %swap3A_988 = arith.index_cast %mul3A_897 : i32 to index
          %swap3A_989 = arith.constant 144 : index
          %swap3A_990 = tpu.vector_load %arg17[%swap3A_988, %swap3A_989] {strides = array<i32>} : memref<48x256xf32, #tpu.memory_space<vmem>>, vector<16xf32>,
          tpu.vector_store %arg17[%swap3A_988, %swap3A_989], %mul3A_987 {strides = array<i32>} : memref<48x256xf32, #tpu.memory_space<vmem>>, vector<16xf32>,
          %get3A_991 = arith.index_cast %mul3A_897 : i32 to index
          %get3A_992 = arith.constant 160 : index
          %get3A_993 = tpu.vector_load %arg16[%get3A_991, %get3A_992] {strides = array<i32>} : memref<48x256xf32, #tpu.memory_space<vmem>>, vector<16xf32>,
          %mul3A_994 = arith.mulf %get3A_993, %gather3A_916 : vector<16xf32>
          %swap3A_995 = arith.index_cast %mul3A_897 : i32 to index
          %swap3A_996 = arith.constant 160 : index
          %swap3A_997 = tpu.vector_load %arg17[%swap3A_995, %swap3A_996] {strides = array<i32>} : memref<48x256xf32, #tpu.memory_space<vmem>>, vector<16xf32>,
          tpu.vector_store %arg17[%swap3A_995, %swap3A_996], %mul3A_994 {strides = array<i32>} : memref<48x256xf32, #tpu.memory_space<vmem>>, vector<16xf32>,
          %get3A_998 = arith.index_cast %mul3A_897 : i32 to index
          %get3A_999 = arith.constant 176 : index
          %get3A_1000 = tpu.vector_load %arg16[%get3A_998, %get3A_999] {strides = array<i32>} : memref<48x256xf32, #tpu.memory_space<vmem>>, vector<16xf32>,
          %mul3A_1001 = arith.mulf %get3A_1000, %gather3A_916 : vector<16xf32>
          %swap3A_1002 = arith.index_cast %mul3A_897 : i32 to index
          %swap3A_1003 = arith.constant 176 : index
          %swap3A_1004 = tpu.vector_load %arg17[%swap3A_1002, %swap3A_1003] {strides = array<i32>} : memref<48x256xf32, #tpu.memory_space<vmem>>, vector<16xf32>,
          tpu.vector_store %arg17[%swap3A_1002, %swap3A_1003], %mul3A_1001 {strides = array<i32>} : memref<48x256xf32, #tpu.memory_space<vmem>>, vector<16xf32>,
          %get3A_1005 = arith.index_cast %mul3A_897 : i32 to index
          %get3A_1006 = arith.constant 192 : index
          %get3A_1007 = tpu.vector_load %arg16[%get3A_1005, %get3A_1006] {strides = array<i32>} : memref<48x256xf32, #tpu.memory_space<vmem>>, vector<16xf32>,
          %mul3A_1008 = arith.mulf %get3A_1007, %gather3A_920 : vector<16xf32>
          %swap3A_1009 = arith.index_cast %mul3A_897 : i32 to index
          %swap3A_1010 = arith.constant 192 : index
          %swap3A_1011 = tpu.vector_load %arg17[%swap3A_1009, %swap3A_1010] {strides = array<i32>} : memref<48x256xf32, #tpu.memory_space<vmem>>, vector<16xf32>,
          tpu.vector_store %arg17[%swap3A_1009, %swap3A_1010], %mul3A_1008 {strides = array<i32>} : memref<48x256xf32, #tpu.memory_space<vmem>>, vector<16xf32>,
          %get3A_1012 = arith.index_cast %mul3A_897 : i32 to index
          %get3A_1013 = arith.constant 208 : index
          %get3A_1014 = tpu.vector_load %arg16[%get3A_1012, %get3A_1013] {strides = array<i32>} : memref<48x256xf32, #tpu.memory_space<vmem>>, vector<16xf32>,
          %mul3A_1015 = arith.mulf %get3A_1014, %gather3A_920 : vector<16xf32>
          %swap3A_1016 = arith.index_cast %mul3A_897 : i32 to index
          %swap3A_1017 = arith.constant 208 : index
          %swap3A_1018 = tpu.vector_load %arg17[%swap3A_1016, %swap3A_1017] {strides = array<i32>} : memref<48x256xf32, #tpu.memory_space<vmem>>, vector<16xf32>,
          tpu.vector_store %arg17[%swap3A_1016, %swap3A_1017], %mul3A_1015 {strides = array<i32>} : memref<48x256xf32, #tpu.memory_space<vmem>>, vector<16xf32>,
          %get3A_1019 = arith.index_cast %mul3A_897 : i32 to index
          %get3A_1020 = arith.constant 224 : index
          %get3A_1021 = tpu.vector_load %arg16[%get3A_1019, %get3A_1020] {strides = array<i32>} : memref<48x256xf32, #tpu.memory_space<vmem>>, vector<16xf32>,
          %mul3A_1022 = arith.mulf %get3A_1021, %gather3A_920 : vector<16xf32>
          %swap3A_1023 = arith.index_cast %mul3A_897 : i32 to index
          %swap3A_1024 = arith.constant 224 : index
          %swap3A_1025 = tpu.vector_load %arg17[%swap3A_1023, %swap3A_1024] {strides = array<i32>} : memref<48x256xf32, #tpu.memory_space<vmem>>, vector<16xf32>,
          tpu.vector_store %arg17[%swap3A_1023, %swap3A_1024], %mul3A_1022 {strides = array<i32>} : memref<48x256xf32, #tpu.memory_space<vmem>>, vector<16xf32>,
          %get3A_1026 = arith.index_cast %mul3A_897 : i32 to index
          %get3A_1027 = arith.constant 240 : index
          %get3A_1028 = tpu.vector_load %arg16[%get3A_1026, %get3A_1027] {strides = array<i32>} : memref<48x256xf32, #tpu.memory_space<vmem>>, vector<16xf32>,
          %mul3A_1029 = arith.mulf %get3A_1028, %gather3A_920 : vector<16xf32>
          %swap3A_1030 = arith.index_cast %mul3A_897 : i32 to index
          %swap3A_1031 = arith.constant 240 : index
          %swap3A_1032 = tpu.vector_load %arg17[%swap3A_1030, %swap3A_1031] {strides = array<i32>} : memref<48x256xf32, #tpu.memory_space<vmem>>, vector<16xf32>,
          tpu.vector_store %arg17[%swap3A_1030, %swap3A_1031], %mul3A_1029 {strides = array<i32>} : memref<48x256xf32, #tpu.memory_space<vmem>>, vector<16xf32>,
          %mul3A_1033 = arith.constant 4 : i32
          %mul3A_1034 = arith.muli %mul3A_1033, %add3A_901 : i32
          %broadcast_in_dim3A_1035 = vector.broadcast %mul3A_1034 : i32 to vector<16xi32>
          %add3A_1036 = arith.constant 0 : i32
          %add3A_1037 = vector.broadcast %add3A_1036 : i32 to vector<16xi32>
          %add3A_1038 = arith.addi %broadcast_in_dim3A_1035, %add3A_1037 : vector<16xi32>
          %gather3A_1039 = tpu.vector_load_idx %arg18[%add3A_1038] : memref<192xf32, #tpu.memory_space<vmem>>[vector<16xi32>], vector<16xf32>,
          %add3A_1040 = arith.constant 1 : i32
          %add3A_1041 = vector.broadcast %add3A_1040 : i32 to vector<16xi32>
          %add3A_1042 = arith.addi %broadcast_in_dim3A_1035, %add3A_1041 : vector<16xi32>
          %gather3A_1043 = tpu.vector_load_idx %arg18[%add3A_1042] : memref<192xf32, #tpu.memory_space<vmem>>[vector<16xi32>], vector<16xf32>,
          %add3A_1044 = arith.constant 2 : i32
          %add3A_1045 = vector.broadcast %add3A_1044 : i32 to vector<16xi32>
          %add3A_1046 = arith.addi %broadcast_in_dim3A_1035, %add3A_1045 : vector<16xi32>
          %gather3A_1047 = tpu.vector_load_idx %arg18[%add3A_1046] : memref<192xf32, #tpu.memory_space<vmem>>[vector<16xi32>], vector<16xf32>,
          %add3A_1048 = arith.constant 3 : i32
          %add3A_1049 = vector.broadcast %add3A_1048 : i32 to vector<16xi32>
          %add3A_1050 = arith.addi %broadcast_in_dim3A_1035, %add3A_1049 : vector<16xi32>
          %gather3A_1051 = tpu.vector_load_idx %arg18[%add3A_1050] : memref<192xf32, #tpu.memory_space<vmem>>[vector<16xi32>], vector<16xf32>,
          %get3A_1052 = arith.index_cast %add3A_901 : i32 to index
          %get3A_1053 = arith.constant 0 : index
          %get3A_1054 = tpu.vector_load %arg16[%get3A_1052, %get3A_1053] {strides = array<i32>} : memref<48x256xf32, #tpu.memory_space<vmem>>, vector<16xf32>,
          %mul3A_1055 = arith.mulf %get3A_1054, %gather3A_1039 : vector<16xf32>
          %swap3A_1056 = arith.index_cast %add3A_901 : i32 to index
          %swap3A_1057 = arith.constant 0 : index
          %swap3A_1058 = tpu.vector_load %arg17[%swap3A_1056, %swap3A_1057] {strides = array<i32>} : memref<48x256xf32, #tpu.memory_space<vmem>>, vector<16xf32>,
          tpu.vector_store %arg17[%swap3A_1056, %swap3A_1057], %mul3A_1055 {strides = array<i32>} : memref<48x256xf32, #tpu.memory_space<vmem>>, vector<16xf32>,
          %get3A_1059 = arith.index_cast %add3A_901 : i32 to index
          %get3A_1060 = arith.constant 16 : index
          %get3A_1061 = tpu.vector_load %arg16[%get3A_1059, %get3A_1060] {strides = array<i32>} : memref<48x256xf32, #tpu.memory_space<vmem>>, vector<16xf32>,
          %mul3A_1062 = arith.mulf %get3A_1061, %gather3A_1039 : vector<16xf32>
          %swap3A_1063 = arith.index_cast %add3A_901 : i32 to index
          %swap3A_1064 = arith.constant 16 : index
          %swap3A_1065 = tpu.vector_load %arg17[%swap3A_1063, %swap3A_1064] {strides = array<i32>} : memref<48x256xf32, #tpu.memory_space<vmem>>, vector<16xf32>,
          tpu.vector_store %arg17[%swap3A_1063, %swap3A_1064], %mul3A_1062 {strides = array<i32>} : memref<48x256xf32, #tpu.memory_space<vmem>>, vector<16xf32>,
          %get3A_1066 = arith.index_cast %add3A_901 : i32 to index
          %get3A_1067 = arith.constant 32 : index
          %get3A_1068 = tpu.vector_load %arg16[%get3A_1066, %get3A_1067] {strides = array<i32>} : memref<48x256xf32, #tpu.memory_space<vmem>>, vector<16xf32>,
          %mul3A_1069 = arith.mulf %get3A_1068, %gather3A_1039 : vector<16xf32>
          %swap3A_1070 = arith.index_cast %add3A_901 : i32 to index
          %swap3A_1071 = arith.constant 32 : index
          %swap3A_1072 = tpu.vector_load %arg17[%swap3A_1070, %swap3A_1071] {strides = array<i32>} : memref<48x256xf32, #tpu.memory_space<vmem>>, vector<16xf32>,
          tpu.vector_store %arg17[%swap3A_1070, %swap3A_1071], %mul3A_1069 {strides = array<i32>} : memref<48x256xf32, #tpu.memory_space<vmem>>, vector<16xf32>,
          %get3A_1073 = arith.index_cast %add3A_901 : i32 to index
          %get3A_1074 = arith.constant 48 : index
          %get3A_1075 = tpu.vector_load %arg16[%get3A_1073, %get3A_1074] {strides = array<i32>} : memref<48x256xf32, #tpu.memory_space<vmem>>, vector<16xf32>,
          %mul3A_1076 = arith.mulf %get3A_1075, %gather3A_1039 : vector<16xf32>
          %swap3A_1077 = arith.index_cast %add3A_901 : i32 to index
          %swap3A_1078 = arith.constant 48 : index
          %swap3A_1079 = tpu.vector_load %arg17[%swap3A_1077, %swap3A_1078] {strides = array<i32>} : memref<48x256xf32, #tpu.memory_space<vmem>>, vector<16xf32>,
          tpu.vector_store %arg17[%swap3A_1077, %swap3A_1078], %mul3A_1076 {strides = array<i32>} : memref<48x256xf32, #tpu.memory_space<vmem>>, vector<16xf32>,
          %get3A_1080 = arith.index_cast %add3A_901 : i32 to index
          %get3A_1081 = arith.constant 64 : index
          %get3A_1082 = tpu.vector_load %arg16[%get3A_1080, %get3A_1081] {strides = array<i32>} : memref<48x256xf32, #tpu.memory_space<vmem>>, vector<16xf32>,
          %mul3A_1083 = arith.mulf %get3A_1082, %gather3A_1043 : vector<16xf32>
          %swap3A_1084 = arith.index_cast %add3A_901 : i32 to index
          %swap3A_1085 = arith.constant 64 : index
          %swap3A_1086 = tpu.vector_load %arg17[%swap3A_1084, %swap3A_1085] {strides = array<i32>} : memref<48x256xf32, #tpu.memory_space<vmem>>, vector<16xf32>,
          tpu.vector_store %arg17[%swap3A_1084, %swap3A_1085], %mul3A_1083 {strides = array<i32>} : memref<48x256xf32, #tpu.memory_space<vmem>>, vector<16xf32>,
          %get3A_1087 = arith.index_cast %add3A_901 : i32 to index
          %get3A_1088 = arith.constant 80 : index
          %get3A_1089 = tpu.vector_load %arg16[%get3A_1087, %get3A_1088] {strides = array<i32>} : memref<48x256xf32, #tpu.memory_space<vmem>>, vector<16xf32>,
          %mul3A_1090 = arith.mulf %get3A_1089, %gather3A_1043 : vector<16xf32>
          %swap3A_1091 = arith.index_cast %add3A_901 : i32 to index
          %swap3A_1092 = arith.constant 80 : index
          %swap3A_1093 = tpu.vector_load %arg17[%swap3A_1091, %swap3A_1092] {strides = array<i32>} : memref<48x256xf32, #tpu.memory_space<vmem>>, vector<16xf32>,
          tpu.vector_store %arg17[%swap3A_1091, %swap3A_1092], %mul3A_1090 {strides = array<i32>} : memref<48x256xf32, #tpu.memory_space<vmem>>, vector<16xf32>,
          %get3A_1094 = arith.index_cast %add3A_901 : i32 to index
          %get3A_1095 = arith.constant 96 : index
          %get3A_1096 = tpu.vector_load %arg16[%get3A_1094, %get3A_1095] {strides = array<i32>} : memref<48x256xf32, #tpu.memory_space<vmem>>, vector<16xf32>,
          %mul3A_1097 = arith.mulf %get3A_1096, %gather3A_1043 : vector<16xf32>
          %swap3A_1098 = arith.index_cast %add3A_901 : i32 to index
          %swap3A_1099 = arith.constant 96 : index
          %swap3A_1100 = tpu.vector_load %arg17[%swap3A_1098, %swap3A_1099] {strides = array<i32>} : memref<48x256xf32, #tpu.memory_space<vmem>>, vector<16xf32>,
          tpu.vector_store %arg17[%swap3A_1098, %swap3A_1099], %mul3A_1097 {strides = array<i32>} : memref<48x256xf32, #tpu.memory_space<vmem>>, vector<16xf32>,
          %get3A_1101 = arith.index_cast %add3A_901 : i32 to index
          %get3A_1102 = arith.constant 112 : index
          %get3A_1103 = tpu.vector_load %arg16[%get3A_1101, %get3A_1102] {strides = array<i32>} : memref<48x256xf32, #tpu.memory_space<vmem>>, vector<16xf32>,
          %mul3A_1104 = arith.mulf %get3A_1103, %gather3A_1043 : vector<16xf32>
          %swap3A_1105 = arith.index_cast %add3A_901 : i32 to index
          %swap3A_1106 = arith.constant 112 : index
          %swap3A_1107 = tpu.vector_load %arg17[%swap3A_1105, %swap3A_1106] {strides = array<i32>} : memref<48x256xf32, #tpu.memory_space<vmem>>, vector<16xf32>,
          tpu.vector_store %arg17[%swap3A_1105, %swap3A_1106], %mul3A_1104 {strides = array<i32>} : memref<48x256xf32, #tpu.memory_space<vmem>>, vector<16xf32>,
          %get3A_1108 = arith.index_cast %add3A_901 : i32 to index
          %get3A_1109 = arith.constant 128 : index
          %get3A_1110 = tpu.vector_load %arg16[%get3A_1108, %get3A_1109] {strides = array<i32>} : memref<48x256xf32, #tpu.memory_space<vmem>>, vector<16xf32>,
          %mul3A_1111 = arith.mulf %get3A_1110, %gather3A_1047 : vector<16xf32>
          %swap3A_1112 = arith.index_cast %add3A_901 : i32 to index
          %swap3A_1113 = arith.constant 128 : index
          %swap3A_1114 = tpu.vector_load %arg17[%swap3A_1112, %swap3A_1113] {strides = array<i32>} : memref<48x256xf32, #tpu.memory_space<vmem>>, vector<16xf32>,
          tpu.vector_store %arg17[%swap3A_1112, %swap3A_1113], %mul3A_1111 {strides = array<i32>} : memref<48x256xf32, #tpu.memory_space<vmem>>, vector<16xf32>,
          %get3A_1115 = arith.index_cast %add3A_901 : i32 to index
          %get3A_1116 = arith.constant 144 : index
          %get3A_1117 = tpu.vector_load %arg16[%get3A_1115, %get3A_1116] {strides = array<i32>} : memref<48x256xf32, #tpu.memory_space<vmem>>, vector<16xf32>,
          %mul3A_1118 = arith.mulf %get3A_1117, %gather3A_1047 : vector<16xf32>
          %swap3A_1119 = arith.index_cast %add3A_901 : i32 to index
          %swap3A_1120 = arith.constant 144 : index
          %swap3A_1121 = tpu.vector_load %arg17[%swap3A_1119, %swap3A_1120] {strides = array<i32>} : memref<48x256xf32, #tpu.memory_space<vmem>>, vector<16xf32>,
          tpu.vector_store %arg17[%swap3A_1119, %swap3A_1120], %mul3A_1118 {strides = array<i32>} : memref<48x256xf32, #tpu.memory_space<vmem>>, vector<16xf32>,
          %get3A_1122 = arith.index_cast %add3A_901 : i32 to index
          %get3A_1123 = arith.constant 160 : index
          %get3A_1124 = tpu.vector_load %arg16[%get3A_1122, %get3A_1123] {strides = array<i32>} : memref<48x256xf32, #tpu.memory_space<vmem>>, vector<16xf32>,
          %mul3A_1125 = arith.mulf %get3A_1124, %gather3A_1047 : vector<16xf32>
          %swap3A_1126 = arith.index_cast %add3A_901 : i32 to index
          %swap3A_1127 = arith.constant 160 : index
          %swap3A_1128 = tpu.vector_load %arg17[%swap3A_1126, %swap3A_1127] {strides = array<i32>} : memref<48x256xf32, #tpu.memory_space<vmem>>, vector<16xf32>,
          tpu.vector_store %arg17[%swap3A_1126, %swap3A_1127], %mul3A_1125 {strides = array<i32>} : memref<48x256xf32, #tpu.memory_space<vmem>>, vector<16xf32>,
          %get3A_1129 = arith.index_cast %add3A_901 : i32 to index
          %get3A_1130 = arith.constant 176 : index
          %get3A_1131 = tpu.vector_load %arg16[%get3A_1129, %get3A_1130] {strides = array<i32>} : memref<48x256xf32, #tpu.memory_space<vmem>>, vector<16xf32>,
          %mul3A_1132 = arith.mulf %get3A_1131, %gather3A_1047 : vector<16xf32>
          %swap3A_1133 = arith.index_cast %add3A_901 : i32 to index
          %swap3A_1134 = arith.constant 176 : index
          %swap3A_1135 = tpu.vector_load %arg17[%swap3A_1133, %swap3A_1134] {strides = array<i32>} : memref<48x256xf32, #tpu.memory_space<vmem>>, vector<16xf32>,
          tpu.vector_store %arg17[%swap3A_1133, %swap3A_1134], %mul3A_1132 {strides = array<i32>} : memref<48x256xf32, #tpu.memory_space<vmem>>, vector<16xf32>,
          %get3A_1136 = arith.index_cast %add3A_901 : i32 to index
          %get3A_1137 = arith.constant 192 : index
          %get3A_1138 = tpu.vector_load %arg16[%get3A_1136, %get3A_1137] {strides = array<i32>} : memref<48x256xf32, #tpu.memory_space<vmem>>, vector<16xf32>,
          %mul3A_1139 = arith.mulf %get3A_1138, %gather3A_1051 : vector<16xf32>
          %swap3A_1140 = arith.index_cast %add3A_901 : i32 to index
          %swap3A_1141 = arith.constant 192 : index
          %swap3A_1142 = tpu.vector_load %arg17[%swap3A_1140, %swap3A_1141] {strides = array<i32>} : memref<48x256xf32, #tpu.memory_space<vmem>>, vector<16xf32>,
          tpu.vector_store %arg17[%swap3A_1140, %swap3A_1141], %mul3A_1139 {strides = array<i32>} : memref<48x256xf32, #tpu.memory_space<vmem>>, vector<16xf32>,
          %get3A_1143 = arith.index_cast %add3A_901 : i32 to index
          %get3A_1144 = arith.constant 208 : index
          %get3A_1145 = tpu.vector_load %arg16[%get3A_1143, %get3A_1144] {strides = array<i32>} : memref<48x256xf32, #tpu.memory_space<vmem>>, vector<16xf32>,
          %mul3A_1146 = arith.mulf %get3A_1145, %gather3A_1051 : vector<16xf32>
          %swap3A_1147 = arith.index_cast %add3A_901 : i32 to index
          %swap3A_1148 = arith.constant 208 : index
          %swap3A_1149 = tpu.vector_load %arg17[%swap3A_1147, %swap3A_1148] {strides = array<i32>} : memref<48x256xf32, #tpu.memory_space<vmem>>, vector<16xf32>,
          tpu.vector_store %arg17[%swap3A_1147, %swap3A_1148], %mul3A_1146 {strides = array<i32>} : memref<48x256xf32, #tpu.memory_space<vmem>>, vector<16xf32>,
          %get3A_1150 = arith.index_cast %add3A_901 : i32 to index
          %get3A_1151 = arith.constant 224 : index
          %get3A_1152 = tpu.vector_load %arg16[%get3A_1150, %get3A_1151] {strides = array<i32>} : memref<48x256xf32, #tpu.memory_space<vmem>>, vector<16xf32>,
          %mul3A_1153 = arith.mulf %get3A_1152, %gather3A_1051 : vector<16xf32>
          %swap3A_1154 = arith.index_cast %add3A_901 : i32 to index
          %swap3A_1155 = arith.constant 224 : index
          %swap3A_1156 = tpu.vector_load %arg17[%swap3A_1154, %swap3A_1155] {strides = array<i32>} : memref<48x256xf32, #tpu.memory_space<vmem>>, vector<16xf32>,
          tpu.vector_store %arg17[%swap3A_1154, %swap3A_1155], %mul3A_1153 {strides = array<i32>} : memref<48x256xf32, #tpu.memory_space<vmem>>, vector<16xf32>,
          %get3A_1157 = arith.index_cast %add3A_901 : i32 to index
          %get3A_1158 = arith.constant 240 : index
          %get3A_1159 = tpu.vector_load %arg16[%get3A_1157, %get3A_1158] {strides = array<i32>} : memref<48x256xf32, #tpu.memory_space<vmem>>, vector<16xf32>,
          %mul3A_1160 = arith.mulf %get3A_1159, %gather3A_1051 : vector<16xf32>
          %swap3A_1161 = arith.index_cast %add3A_901 : i32 to index
          %swap3A_1162 = arith.constant 240 : index
          %swap3A_1163 = tpu.vector_load %arg17[%swap3A_1161, %swap3A_1162] {strides = array<i32>} : memref<48x256xf32, #tpu.memory_space<vmem>>, vector<16xf32>,
          tpu.vector_store %arg17[%swap3A_1161, %swap3A_1162], %mul3A_1160 {strides = array<i32>} : memref<48x256xf32, #tpu.memory_space<vmem>>, vector<16xf32>,
          %scan3A_1164 = arith.constant 0 : i32
          scf.yield %scan3A_1164 : i32
        }
        %scan3A_882 = arith.constant 24 : i32
        %add3A_883 = arith.addi %mul3A_2, %mul3A_114 : i32
        %multiple_of3A_884 = tpu.assume_multiple %add3A_883, 8 : i32
        "tpu.region"() ({
          %run_scoped3A = tpu.sem_alloc : memref<!tpu.dma_semaphore, #tpu.memory_space<semaphore_mem>>
          %dma_start3A_894 = arith.constant 0 : i32
          %dma_start3A_895 = tpu.memref_slice %arg9[%multiple_of3A_884, %dma_start3A_894] : memref<201736x256xf32, #tpu.memory_space<hbm>> -> memref<48x256xf32, #tpu.memory_space<hbm>>
          %dma_start3A_896 = arith.constant 0 : i32
          %dma_start3A_897 = tpu.memref_slice %arg9[%multiple_of3A_884, %dma_start3A_896] : memref<201736x256xf32, #tpu.memory_space<hbm>> -> memref<48x256xf32, #tpu.memory_space<hbm>>
          tpu.enqueue_dma source(%arg17 : memref<48x256xf32, #tpu.memory_space<vmem>>) target(%dma_start3A_897 : memref<48x256xf32, #tpu.memory_space<hbm>>) target_semaphore(%run_scoped3A : memref<!tpu.dma_semaphore, #tpu.memory_space<semaphore_mem>>)
          %dma_wait3A_898 = arith.constant 0 : i32
          %dma_wait3A_899 = tpu.memref_slice %arg9[%multiple_of3A_884, %dma_wait3A_898] : memref<201736x256xf32, #tpu.memory_space<hbm>> -> memref<48x256xf32, #tpu.memory_space<hbm>>
          %dma_wait3A_900 = arith.constant 0 : i32
          %dma_wait3A_901 = tpu.memref_slice %arg9[%multiple_of3A_884, %dma_wait3A_900] : memref<201736x256xf32, #tpu.memory_space<hbm>> -> memref<48x256xf32, #tpu.memory_space<hbm>>
          tpu.wait_dma2 semaphore(%run_scoped3A : memref<!tpu.dma_semaphore, #tpu.memory_space<semaphore_mem>>) src(%arg17 : memref<48x256xf32, #tpu.memory_space<vmem>>) dst(%dma_wait3A_901 : memref<48x256xf32, #tpu.memory_space<hbm>>)
          tpu.yield
        }) : () -> ()
        %add3A_885 = arith.addi %mul3A_2, %mul3A_114 : i32
        %mul3A_886 = arith.constant 4 : i32
        %mul3A_887 = arith.muli %mul3A_886, %add3A_885 : i32
        %multiple_of3A_888 = tpu.assume_multiple %mul3A_887, 8 : i32
        "tpu.region"() ({
          %run_scoped3A = tpu.sem_alloc : memref<!tpu.dma_semaphore, #tpu.memory_space<semaphore_mem>>
          %dma_start3A_894 = tpu.memref_slice %arg10[%multiple_of3A_888] : memref<806944xf32, #tpu.memory_space<hbm>> -> memref<192xf32, #tpu.memory_space<hbm>>
          %dma_start3A_895 = tpu.memref_slice %arg10[%multiple_of3A_888] : memref<806944xf32, #tpu.memory_space<hbm>> -> memref<192xf32, #tpu.memory_space<hbm>>
          tpu.enqueue_dma source(%arg18 : memref<192xf32, #tpu.memory_space<vmem>>) target(%dma_start3A_895 : memref<192xf32, #tpu.memory_space<hbm>>) target_semaphore(%run_scoped3A : memref<!tpu.dma_semaphore, #tpu.memory_space<semaphore_mem>>)
          %dma_wait3A_896 = tpu.memref_slice %arg10[%multiple_of3A_888] : memref<806944xf32, #tpu.memory_space<hbm>> -> memref<192xf32, #tpu.memory_space<hbm>>
          %dma_wait3A_897 = tpu.memref_slice %arg10[%multiple_of3A_888] : memref<806944xf32, #tpu.memory_space<hbm>> -> memref<192xf32, #tpu.memory_space<hbm>>
          tpu.wait_dma2 semaphore(%run_scoped3A : memref<!tpu.dma_semaphore, #tpu.memory_space<semaphore_mem>>) src(%arg18 : memref<192xf32, #tpu.memory_space<vmem>>) dst(%dma_wait3A_897 : memref<192xf32, #tpu.memory_space<hbm>>)
          tpu.yield
        }) : () -> ()
        %mul3A_889 = arith.constant 6768 : i32
        %mul3A_890 = arith.muli %arg1, %mul3A_889 : i32
        %add3A_891 = arith.addi %mul3A_890, %mul3A_114 : i32
        %multiple_of3A_892 = tpu.assume_multiple %add3A_891, 8 : i32
        "tpu.region"() ({
          %run_scoped3A = tpu.sem_alloc : memref<!tpu.dma_semaphore, #tpu.memory_space<semaphore_mem>>
          %dma_start3A_894 = tpu.memref_slice %arg33[%multiple_of3A_892] : memref<108288xi32, #tpu.memory_space<vmem_shared>> -> memref<48xi32, #tpu.memory_space<vmem_shared>>
          %dma_start3A_895 = tpu.memref_slice %arg33[%multiple_of3A_892] : memref<108288xi32, #tpu.memory_space<vmem_shared>> -> memref<48xi32, #tpu.memory_space<vmem_shared>>
          tpu.enqueue_dma source(%arg15 : memref<48xi32, #tpu.memory_space<vmem>>) target(%dma_start3A_895 : memref<48xi32, #tpu.memory_space<vmem_shared>>) target_semaphore(%run_scoped3A : memref<!tpu.dma_semaphore, #tpu.memory_space<semaphore_mem>>)
          %dma_wait3A_896 = tpu.memref_slice %arg33[%multiple_of3A_892] : memref<108288xi32, #tpu.memory_space<vmem_shared>> -> memref<48xi32, #tpu.memory_space<vmem_shared>>
          %dma_wait3A_897 = tpu.memref_slice %arg33[%multiple_of3A_892] : memref<108288xi32, #tpu.memory_space<vmem_shared>> -> memref<48xi32, #tpu.memory_space<vmem_shared>>
          tpu.wait_dma2 semaphore(%run_scoped3A : memref<!tpu.dma_semaphore, #tpu.memory_space<semaphore_mem>>) src(%arg15 : memref<48xi32, #tpu.memory_space<vmem>>) dst(%dma_wait3A_897 : memref<48xi32, #tpu.memory_space<vmem_shared>>)
          tpu.yield
        }) : () -> ()
        %while3A_893 = arith.constant 0 : i32
        scf.yield %while3A_893 : i32
      }
      %broadcast_in_dim3A_80 = vector.broadcast %scan3A_34 : i32 to vector<16xi32>
      %swap3A_81 = arith.constant 0 : index
      %swap3A_82 = tpu.vector_load %arg24[%swap3A_81] {strides = array<i32>} : memref<16xi32, #tpu.memory_space<vmem>>, vector<16xi32>,
      tpu.vector_store %arg24[%swap3A_81], %broadcast_in_dim3A_80 {strides = array<i32>} : memref<16xi32, #tpu.memory_space<vmem>>, vector<16xi32>,
      %mul3A_83 = arith.constant 16 : i32
      %mul3A_84 = arith.muli %arg1, %mul3A_83 : i32
      %multiple_of3A_85 = tpu.assume_multiple %mul3A_84, 8 : i32
      "tpu.region"() ({
        %run_scoped3A = tpu.sem_alloc : memref<!tpu.dma_semaphore, #tpu.memory_space<semaphore_mem>>
        %dma_start3A = tpu.memref_slice %arg34[%multiple_of3A_85] : memref<256xi32, #tpu.memory_space<vmem_shared>> -> memref<16xi32, #tpu.memory_space<vmem_shared>>
        %dma_start3A_111 = tpu.memref_slice %arg34[%multiple_of3A_85] : memref<256xi32, #tpu.memory_space<vmem_shared>> -> memref<16xi32, #tpu.memory_space<vmem_shared>>
        tpu.enqueue_dma source(%arg24 : memref<16xi32, #tpu.memory_space<vmem>>) target(%dma_start3A_111 : memref<16xi32, #tpu.memory_space<vmem_shared>>) target_semaphore(%run_scoped3A : memref<!tpu.dma_semaphore, #tpu.memory_space<semaphore_mem>>)
        %dma_wait3A = tpu.memref_slice %arg34[%multiple_of3A_85] : memref<256xi32, #tpu.memory_space<vmem_shared>> -> memref<16xi32, #tpu.memory_space<vmem_shared>>
        %dma_wait3A_112 = tpu.memref_slice %arg34[%multiple_of3A_85] : memref<256xi32, #tpu.memory_space<vmem_shared>> -> memref<16xi32, #tpu.memory_space<vmem_shared>>
        tpu.wait_dma2 semaphore(%run_scoped3A : memref<!tpu.dma_semaphore, #tpu.memory_space<semaphore_mem>>) src(%arg24 : memref<16xi32, #tpu.memory_space<vmem>>) dst(%dma_wait3A_112 : memref<16xi32, #tpu.memory_space<vmem_shared>>)
        tpu.yield
      }) : () -> ()
      %barrier3A = arith.constant 0 : index
      tpu.barrier barrier_id(%barrier3A)
      %mul3A_86 = arith.constant 160 : i32
      %mul3A_87 = arith.muli %arg1, %mul3A_86 : i32
      %scan3A_88 = arith.constant 0 : i32
      %scan3A_89 = arith.constant 0 : i32
      %scan3A_90 = arith.constant 160 : i32
      %scan3A_91 = arith.addi %scan3A_89, %scan3A_90 : i32
      %scan3A_92 = arith.constant 1 : i32
      %scan3A_93 = scf.for %scan3A_111 = %scan3A_89 to %scan3A_91 step %scan3A_92 iter_args(%scan3A_112 = %scan3A_88) -> (i32)  : i32 {
        %swap3A_113 = arith.index_cast %scan3A_111 : i32 to index
        %swap3A_114 = arith.constant 0 : index
        %swap3A_115 = tpu.vector_load %arg25[%swap3A_113, %swap3A_114] {strides = array<i32>} : memref<168x272xf32, #tpu.memory_space<vmem>>, vector<16xf32>,
        tpu.vector_store %arg25[%swap3A_113, %swap3A_114], %broadcast_in_dim3A_8 {strides = array<i32>} : memref<168x272xf32, #tpu.memory_space<vmem>>, vector<16xf32>,
        %swap3A_116 = arith.index_cast %scan3A_111 : i32 to index
        %swap3A_117 = arith.constant 16 : index
        %swap3A_118 = tpu.vector_load %arg25[%swap3A_116, %swap3A_117] {strides = array<i32>} : memref<168x272xf32, #tpu.memory_space<vmem>>, vector<16xf32>,
        tpu.vector_store %arg25[%swap3A_116, %swap3A_117], %broadcast_in_dim3A_8 {strides = array<i32>} : memref<168x272xf32, #tpu.memory_space<vmem>>, vector<16xf32>,
        %swap3A_119 = arith.index_cast %scan3A_111 : i32 to index
        %swap3A_120 = arith.constant 32 : index
        %swap3A_121 = tpu.vector_load %arg25[%swap3A_119, %swap3A_120] {strides = array<i32>} : memref<168x272xf32, #tpu.memory_space<vmem>>, vector<16xf32>,
        tpu.vector_store %arg25[%swap3A_119, %swap3A_120], %broadcast_in_dim3A_8 {strides = array<i32>} : memref<168x272xf32, #tpu.memory_space<vmem>>, vector<16xf32>,
        %swap3A_122 = arith.index_cast %scan3A_111 : i32 to index
        %swap3A_123 = arith.constant 48 : index
        %swap3A_124 = tpu.vector_load %arg25[%swap3A_122, %swap3A_123] {strides = array<i32>} : memref<168x272xf32, #tpu.memory_space<vmem>>, vector<16xf32>,
        tpu.vector_store %arg25[%swap3A_122, %swap3A_123], %broadcast_in_dim3A_8 {strides = array<i32>} : memref<168x272xf32, #tpu.memory_space<vmem>>, vector<16xf32>,
        %swap3A_125 = arith.index_cast %scan3A_111 : i32 to index
        %swap3A_126 = arith.constant 64 : index
        %swap3A_127 = tpu.vector_load %arg25[%swap3A_125, %swap3A_126] {strides = array<i32>} : memref<168x272xf32, #tpu.memory_space<vmem>>, vector<16xf32>,
        tpu.vector_store %arg25[%swap3A_125, %swap3A_126], %broadcast_in_dim3A_8 {strides = array<i32>} : memref<168x272xf32, #tpu.memory_space<vmem>>, vector<16xf32>,
        %swap3A_128 = arith.index_cast %scan3A_111 : i32 to index
        %swap3A_129 = arith.constant 80 : index
        %swap3A_130 = tpu.vector_load %arg25[%swap3A_128, %swap3A_129] {strides = array<i32>} : memref<168x272xf32, #tpu.memory_space<vmem>>, vector<16xf32>,
        tpu.vector_store %arg25[%swap3A_128, %swap3A_129], %broadcast_in_dim3A_8 {strides = array<i32>} : memref<168x272xf32, #tpu.memory_space<vmem>>, vector<16xf32>,
        %swap3A_131 = arith.index_cast %scan3A_111 : i32 to index
        %swap3A_132 = arith.constant 96 : index
        %swap3A_133 = tpu.vector_load %arg25[%swap3A_131, %swap3A_132] {strides = array<i32>} : memref<168x272xf32, #tpu.memory_space<vmem>>, vector<16xf32>,
        tpu.vector_store %arg25[%swap3A_131, %swap3A_132], %broadcast_in_dim3A_8 {strides = array<i32>} : memref<168x272xf32, #tpu.memory_space<vmem>>, vector<16xf32>,
        %swap3A_134 = arith.index_cast %scan3A_111 : i32 to index
        %swap3A_135 = arith.constant 112 : index
        %swap3A_136 = tpu.vector_load %arg25[%swap3A_134, %swap3A_135] {strides = array<i32>} : memref<168x272xf32, #tpu.memory_space<vmem>>, vector<16xf32>,
        tpu.vector_store %arg25[%swap3A_134, %swap3A_135], %broadcast_in_dim3A_8 {strides = array<i32>} : memref<168x272xf32, #tpu.memory_space<vmem>>, vector<16xf32>,
        %swap3A_137 = arith.index_cast %scan3A_111 : i32 to index
        %swap3A_138 = arith.constant 128 : index
        %swap3A_139 = tpu.vector_load %arg25[%swap3A_137, %swap3A_138] {strides = array<i32>} : memref<168x272xf32, #tpu.memory_space<vmem>>, vector<16xf32>,
        tpu.vector_store %arg25[%swap3A_137, %swap3A_138], %broadcast_in_dim3A_8 {strides = array<i32>} : memref<168x272xf32, #tpu.memory_space<vmem>>, vector<16xf32>,
        %swap3A_140 = arith.index_cast %scan3A_111 : i32 to index
        %swap3A_141 = arith.constant 144 : index
        %swap3A_142 = tpu.vector_load %arg25[%swap3A_140, %swap3A_141] {strides = array<i32>} : memref<168x272xf32, #tpu.memory_space<vmem>>, vector<16xf32>,
        tpu.vector_store %arg25[%swap3A_140, %swap3A_141], %broadcast_in_dim3A_8 {strides = array<i32>} : memref<168x272xf32, #tpu.memory_space<vmem>>, vector<16xf32>,
        %swap3A_143 = arith.index_cast %scan3A_111 : i32 to index
        %swap3A_144 = arith.constant 160 : index
        %swap3A_145 = tpu.vector_load %arg25[%swap3A_143, %swap3A_144] {strides = array<i32>} : memref<168x272xf32, #tpu.memory_space<vmem>>, vector<16xf32>,
        tpu.vector_store %arg25[%swap3A_143, %swap3A_144], %broadcast_in_dim3A_8 {strides = array<i32>} : memref<168x272xf32, #tpu.memory_space<vmem>>, vector<16xf32>,
        %swap3A_146 = arith.index_cast %scan3A_111 : i32 to index
        %swap3A_147 = arith.constant 176 : index
        %swap3A_148 = tpu.vector_load %arg25[%swap3A_146, %swap3A_147] {strides = array<i32>} : memref<168x272xf32, #tpu.memory_space<vmem>>, vector<16xf32>,
        tpu.vector_store %arg25[%swap3A_146, %swap3A_147], %broadcast_in_dim3A_8 {strides = array<i32>} : memref<168x272xf32, #tpu.memory_space<vmem>>, vector<16xf32>,
        %swap3A_149 = arith.index_cast %scan3A_111 : i32 to index
        %swap3A_150 = arith.constant 192 : index
        %swap3A_151 = tpu.vector_load %arg25[%swap3A_149, %swap3A_150] {strides = array<i32>} : memref<168x272xf32, #tpu.memory_space<vmem>>, vector<16xf32>,
        tpu.vector_store %arg25[%swap3A_149, %swap3A_150], %broadcast_in_dim3A_8 {strides = array<i32>} : memref<168x272xf32, #tpu.memory_space<vmem>>, vector<16xf32>,
        %swap3A_152 = arith.index_cast %scan3A_111 : i32 to index
        %swap3A_153 = arith.constant 208 : index
        %swap3A_154 = tpu.vector_load %arg25[%swap3A_152, %swap3A_153] {strides = array<i32>} : memref<168x272xf32, #tpu.memory_space<vmem>>, vector<16xf32>,
        tpu.vector_store %arg25[%swap3A_152, %swap3A_153], %broadcast_in_dim3A_8 {strides = array<i32>} : memref<168x272xf32, #tpu.memory_space<vmem>>, vector<16xf32>,
        %swap3A_155 = arith.index_cast %scan3A_111 : i32 to index
        %swap3A_156 = arith.constant 224 : index
        %swap3A_157 = tpu.vector_load %arg25[%swap3A_155, %swap3A_156] {strides = array<i32>} : memref<168x272xf32, #tpu.memory_space<vmem>>, vector<16xf32>,
        tpu.vector_store %arg25[%swap3A_155, %swap3A_156], %broadcast_in_dim3A_8 {strides = array<i32>} : memref<168x272xf32, #tpu.memory_space<vmem>>, vector<16xf32>,
        %swap3A_158 = arith.index_cast %scan3A_111 : i32 to index
        %swap3A_159 = arith.constant 240 : index
        %swap3A_160 = tpu.vector_load %arg25[%swap3A_158, %swap3A_159] {strides = array<i32>} : memref<168x272xf32, #tpu.memory_space<vmem>>, vector<16xf32>,
        tpu.vector_store %arg25[%swap3A_158, %swap3A_159], %broadcast_in_dim3A_8 {strides = array<i32>} : memref<168x272xf32, #tpu.memory_space<vmem>>, vector<16xf32>,
        %swap3A_161 = arith.index_cast %scan3A_111 : i32 to index
        %swap3A_162 = arith.constant 256 : index
        %swap3A_163 = tpu.vector_load %arg25[%swap3A_161, %swap3A_162] {strides = array<i32>} : memref<168x272xf32, #tpu.memory_space<vmem>>, vector<16xf32>,
        tpu.vector_store %arg25[%swap3A_161, %swap3A_162], %broadcast_in_dim3A_8 {strides = array<i32>} : memref<168x272xf32, #tpu.memory_space<vmem>>, vector<16xf32>,
        %scan3A_164 = arith.constant 0 : i32
        scf.yield %scan3A_164 : i32
      }
      %scan3A_94 = arith.constant 160 : i32
      "tpu.region"() ({
        %run_scoped3A = tpu.sem_alloc : memref<!tpu.dma_semaphore, #tpu.memory_space<semaphore_mem>>
        tpu.enqueue_dma source(%arg34 : memref<256xi32, #tpu.memory_space<vmem_shared>>) target(%arg32 : memref<256xi32, #tpu.memory_space<vmem>>) target_semaphore(%run_scoped3A : memref<!tpu.dma_semaphore, #tpu.memory_space<semaphore_mem>>)
        tpu.wait_dma2 semaphore(%run_scoped3A : memref<!tpu.dma_semaphore, #tpu.memory_space<semaphore_mem>>) src(%arg34 : memref<256xi32, #tpu.memory_space<vmem_shared>>) dst(%arg32 : memref<256xi32, #tpu.memory_space<vmem>>)
        tpu.yield
      }) : () -> ()
      %add3A_95 = arith.constant 1 : i32
      %add3A_96 = arith.addi %arg1, %add3A_95 : i32
      %mul3A_97 = arith.constant 160 : i32
      %mul3A_98 = arith.muli %add3A_96, %mul3A_97 : i32
      %broadcast_in_dim3A_99 = vector.broadcast %mul3A_98 : i32 to vector<16xi32>
      %scan3A_100 = arith.constant 0 : i32
      %scan3A_101 = arith.constant 0 : i32
      %scan3A_102 = arith.constant 16 : i32
      %scan3A_103 = arith.addi %scan3A_101, %scan3A_102 : i32
      %scan3A_104 = arith.constant 1 : i32
      %scan3A_105 = scf.for %scan3A_111 = %scan3A_101 to %scan3A_103 step %scan3A_104 iter_args(%scan3A_112 = %scan3A_100) -> (i32)  : i32 {
        %mul3A_113 = arith.constant 16 : i32
        %mul3A_114 = arith.muli %scan3A_111, %mul3A_113 : i32
        %get3A = arith.index_cast %mul3A_114 : i32 to index
        %get3A_115 = tpu.vector_load %arg32[%get3A] {strides = array<i32>} : memref<256xi32, #tpu.memory_space<vmem>>, vector<16xi32>,
        %reduce_max3A = arith.constant true
        %reduce_max3A_116 = vector.broadcast %reduce_max3A : i1 to vector<16xi1>
        %reduce_max3A_117 = arith.constant -2147483648 : i32
        %reduce_max3A_118 = vector.broadcast %reduce_max3A_117 : i32 to vector<16xi32>
        %reduce_max3A_119 = arith.xori %get3A_115, %reduce_max3A_118 : vector<16xi32>
        %reduce_max3A_120 = tpu.scan <max>, %reduce_max3A_119 masked %reduce_max3A_116 : vector<16xi32>, vector<16xi1> -> vector<16xi32>
        %reduce_max3A_121 = arith.xori %reduce_max3A_120, %reduce_max3A_118 : vector<16xi32>
        %reduce_max3A_122 = vector.extract %reduce_max3A_121[15] : i32 from vector<16xi32>
        %mul3A_123 = arith.constant 16 : i32
        %mul3A_124 = arith.muli %arg0, %mul3A_123 : i32
        %add3A_125 = arith.addi %mul3A_124, %scan3A_111 : i32
        %mul3A_126 = arith.constant 6304 : i32
        %mul3A_127 = arith.muli %add3A_125, %mul3A_126 : i32
        %while3A_128 = arith.constant 0 : i32
        %while3A_129 = scf.while (%while3A_131 = %while3A_128) : (i32) -> i32 {
          %lt3A = arith.cmpi slt, %while3A_131, %reduce_max3A_122 : i32
          scf.condition(%lt3A) %while3A_131 : i32
        } do {
        ^bb0(%while3A_131: i32):
          %mul3A_132 = arith.constant 6768 : i32
          %mul3A_133 = arith.muli %scan3A_111, %mul3A_132 : i32
          %add3A_134 = arith.addi %mul3A_133, %while3A_131 : i32
          %multiple_of3A_135 = tpu.assume_multiple %add3A_134, 8 : i32
          "tpu.region"() ({
            %run_scoped3A = tpu.sem_alloc : memref<!tpu.dma_semaphore, #tpu.memory_space<semaphore_mem>>
            %dma_start3A = arith.constant 0 : i32
            %dma_start3A_197 = tpu.memref_slice %arg26[%dma_start3A] : memref<528xi32, #tpu.memory_space<vmem>> -> memref<512xi32, #tpu.memory_space<vmem>>
            %dma_start3A_198 = tpu.memref_slice %arg33[%multiple_of3A_135] : memref<108288xi32, #tpu.memory_space<vmem_shared>> -> memref<512xi32, #tpu.memory_space<vmem_shared>>
            %dma_start3A_199 = arith.constant 0 : i32
            %dma_start3A_200 = tpu.memref_slice %arg26[%dma_start3A_199] : memref<528xi32, #tpu.memory_space<vmem>> -> memref<512xi32, #tpu.memory_space<vmem>>
            %dma_start3A_201 = tpu.memref_slice %arg33[%multiple_of3A_135] : memref<108288xi32, #tpu.memory_space<vmem_shared>> -> memref<512xi32, #tpu.memory_space<vmem_shared>>
            tpu.enqueue_dma source(%dma_start3A_201 : memref<512xi32, #tpu.memory_space<vmem_shared>>) target(%dma_start3A_200 : memref<512xi32, #tpu.memory_space<vmem>>) target_semaphore(%run_scoped3A : memref<!tpu.dma_semaphore, #tpu.memory_space<semaphore_mem>>)
            %dma_wait3A = arith.constant 0 : i32
            %dma_wait3A_202 = tpu.memref_slice %arg26[%dma_wait3A] : memref<528xi32, #tpu.memory_space<vmem>> -> memref<512xi32, #tpu.memory_space<vmem>>
            %dma_wait3A_203 = tpu.memref_slice %arg33[%multiple_of3A_135] : memref<108288xi32, #tpu.memory_space<vmem_shared>> -> memref<512xi32, #tpu.memory_space<vmem_shared>>
            %dma_wait3A_204 = arith.constant 0 : i32
            %dma_wait3A_205 = tpu.memref_slice %arg26[%dma_wait3A_204] : memref<528xi32, #tpu.memory_space<vmem>> -> memref<512xi32, #tpu.memory_space<vmem>>
            %dma_wait3A_206 = tpu.memref_slice %arg33[%multiple_of3A_135] : memref<108288xi32, #tpu.memory_space<vmem_shared>> -> memref<512xi32, #tpu.memory_space<vmem_shared>>
            tpu.wait_dma2 semaphore(%run_scoped3A : memref<!tpu.dma_semaphore, #tpu.memory_space<semaphore_mem>>) src(%dma_wait3A_206 : memref<512xi32, #tpu.memory_space<vmem_shared>>) dst(%dma_wait3A_205 : memref<512xi32, #tpu.memory_space<vmem>>)
            tpu.yield
          }) : () -> ()
          %sub3A_136 = arith.subi %reduce_max3A_122, %while3A_131 : i32
          %min3A = arith.constant 512 : i32
          %min3A_137 = arith.minsi %sub3A_136, %min3A : i32
          %scan3A_138 = arith.constant 0 : i32
          %scan3A_139 = arith.constant 0 : i32
          %scan3A_140 = arith.constant 32 : i32
          %scan3A_141 = arith.addi %scan3A_139, %scan3A_140 : i32
          %scan3A_142 = arith.constant 1 : i32
          %scan3A_143 = scf.for %scan3A_197 = %scan3A_139 to %scan3A_141 step %scan3A_142 iter_args(%scan3A_198 = %scan3A_138) -> (i32)  : i32 {
            %mul3A_199 = arith.constant 16 : i32
            %mul3A_200 = arith.muli %scan3A_197, %mul3A_199 : i32
            %get3A_201 = arith.index_cast %mul3A_200 : i32 to index
            %get3A_202 = tpu.vector_load %arg26[%get3A_201] {strides = array<i32>} : memref<528xi32, #tpu.memory_space<vmem>>, vector<16xi32>,
            %and3A_203 = arith.constant 4095 : i32
            %and3A_204 = vector.broadcast %and3A_203 : i32 to vector<16xi32>
            %and3A_205 = arith.andi %get3A_202, %and3A_204 : vector<16xi32>
            %mul3A_206 = arith.constant 16 : i32
            %mul3A_207 = arith.muli %scan3A_197, %mul3A_206 : i32
            %add3A_208 = vector.broadcast %mul3A_207 : i32 to vector<16xi32>
            %add3A_209 = arith.addi %add3A_208, %iota3A : vector<16xi32>
            %lt3A = vector.broadcast %min3A_137 : i32 to vector<16xi32>
            %lt3A_210 = arith.cmpi slt, %add3A_209, %lt3A : vector<16xi32>
            %ge3A = vector.broadcast %mul3A_87 : i32 to vector<16xi32>
            %ge3A_211 = arith.cmpi sge, %and3A_205, %ge3A : vector<16xi32>
            %and3A_212 = arith.andi %lt3A_210, %ge3A_211 : vector<16xi1>
            %add3A_213 = arith.constant 160 : i32
            %add3A_214 = arith.addi %mul3A_87, %add3A_213 : i32
            %lt3A_215 = vector.broadcast %add3A_214 : i32 to vector<16xi32>
            %lt3A_216 = arith.cmpi slt, %and3A_205, %lt3A_215 : vector<16xi32>
            %and3A_217 = arith.andi %and3A_212, %lt3A_216 : vector<16xi1>
            %jit3A_218 = arith.constant 1 : i32
            %jit3A_219 = arith.constant 0 : i32
            %broadcast_in_dim3A_220 = vector.broadcast %jit3A_218 : i32 to vector<16xi32>
            %broadcast_in_dim3A_221 = vector.broadcast %jit3A_219 : i32 to vector<16xi32>
            %select_n3A_222 = arith.select %and3A_217, %broadcast_in_dim3A_220, %broadcast_in_dim3A_221 : vector<16xi1>, vector<16xi32>
            %broadcast_in_dim3A_223 = arith.constant true
            %broadcast_in_dim3A_224 = vector.broadcast %broadcast_in_dim3A_223 : i1 to vector<16xi1>
            %masked_cumsum3A = tpu.scan <sum>, %select_n3A_222 masked %broadcast_in_dim3A_224 : vector<16xi32>, vector<16xi1> -> vector<16xi32>
            %add3A_225 = vector.broadcast %scan3A_198 : i32 to vector<16xi32>
            %add3A_226 = arith.addi %add3A_225, %masked_cumsum3A : vector<16xi32>
            %sub3A_227 = arith.constant 1 : i32
            %sub3A_228 = vector.broadcast %sub3A_227 : i32 to vector<16xi32>
            %sub3A_229 = arith.subi %add3A_226, %sub3A_228 : vector<16xi32>
            tpu.vector_store_idx %arg27[%sub3A_229], %get3A_202 masked %and3A_217 : memref<576xi32, #tpu.memory_space<vmem>>[vector<16xi32>], vector<16xi32>, vector<16xi1>
            %reduce_max3A_230 = arith.constant true
            %reduce_max3A_231 = vector.broadcast %reduce_max3A_230 : i1 to vector<16xi1>
            %reduce_max3A_232 = arith.constant -2147483648 : i32
            %reduce_max3A_233 = vector.broadcast %reduce_max3A_232 : i32 to vector<16xi32>
            %reduce_max3A_234 = arith.xori %masked_cumsum3A, %reduce_max3A_233 : vector<16xi32>
            %reduce_max3A_235 = tpu.scan <max>, %reduce_max3A_234 masked %reduce_max3A_231 : vector<16xi32>, vector<16xi1> -> vector<16xi32>
            %reduce_max3A_236 = arith.xori %reduce_max3A_235, %reduce_max3A_233 : vector<16xi32>
            %reduce_max3A_237 = vector.extract %reduce_max3A_236[15] : i32 from vector<16xi32>
            %add3A_238 = arith.addi %scan3A_198, %reduce_max3A_237 : i32
            scf.yield %add3A_238 : i32
          }
          %scan3A_144 = arith.constant 32 : i32
          %add3A_145 = arith.constant 0 : i32
          %add3A_146 = arith.addi %scan3A_143, %add3A_145 : i32
          %swap3A_147 = arith.index_cast %add3A_146 : i32 to index
          %swap3A_148 = tpu.vector_load %arg27[%swap3A_147] {strides = array<i32>} : memref<576xi32, #tpu.memory_space<vmem>>, vector<16xi32>,
          tpu.vector_store %arg27[%swap3A_147], %broadcast_in_dim3A_99 {strides = array<i32>} : memref<576xi32, #tpu.memory_space<vmem>>, vector<16xi32>,
          %add3A_149 = arith.constant 16 : i32
          %add3A_150 = arith.addi %scan3A_143, %add3A_149 : i32
          %swap3A_151 = arith.index_cast %add3A_150 : i32 to index
          %swap3A_152 = tpu.vector_load %arg27[%swap3A_151] {strides = array<i32>} : memref<576xi32, #tpu.memory_space<vmem>>, vector<16xi32>,
          tpu.vector_store %arg27[%swap3A_151], %broadcast_in_dim3A_99 {strides = array<i32>} : memref<576xi32, #tpu.memory_space<vmem>>, vector<16xi32>,
          %add3A_153 = arith.constant 32 : i32
          %add3A_154 = arith.addi %scan3A_143, %add3A_153 : i32
          %swap3A_155 = arith.index_cast %add3A_154 : i32 to index
          %swap3A_156 = tpu.vector_load %arg27[%swap3A_155] {strides = array<i32>} : memref<576xi32, #tpu.memory_space<vmem>>, vector<16xi32>,
          tpu.vector_store %arg27[%swap3A_155], %broadcast_in_dim3A_99 {strides = array<i32>} : memref<576xi32, #tpu.memory_space<vmem>>, vector<16xi32>,
          %add3A_157 = arith.constant 47 : i32
          %add3A_158 = arith.addi %scan3A_143, %add3A_157 : i32
          %jit3A_159 = arith.constant 48 : i32
          %div3A_160 = arith.divsi %add3A_158, %jit3A_159 : i32
          %sign3A_161 = arith.constant 0 : i32
          %sign3A_162 = arith.cmpi sgt, %add3A_158, %sign3A_161 : i32
          %sign3A_163 = arith.extui %sign3A_162 : i1 to i32
          %sign3A_164 = arith.constant 0 : i32
          %sign3A_165 = arith.cmpi slt, %add3A_158, %sign3A_164 : i32
          %sign3A_166 = arith.extui %sign3A_165 : i1 to i32
          %sign3A_167 = arith.subi %sign3A_163, %sign3A_166 : i32
          %sign3A_168 = arith.constant 0 : i32
          %sign3A_169 = arith.cmpi sgt, %jit3A_159, %sign3A_168 : i32
          %sign3A_170 = arith.extui %sign3A_169 : i1 to i32
          %sign3A_171 = arith.constant 0 : i32
          %sign3A_172 = arith.cmpi slt, %jit3A_159, %sign3A_171 : i32
          %sign3A_173 = arith.extui %sign3A_172 : i1 to i32
          %sign3A_174 = arith.subi %sign3A_170, %sign3A_173 : i32
          %ne3A_175 = arith.cmpi ne, %sign3A_167, %sign3A_174 : i32
          %rem3A_176 = arith.remsi %add3A_158, %jit3A_159 : i32
          %ne3A_177 = arith.constant 0 : i32
          %ne3A_178 = arith.cmpi ne, %rem3A_176, %ne3A_177 : i32
          %and3A_179 = arith.andi %ne3A_175, %ne3A_178 : i1
          %sub3A_180 = arith.constant 1 : i32
          %sub3A_181 = arith.subi %div3A_160, %sub3A_180 : i32
          %select_n3A_182 = arith.select %and3A_179, %sub3A_181, %div3A_160 : i32
          %while3A_183 = arith.constant 0 : i32
          %while3A_184 = arith.constant 0 : i32
          %while3A_185 = arith.subi %select_n3A_182, %while3A_183 : i32
          %while3A_186 = arith.addi %while3A_183, %while3A_185 : i32
          %while3A_187 = arith.constant 1 : i32
          %while3A_188 = arith.divsi %while3A_185, %while3A_187 : i32
          %while3A_189 = arith.muli %while3A_188, %while3A_187 : i32
          %while3A_190 = arith.addi %while3A_183, %while3A_189 : i32
          %while3A_191 = arith.constant 1 : i32
          %while3A_192 = scf.for %while3A_197 = %while3A_183 to %while3A_190 step %while3A_191 iter_args(%while3A_198 = %while3A_184) -> (i32)  : i32 {
            %mul3A_199 = arith.constant 48 : i32
            %mul3A_200 = arith.muli %while3A_197, %mul3A_199 : i32
            %add3A_201 = arith.constant 0 : i32
            %add3A_202 = arith.addi %mul3A_200, %add3A_201 : i32
            %get3A_203 = arith.index_cast %add3A_202 : i32 to index
            %get3A_204 = tpu.vector_load %arg27[%get3A_203] {strides = array<i32>} : memref<576xi32, #tpu.memory_space<vmem>>, vector<16xi32>,
            %shift_right_arithmetic3A_205 = arith.constant 12 : i32
            %shift_right_arithmetic3A_206 = vector.broadcast %shift_right_arithmetic3A_205 : i32 to vector<16xi32>
            %shift_right_arithmetic3A_207 = arith.shrsi %get3A_204, %shift_right_arithmetic3A_206 : vector<16xi32>
            %add3A_208 = vector.broadcast %mul3A_127 : i32 to vector<16xi32>
            %add3A_209 = arith.addi %add3A_208, %shift_right_arithmetic3A_207 : vector<16xi32>
            %swap3A_210 = arith.constant 0 : index
            %swap3A_211 = tpu.vector_load %arg28[%swap3A_210] {strides = array<i32>} : memref<48xi32, #tpu.memory_space<vmem>>, vector<16xi32>,
            tpu.vector_store %arg28[%swap3A_210], %add3A_209 {strides = array<i32>} : memref<48xi32, #tpu.memory_space<vmem>>, vector<16xi32>,
            %mul3A_212 = arith.constant 48 : i32
            %mul3A_213 = arith.muli %while3A_197, %mul3A_212 : i32
            %add3A_214 = arith.constant 16 : i32
            %add3A_215 = arith.addi %mul3A_213, %add3A_214 : i32
            %get3A_216 = arith.index_cast %add3A_215 : i32 to index
            %get3A_217 = tpu.vector_load %arg27[%get3A_216] {strides = array<i32>} : memref<576xi32, #tpu.memory_space<vmem>>, vector<16xi32>,
            %shift_right_arithmetic3A_218 = arith.constant 12 : i32
            %shift_right_arithmetic3A_219 = vector.broadcast %shift_right_arithmetic3A_218 : i32 to vector<16xi32>
            %shift_right_arithmetic3A_220 = arith.shrsi %get3A_217, %shift_right_arithmetic3A_219 : vector<16xi32>
            %add3A_221 = vector.broadcast %mul3A_127 : i32 to vector<16xi32>
            %add3A_222 = arith.addi %add3A_221, %shift_right_arithmetic3A_220 : vector<16xi32>
            %swap3A_223 = arith.constant 16 : index
            %swap3A_224 = tpu.vector_load %arg28[%swap3A_223] {strides = array<i32>} : memref<48xi32, #tpu.memory_space<vmem>>, vector<16xi32>,
            tpu.vector_store %arg28[%swap3A_223], %add3A_222 {strides = array<i32>} : memref<48xi32, #tpu.memory_space<vmem>>, vector<16xi32>,
            %mul3A_225 = arith.constant 48 : i32
            %mul3A_226 = arith.muli %while3A_197, %mul3A_225 : i32
            %add3A_227 = arith.constant 32 : i32
            %add3A_228 = arith.addi %mul3A_226, %add3A_227 : i32
            %get3A_229 = arith.index_cast %add3A_228 : i32 to index
            %get3A_230 = tpu.vector_load %arg27[%get3A_229] {strides = array<i32>} : memref<576xi32, #tpu.memory_space<vmem>>, vector<16xi32>,
            %shift_right_arithmetic3A_231 = arith.constant 12 : i32
            %shift_right_arithmetic3A_232 = vector.broadcast %shift_right_arithmetic3A_231 : i32 to vector<16xi32>
            %shift_right_arithmetic3A_233 = arith.shrsi %get3A_230, %shift_right_arithmetic3A_232 : vector<16xi32>
            %add3A_234 = vector.broadcast %mul3A_127 : i32 to vector<16xi32>
            %add3A_235 = arith.addi %add3A_234, %shift_right_arithmetic3A_233 : vector<16xi32>
            %swap3A_236 = arith.constant 32 : index
            %swap3A_237 = tpu.vector_load %arg28[%swap3A_236] {strides = array<i32>} : memref<48xi32, #tpu.memory_space<vmem>>, vector<16xi32>,
            tpu.vector_store %arg28[%swap3A_236], %add3A_235 {strides = array<i32>} : memref<48xi32, #tpu.memory_space<vmem>>, vector<16xi32>,
            %mul3A_238 = arith.constant 48 : i32
            %mul3A_239 = arith.muli %while3A_197, %mul3A_238 : i32
            %add3A_240 = arith.constant 0 : i32
            %add3A_241 = arith.addi %mul3A_239, %add3A_240 : i32
            %shift_right_arithmetic3A_242 = arith.constant 2 : i32
            %shift_right_arithmetic3A_243 = vector.broadcast %shift_right_arithmetic3A_242 : i32 to vector<16xi32>
            %shift_right_arithmetic3A_244 = arith.shrsi %iota3A, %shift_right_arithmetic3A_243 : vector<16xi32>
            %add3A_245 = vector.broadcast %add3A_241 : i32 to vector<16xi32>
            %add3A_246 = arith.addi %add3A_245, %shift_right_arithmetic3A_244 : vector<16xi32>
            %gather3A_247 = tpu.vector_load_idx %arg27[%add3A_246] : memref<576xi32, #tpu.memory_space<vmem>>[vector<16xi32>], vector<16xi32>,
            %shift_right_arithmetic3A_248 = arith.constant 12 : i32
            %shift_right_arithmetic3A_249 = vector.broadcast %shift_right_arithmetic3A_248 : i32 to vector<16xi32>
            %shift_right_arithmetic3A_250 = arith.shrsi %gather3A_247, %shift_right_arithmetic3A_249 : vector<16xi32>
            %add3A_251 = vector.broadcast %mul3A_127 : i32 to vector<16xi32>
            %add3A_252 = arith.addi %add3A_251, %shift_right_arithmetic3A_250 : vector<16xi32>
            %mul3A_253 = arith.constant 4 : i32
            %mul3A_254 = vector.broadcast %mul3A_253 : i32 to vector<16xi32>
            %mul3A_255 = arith.muli %add3A_252, %mul3A_254 : vector<16xi32>
            %and3A_256 = arith.constant 3 : i32
            %and3A_257 = vector.broadcast %and3A_256 : i32 to vector<16xi32>
            %and3A_258 = arith.andi %iota3A, %and3A_257 : vector<16xi32>
            %add3A_259 = arith.addi %mul3A_255, %and3A_258 : vector<16xi32>
            %swap3A_260 = arith.constant 0 : index
            %swap3A_261 = tpu.vector_load %arg29[%swap3A_260] {strides = array<i32>} : memref<192xi32, #tpu.memory_space<vmem>>, vector<16xi32>,
            tpu.vector_store %arg29[%swap3A_260], %add3A_259 {strides = array<i32>} : memref<192xi32, #tpu.memory_space<vmem>>, vector<16xi32>,
            %mul3A_262 = arith.constant 48 : i32
            %mul3A_263 = arith.muli %while3A_197, %mul3A_262 : i32
            %add3A_264 = arith.constant 4 : i32
            %add3A_265 = arith.addi %mul3A_263, %add3A_264 : i32
            %shift_right_arithmetic3A_266 = arith.constant 2 : i32
            %shift_right_arithmetic3A_267 = vector.broadcast %shift_right_arithmetic3A_266 : i32 to vector<16xi32>
            %shift_right_arithmetic3A_268 = arith.shrsi %iota3A, %shift_right_arithmetic3A_267 : vector<16xi32>
            %add3A_269 = vector.broadcast %add3A_265 : i32 to vector<16xi32>
            %add3A_270 = arith.addi %add3A_269, %shift_right_arithmetic3A_268 : vector<16xi32>
            %gather3A_271 = tpu.vector_load_idx %arg27[%add3A_270] : memref<576xi32, #tpu.memory_space<vmem>>[vector<16xi32>], vector<16xi32>,
            %shift_right_arithmetic3A_272 = arith.constant 12 : i32
            %shift_right_arithmetic3A_273 = vector.broadcast %shift_right_arithmetic3A_272 : i32 to vector<16xi32>
            %shift_right_arithmetic3A_274 = arith.shrsi %gather3A_271, %shift_right_arithmetic3A_273 : vector<16xi32>
            %add3A_275 = vector.broadcast %mul3A_127 : i32 to vector<16xi32>
            %add3A_276 = arith.addi %add3A_275, %shift_right_arithmetic3A_274 : vector<16xi32>
            %mul3A_277 = arith.constant 4 : i32
            %mul3A_278 = vector.broadcast %mul3A_277 : i32 to vector<16xi32>
            %mul3A_279 = arith.muli %add3A_276, %mul3A_278 : vector<16xi32>
            %and3A_280 = arith.constant 3 : i32
            %and3A_281 = vector.broadcast %and3A_280 : i32 to vector<16xi32>
            %and3A_282 = arith.andi %iota3A, %and3A_281 : vector<16xi32>
            %add3A_283 = arith.addi %mul3A_279, %and3A_282 : vector<16xi32>
            %swap3A_284 = arith.constant 16 : index
            %swap3A_285 = tpu.vector_load %arg29[%swap3A_284] {strides = array<i32>} : memref<192xi32, #tpu.memory_space<vmem>>, vector<16xi32>,
            tpu.vector_store %arg29[%swap3A_284], %add3A_283 {strides = array<i32>} : memref<192xi32, #tpu.memory_space<vmem>>, vector<16xi32>,
            %mul3A_286 = arith.constant 48 : i32
            %mul3A_287 = arith.muli %while3A_197, %mul3A_286 : i32
            %add3A_288 = arith.constant 8 : i32
            %add3A_289 = arith.addi %mul3A_287, %add3A_288 : i32
            %shift_right_arithmetic3A_290 = arith.constant 2 : i32
            %shift_right_arithmetic3A_291 = vector.broadcast %shift_right_arithmetic3A_290 : i32 to vector<16xi32>
            %shift_right_arithmetic3A_292 = arith.shrsi %iota3A, %shift_right_arithmetic3A_291 : vector<16xi32>
            %add3A_293 = vector.broadcast %add3A_289 : i32 to vector<16xi32>
            %add3A_294 = arith.addi %add3A_293, %shift_right_arithmetic3A_292 : vector<16xi32>
            %gather3A_295 = tpu.vector_load_idx %arg27[%add3A_294] : memref<576xi32, #tpu.memory_space<vmem>>[vector<16xi32>], vector<16xi32>,
            %shift_right_arithmetic3A_296 = arith.constant 12 : i32
            %shift_right_arithmetic3A_297 = vector.broadcast %shift_right_arithmetic3A_296 : i32 to vector<16xi32>
            %shift_right_arithmetic3A_298 = arith.shrsi %gather3A_295, %shift_right_arithmetic3A_297 : vector<16xi32>
            %add3A_299 = vector.broadcast %mul3A_127 : i32 to vector<16xi32>
            %add3A_300 = arith.addi %add3A_299, %shift_right_arithmetic3A_298 : vector<16xi32>
            %mul3A_301 = arith.constant 4 : i32
            %mul3A_302 = vector.broadcast %mul3A_301 : i32 to vector<16xi32>
            %mul3A_303 = arith.muli %add3A_300, %mul3A_302 : vector<16xi32>
            %and3A_304 = arith.constant 3 : i32
            %and3A_305 = vector.broadcast %and3A_304 : i32 to vector<16xi32>
            %and3A_306 = arith.andi %iota3A, %and3A_305 : vector<16xi32>
            %add3A_307 = arith.addi %mul3A_303, %and3A_306 : vector<16xi32>
            %swap3A_308 = arith.constant 32 : index
            %swap3A_309 = tpu.vector_load %arg29[%swap3A_308] {strides = array<i32>} : memref<192xi32, #tpu.memory_space<vmem>>, vector<16xi32>,
            tpu.vector_store %arg29[%swap3A_308], %add3A_307 {strides = array<i32>} : memref<192xi32, #tpu.memory_space<vmem>>, vector<16xi32>,
            %mul3A_310 = arith.constant 48 : i32
            %mul3A_311 = arith.muli %while3A_197, %mul3A_310 : i32
            %add3A_312 = arith.constant 12 : i32
            %add3A_313 = arith.addi %mul3A_311, %add3A_312 : i32
            %shift_right_arithmetic3A_314 = arith.constant 2 : i32
            %shift_right_arithmetic3A_315 = vector.broadcast %shift_right_arithmetic3A_314 : i32 to vector<16xi32>
            %shift_right_arithmetic3A_316 = arith.shrsi %iota3A, %shift_right_arithmetic3A_315 : vector<16xi32>
            %add3A_317 = vector.broadcast %add3A_313 : i32 to vector<16xi32>
            %add3A_318 = arith.addi %add3A_317, %shift_right_arithmetic3A_316 : vector<16xi32>
            %gather3A_319 = tpu.vector_load_idx %arg27[%add3A_318] : memref<576xi32, #tpu.memory_space<vmem>>[vector<16xi32>], vector<16xi32>,
            %shift_right_arithmetic3A_320 = arith.constant 12 : i32
            %shift_right_arithmetic3A_321 = vector.broadcast %shift_right_arithmetic3A_320 : i32 to vector<16xi32>
            %shift_right_arithmetic3A_322 = arith.shrsi %gather3A_319, %shift_right_arithmetic3A_321 : vector<16xi32>
            %add3A_323 = vector.broadcast %mul3A_127 : i32 to vector<16xi32>
            %add3A_324 = arith.addi %add3A_323, %shift_right_arithmetic3A_322 : vector<16xi32>
            %mul3A_325 = arith.constant 4 : i32
            %mul3A_326 = vector.broadcast %mul3A_325 : i32 to vector<16xi32>
            %mul3A_327 = arith.muli %add3A_324, %mul3A_326 : vector<16xi32>
            %and3A_328 = arith.constant 3 : i32
            %and3A_329 = vector.broadcast %and3A_328 : i32 to vector<16xi32>
            %and3A_330 = arith.andi %iota3A, %and3A_329 : vector<16xi32>
            %add3A_331 = arith.addi %mul3A_327, %and3A_330 : vector<16xi32>
            %swap3A_332 = arith.constant 48 : index
            %swap3A_333 = tpu.vector_load %arg29[%swap3A_332] {strides = array<i32>} : memref<192xi32, #tpu.memory_space<vmem>>, vector<16xi32>,
            tpu.vector_store %arg29[%swap3A_332], %add3A_331 {strides = array<i32>} : memref<192xi32, #tpu.memory_space<vmem>>, vector<16xi32>,
            %mul3A_334 = arith.constant 48 : i32
            %mul3A_335 = arith.muli %while3A_197, %mul3A_334 : i32
            %add3A_336 = arith.constant 16 : i32
            %add3A_337 = arith.addi %mul3A_335, %add3A_336 : i32
            %shift_right_arithmetic3A_338 = arith.constant 2 : i32
            %shift_right_arithmetic3A_339 = vector.broadcast %shift_right_arithmetic3A_338 : i32 to vector<16xi32>
            %shift_right_arithmetic3A_340 = arith.shrsi %iota3A, %shift_right_arithmetic3A_339 : vector<16xi32>
            %add3A_341 = vector.broadcast %add3A_337 : i32 to vector<16xi32>
            %add3A_342 = arith.addi %add3A_341, %shift_right_arithmetic3A_340 : vector<16xi32>
            %gather3A_343 = tpu.vector_load_idx %arg27[%add3A_342] : memref<576xi32, #tpu.memory_space<vmem>>[vector<16xi32>], vector<16xi32>,
            %shift_right_arithmetic3A_344 = arith.constant 12 : i32
            %shift_right_arithmetic3A_345 = vector.broadcast %shift_right_arithmetic3A_344 : i32 to vector<16xi32>
            %shift_right_arithmetic3A_346 = arith.shrsi %gather3A_343, %shift_right_arithmetic3A_345 : vector<16xi32>
            %add3A_347 = vector.broadcast %mul3A_127 : i32 to vector<16xi32>
            %add3A_348 = arith.addi %add3A_347, %shift_right_arithmetic3A_346 : vector<16xi32>
            %mul3A_349 = arith.constant 4 : i32
            %mul3A_350 = vector.broadcast %mul3A_349 : i32 to vector<16xi32>
            %mul3A_351 = arith.muli %add3A_348, %mul3A_350 : vector<16xi32>
            %and3A_352 = arith.constant 3 : i32
            %and3A_353 = vector.broadcast %and3A_352 : i32 to vector<16xi32>
            %and3A_354 = arith.andi %iota3A, %and3A_353 : vector<16xi32>
            %add3A_355 = arith.addi %mul3A_351, %and3A_354 : vector<16xi32>
            %swap3A_356 = arith.constant 64 : index
            %swap3A_357 = tpu.vector_load %arg29[%swap3A_356] {strides = array<i32>} : memref<192xi32, #tpu.memory_space<vmem>>, vector<16xi32>,
            tpu.vector_store %arg29[%swap3A_356], %add3A_355 {strides = array<i32>} : memref<192xi32, #tpu.memory_space<vmem>>, vector<16xi32>,
            %mul3A_358 = arith.constant 48 : i32
            %mul3A_359 = arith.muli %while3A_197, %mul3A_358 : i32
            %add3A_360 = arith.constant 20 : i32
            %add3A_361 = arith.addi %mul3A_359, %add3A_360 : i32
            %shift_right_arithmetic3A_362 = arith.constant 2 : i32
            %shift_right_arithmetic3A_363 = vector.broadcast %shift_right_arithmetic3A_362 : i32 to vector<16xi32>
            %shift_right_arithmetic3A_364 = arith.shrsi %iota3A, %shift_right_arithmetic3A_363 : vector<16xi32>
            %add3A_365 = vector.broadcast %add3A_361 : i32 to vector<16xi32>
            %add3A_366 = arith.addi %add3A_365, %shift_right_arithmetic3A_364 : vector<16xi32>
            %gather3A_367 = tpu.vector_load_idx %arg27[%add3A_366] : memref<576xi32, #tpu.memory_space<vmem>>[vector<16xi32>], vector<16xi32>,
            %shift_right_arithmetic3A_368 = arith.constant 12 : i32
            %shift_right_arithmetic3A_369 = vector.broadcast %shift_right_arithmetic3A_368 : i32 to vector<16xi32>
            %shift_right_arithmetic3A_370 = arith.shrsi %gather3A_367, %shift_right_arithmetic3A_369 : vector<16xi32>
            %add3A_371 = vector.broadcast %mul3A_127 : i32 to vector<16xi32>
            %add3A_372 = arith.addi %add3A_371, %shift_right_arithmetic3A_370 : vector<16xi32>
            %mul3A_373 = arith.constant 4 : i32
            %mul3A_374 = vector.broadcast %mul3A_373 : i32 to vector<16xi32>
            %mul3A_375 = arith.muli %add3A_372, %mul3A_374 : vector<16xi32>
            %and3A_376 = arith.constant 3 : i32
            %and3A_377 = vector.broadcast %and3A_376 : i32 to vector<16xi32>
            %and3A_378 = arith.andi %iota3A, %and3A_377 : vector<16xi32>
            %add3A_379 = arith.addi %mul3A_375, %and3A_378 : vector<16xi32>
            %swap3A_380 = arith.constant 80 : index
            %swap3A_381 = tpu.vector_load %arg29[%swap3A_380] {strides = array<i32>} : memref<192xi32, #tpu.memory_space<vmem>>, vector<16xi32>,
            tpu.vector_store %arg29[%swap3A_380], %add3A_379 {strides = array<i32>} : memref<192xi32, #tpu.memory_space<vmem>>, vector<16xi32>,
            %mul3A_382 = arith.constant 48 : i32
            %mul3A_383 = arith.muli %while3A_197, %mul3A_382 : i32
            %add3A_384 = arith.constant 24 : i32
            %add3A_385 = arith.addi %mul3A_383, %add3A_384 : i32
            %shift_right_arithmetic3A_386 = arith.constant 2 : i32
            %shift_right_arithmetic3A_387 = vector.broadcast %shift_right_arithmetic3A_386 : i32 to vector<16xi32>
            %shift_right_arithmetic3A_388 = arith.shrsi %iota3A, %shift_right_arithmetic3A_387 : vector<16xi32>
            %add3A_389 = vector.broadcast %add3A_385 : i32 to vector<16xi32>
            %add3A_390 = arith.addi %add3A_389, %shift_right_arithmetic3A_388 : vector<16xi32>
            %gather3A_391 = tpu.vector_load_idx %arg27[%add3A_390] : memref<576xi32, #tpu.memory_space<vmem>>[vector<16xi32>], vector<16xi32>,
            %shift_right_arithmetic3A_392 = arith.constant 12 : i32
            %shift_right_arithmetic3A_393 = vector.broadcast %shift_right_arithmetic3A_392 : i32 to vector<16xi32>
            %shift_right_arithmetic3A_394 = arith.shrsi %gather3A_391, %shift_right_arithmetic3A_393 : vector<16xi32>
            %add3A_395 = vector.broadcast %mul3A_127 : i32 to vector<16xi32>
            %add3A_396 = arith.addi %add3A_395, %shift_right_arithmetic3A_394 : vector<16xi32>
            %mul3A_397 = arith.constant 4 : i32
            %mul3A_398 = vector.broadcast %mul3A_397 : i32 to vector<16xi32>
            %mul3A_399 = arith.muli %add3A_396, %mul3A_398 : vector<16xi32>
            %and3A_400 = arith.constant 3 : i32
            %and3A_401 = vector.broadcast %and3A_400 : i32 to vector<16xi32>
            %and3A_402 = arith.andi %iota3A, %and3A_401 : vector<16xi32>
            %add3A_403 = arith.addi %mul3A_399, %and3A_402 : vector<16xi32>
            %swap3A_404 = arith.constant 96 : index
            %swap3A_405 = tpu.vector_load %arg29[%swap3A_404] {strides = array<i32>} : memref<192xi32, #tpu.memory_space<vmem>>, vector<16xi32>,
            tpu.vector_store %arg29[%swap3A_404], %add3A_403 {strides = array<i32>} : memref<192xi32, #tpu.memory_space<vmem>>, vector<16xi32>,
            %mul3A_406 = arith.constant 48 : i32
            %mul3A_407 = arith.muli %while3A_197, %mul3A_406 : i32
            %add3A_408 = arith.constant 28 : i32
            %add3A_409 = arith.addi %mul3A_407, %add3A_408 : i32
            %shift_right_arithmetic3A_410 = arith.constant 2 : i32
            %shift_right_arithmetic3A_411 = vector.broadcast %shift_right_arithmetic3A_410 : i32 to vector<16xi32>
            %shift_right_arithmetic3A_412 = arith.shrsi %iota3A, %shift_right_arithmetic3A_411 : vector<16xi32>
            %add3A_413 = vector.broadcast %add3A_409 : i32 to vector<16xi32>
            %add3A_414 = arith.addi %add3A_413, %shift_right_arithmetic3A_412 : vector<16xi32>
            %gather3A_415 = tpu.vector_load_idx %arg27[%add3A_414] : memref<576xi32, #tpu.memory_space<vmem>>[vector<16xi32>], vector<16xi32>,
            %shift_right_arithmetic3A_416 = arith.constant 12 : i32
            %shift_right_arithmetic3A_417 = vector.broadcast %shift_right_arithmetic3A_416 : i32 to vector<16xi32>
            %shift_right_arithmetic3A_418 = arith.shrsi %gather3A_415, %shift_right_arithmetic3A_417 : vector<16xi32>
            %add3A_419 = vector.broadcast %mul3A_127 : i32 to vector<16xi32>
            %add3A_420 = arith.addi %add3A_419, %shift_right_arithmetic3A_418 : vector<16xi32>
            %mul3A_421 = arith.constant 4 : i32
            %mul3A_422 = vector.broadcast %mul3A_421 : i32 to vector<16xi32>
            %mul3A_423 = arith.muli %add3A_420, %mul3A_422 : vector<16xi32>
            %and3A_424 = arith.constant 3 : i32
            %and3A_425 = vector.broadcast %and3A_424 : i32 to vector<16xi32>
            %and3A_426 = arith.andi %iota3A, %and3A_425 : vector<16xi32>
            %add3A_427 = arith.addi %mul3A_423, %and3A_426 : vector<16xi32>
            %swap3A_428 = arith.constant 112 : index
            %swap3A_429 = tpu.vector_load %arg29[%swap3A_428] {strides = array<i32>} : memref<192xi32, #tpu.memory_space<vmem>>, vector<16xi32>,
            tpu.vector_store %arg29[%swap3A_428], %add3A_427 {strides = array<i32>} : memref<192xi32, #tpu.memory_space<vmem>>, vector<16xi32>,
            %mul3A_430 = arith.constant 48 : i32
            %mul3A_431 = arith.muli %while3A_197, %mul3A_430 : i32
            %add3A_432 = arith.constant 32 : i32
            %add3A_433 = arith.addi %mul3A_431, %add3A_432 : i32
            %shift_right_arithmetic3A_434 = arith.constant 2 : i32
            %shift_right_arithmetic3A_435 = vector.broadcast %shift_right_arithmetic3A_434 : i32 to vector<16xi32>
            %shift_right_arithmetic3A_436 = arith.shrsi %iota3A, %shift_right_arithmetic3A_435 : vector<16xi32>
            %add3A_437 = vector.broadcast %add3A_433 : i32 to vector<16xi32>
            %add3A_438 = arith.addi %add3A_437, %shift_right_arithmetic3A_436 : vector<16xi32>
            %gather3A_439 = tpu.vector_load_idx %arg27[%add3A_438] : memref<576xi32, #tpu.memory_space<vmem>>[vector<16xi32>], vector<16xi32>,
            %shift_right_arithmetic3A_440 = arith.constant 12 : i32
            %shift_right_arithmetic3A_441 = vector.broadcast %shift_right_arithmetic3A_440 : i32 to vector<16xi32>
            %shift_right_arithmetic3A_442 = arith.shrsi %gather3A_439, %shift_right_arithmetic3A_441 : vector<16xi32>
            %add3A_443 = vector.broadcast %mul3A_127 : i32 to vector<16xi32>
            %add3A_444 = arith.addi %add3A_443, %shift_right_arithmetic3A_442 : vector<16xi32>
            %mul3A_445 = arith.constant 4 : i32
            %mul3A_446 = vector.broadcast %mul3A_445 : i32 to vector<16xi32>
            %mul3A_447 = arith.muli %add3A_444, %mul3A_446 : vector<16xi32>
            %and3A_448 = arith.constant 3 : i32
            %and3A_449 = vector.broadcast %and3A_448 : i32 to vector<16xi32>
            %and3A_450 = arith.andi %iota3A, %and3A_449 : vector<16xi32>
            %add3A_451 = arith.addi %mul3A_447, %and3A_450 : vector<16xi32>
            %swap3A_452 = arith.constant 128 : index
            %swap3A_453 = tpu.vector_load %arg29[%swap3A_452] {strides = array<i32>} : memref<192xi32, #tpu.memory_space<vmem>>, vector<16xi32>,
            tpu.vector_store %arg29[%swap3A_452], %add3A_451 {strides = array<i32>} : memref<192xi32, #tpu.memory_space<vmem>>, vector<16xi32>,
            %mul3A_454 = arith.constant 48 : i32
            %mul3A_455 = arith.muli %while3A_197, %mul3A_454 : i32
            %add3A_456 = arith.constant 36 : i32
            %add3A_457 = arith.addi %mul3A_455, %add3A_456 : i32
            %shift_right_arithmetic3A_458 = arith.constant 2 : i32
            %shift_right_arithmetic3A_459 = vector.broadcast %shift_right_arithmetic3A_458 : i32 to vector<16xi32>
            %shift_right_arithmetic3A_460 = arith.shrsi %iota3A, %shift_right_arithmetic3A_459 : vector<16xi32>
            %add3A_461 = vector.broadcast %add3A_457 : i32 to vector<16xi32>
            %add3A_462 = arith.addi %add3A_461, %shift_right_arithmetic3A_460 : vector<16xi32>
            %gather3A_463 = tpu.vector_load_idx %arg27[%add3A_462] : memref<576xi32, #tpu.memory_space<vmem>>[vector<16xi32>], vector<16xi32>,
            %shift_right_arithmetic3A_464 = arith.constant 12 : i32
            %shift_right_arithmetic3A_465 = vector.broadcast %shift_right_arithmetic3A_464 : i32 to vector<16xi32>
            %shift_right_arithmetic3A_466 = arith.shrsi %gather3A_463, %shift_right_arithmetic3A_465 : vector<16xi32>
            %add3A_467 = vector.broadcast %mul3A_127 : i32 to vector<16xi32>
            %add3A_468 = arith.addi %add3A_467, %shift_right_arithmetic3A_466 : vector<16xi32>
            %mul3A_469 = arith.constant 4 : i32
            %mul3A_470 = vector.broadcast %mul3A_469 : i32 to vector<16xi32>
            %mul3A_471 = arith.muli %add3A_468, %mul3A_470 : vector<16xi32>
            %and3A_472 = arith.constant 3 : i32
            %and3A_473 = vector.broadcast %and3A_472 : i32 to vector<16xi32>
            %and3A_474 = arith.andi %iota3A, %and3A_473 : vector<16xi32>
            %add3A_475 = arith.addi %mul3A_471, %and3A_474 : vector<16xi32>
            %swap3A_476 = arith.constant 144 : index
            %swap3A_477 = tpu.vector_load %arg29[%swap3A_476] {strides = array<i32>} : memref<192xi32, #tpu.memory_space<vmem>>, vector<16xi32>,
            tpu.vector_store %arg29[%swap3A_476], %add3A_475 {strides = array<i32>} : memref<192xi32, #tpu.memory_space<vmem>>, vector<16xi32>,
            %mul3A_478 = arith.constant 48 : i32
            %mul3A_479 = arith.muli %while3A_197, %mul3A_478 : i32
            %add3A_480 = arith.constant 40 : i32
            %add3A_481 = arith.addi %mul3A_479, %add3A_480 : i32
            %shift_right_arithmetic3A_482 = arith.constant 2 : i32
            %shift_right_arithmetic3A_483 = vector.broadcast %shift_right_arithmetic3A_482 : i32 to vector<16xi32>
            %shift_right_arithmetic3A_484 = arith.shrsi %iota3A, %shift_right_arithmetic3A_483 : vector<16xi32>
            %add3A_485 = vector.broadcast %add3A_481 : i32 to vector<16xi32>
            %add3A_486 = arith.addi %add3A_485, %shift_right_arithmetic3A_484 : vector<16xi32>
            %gather3A_487 = tpu.vector_load_idx %arg27[%add3A_486] : memref<576xi32, #tpu.memory_space<vmem>>[vector<16xi32>], vector<16xi32>,
            %shift_right_arithmetic3A_488 = arith.constant 12 : i32
            %shift_right_arithmetic3A_489 = vector.broadcast %shift_right_arithmetic3A_488 : i32 to vector<16xi32>
            %shift_right_arithmetic3A_490 = arith.shrsi %gather3A_487, %shift_right_arithmetic3A_489 : vector<16xi32>
            %add3A_491 = vector.broadcast %mul3A_127 : i32 to vector<16xi32>
            %add3A_492 = arith.addi %add3A_491, %shift_right_arithmetic3A_490 : vector<16xi32>
            %mul3A_493 = arith.constant 4 : i32
            %mul3A_494 = vector.broadcast %mul3A_493 : i32 to vector<16xi32>
            %mul3A_495 = arith.muli %add3A_492, %mul3A_494 : vector<16xi32>
            %and3A_496 = arith.constant 3 : i32
            %and3A_497 = vector.broadcast %and3A_496 : i32 to vector<16xi32>
            %and3A_498 = arith.andi %iota3A, %and3A_497 : vector<16xi32>
            %add3A_499 = arith.addi %mul3A_495, %and3A_498 : vector<16xi32>
            %swap3A_500 = arith.constant 160 : index
            %swap3A_501 = tpu.vector_load %arg29[%swap3A_500] {strides = array<i32>} : memref<192xi32, #tpu.memory_space<vmem>>, vector<16xi32>,
            tpu.vector_store %arg29[%swap3A_500], %add3A_499 {strides = array<i32>} : memref<192xi32, #tpu.memory_space<vmem>>, vector<16xi32>,
            %mul3A_502 = arith.constant 48 : i32
            %mul3A_503 = arith.muli %while3A_197, %mul3A_502 : i32
            %add3A_504 = arith.constant 44 : i32
            %add3A_505 = arith.addi %mul3A_503, %add3A_504 : i32
            %shift_right_arithmetic3A_506 = arith.constant 2 : i32
            %shift_right_arithmetic3A_507 = vector.broadcast %shift_right_arithmetic3A_506 : i32 to vector<16xi32>
            %shift_right_arithmetic3A_508 = arith.shrsi %iota3A, %shift_right_arithmetic3A_507 : vector<16xi32>
            %add3A_509 = vector.broadcast %add3A_505 : i32 to vector<16xi32>
            %add3A_510 = arith.addi %add3A_509, %shift_right_arithmetic3A_508 : vector<16xi32>
            %gather3A_511 = tpu.vector_load_idx %arg27[%add3A_510] : memref<576xi32, #tpu.memory_space<vmem>>[vector<16xi32>], vector<16xi32>,
            %shift_right_arithmetic3A_512 = arith.constant 12 : i32
            %shift_right_arithmetic3A_513 = vector.broadcast %shift_right_arithmetic3A_512 : i32 to vector<16xi32>
            %shift_right_arithmetic3A_514 = arith.shrsi %gather3A_511, %shift_right_arithmetic3A_513 : vector<16xi32>
            %add3A_515 = vector.broadcast %mul3A_127 : i32 to vector<16xi32>
            %add3A_516 = arith.addi %add3A_515, %shift_right_arithmetic3A_514 : vector<16xi32>
            %mul3A_517 = arith.constant 4 : i32
            %mul3A_518 = vector.broadcast %mul3A_517 : i32 to vector<16xi32>
            %mul3A_519 = arith.muli %add3A_516, %mul3A_518 : vector<16xi32>
            %and3A_520 = arith.constant 3 : i32
            %and3A_521 = vector.broadcast %and3A_520 : i32 to vector<16xi32>
            %and3A_522 = arith.andi %iota3A, %and3A_521 : vector<16xi32>
            %add3A_523 = arith.addi %mul3A_519, %and3A_522 : vector<16xi32>
            %swap3A_524 = arith.constant 176 : index
            %swap3A_525 = tpu.vector_load %arg29[%swap3A_524] {strides = array<i32>} : memref<192xi32, #tpu.memory_space<vmem>>, vector<16xi32>,
            tpu.vector_store %arg29[%swap3A_524], %add3A_523 {strides = array<i32>} : memref<192xi32, #tpu.memory_space<vmem>>, vector<16xi32>,
            %dma_start3A = arith.constant 0 : i32
            %dma_start3A_526 = arith.constant 0 : i32
            %dma_start3A_527 = tpu.memref_slice %arg9[%dma_start3A, %dma_start3A_526] : memref<201736x256xf32, #tpu.memory_space<hbm>> -> memref<201736x256xf32, #tpu.memory_space<hbm>>
            tpu.enqueue_indirect_dma source(%dma_start3A_527 : memref<201736x256xf32, #tpu.memory_space<hbm>>) target(%arg30 : memref<48x256xf32, #tpu.memory_space<vmem>>) offsets(%arg28 : memref<48xi32, #tpu.memory_space<vmem>>) semaphore(%arg36 : memref<!tpu.dma_semaphore, #tpu.memory_space<semaphore_mem>>)
            %dma_wait3A = arith.constant 0 : i32
            %dma_wait3A_528 = arith.constant 0 : i32
            %dma_wait3A_529 = tpu.memref_slice %arg9[%dma_wait3A, %dma_wait3A_528] : memref<201736x256xf32, #tpu.memory_space<hbm>> -> memref<201736x256xf32, #tpu.memory_space<hbm>>
            tpu.wait_indirect_dma semaphore(%arg36 : memref<!tpu.dma_semaphore, #tpu.memory_space<semaphore_mem>>) src(%dma_wait3A_529 : memref<201736x256xf32, #tpu.memory_space<hbm>>) dst(%arg30 : memref<48x256xf32, #tpu.memory_space<vmem>>)
            %dma_start3A_530 = arith.constant 0 : i32
            %dma_start3A_531 = tpu.memref_slice %arg10[%dma_start3A_530] : memref<806944xf32, #tpu.memory_space<hbm>> -> memref<806944xf32, #tpu.memory_space<hbm>>
            tpu.enqueue_indirect_dma source(%dma_start3A_531 : memref<806944xf32, #tpu.memory_space<hbm>>) target(%arg31 : memref<192xf32, #tpu.memory_space<vmem>>) offsets(%arg29 : memref<192xi32, #tpu.memory_space<vmem>>) semaphore(%arg36 : memref<!tpu.dma_semaphore, #tpu.memory_space<semaphore_mem>>)
            %dma_wait3A_532 = arith.constant 0 : i32
            %dma_wait3A_533 = tpu.memref_slice %arg10[%dma_wait3A_532] : memref<806944xf32, #tpu.memory_space<hbm>> -> memref<806944xf32, #tpu.memory_space<hbm>>
            tpu.wait_indirect_dma semaphore(%arg36 : memref<!tpu.dma_semaphore, #tpu.memory_space<semaphore_mem>>) src(%dma_wait3A_533 : memref<806944xf32, #tpu.memory_space<hbm>>) dst(%arg31 : memref<192xf32, #tpu.memory_space<vmem>>)
            %scan3A_534 = arith.constant 0 : i32
            %scan3A_535 = arith.constant 0 : i32
            %scan3A_536 = arith.constant 24 : i32
            %scan3A_537 = arith.addi %scan3A_535, %scan3A_536 : i32
            %scan3A_538 = arith.constant 1 : i32
            %scan3A_539 = scf.for %scan3A_542 = %scan3A_535 to %scan3A_537 step %scan3A_538 iter_args(%scan3A_543 = %scan3A_534) -> (i32)  : i32 {
              %mul3A_544 = arith.constant 2 : i32
              %mul3A_545 = arith.muli %mul3A_544, %scan3A_542 : i32
              %mul3A_546 = arith.constant 2 : i32
              %mul3A_547 = arith.muli %mul3A_546, %scan3A_542 : i32
              %add3A_548 = arith.constant 1 : i32
              %add3A_549 = arith.addi %mul3A_547, %add3A_548 : i32
              %mul3A_550 = arith.constant 48 : i32
              %mul3A_551 = arith.muli %while3A_197, %mul3A_550 : i32
              %add3A_552 = arith.addi %mul3A_551, %mul3A_545 : i32
              %broadcast_in_dim3A_553 = vector.broadcast %add3A_552 : i32 to vector<16xi32>
              %gather3A_554 = tpu.vector_load_idx %arg27[%broadcast_in_dim3A_553] : memref<576xi32, #tpu.memory_space<vmem>>[vector<16xi32>], vector<16xi32>,
              %and3A_555 = arith.constant 4095 : i32
              %and3A_556 = vector.broadcast %and3A_555 : i32 to vector<16xi32>
              %and3A_557 = arith.andi %gather3A_554, %and3A_556 : vector<16xi32>
              %reduce_max3A_558 = arith.constant true
              %reduce_max3A_559 = vector.broadcast %reduce_max3A_558 : i1 to vector<16xi1>
              %reduce_max3A_560 = arith.constant -2147483648 : i32
              %reduce_max3A_561 = vector.broadcast %reduce_max3A_560 : i32 to vector<16xi32>
              %reduce_max3A_562 = arith.xori %and3A_557, %reduce_max3A_561 : vector<16xi32>
              %reduce_max3A_563 = tpu.scan <max>, %reduce_max3A_562 masked %reduce_max3A_559 : vector<16xi32>, vector<16xi1> -> vector<16xi32>
              %reduce_max3A_564 = arith.xori %reduce_max3A_563, %reduce_max3A_561 : vector<16xi32>
              %reduce_max3A_565 = vector.extract %reduce_max3A_564[15] : i32 from vector<16xi32>
              %sub3A_566 = arith.subi %reduce_max3A_565, %mul3A_87 : i32
              %get3A_567 = arith.index_cast %sub3A_566 : i32 to index
              %get3A_568 = arith.constant 0 : index
              %get3A_569 = tpu.vector_load %arg25[%get3A_567, %get3A_568] {strides = array<i32>} : memref<168x272xf32, #tpu.memory_space<vmem>>, vector<16xf32>,
              %get3A_570 = arith.index_cast %mul3A_545 : i32 to index
              %get3A_571 = arith.constant 0 : index
              %get3A_572 = tpu.vector_load %arg30[%get3A_570, %get3A_571] {strides = array<i32>} : memref<48x256xf32, #tpu.memory_space<vmem>>, vector<16xf32>,
              %add3A_573 = arith.addf %get3A_569, %get3A_572 : vector<16xf32>
              %swap3A_574 = arith.index_cast %sub3A_566 : i32 to index
              %swap3A_575 = arith.constant 0 : index
              %swap3A_576 = tpu.vector_load %arg25[%swap3A_574, %swap3A_575] {strides = array<i32>} : memref<168x272xf32, #tpu.memory_space<vmem>>, vector<16xf32>,
              tpu.vector_store %arg25[%swap3A_574, %swap3A_575], %add3A_573 {strides = array<i32>} : memref<168x272xf32, #tpu.memory_space<vmem>>, vector<16xf32>,
              %get3A_577 = arith.index_cast %sub3A_566 : i32 to index
              %get3A_578 = arith.constant 16 : index
              %get3A_579 = tpu.vector_load %arg25[%get3A_577, %get3A_578] {strides = array<i32>} : memref<168x272xf32, #tpu.memory_space<vmem>>, vector<16xf32>,
              %get3A_580 = arith.index_cast %mul3A_545 : i32 to index
              %get3A_581 = arith.constant 16 : index
              %get3A_582 = tpu.vector_load %arg30[%get3A_580, %get3A_581] {strides = array<i32>} : memref<48x256xf32, #tpu.memory_space<vmem>>, vector<16xf32>,
              %add3A_583 = arith.addf %get3A_579, %get3A_582 : vector<16xf32>
              %swap3A_584 = arith.index_cast %sub3A_566 : i32 to index
              %swap3A_585 = arith.constant 16 : index
              %swap3A_586 = tpu.vector_load %arg25[%swap3A_584, %swap3A_585] {strides = array<i32>} : memref<168x272xf32, #tpu.memory_space<vmem>>, vector<16xf32>,
              tpu.vector_store %arg25[%swap3A_584, %swap3A_585], %add3A_583 {strides = array<i32>} : memref<168x272xf32, #tpu.memory_space<vmem>>, vector<16xf32>,
              %get3A_587 = arith.index_cast %sub3A_566 : i32 to index
              %get3A_588 = arith.constant 32 : index
              %get3A_589 = tpu.vector_load %arg25[%get3A_587, %get3A_588] {strides = array<i32>} : memref<168x272xf32, #tpu.memory_space<vmem>>, vector<16xf32>,
              %get3A_590 = arith.index_cast %mul3A_545 : i32 to index
              %get3A_591 = arith.constant 32 : index
              %get3A_592 = tpu.vector_load %arg30[%get3A_590, %get3A_591] {strides = array<i32>} : memref<48x256xf32, #tpu.memory_space<vmem>>, vector<16xf32>,
              %add3A_593 = arith.addf %get3A_589, %get3A_592 : vector<16xf32>
              %swap3A_594 = arith.index_cast %sub3A_566 : i32 to index
              %swap3A_595 = arith.constant 32 : index
              %swap3A_596 = tpu.vector_load %arg25[%swap3A_594, %swap3A_595] {strides = array<i32>} : memref<168x272xf32, #tpu.memory_space<vmem>>, vector<16xf32>,
              tpu.vector_store %arg25[%swap3A_594, %swap3A_595], %add3A_593 {strides = array<i32>} : memref<168x272xf32, #tpu.memory_space<vmem>>, vector<16xf32>,
              %get3A_597 = arith.index_cast %sub3A_566 : i32 to index
              %get3A_598 = arith.constant 48 : index
              %get3A_599 = tpu.vector_load %arg25[%get3A_597, %get3A_598] {strides = array<i32>} : memref<168x272xf32, #tpu.memory_space<vmem>>, vector<16xf32>,
              %get3A_600 = arith.index_cast %mul3A_545 : i32 to index
              %get3A_601 = arith.constant 48 : index
              %get3A_602 = tpu.vector_load %arg30[%get3A_600, %get3A_601] {strides = array<i32>} : memref<48x256xf32, #tpu.memory_space<vmem>>, vector<16xf32>,
              %add3A_603 = arith.addf %get3A_599, %get3A_602 : vector<16xf32>
              %swap3A_604 = arith.index_cast %sub3A_566 : i32 to index
              %swap3A_605 = arith.constant 48 : index
              %swap3A_606 = tpu.vector_load %arg25[%swap3A_604, %swap3A_605] {strides = array<i32>} : memref<168x272xf32, #tpu.memory_space<vmem>>, vector<16xf32>,
              tpu.vector_store %arg25[%swap3A_604, %swap3A_605], %add3A_603 {strides = array<i32>} : memref<168x272xf32, #tpu.memory_space<vmem>>, vector<16xf32>,
              %get3A_607 = arith.index_cast %sub3A_566 : i32 to index
              %get3A_608 = arith.constant 64 : index
              %get3A_609 = tpu.vector_load %arg25[%get3A_607, %get3A_608] {strides = array<i32>} : memref<168x272xf32, #tpu.memory_space<vmem>>, vector<16xf32>,
              %get3A_610 = arith.index_cast %mul3A_545 : i32 to index
              %get3A_611 = arith.constant 64 : index
              %get3A_612 = tpu.vector_load %arg30[%get3A_610, %get3A_611] {strides = array<i32>} : memref<48x256xf32, #tpu.memory_space<vmem>>, vector<16xf32>,
              %add3A_613 = arith.addf %get3A_609, %get3A_612 : vector<16xf32>
              %swap3A_614 = arith.index_cast %sub3A_566 : i32 to index
              %swap3A_615 = arith.constant 64 : index
              %swap3A_616 = tpu.vector_load %arg25[%swap3A_614, %swap3A_615] {strides = array<i32>} : memref<168x272xf32, #tpu.memory_space<vmem>>, vector<16xf32>,
              tpu.vector_store %arg25[%swap3A_614, %swap3A_615], %add3A_613 {strides = array<i32>} : memref<168x272xf32, #tpu.memory_space<vmem>>, vector<16xf32>,
              %get3A_617 = arith.index_cast %sub3A_566 : i32 to index
              %get3A_618 = arith.constant 80 : index
              %get3A_619 = tpu.vector_load %arg25[%get3A_617, %get3A_618] {strides = array<i32>} : memref<168x272xf32, #tpu.memory_space<vmem>>, vector<16xf32>,
              %get3A_620 = arith.index_cast %mul3A_545 : i32 to index
              %get3A_621 = arith.constant 80 : index
              %get3A_622 = tpu.vector_load %arg30[%get3A_620, %get3A_621] {strides = array<i32>} : memref<48x256xf32, #tpu.memory_space<vmem>>, vector<16xf32>,
              %add3A_623 = arith.addf %get3A_619, %get3A_622 : vector<16xf32>
              %swap3A_624 = arith.index_cast %sub3A_566 : i32 to index
              %swap3A_625 = arith.constant 80 : index
              %swap3A_626 = tpu.vector_load %arg25[%swap3A_624, %swap3A_625] {strides = array<i32>} : memref<168x272xf32, #tpu.memory_space<vmem>>, vector<16xf32>,
              tpu.vector_store %arg25[%swap3A_624, %swap3A_625], %add3A_623 {strides = array<i32>} : memref<168x272xf32, #tpu.memory_space<vmem>>, vector<16xf32>,
              %get3A_627 = arith.index_cast %sub3A_566 : i32 to index
              %get3A_628 = arith.constant 96 : index
              %get3A_629 = tpu.vector_load %arg25[%get3A_627, %get3A_628] {strides = array<i32>} : memref<168x272xf32, #tpu.memory_space<vmem>>, vector<16xf32>,
              %get3A_630 = arith.index_cast %mul3A_545 : i32 to index
              %get3A_631 = arith.constant 96 : index
              %get3A_632 = tpu.vector_load %arg30[%get3A_630, %get3A_631] {strides = array<i32>} : memref<48x256xf32, #tpu.memory_space<vmem>>, vector<16xf32>,
              %add3A_633 = arith.addf %get3A_629, %get3A_632 : vector<16xf32>
              %swap3A_634 = arith.index_cast %sub3A_566 : i32 to index
              %swap3A_635 = arith.constant 96 : index
              %swap3A_636 = tpu.vector_load %arg25[%swap3A_634, %swap3A_635] {strides = array<i32>} : memref<168x272xf32, #tpu.memory_space<vmem>>, vector<16xf32>,
              tpu.vector_store %arg25[%swap3A_634, %swap3A_635], %add3A_633 {strides = array<i32>} : memref<168x272xf32, #tpu.memory_space<vmem>>, vector<16xf32>,
              %get3A_637 = arith.index_cast %sub3A_566 : i32 to index
              %get3A_638 = arith.constant 112 : index
              %get3A_639 = tpu.vector_load %arg25[%get3A_637, %get3A_638] {strides = array<i32>} : memref<168x272xf32, #tpu.memory_space<vmem>>, vector<16xf32>,
              %get3A_640 = arith.index_cast %mul3A_545 : i32 to index
              %get3A_641 = arith.constant 112 : index
              %get3A_642 = tpu.vector_load %arg30[%get3A_640, %get3A_641] {strides = array<i32>} : memref<48x256xf32, #tpu.memory_space<vmem>>, vector<16xf32>,
              %add3A_643 = arith.addf %get3A_639, %get3A_642 : vector<16xf32>
              %swap3A_644 = arith.index_cast %sub3A_566 : i32 to index
              %swap3A_645 = arith.constant 112 : index
              %swap3A_646 = tpu.vector_load %arg25[%swap3A_644, %swap3A_645] {strides = array<i32>} : memref<168x272xf32, #tpu.memory_space<vmem>>, vector<16xf32>,
              tpu.vector_store %arg25[%swap3A_644, %swap3A_645], %add3A_643 {strides = array<i32>} : memref<168x272xf32, #tpu.memory_space<vmem>>, vector<16xf32>,
              %get3A_647 = arith.index_cast %sub3A_566 : i32 to index
              %get3A_648 = arith.constant 128 : index
              %get3A_649 = tpu.vector_load %arg25[%get3A_647, %get3A_648] {strides = array<i32>} : memref<168x272xf32, #tpu.memory_space<vmem>>, vector<16xf32>,
              %get3A_650 = arith.index_cast %mul3A_545 : i32 to index
              %get3A_651 = arith.constant 128 : index
              %get3A_652 = tpu.vector_load %arg30[%get3A_650, %get3A_651] {strides = array<i32>} : memref<48x256xf32, #tpu.memory_space<vmem>>, vector<16xf32>,
              %add3A_653 = arith.addf %get3A_649, %get3A_652 : vector<16xf32>
              %swap3A_654 = arith.index_cast %sub3A_566 : i32 to index
              %swap3A_655 = arith.constant 128 : index
              %swap3A_656 = tpu.vector_load %arg25[%swap3A_654, %swap3A_655] {strides = array<i32>} : memref<168x272xf32, #tpu.memory_space<vmem>>, vector<16xf32>,
              tpu.vector_store %arg25[%swap3A_654, %swap3A_655], %add3A_653 {strides = array<i32>} : memref<168x272xf32, #tpu.memory_space<vmem>>, vector<16xf32>,
              %get3A_657 = arith.index_cast %sub3A_566 : i32 to index
              %get3A_658 = arith.constant 144 : index
              %get3A_659 = tpu.vector_load %arg25[%get3A_657, %get3A_658] {strides = array<i32>} : memref<168x272xf32, #tpu.memory_space<vmem>>, vector<16xf32>,
              %get3A_660 = arith.index_cast %mul3A_545 : i32 to index
              %get3A_661 = arith.constant 144 : index
              %get3A_662 = tpu.vector_load %arg30[%get3A_660, %get3A_661] {strides = array<i32>} : memref<48x256xf32, #tpu.memory_space<vmem>>, vector<16xf32>,
              %add3A_663 = arith.addf %get3A_659, %get3A_662 : vector<16xf32>
              %swap3A_664 = arith.index_cast %sub3A_566 : i32 to index
              %swap3A_665 = arith.constant 144 : index
              %swap3A_666 = tpu.vector_load %arg25[%swap3A_664, %swap3A_665] {strides = array<i32>} : memref<168x272xf32, #tpu.memory_space<vmem>>, vector<16xf32>,
              tpu.vector_store %arg25[%swap3A_664, %swap3A_665], %add3A_663 {strides = array<i32>} : memref<168x272xf32, #tpu.memory_space<vmem>>, vector<16xf32>,
              %get3A_667 = arith.index_cast %sub3A_566 : i32 to index
              %get3A_668 = arith.constant 160 : index
              %get3A_669 = tpu.vector_load %arg25[%get3A_667, %get3A_668] {strides = array<i32>} : memref<168x272xf32, #tpu.memory_space<vmem>>, vector<16xf32>,
              %get3A_670 = arith.index_cast %mul3A_545 : i32 to index
              %get3A_671 = arith.constant 160 : index
              %get3A_672 = tpu.vector_load %arg30[%get3A_670, %get3A_671] {strides = array<i32>} : memref<48x256xf32, #tpu.memory_space<vmem>>, vector<16xf32>,
              %add3A_673 = arith.addf %get3A_669, %get3A_672 : vector<16xf32>
              %swap3A_674 = arith.index_cast %sub3A_566 : i32 to index
              %swap3A_675 = arith.constant 160 : index
              %swap3A_676 = tpu.vector_load %arg25[%swap3A_674, %swap3A_675] {strides = array<i32>} : memref<168x272xf32, #tpu.memory_space<vmem>>, vector<16xf32>,
              tpu.vector_store %arg25[%swap3A_674, %swap3A_675], %add3A_673 {strides = array<i32>} : memref<168x272xf32, #tpu.memory_space<vmem>>, vector<16xf32>,
              %get3A_677 = arith.index_cast %sub3A_566 : i32 to index
              %get3A_678 = arith.constant 176 : index
              %get3A_679 = tpu.vector_load %arg25[%get3A_677, %get3A_678] {strides = array<i32>} : memref<168x272xf32, #tpu.memory_space<vmem>>, vector<16xf32>,
              %get3A_680 = arith.index_cast %mul3A_545 : i32 to index
              %get3A_681 = arith.constant 176 : index
              %get3A_682 = tpu.vector_load %arg30[%get3A_680, %get3A_681] {strides = array<i32>} : memref<48x256xf32, #tpu.memory_space<vmem>>, vector<16xf32>,
              %add3A_683 = arith.addf %get3A_679, %get3A_682 : vector<16xf32>
              %swap3A_684 = arith.index_cast %sub3A_566 : i32 to index
              %swap3A_685 = arith.constant 176 : index
              %swap3A_686 = tpu.vector_load %arg25[%swap3A_684, %swap3A_685] {strides = array<i32>} : memref<168x272xf32, #tpu.memory_space<vmem>>, vector<16xf32>,
              tpu.vector_store %arg25[%swap3A_684, %swap3A_685], %add3A_683 {strides = array<i32>} : memref<168x272xf32, #tpu.memory_space<vmem>>, vector<16xf32>,
              %get3A_687 = arith.index_cast %sub3A_566 : i32 to index
              %get3A_688 = arith.constant 192 : index
              %get3A_689 = tpu.vector_load %arg25[%get3A_687, %get3A_688] {strides = array<i32>} : memref<168x272xf32, #tpu.memory_space<vmem>>, vector<16xf32>,
              %get3A_690 = arith.index_cast %mul3A_545 : i32 to index
              %get3A_691 = arith.constant 192 : index
              %get3A_692 = tpu.vector_load %arg30[%get3A_690, %get3A_691] {strides = array<i32>} : memref<48x256xf32, #tpu.memory_space<vmem>>, vector<16xf32>,
              %add3A_693 = arith.addf %get3A_689, %get3A_692 : vector<16xf32>
              %swap3A_694 = arith.index_cast %sub3A_566 : i32 to index
              %swap3A_695 = arith.constant 192 : index
              %swap3A_696 = tpu.vector_load %arg25[%swap3A_694, %swap3A_695] {strides = array<i32>} : memref<168x272xf32, #tpu.memory_space<vmem>>, vector<16xf32>,
              tpu.vector_store %arg25[%swap3A_694, %swap3A_695], %add3A_693 {strides = array<i32>} : memref<168x272xf32, #tpu.memory_space<vmem>>, vector<16xf32>,
              %get3A_697 = arith.index_cast %sub3A_566 : i32 to index
              %get3A_698 = arith.constant 208 : index
              %get3A_699 = tpu.vector_load %arg25[%get3A_697, %get3A_698] {strides = array<i32>} : memref<168x272xf32, #tpu.memory_space<vmem>>, vector<16xf32>,
              %get3A_700 = arith.index_cast %mul3A_545 : i32 to index
              %get3A_701 = arith.constant 208 : index
              %get3A_702 = tpu.vector_load %arg30[%get3A_700, %get3A_701] {strides = array<i32>} : memref<48x256xf32, #tpu.memory_space<vmem>>, vector<16xf32>,
              %add3A_703 = arith.addf %get3A_699, %get3A_702 : vector<16xf32>
              %swap3A_704 = arith.index_cast %sub3A_566 : i32 to index
              %swap3A_705 = arith.constant 208 : index
              %swap3A_706 = tpu.vector_load %arg25[%swap3A_704, %swap3A_705] {strides = array<i32>} : memref<168x272xf32, #tpu.memory_space<vmem>>, vector<16xf32>,
              tpu.vector_store %arg25[%swap3A_704, %swap3A_705], %add3A_703 {strides = array<i32>} : memref<168x272xf32, #tpu.memory_space<vmem>>, vector<16xf32>,
              %get3A_707 = arith.index_cast %sub3A_566 : i32 to index
              %get3A_708 = arith.constant 224 : index
              %get3A_709 = tpu.vector_load %arg25[%get3A_707, %get3A_708] {strides = array<i32>} : memref<168x272xf32, #tpu.memory_space<vmem>>, vector<16xf32>,
              %get3A_710 = arith.index_cast %mul3A_545 : i32 to index
              %get3A_711 = arith.constant 224 : index
              %get3A_712 = tpu.vector_load %arg30[%get3A_710, %get3A_711] {strides = array<i32>} : memref<48x256xf32, #tpu.memory_space<vmem>>, vector<16xf32>,
              %add3A_713 = arith.addf %get3A_709, %get3A_712 : vector<16xf32>
              %swap3A_714 = arith.index_cast %sub3A_566 : i32 to index
              %swap3A_715 = arith.constant 224 : index
              %swap3A_716 = tpu.vector_load %arg25[%swap3A_714, %swap3A_715] {strides = array<i32>} : memref<168x272xf32, #tpu.memory_space<vmem>>, vector<16xf32>,
              tpu.vector_store %arg25[%swap3A_714, %swap3A_715], %add3A_713 {strides = array<i32>} : memref<168x272xf32, #tpu.memory_space<vmem>>, vector<16xf32>,
              %get3A_717 = arith.index_cast %sub3A_566 : i32 to index
              %get3A_718 = arith.constant 240 : index
              %get3A_719 = tpu.vector_load %arg25[%get3A_717, %get3A_718] {strides = array<i32>} : memref<168x272xf32, #tpu.memory_space<vmem>>, vector<16xf32>,
              %get3A_720 = arith.index_cast %mul3A_545 : i32 to index
              %get3A_721 = arith.constant 240 : index
              %get3A_722 = tpu.vector_load %arg30[%get3A_720, %get3A_721] {strides = array<i32>} : memref<48x256xf32, #tpu.memory_space<vmem>>, vector<16xf32>,
              %add3A_723 = arith.addf %get3A_719, %get3A_722 : vector<16xf32>
              %swap3A_724 = arith.index_cast %sub3A_566 : i32 to index
              %swap3A_725 = arith.constant 240 : index
              %swap3A_726 = tpu.vector_load %arg25[%swap3A_724, %swap3A_725] {strides = array<i32>} : memref<168x272xf32, #tpu.memory_space<vmem>>, vector<16xf32>,
              tpu.vector_store %arg25[%swap3A_724, %swap3A_725], %add3A_723 {strides = array<i32>} : memref<168x272xf32, #tpu.memory_space<vmem>>, vector<16xf32>,
              %mul3A_727 = arith.constant 4 : i32
              %mul3A_728 = arith.muli %mul3A_545, %mul3A_727 : i32
              %min3A_729 = arith.constant 3 : i32
              %min3A_730 = vector.broadcast %min3A_729 : i32 to vector<16xi32>
              %min3A_731 = arith.minsi %iota3A, %min3A_730 : vector<16xi32>
              %add3A_732 = vector.broadcast %mul3A_728 : i32 to vector<16xi32>
              %add3A_733 = arith.addi %add3A_732, %min3A_731 : vector<16xi32>
              %gather3A_734 = tpu.vector_load_idx %arg31[%add3A_733] : memref<192xf32, #tpu.memory_space<vmem>>[vector<16xi32>], vector<16xf32>,
              %lt3A = arith.constant 4 : i32
              %lt3A_735 = vector.broadcast %lt3A : i32 to vector<16xi32>
              %lt3A_736 = arith.cmpi slt, %iota3A, %lt3A_735 : vector<16xi32>
              %select_n3A_737 = arith.select %lt3A_736, %gather3A_734, %broadcast_in_dim3A_8 : vector<16xi1>, vector<16xf32>
              %get3A_738 = arith.index_cast %sub3A_566 : i32 to index
              %get3A_739 = arith.constant 256 : index
              %get3A_740 = tpu.vector_load %arg25[%get3A_738, %get3A_739] {strides = array<i32>} : memref<168x272xf32, #tpu.memory_space<vmem>>, vector<16xf32>,
              %add3A_741 = arith.addf %get3A_740, %select_n3A_737 : vector<16xf32>
              %swap3A_742 = arith.index_cast %sub3A_566 : i32 to index
              %swap3A_743 = arith.constant 256 : index
              %swap3A_744 = tpu.vector_load %arg25[%swap3A_742, %swap3A_743] {strides = array<i32>} : memref<168x272xf32, #tpu.memory_space<vmem>>, vector<16xf32>,
              tpu.vector_store %arg25[%swap3A_742, %swap3A_743], %add3A_741 {strides = array<i32>} : memref<168x272xf32, #tpu.memory_space<vmem>>, vector<16xf32>,
              %mul3A_745 = arith.constant 48 : i32
              %mul3A_746 = arith.muli %while3A_197, %mul3A_745 : i32
              %add3A_747 = arith.addi %mul3A_746, %add3A_549 : i32
              %broadcast_in_dim3A_748 = vector.broadcast %add3A_747 : i32 to vector<16xi32>
              %gather3A_749 = tpu.vector_load_idx %arg27[%broadcast_in_dim3A_748] : memref<576xi32, #tpu.memory_space<vmem>>[vector<16xi32>], vector<16xi32>,
              %and3A_750 = arith.constant 4095 : i32
              %and3A_751 = vector.broadcast %and3A_750 : i32 to vector<16xi32>
              %and3A_752 = arith.andi %gather3A_749, %and3A_751 : vector<16xi32>
              %reduce_max3A_753 = arith.constant true
              %reduce_max3A_754 = vector.broadcast %reduce_max3A_753 : i1 to vector<16xi1>
              %reduce_max3A_755 = arith.constant -2147483648 : i32
              %reduce_max3A_756 = vector.broadcast %reduce_max3A_755 : i32 to vector<16xi32>
              %reduce_max3A_757 = arith.xori %and3A_752, %reduce_max3A_756 : vector<16xi32>
              %reduce_max3A_758 = tpu.scan <max>, %reduce_max3A_757 masked %reduce_max3A_754 : vector<16xi32>, vector<16xi1> -> vector<16xi32>
              %reduce_max3A_759 = arith.xori %reduce_max3A_758, %reduce_max3A_756 : vector<16xi32>
              %reduce_max3A_760 = vector.extract %reduce_max3A_759[15] : i32 from vector<16xi32>
              %sub3A_761 = arith.subi %reduce_max3A_760, %mul3A_87 : i32
              %get3A_762 = arith.index_cast %sub3A_761 : i32 to index
              %get3A_763 = arith.constant 0 : index
              %get3A_764 = tpu.vector_load %arg25[%get3A_762, %get3A_763] {strides = array<i32>} : memref<168x272xf32, #tpu.memory_space<vmem>>, vector<16xf32>,
              %get3A_765 = arith.index_cast %add3A_549 : i32 to index
              %get3A_766 = arith.constant 0 : index
              %get3A_767 = tpu.vector_load %arg30[%get3A_765, %get3A_766] {strides = array<i32>} : memref<48x256xf32, #tpu.memory_space<vmem>>, vector<16xf32>,
              %add3A_768 = arith.addf %get3A_764, %get3A_767 : vector<16xf32>
              %swap3A_769 = arith.index_cast %sub3A_761 : i32 to index
              %swap3A_770 = arith.constant 0 : index
              %swap3A_771 = tpu.vector_load %arg25[%swap3A_769, %swap3A_770] {strides = array<i32>} : memref<168x272xf32, #tpu.memory_space<vmem>>, vector<16xf32>,
              tpu.vector_store %arg25[%swap3A_769, %swap3A_770], %add3A_768 {strides = array<i32>} : memref<168x272xf32, #tpu.memory_space<vmem>>, vector<16xf32>,
              %get3A_772 = arith.index_cast %sub3A_761 : i32 to index
              %get3A_773 = arith.constant 16 : index
              %get3A_774 = tpu.vector_load %arg25[%get3A_772, %get3A_773] {strides = array<i32>} : memref<168x272xf32, #tpu.memory_space<vmem>>, vector<16xf32>,
              %get3A_775 = arith.index_cast %add3A_549 : i32 to index
              %get3A_776 = arith.constant 16 : index
              %get3A_777 = tpu.vector_load %arg30[%get3A_775, %get3A_776] {strides = array<i32>} : memref<48x256xf32, #tpu.memory_space<vmem>>, vector<16xf32>,
              %add3A_778 = arith.addf %get3A_774, %get3A_777 : vector<16xf32>
              %swap3A_779 = arith.index_cast %sub3A_761 : i32 to index
              %swap3A_780 = arith.constant 16 : index
              %swap3A_781 = tpu.vector_load %arg25[%swap3A_779, %swap3A_780] {strides = array<i32>} : memref<168x272xf32, #tpu.memory_space<vmem>>, vector<16xf32>,
              tpu.vector_store %arg25[%swap3A_779, %swap3A_780], %add3A_778 {strides = array<i32>} : memref<168x272xf32, #tpu.memory_space<vmem>>, vector<16xf32>,
              %get3A_782 = arith.index_cast %sub3A_761 : i32 to index
              %get3A_783 = arith.constant 32 : index
              %get3A_784 = tpu.vector_load %arg25[%get3A_782, %get3A_783] {strides = array<i32>} : memref<168x272xf32, #tpu.memory_space<vmem>>, vector<16xf32>,
              %get3A_785 = arith.index_cast %add3A_549 : i32 to index
              %get3A_786 = arith.constant 32 : index
              %get3A_787 = tpu.vector_load %arg30[%get3A_785, %get3A_786] {strides = array<i32>} : memref<48x256xf32, #tpu.memory_space<vmem>>, vector<16xf32>,
              %add3A_788 = arith.addf %get3A_784, %get3A_787 : vector<16xf32>
              %swap3A_789 = arith.index_cast %sub3A_761 : i32 to index
              %swap3A_790 = arith.constant 32 : index
              %swap3A_791 = tpu.vector_load %arg25[%swap3A_789, %swap3A_790] {strides = array<i32>} : memref<168x272xf32, #tpu.memory_space<vmem>>, vector<16xf32>,
              tpu.vector_store %arg25[%swap3A_789, %swap3A_790], %add3A_788 {strides = array<i32>} : memref<168x272xf32, #tpu.memory_space<vmem>>, vector<16xf32>,
              %get3A_792 = arith.index_cast %sub3A_761 : i32 to index
              %get3A_793 = arith.constant 48 : index
              %get3A_794 = tpu.vector_load %arg25[%get3A_792, %get3A_793] {strides = array<i32>} : memref<168x272xf32, #tpu.memory_space<vmem>>, vector<16xf32>,
              %get3A_795 = arith.index_cast %add3A_549 : i32 to index
              %get3A_796 = arith.constant 48 : index
              %get3A_797 = tpu.vector_load %arg30[%get3A_795, %get3A_796] {strides = array<i32>} : memref<48x256xf32, #tpu.memory_space<vmem>>, vector<16xf32>,
              %add3A_798 = arith.addf %get3A_794, %get3A_797 : vector<16xf32>
              %swap3A_799 = arith.index_cast %sub3A_761 : i32 to index
              %swap3A_800 = arith.constant 48 : index
              %swap3A_801 = tpu.vector_load %arg25[%swap3A_799, %swap3A_800] {strides = array<i32>} : memref<168x272xf32, #tpu.memory_space<vmem>>, vector<16xf32>,
              tpu.vector_store %arg25[%swap3A_799, %swap3A_800], %add3A_798 {strides = array<i32>} : memref<168x272xf32, #tpu.memory_space<vmem>>, vector<16xf32>,
              %get3A_802 = arith.index_cast %sub3A_761 : i32 to index
              %get3A_803 = arith.constant 64 : index
              %get3A_804 = tpu.vector_load %arg25[%get3A_802, %get3A_803] {strides = array<i32>} : memref<168x272xf32, #tpu.memory_space<vmem>>, vector<16xf32>,
              %get3A_805 = arith.index_cast %add3A_549 : i32 to index
              %get3A_806 = arith.constant 64 : index
              %get3A_807 = tpu.vector_load %arg30[%get3A_805, %get3A_806] {strides = array<i32>} : memref<48x256xf32, #tpu.memory_space<vmem>>, vector<16xf32>,
              %add3A_808 = arith.addf %get3A_804, %get3A_807 : vector<16xf32>
              %swap3A_809 = arith.index_cast %sub3A_761 : i32 to index
              %swap3A_810 = arith.constant 64 : index
              %swap3A_811 = tpu.vector_load %arg25[%swap3A_809, %swap3A_810] {strides = array<i32>} : memref<168x272xf32, #tpu.memory_space<vmem>>, vector<16xf32>,
              tpu.vector_store %arg25[%swap3A_809, %swap3A_810], %add3A_808 {strides = array<i32>} : memref<168x272xf32, #tpu.memory_space<vmem>>, vector<16xf32>,
              %get3A_812 = arith.index_cast %sub3A_761 : i32 to index
              %get3A_813 = arith.constant 80 : index
              %get3A_814 = tpu.vector_load %arg25[%get3A_812, %get3A_813] {strides = array<i32>} : memref<168x272xf32, #tpu.memory_space<vmem>>, vector<16xf32>,
              %get3A_815 = arith.index_cast %add3A_549 : i32 to index
              %get3A_816 = arith.constant 80 : index
              %get3A_817 = tpu.vector_load %arg30[%get3A_815, %get3A_816] {strides = array<i32>} : memref<48x256xf32, #tpu.memory_space<vmem>>, vector<16xf32>,
              %add3A_818 = arith.addf %get3A_814, %get3A_817 : vector<16xf32>
              %swap3A_819 = arith.index_cast %sub3A_761 : i32 to index
              %swap3A_820 = arith.constant 80 : index
              %swap3A_821 = tpu.vector_load %arg25[%swap3A_819, %swap3A_820] {strides = array<i32>} : memref<168x272xf32, #tpu.memory_space<vmem>>, vector<16xf32>,
              tpu.vector_store %arg25[%swap3A_819, %swap3A_820], %add3A_818 {strides = array<i32>} : memref<168x272xf32, #tpu.memory_space<vmem>>, vector<16xf32>,
              %get3A_822 = arith.index_cast %sub3A_761 : i32 to index
              %get3A_823 = arith.constant 96 : index
              %get3A_824 = tpu.vector_load %arg25[%get3A_822, %get3A_823] {strides = array<i32>} : memref<168x272xf32, #tpu.memory_space<vmem>>, vector<16xf32>,
              %get3A_825 = arith.index_cast %add3A_549 : i32 to index
              %get3A_826 = arith.constant 96 : index
              %get3A_827 = tpu.vector_load %arg30[%get3A_825, %get3A_826] {strides = array<i32>} : memref<48x256xf32, #tpu.memory_space<vmem>>, vector<16xf32>,
              %add3A_828 = arith.addf %get3A_824, %get3A_827 : vector<16xf32>
              %swap3A_829 = arith.index_cast %sub3A_761 : i32 to index
              %swap3A_830 = arith.constant 96 : index
              %swap3A_831 = tpu.vector_load %arg25[%swap3A_829, %swap3A_830] {strides = array<i32>} : memref<168x272xf32, #tpu.memory_space<vmem>>, vector<16xf32>,
              tpu.vector_store %arg25[%swap3A_829, %swap3A_830], %add3A_828 {strides = array<i32>} : memref<168x272xf32, #tpu.memory_space<vmem>>, vector<16xf32>,
              %get3A_832 = arith.index_cast %sub3A_761 : i32 to index
              %get3A_833 = arith.constant 112 : index
              %get3A_834 = tpu.vector_load %arg25[%get3A_832, %get3A_833] {strides = array<i32>} : memref<168x272xf32, #tpu.memory_space<vmem>>, vector<16xf32>,
              %get3A_835 = arith.index_cast %add3A_549 : i32 to index
              %get3A_836 = arith.constant 112 : index
              %get3A_837 = tpu.vector_load %arg30[%get3A_835, %get3A_836] {strides = array<i32>} : memref<48x256xf32, #tpu.memory_space<vmem>>, vector<16xf32>,
              %add3A_838 = arith.addf %get3A_834, %get3A_837 : vector<16xf32>
              %swap3A_839 = arith.index_cast %sub3A_761 : i32 to index
              %swap3A_840 = arith.constant 112 : index
              %swap3A_841 = tpu.vector_load %arg25[%swap3A_839, %swap3A_840] {strides = array<i32>} : memref<168x272xf32, #tpu.memory_space<vmem>>, vector<16xf32>,
              tpu.vector_store %arg25[%swap3A_839, %swap3A_840], %add3A_838 {strides = array<i32>} : memref<168x272xf32, #tpu.memory_space<vmem>>, vector<16xf32>,
              %get3A_842 = arith.index_cast %sub3A_761 : i32 to index
              %get3A_843 = arith.constant 128 : index
              %get3A_844 = tpu.vector_load %arg25[%get3A_842, %get3A_843] {strides = array<i32>} : memref<168x272xf32, #tpu.memory_space<vmem>>, vector<16xf32>,
              %get3A_845 = arith.index_cast %add3A_549 : i32 to index
              %get3A_846 = arith.constant 128 : index
              %get3A_847 = tpu.vector_load %arg30[%get3A_845, %get3A_846] {strides = array<i32>} : memref<48x256xf32, #tpu.memory_space<vmem>>, vector<16xf32>,
              %add3A_848 = arith.addf %get3A_844, %get3A_847 : vector<16xf32>
              %swap3A_849 = arith.index_cast %sub3A_761 : i32 to index
              %swap3A_850 = arith.constant 128 : index
              %swap3A_851 = tpu.vector_load %arg25[%swap3A_849, %swap3A_850] {strides = array<i32>} : memref<168x272xf32, #tpu.memory_space<vmem>>, vector<16xf32>,
              tpu.vector_store %arg25[%swap3A_849, %swap3A_850], %add3A_848 {strides = array<i32>} : memref<168x272xf32, #tpu.memory_space<vmem>>, vector<16xf32>,
              %get3A_852 = arith.index_cast %sub3A_761 : i32 to index
              %get3A_853 = arith.constant 144 : index
              %get3A_854 = tpu.vector_load %arg25[%get3A_852, %get3A_853] {strides = array<i32>} : memref<168x272xf32, #tpu.memory_space<vmem>>, vector<16xf32>,
              %get3A_855 = arith.index_cast %add3A_549 : i32 to index
              %get3A_856 = arith.constant 144 : index
              %get3A_857 = tpu.vector_load %arg30[%get3A_855, %get3A_856] {strides = array<i32>} : memref<48x256xf32, #tpu.memory_space<vmem>>, vector<16xf32>,
              %add3A_858 = arith.addf %get3A_854, %get3A_857 : vector<16xf32>
              %swap3A_859 = arith.index_cast %sub3A_761 : i32 to index
              %swap3A_860 = arith.constant 144 : index
              %swap3A_861 = tpu.vector_load %arg25[%swap3A_859, %swap3A_860] {strides = array<i32>} : memref<168x272xf32, #tpu.memory_space<vmem>>, vector<16xf32>,
              tpu.vector_store %arg25[%swap3A_859, %swap3A_860], %add3A_858 {strides = array<i32>} : memref<168x272xf32, #tpu.memory_space<vmem>>, vector<16xf32>,
              %get3A_862 = arith.index_cast %sub3A_761 : i32 to index
              %get3A_863 = arith.constant 160 : index
              %get3A_864 = tpu.vector_load %arg25[%get3A_862, %get3A_863] {strides = array<i32>} : memref<168x272xf32, #tpu.memory_space<vmem>>, vector<16xf32>,
              %get3A_865 = arith.index_cast %add3A_549 : i32 to index
              %get3A_866 = arith.constant 160 : index
              %get3A_867 = tpu.vector_load %arg30[%get3A_865, %get3A_866] {strides = array<i32>} : memref<48x256xf32, #tpu.memory_space<vmem>>, vector<16xf32>,
              %add3A_868 = arith.addf %get3A_864, %get3A_867 : vector<16xf32>
              %swap3A_869 = arith.index_cast %sub3A_761 : i32 to index
              %swap3A_870 = arith.constant 160 : index
              %swap3A_871 = tpu.vector_load %arg25[%swap3A_869, %swap3A_870] {strides = array<i32>} : memref<168x272xf32, #tpu.memory_space<vmem>>, vector<16xf32>,
              tpu.vector_store %arg25[%swap3A_869, %swap3A_870], %add3A_868 {strides = array<i32>} : memref<168x272xf32, #tpu.memory_space<vmem>>, vector<16xf32>,
              %get3A_872 = arith.index_cast %sub3A_761 : i32 to index
              %get3A_873 = arith.constant 176 : index
              %get3A_874 = tpu.vector_load %arg25[%get3A_872, %get3A_873] {strides = array<i32>} : memref<168x272xf32, #tpu.memory_space<vmem>>, vector<16xf32>,
              %get3A_875 = arith.index_cast %add3A_549 : i32 to index
              %get3A_876 = arith.constant 176 : index
              %get3A_877 = tpu.vector_load %arg30[%get3A_875, %get3A_876] {strides = array<i32>} : memref<48x256xf32, #tpu.memory_space<vmem>>, vector<16xf32>,
              %add3A_878 = arith.addf %get3A_874, %get3A_877 : vector<16xf32>
              %swap3A_879 = arith.index_cast %sub3A_761 : i32 to index
              %swap3A_880 = arith.constant 176 : index
              %swap3A_881 = tpu.vector_load %arg25[%swap3A_879, %swap3A_880] {strides = array<i32>} : memref<168x272xf32, #tpu.memory_space<vmem>>, vector<16xf32>,
              tpu.vector_store %arg25[%swap3A_879, %swap3A_880], %add3A_878 {strides = array<i32>} : memref<168x272xf32, #tpu.memory_space<vmem>>, vector<16xf32>,
              %get3A_882 = arith.index_cast %sub3A_761 : i32 to index
              %get3A_883 = arith.constant 192 : index
              %get3A_884 = tpu.vector_load %arg25[%get3A_882, %get3A_883] {strides = array<i32>} : memref<168x272xf32, #tpu.memory_space<vmem>>, vector<16xf32>,
              %get3A_885 = arith.index_cast %add3A_549 : i32 to index
              %get3A_886 = arith.constant 192 : index
              %get3A_887 = tpu.vector_load %arg30[%get3A_885, %get3A_886] {strides = array<i32>} : memref<48x256xf32, #tpu.memory_space<vmem>>, vector<16xf32>,
              %add3A_888 = arith.addf %get3A_884, %get3A_887 : vector<16xf32>
              %swap3A_889 = arith.index_cast %sub3A_761 : i32 to index
              %swap3A_890 = arith.constant 192 : index
              %swap3A_891 = tpu.vector_load %arg25[%swap3A_889, %swap3A_890] {strides = array<i32>} : memref<168x272xf32, #tpu.memory_space<vmem>>, vector<16xf32>,
              tpu.vector_store %arg25[%swap3A_889, %swap3A_890], %add3A_888 {strides = array<i32>} : memref<168x272xf32, #tpu.memory_space<vmem>>, vector<16xf32>,
              %get3A_892 = arith.index_cast %sub3A_761 : i32 to index
              %get3A_893 = arith.constant 208 : index
              %get3A_894 = tpu.vector_load %arg25[%get3A_892, %get3A_893] {strides = array<i32>} : memref<168x272xf32, #tpu.memory_space<vmem>>, vector<16xf32>,
              %get3A_895 = arith.index_cast %add3A_549 : i32 to index
              %get3A_896 = arith.constant 208 : index
              %get3A_897 = tpu.vector_load %arg30[%get3A_895, %get3A_896] {strides = array<i32>} : memref<48x256xf32, #tpu.memory_space<vmem>>, vector<16xf32>,
              %add3A_898 = arith.addf %get3A_894, %get3A_897 : vector<16xf32>
              %swap3A_899 = arith.index_cast %sub3A_761 : i32 to index
              %swap3A_900 = arith.constant 208 : index
              %swap3A_901 = tpu.vector_load %arg25[%swap3A_899, %swap3A_900] {strides = array<i32>} : memref<168x272xf32, #tpu.memory_space<vmem>>, vector<16xf32>,
              tpu.vector_store %arg25[%swap3A_899, %swap3A_900], %add3A_898 {strides = array<i32>} : memref<168x272xf32, #tpu.memory_space<vmem>>, vector<16xf32>,
              %get3A_902 = arith.index_cast %sub3A_761 : i32 to index
              %get3A_903 = arith.constant 224 : index
              %get3A_904 = tpu.vector_load %arg25[%get3A_902, %get3A_903] {strides = array<i32>} : memref<168x272xf32, #tpu.memory_space<vmem>>, vector<16xf32>,
              %get3A_905 = arith.index_cast %add3A_549 : i32 to index
              %get3A_906 = arith.constant 224 : index
              %get3A_907 = tpu.vector_load %arg30[%get3A_905, %get3A_906] {strides = array<i32>} : memref<48x256xf32, #tpu.memory_space<vmem>>, vector<16xf32>,
              %add3A_908 = arith.addf %get3A_904, %get3A_907 : vector<16xf32>
              %swap3A_909 = arith.index_cast %sub3A_761 : i32 to index
              %swap3A_910 = arith.constant 224 : index
              %swap3A_911 = tpu.vector_load %arg25[%swap3A_909, %swap3A_910] {strides = array<i32>} : memref<168x272xf32, #tpu.memory_space<vmem>>, vector<16xf32>,
              tpu.vector_store %arg25[%swap3A_909, %swap3A_910], %add3A_908 {strides = array<i32>} : memref<168x272xf32, #tpu.memory_space<vmem>>, vector<16xf32>,
              %get3A_912 = arith.index_cast %sub3A_761 : i32 to index
              %get3A_913 = arith.constant 240 : index
              %get3A_914 = tpu.vector_load %arg25[%get3A_912, %get3A_913] {strides = array<i32>} : memref<168x272xf32, #tpu.memory_space<vmem>>, vector<16xf32>,
              %get3A_915 = arith.index_cast %add3A_549 : i32 to index
              %get3A_916 = arith.constant 240 : index
              %get3A_917 = tpu.vector_load %arg30[%get3A_915, %get3A_916] {strides = array<i32>} : memref<48x256xf32, #tpu.memory_space<vmem>>, vector<16xf32>,
              %add3A_918 = arith.addf %get3A_914, %get3A_917 : vector<16xf32>
              %swap3A_919 = arith.index_cast %sub3A_761 : i32 to index
              %swap3A_920 = arith.constant 240 : index
              %swap3A_921 = tpu.vector_load %arg25[%swap3A_919, %swap3A_920] {strides = array<i32>} : memref<168x272xf32, #tpu.memory_space<vmem>>, vector<16xf32>,
              tpu.vector_store %arg25[%swap3A_919, %swap3A_920], %add3A_918 {strides = array<i32>} : memref<168x272xf32, #tpu.memory_space<vmem>>, vector<16xf32>,
              %mul3A_922 = arith.constant 4 : i32
              %mul3A_923 = arith.muli %add3A_549, %mul3A_922 : i32
              %min3A_924 = arith.constant 3 : i32
              %min3A_925 = vector.broadcast %min3A_924 : i32 to vector<16xi32>
              %min3A_926 = arith.minsi %iota3A, %min3A_925 : vector<16xi32>
              %add3A_927 = vector.broadcast %mul3A_923 : i32 to vector<16xi32>
              %add3A_928 = arith.addi %add3A_927, %min3A_926 : vector<16xi32>
              %gather3A_929 = tpu.vector_load_idx %arg31[%add3A_928] : memref<192xf32, #tpu.memory_space<vmem>>[vector<16xi32>], vector<16xf32>,
              %lt3A_930 = arith.constant 4 : i32
              %lt3A_931 = vector.broadcast %lt3A_930 : i32 to vector<16xi32>
              %lt3A_932 = arith.cmpi slt, %iota3A, %lt3A_931 : vector<16xi32>
              %select_n3A_933 = arith.select %lt3A_932, %gather3A_929, %broadcast_in_dim3A_8 : vector<16xi1>, vector<16xf32>
              %get3A_934 = arith.index_cast %sub3A_761 : i32 to index
              %get3A_935 = arith.constant 256 : index
              %get3A_936 = tpu.vector_load %arg25[%get3A_934, %get3A_935] {strides = array<i32>} : memref<168x272xf32, #tpu.memory_space<vmem>>, vector<16xf32>,
              %add3A_937 = arith.addf %get3A_936, %select_n3A_933 : vector<16xf32>
              %swap3A_938 = arith.index_cast %sub3A_761 : i32 to index
              %swap3A_939 = arith.constant 256 : index
              %swap3A_940 = tpu.vector_load %arg25[%swap3A_938, %swap3A_939] {strides = array<i32>} : memref<168x272xf32, #tpu.memory_space<vmem>>, vector<16xf32>,
              tpu.vector_store %arg25[%swap3A_938, %swap3A_939], %add3A_937 {strides = array<i32>} : memref<168x272xf32, #tpu.memory_space<vmem>>, vector<16xf32>,
              %scan3A_941 = arith.constant 0 : i32
              scf.yield %scan3A_941 : i32
            }
            %scan3A_540 = arith.constant 24 : i32
            %while3A_541 = arith.constant 0 : i32
            scf.yield %while3A_541 : i32
          }
          %while3A_193 = arith.constant 1 : i32
          %while3A_194 = scf.for %while3A_197 = %while3A_190 to %while3A_186 step %while3A_193 iter_args(%while3A_198 = %while3A_192) -> (i32)  : i32 {
            %mul3A_199 = arith.constant 48 : i32
            %mul3A_200 = arith.muli %while3A_197, %mul3A_199 : i32
            %add3A_201 = arith.constant 0 : i32
            %add3A_202 = arith.addi %mul3A_200, %add3A_201 : i32
            %get3A_203 = arith.index_cast %add3A_202 : i32 to index
            %get3A_204 = tpu.vector_load %arg27[%get3A_203] {strides = array<i32>} : memref<576xi32, #tpu.memory_space<vmem>>, vector<16xi32>,
            %shift_right_arithmetic3A_205 = arith.constant 12 : i32
            %shift_right_arithmetic3A_206 = vector.broadcast %shift_right_arithmetic3A_205 : i32 to vector<16xi32>
            %shift_right_arithmetic3A_207 = arith.shrsi %get3A_204, %shift_right_arithmetic3A_206 : vector<16xi32>
            %add3A_208 = vector.broadcast %mul3A_127 : i32 to vector<16xi32>
            %add3A_209 = arith.addi %add3A_208, %shift_right_arithmetic3A_207 : vector<16xi32>
            %swap3A_210 = arith.constant 0 : index
            %swap3A_211 = tpu.vector_load %arg28[%swap3A_210] {strides = array<i32>} : memref<48xi32, #tpu.memory_space<vmem>>, vector<16xi32>,
            tpu.vector_store %arg28[%swap3A_210], %add3A_209 {strides = array<i32>} : memref<48xi32, #tpu.memory_space<vmem>>, vector<16xi32>,
            %mul3A_212 = arith.constant 48 : i32
            %mul3A_213 = arith.muli %while3A_197, %mul3A_212 : i32
            %add3A_214 = arith.constant 16 : i32
            %add3A_215 = arith.addi %mul3A_213, %add3A_214 : i32
            %get3A_216 = arith.index_cast %add3A_215 : i32 to index
            %get3A_217 = tpu.vector_load %arg27[%get3A_216] {strides = array<i32>} : memref<576xi32, #tpu.memory_space<vmem>>, vector<16xi32>,
            %shift_right_arithmetic3A_218 = arith.constant 12 : i32
            %shift_right_arithmetic3A_219 = vector.broadcast %shift_right_arithmetic3A_218 : i32 to vector<16xi32>
            %shift_right_arithmetic3A_220 = arith.shrsi %get3A_217, %shift_right_arithmetic3A_219 : vector<16xi32>
            %add3A_221 = vector.broadcast %mul3A_127 : i32 to vector<16xi32>
            %add3A_222 = arith.addi %add3A_221, %shift_right_arithmetic3A_220 : vector<16xi32>
            %swap3A_223 = arith.constant 16 : index
            %swap3A_224 = tpu.vector_load %arg28[%swap3A_223] {strides = array<i32>} : memref<48xi32, #tpu.memory_space<vmem>>, vector<16xi32>,
            tpu.vector_store %arg28[%swap3A_223], %add3A_222 {strides = array<i32>} : memref<48xi32, #tpu.memory_space<vmem>>, vector<16xi32>,
            %mul3A_225 = arith.constant 48 : i32
            %mul3A_226 = arith.muli %while3A_197, %mul3A_225 : i32
            %add3A_227 = arith.constant 32 : i32
            %add3A_228 = arith.addi %mul3A_226, %add3A_227 : i32
            %get3A_229 = arith.index_cast %add3A_228 : i32 to index
            %get3A_230 = tpu.vector_load %arg27[%get3A_229] {strides = array<i32>} : memref<576xi32, #tpu.memory_space<vmem>>, vector<16xi32>,
            %shift_right_arithmetic3A_231 = arith.constant 12 : i32
            %shift_right_arithmetic3A_232 = vector.broadcast %shift_right_arithmetic3A_231 : i32 to vector<16xi32>
            %shift_right_arithmetic3A_233 = arith.shrsi %get3A_230, %shift_right_arithmetic3A_232 : vector<16xi32>
            %add3A_234 = vector.broadcast %mul3A_127 : i32 to vector<16xi32>
            %add3A_235 = arith.addi %add3A_234, %shift_right_arithmetic3A_233 : vector<16xi32>
            %swap3A_236 = arith.constant 32 : index
            %swap3A_237 = tpu.vector_load %arg28[%swap3A_236] {strides = array<i32>} : memref<48xi32, #tpu.memory_space<vmem>>, vector<16xi32>,
            tpu.vector_store %arg28[%swap3A_236], %add3A_235 {strides = array<i32>} : memref<48xi32, #tpu.memory_space<vmem>>, vector<16xi32>,
            %mul3A_238 = arith.constant 48 : i32
            %mul3A_239 = arith.muli %while3A_197, %mul3A_238 : i32
            %add3A_240 = arith.constant 0 : i32
            %add3A_241 = arith.addi %mul3A_239, %add3A_240 : i32
            %shift_right_arithmetic3A_242 = arith.constant 2 : i32
            %shift_right_arithmetic3A_243 = vector.broadcast %shift_right_arithmetic3A_242 : i32 to vector<16xi32>
            %shift_right_arithmetic3A_244 = arith.shrsi %iota3A, %shift_right_arithmetic3A_243 : vector<16xi32>
            %add3A_245 = vector.broadcast %add3A_241 : i32 to vector<16xi32>
            %add3A_246 = arith.addi %add3A_245, %shift_right_arithmetic3A_244 : vector<16xi32>
            %gather3A_247 = tpu.vector_load_idx %arg27[%add3A_246] : memref<576xi32, #tpu.memory_space<vmem>>[vector<16xi32>], vector<16xi32>,
            %shift_right_arithmetic3A_248 = arith.constant 12 : i32
            %shift_right_arithmetic3A_249 = vector.broadcast %shift_right_arithmetic3A_248 : i32 to vector<16xi32>
            %shift_right_arithmetic3A_250 = arith.shrsi %gather3A_247, %shift_right_arithmetic3A_249 : vector<16xi32>
            %add3A_251 = vector.broadcast %mul3A_127 : i32 to vector<16xi32>
            %add3A_252 = arith.addi %add3A_251, %shift_right_arithmetic3A_250 : vector<16xi32>
            %mul3A_253 = arith.constant 4 : i32
            %mul3A_254 = vector.broadcast %mul3A_253 : i32 to vector<16xi32>
            %mul3A_255 = arith.muli %add3A_252, %mul3A_254 : vector<16xi32>
            %and3A_256 = arith.constant 3 : i32
            %and3A_257 = vector.broadcast %and3A_256 : i32 to vector<16xi32>
            %and3A_258 = arith.andi %iota3A, %and3A_257 : vector<16xi32>
            %add3A_259 = arith.addi %mul3A_255, %and3A_258 : vector<16xi32>
            %swap3A_260 = arith.constant 0 : index
            %swap3A_261 = tpu.vector_load %arg29[%swap3A_260] {strides = array<i32>} : memref<192xi32, #tpu.memory_space<vmem>>, vector<16xi32>,
            tpu.vector_store %arg29[%swap3A_260], %add3A_259 {strides = array<i32>} : memref<192xi32, #tpu.memory_space<vmem>>, vector<16xi32>,
            %mul3A_262 = arith.constant 48 : i32
            %mul3A_263 = arith.muli %while3A_197, %mul3A_262 : i32
            %add3A_264 = arith.constant 4 : i32
            %add3A_265 = arith.addi %mul3A_263, %add3A_264 : i32
            %shift_right_arithmetic3A_266 = arith.constant 2 : i32
            %shift_right_arithmetic3A_267 = vector.broadcast %shift_right_arithmetic3A_266 : i32 to vector<16xi32>
            %shift_right_arithmetic3A_268 = arith.shrsi %iota3A, %shift_right_arithmetic3A_267 : vector<16xi32>
            %add3A_269 = vector.broadcast %add3A_265 : i32 to vector<16xi32>
            %add3A_270 = arith.addi %add3A_269, %shift_right_arithmetic3A_268 : vector<16xi32>
            %gather3A_271 = tpu.vector_load_idx %arg27[%add3A_270] : memref<576xi32, #tpu.memory_space<vmem>>[vector<16xi32>], vector<16xi32>,
            %shift_right_arithmetic3A_272 = arith.constant 12 : i32
            %shift_right_arithmetic3A_273 = vector.broadcast %shift_right_arithmetic3A_272 : i32 to vector<16xi32>
            %shift_right_arithmetic3A_274 = arith.shrsi %gather3A_271, %shift_right_arithmetic3A_273 : vector<16xi32>
            %add3A_275 = vector.broadcast %mul3A_127 : i32 to vector<16xi32>
            %add3A_276 = arith.addi %add3A_275, %shift_right_arithmetic3A_274 : vector<16xi32>
            %mul3A_277 = arith.constant 4 : i32
            %mul3A_278 = vector.broadcast %mul3A_277 : i32 to vector<16xi32>
            %mul3A_279 = arith.muli %add3A_276, %mul3A_278 : vector<16xi32>
            %and3A_280 = arith.constant 3 : i32
            %and3A_281 = vector.broadcast %and3A_280 : i32 to vector<16xi32>
            %and3A_282 = arith.andi %iota3A, %and3A_281 : vector<16xi32>
            %add3A_283 = arith.addi %mul3A_279, %and3A_282 : vector<16xi32>
            %swap3A_284 = arith.constant 16 : index
            %swap3A_285 = tpu.vector_load %arg29[%swap3A_284] {strides = array<i32>} : memref<192xi32, #tpu.memory_space<vmem>>, vector<16xi32>,
            tpu.vector_store %arg29[%swap3A_284], %add3A_283 {strides = array<i32>} : memref<192xi32, #tpu.memory_space<vmem>>, vector<16xi32>,
            %mul3A_286 = arith.constant 48 : i32
            %mul3A_287 = arith.muli %while3A_197, %mul3A_286 : i32
            %add3A_288 = arith.constant 8 : i32
            %add3A_289 = arith.addi %mul3A_287, %add3A_288 : i32
            %shift_right_arithmetic3A_290 = arith.constant 2 : i32
            %shift_right_arithmetic3A_291 = vector.broadcast %shift_right_arithmetic3A_290 : i32 to vector<16xi32>
            %shift_right_arithmetic3A_292 = arith.shrsi %iota3A, %shift_right_arithmetic3A_291 : vector<16xi32>
            %add3A_293 = vector.broadcast %add3A_289 : i32 to vector<16xi32>
            %add3A_294 = arith.addi %add3A_293, %shift_right_arithmetic3A_292 : vector<16xi32>
            %gather3A_295 = tpu.vector_load_idx %arg27[%add3A_294] : memref<576xi32, #tpu.memory_space<vmem>>[vector<16xi32>], vector<16xi32>,
            %shift_right_arithmetic3A_296 = arith.constant 12 : i32
            %shift_right_arithmetic3A_297 = vector.broadcast %shift_right_arithmetic3A_296 : i32 to vector<16xi32>
            %shift_right_arithmetic3A_298 = arith.shrsi %gather3A_295, %shift_right_arithmetic3A_297 : vector<16xi32>
            %add3A_299 = vector.broadcast %mul3A_127 : i32 to vector<16xi32>
            %add3A_300 = arith.addi %add3A_299, %shift_right_arithmetic3A_298 : vector<16xi32>
            %mul3A_301 = arith.constant 4 : i32
            %mul3A_302 = vector.broadcast %mul3A_301 : i32 to vector<16xi32>
            %mul3A_303 = arith.muli %add3A_300, %mul3A_302 : vector<16xi32>
            %and3A_304 = arith.constant 3 : i32
            %and3A_305 = vector.broadcast %and3A_304 : i32 to vector<16xi32>
            %and3A_306 = arith.andi %iota3A, %and3A_305 : vector<16xi32>
            %add3A_307 = arith.addi %mul3A_303, %and3A_306 : vector<16xi32>
            %swap3A_308 = arith.constant 32 : index
            %swap3A_309 = tpu.vector_load %arg29[%swap3A_308] {strides = array<i32>} : memref<192xi32, #tpu.memory_space<vmem>>, vector<16xi32>,
            tpu.vector_store %arg29[%swap3A_308], %add3A_307 {strides = array<i32>} : memref<192xi32, #tpu.memory_space<vmem>>, vector<16xi32>,
            %mul3A_310 = arith.constant 48 : i32
            %mul3A_311 = arith.muli %while3A_197, %mul3A_310 : i32
            %add3A_312 = arith.constant 12 : i32
            %add3A_313 = arith.addi %mul3A_311, %add3A_312 : i32
            %shift_right_arithmetic3A_314 = arith.constant 2 : i32
            %shift_right_arithmetic3A_315 = vector.broadcast %shift_right_arithmetic3A_314 : i32 to vector<16xi32>
            %shift_right_arithmetic3A_316 = arith.shrsi %iota3A, %shift_right_arithmetic3A_315 : vector<16xi32>
            %add3A_317 = vector.broadcast %add3A_313 : i32 to vector<16xi32>
            %add3A_318 = arith.addi %add3A_317, %shift_right_arithmetic3A_316 : vector<16xi32>
            %gather3A_319 = tpu.vector_load_idx %arg27[%add3A_318] : memref<576xi32, #tpu.memory_space<vmem>>[vector<16xi32>], vector<16xi32>,
            %shift_right_arithmetic3A_320 = arith.constant 12 : i32
            %shift_right_arithmetic3A_321 = vector.broadcast %shift_right_arithmetic3A_320 : i32 to vector<16xi32>
            %shift_right_arithmetic3A_322 = arith.shrsi %gather3A_319, %shift_right_arithmetic3A_321 : vector<16xi32>
            %add3A_323 = vector.broadcast %mul3A_127 : i32 to vector<16xi32>
            %add3A_324 = arith.addi %add3A_323, %shift_right_arithmetic3A_322 : vector<16xi32>
            %mul3A_325 = arith.constant 4 : i32
            %mul3A_326 = vector.broadcast %mul3A_325 : i32 to vector<16xi32>
            %mul3A_327 = arith.muli %add3A_324, %mul3A_326 : vector<16xi32>
            %and3A_328 = arith.constant 3 : i32
            %and3A_329 = vector.broadcast %and3A_328 : i32 to vector<16xi32>
            %and3A_330 = arith.andi %iota3A, %and3A_329 : vector<16xi32>
            %add3A_331 = arith.addi %mul3A_327, %and3A_330 : vector<16xi32>
            %swap3A_332 = arith.constant 48 : index
            %swap3A_333 = tpu.vector_load %arg29[%swap3A_332] {strides = array<i32>} : memref<192xi32, #tpu.memory_space<vmem>>, vector<16xi32>,
            tpu.vector_store %arg29[%swap3A_332], %add3A_331 {strides = array<i32>} : memref<192xi32, #tpu.memory_space<vmem>>, vector<16xi32>,
            %mul3A_334 = arith.constant 48 : i32
            %mul3A_335 = arith.muli %while3A_197, %mul3A_334 : i32
            %add3A_336 = arith.constant 16 : i32
            %add3A_337 = arith.addi %mul3A_335, %add3A_336 : i32
            %shift_right_arithmetic3A_338 = arith.constant 2 : i32
            %shift_right_arithmetic3A_339 = vector.broadcast %shift_right_arithmetic3A_338 : i32 to vector<16xi32>
            %shift_right_arithmetic3A_340 = arith.shrsi %iota3A, %shift_right_arithmetic3A_339 : vector<16xi32>
            %add3A_341 = vector.broadcast %add3A_337 : i32 to vector<16xi32>
            %add3A_342 = arith.addi %add3A_341, %shift_right_arithmetic3A_340 : vector<16xi32>
            %gather3A_343 = tpu.vector_load_idx %arg27[%add3A_342] : memref<576xi32, #tpu.memory_space<vmem>>[vector<16xi32>], vector<16xi32>,
            %shift_right_arithmetic3A_344 = arith.constant 12 : i32
            %shift_right_arithmetic3A_345 = vector.broadcast %shift_right_arithmetic3A_344 : i32 to vector<16xi32>
            %shift_right_arithmetic3A_346 = arith.shrsi %gather3A_343, %shift_right_arithmetic3A_345 : vector<16xi32>
            %add3A_347 = vector.broadcast %mul3A_127 : i32 to vector<16xi32>
            %add3A_348 = arith.addi %add3A_347, %shift_right_arithmetic3A_346 : vector<16xi32>
            %mul3A_349 = arith.constant 4 : i32
            %mul3A_350 = vector.broadcast %mul3A_349 : i32 to vector<16xi32>
            %mul3A_351 = arith.muli %add3A_348, %mul3A_350 : vector<16xi32>
            %and3A_352 = arith.constant 3 : i32
            %and3A_353 = vector.broadcast %and3A_352 : i32 to vector<16xi32>
            %and3A_354 = arith.andi %iota3A, %and3A_353 : vector<16xi32>
            %add3A_355 = arith.addi %mul3A_351, %and3A_354 : vector<16xi32>
            %swap3A_356 = arith.constant 64 : index
            %swap3A_357 = tpu.vector_load %arg29[%swap3A_356] {strides = array<i32>} : memref<192xi32, #tpu.memory_space<vmem>>, vector<16xi32>,
            tpu.vector_store %arg29[%swap3A_356], %add3A_355 {strides = array<i32>} : memref<192xi32, #tpu.memory_space<vmem>>, vector<16xi32>,
            %mul3A_358 = arith.constant 48 : i32
            %mul3A_359 = arith.muli %while3A_197, %mul3A_358 : i32
            %add3A_360 = arith.constant 20 : i32
            %add3A_361 = arith.addi %mul3A_359, %add3A_360 : i32
            %shift_right_arithmetic3A_362 = arith.constant 2 : i32
            %shift_right_arithmetic3A_363 = vector.broadcast %shift_right_arithmetic3A_362 : i32 to vector<16xi32>
            %shift_right_arithmetic3A_364 = arith.shrsi %iota3A, %shift_right_arithmetic3A_363 : vector<16xi32>
            %add3A_365 = vector.broadcast %add3A_361 : i32 to vector<16xi32>
            %add3A_366 = arith.addi %add3A_365, %shift_right_arithmetic3A_364 : vector<16xi32>
            %gather3A_367 = tpu.vector_load_idx %arg27[%add3A_366] : memref<576xi32, #tpu.memory_space<vmem>>[vector<16xi32>], vector<16xi32>,
            %shift_right_arithmetic3A_368 = arith.constant 12 : i32
            %shift_right_arithmetic3A_369 = vector.broadcast %shift_right_arithmetic3A_368 : i32 to vector<16xi32>
            %shift_right_arithmetic3A_370 = arith.shrsi %gather3A_367, %shift_right_arithmetic3A_369 : vector<16xi32>
            %add3A_371 = vector.broadcast %mul3A_127 : i32 to vector<16xi32>
            %add3A_372 = arith.addi %add3A_371, %shift_right_arithmetic3A_370 : vector<16xi32>
            %mul3A_373 = arith.constant 4 : i32
            %mul3A_374 = vector.broadcast %mul3A_373 : i32 to vector<16xi32>
            %mul3A_375 = arith.muli %add3A_372, %mul3A_374 : vector<16xi32>
            %and3A_376 = arith.constant 3 : i32
            %and3A_377 = vector.broadcast %and3A_376 : i32 to vector<16xi32>
            %and3A_378 = arith.andi %iota3A, %and3A_377 : vector<16xi32>
            %add3A_379 = arith.addi %mul3A_375, %and3A_378 : vector<16xi32>
            %swap3A_380 = arith.constant 80 : index
            %swap3A_381 = tpu.vector_load %arg29[%swap3A_380] {strides = array<i32>} : memref<192xi32, #tpu.memory_space<vmem>>, vector<16xi32>,
            tpu.vector_store %arg29[%swap3A_380], %add3A_379 {strides = array<i32>} : memref<192xi32, #tpu.memory_space<vmem>>, vector<16xi32>,
            %mul3A_382 = arith.constant 48 : i32
            %mul3A_383 = arith.muli %while3A_197, %mul3A_382 : i32
            %add3A_384 = arith.constant 24 : i32
            %add3A_385 = arith.addi %mul3A_383, %add3A_384 : i32
            %shift_right_arithmetic3A_386 = arith.constant 2 : i32
            %shift_right_arithmetic3A_387 = vector.broadcast %shift_right_arithmetic3A_386 : i32 to vector<16xi32>
            %shift_right_arithmetic3A_388 = arith.shrsi %iota3A, %shift_right_arithmetic3A_387 : vector<16xi32>
            %add3A_389 = vector.broadcast %add3A_385 : i32 to vector<16xi32>
            %add3A_390 = arith.addi %add3A_389, %shift_right_arithmetic3A_388 : vector<16xi32>
            %gather3A_391 = tpu.vector_load_idx %arg27[%add3A_390] : memref<576xi32, #tpu.memory_space<vmem>>[vector<16xi32>], vector<16xi32>,
            %shift_right_arithmetic3A_392 = arith.constant 12 : i32
            %shift_right_arithmetic3A_393 = vector.broadcast %shift_right_arithmetic3A_392 : i32 to vector<16xi32>
            %shift_right_arithmetic3A_394 = arith.shrsi %gather3A_391, %shift_right_arithmetic3A_393 : vector<16xi32>
            %add3A_395 = vector.broadcast %mul3A_127 : i32 to vector<16xi32>
            %add3A_396 = arith.addi %add3A_395, %shift_right_arithmetic3A_394 : vector<16xi32>
            %mul3A_397 = arith.constant 4 : i32
            %mul3A_398 = vector.broadcast %mul3A_397 : i32 to vector<16xi32>
            %mul3A_399 = arith.muli %add3A_396, %mul3A_398 : vector<16xi32>
            %and3A_400 = arith.constant 3 : i32
            %and3A_401 = vector.broadcast %and3A_400 : i32 to vector<16xi32>
            %and3A_402 = arith.andi %iota3A, %and3A_401 : vector<16xi32>
            %add3A_403 = arith.addi %mul3A_399, %and3A_402 : vector<16xi32>
            %swap3A_404 = arith.constant 96 : index
            %swap3A_405 = tpu.vector_load %arg29[%swap3A_404] {strides = array<i32>} : memref<192xi32, #tpu.memory_space<vmem>>, vector<16xi32>,
            tpu.vector_store %arg29[%swap3A_404], %add3A_403 {strides = array<i32>} : memref<192xi32, #tpu.memory_space<vmem>>, vector<16xi32>,
            %mul3A_406 = arith.constant 48 : i32
            %mul3A_407 = arith.muli %while3A_197, %mul3A_406 : i32
            %add3A_408 = arith.constant 28 : i32
            %add3A_409 = arith.addi %mul3A_407, %add3A_408 : i32
            %shift_right_arithmetic3A_410 = arith.constant 2 : i32
            %shift_right_arithmetic3A_411 = vector.broadcast %shift_right_arithmetic3A_410 : i32 to vector<16xi32>
            %shift_right_arithmetic3A_412 = arith.shrsi %iota3A, %shift_right_arithmetic3A_411 : vector<16xi32>
            %add3A_413 = vector.broadcast %add3A_409 : i32 to vector<16xi32>
            %add3A_414 = arith.addi %add3A_413, %shift_right_arithmetic3A_412 : vector<16xi32>
            %gather3A_415 = tpu.vector_load_idx %arg27[%add3A_414] : memref<576xi32, #tpu.memory_space<vmem>>[vector<16xi32>], vector<16xi32>,
            %shift_right_arithmetic3A_416 = arith.constant 12 : i32
            %shift_right_arithmetic3A_417 = vector.broadcast %shift_right_arithmetic3A_416 : i32 to vector<16xi32>
            %shift_right_arithmetic3A_418 = arith.shrsi %gather3A_415, %shift_right_arithmetic3A_417 : vector<16xi32>
            %add3A_419 = vector.broadcast %mul3A_127 : i32 to vector<16xi32>
            %add3A_420 = arith.addi %add3A_419, %shift_right_arithmetic3A_418 : vector<16xi32>
            %mul3A_421 = arith.constant 4 : i32
            %mul3A_422 = vector.broadcast %mul3A_421 : i32 to vector<16xi32>
            %mul3A_423 = arith.muli %add3A_420, %mul3A_422 : vector<16xi32>
            %and3A_424 = arith.constant 3 : i32
            %and3A_425 = vector.broadcast %and3A_424 : i32 to vector<16xi32>
            %and3A_426 = arith.andi %iota3A, %and3A_425 : vector<16xi32>
            %add3A_427 = arith.addi %mul3A_423, %and3A_426 : vector<16xi32>
            %swap3A_428 = arith.constant 112 : index
            %swap3A_429 = tpu.vector_load %arg29[%swap3A_428] {strides = array<i32>} : memref<192xi32, #tpu.memory_space<vmem>>, vector<16xi32>,
            tpu.vector_store %arg29[%swap3A_428], %add3A_427 {strides = array<i32>} : memref<192xi32, #tpu.memory_space<vmem>>, vector<16xi32>,
            %mul3A_430 = arith.constant 48 : i32
            %mul3A_431 = arith.muli %while3A_197, %mul3A_430 : i32
            %add3A_432 = arith.constant 32 : i32
            %add3A_433 = arith.addi %mul3A_431, %add3A_432 : i32
            %shift_right_arithmetic3A_434 = arith.constant 2 : i32
            %shift_right_arithmetic3A_435 = vector.broadcast %shift_right_arithmetic3A_434 : i32 to vector<16xi32>
            %shift_right_arithmetic3A_436 = arith.shrsi %iota3A, %shift_right_arithmetic3A_435 : vector<16xi32>
            %add3A_437 = vector.broadcast %add3A_433 : i32 to vector<16xi32>
            %add3A_438 = arith.addi %add3A_437, %shift_right_arithmetic3A_436 : vector<16xi32>
            %gather3A_439 = tpu.vector_load_idx %arg27[%add3A_438] : memref<576xi32, #tpu.memory_space<vmem>>[vector<16xi32>], vector<16xi32>,
            %shift_right_arithmetic3A_440 = arith.constant 12 : i32
            %shift_right_arithmetic3A_441 = vector.broadcast %shift_right_arithmetic3A_440 : i32 to vector<16xi32>
            %shift_right_arithmetic3A_442 = arith.shrsi %gather3A_439, %shift_right_arithmetic3A_441 : vector<16xi32>
            %add3A_443 = vector.broadcast %mul3A_127 : i32 to vector<16xi32>
            %add3A_444 = arith.addi %add3A_443, %shift_right_arithmetic3A_442 : vector<16xi32>
            %mul3A_445 = arith.constant 4 : i32
            %mul3A_446 = vector.broadcast %mul3A_445 : i32 to vector<16xi32>
            %mul3A_447 = arith.muli %add3A_444, %mul3A_446 : vector<16xi32>
            %and3A_448 = arith.constant 3 : i32
            %and3A_449 = vector.broadcast %and3A_448 : i32 to vector<16xi32>
            %and3A_450 = arith.andi %iota3A, %and3A_449 : vector<16xi32>
            %add3A_451 = arith.addi %mul3A_447, %and3A_450 : vector<16xi32>
            %swap3A_452 = arith.constant 128 : index
            %swap3A_453 = tpu.vector_load %arg29[%swap3A_452] {strides = array<i32>} : memref<192xi32, #tpu.memory_space<vmem>>, vector<16xi32>,
            tpu.vector_store %arg29[%swap3A_452], %add3A_451 {strides = array<i32>} : memref<192xi32, #tpu.memory_space<vmem>>, vector<16xi32>,
            %mul3A_454 = arith.constant 48 : i32
            %mul3A_455 = arith.muli %while3A_197, %mul3A_454 : i32
            %add3A_456 = arith.constant 36 : i32
            %add3A_457 = arith.addi %mul3A_455, %add3A_456 : i32
            %shift_right_arithmetic3A_458 = arith.constant 2 : i32
            %shift_right_arithmetic3A_459 = vector.broadcast %shift_right_arithmetic3A_458 : i32 to vector<16xi32>
            %shift_right_arithmetic3A_460 = arith.shrsi %iota3A, %shift_right_arithmetic3A_459 : vector<16xi32>
            %add3A_461 = vector.broadcast %add3A_457 : i32 to vector<16xi32>
            %add3A_462 = arith.addi %add3A_461, %shift_right_arithmetic3A_460 : vector<16xi32>
            %gather3A_463 = tpu.vector_load_idx %arg27[%add3A_462] : memref<576xi32, #tpu.memory_space<vmem>>[vector<16xi32>], vector<16xi32>,
            %shift_right_arithmetic3A_464 = arith.constant 12 : i32
            %shift_right_arithmetic3A_465 = vector.broadcast %shift_right_arithmetic3A_464 : i32 to vector<16xi32>
            %shift_right_arithmetic3A_466 = arith.shrsi %gather3A_463, %shift_right_arithmetic3A_465 : vector<16xi32>
            %add3A_467 = vector.broadcast %mul3A_127 : i32 to vector<16xi32>
            %add3A_468 = arith.addi %add3A_467, %shift_right_arithmetic3A_466 : vector<16xi32>
            %mul3A_469 = arith.constant 4 : i32
            %mul3A_470 = vector.broadcast %mul3A_469 : i32 to vector<16xi32>
            %mul3A_471 = arith.muli %add3A_468, %mul3A_470 : vector<16xi32>
            %and3A_472 = arith.constant 3 : i32
            %and3A_473 = vector.broadcast %and3A_472 : i32 to vector<16xi32>
            %and3A_474 = arith.andi %iota3A, %and3A_473 : vector<16xi32>
            %add3A_475 = arith.addi %mul3A_471, %and3A_474 : vector<16xi32>
            %swap3A_476 = arith.constant 144 : index
            %swap3A_477 = tpu.vector_load %arg29[%swap3A_476] {strides = array<i32>} : memref<192xi32, #tpu.memory_space<vmem>>, vector<16xi32>,
            tpu.vector_store %arg29[%swap3A_476], %add3A_475 {strides = array<i32>} : memref<192xi32, #tpu.memory_space<vmem>>, vector<16xi32>,
            %mul3A_478 = arith.constant 48 : i32
            %mul3A_479 = arith.muli %while3A_197, %mul3A_478 : i32
            %add3A_480 = arith.constant 40 : i32
            %add3A_481 = arith.addi %mul3A_479, %add3A_480 : i32
            %shift_right_arithmetic3A_482 = arith.constant 2 : i32
            %shift_right_arithmetic3A_483 = vector.broadcast %shift_right_arithmetic3A_482 : i32 to vector<16xi32>
            %shift_right_arithmetic3A_484 = arith.shrsi %iota3A, %shift_right_arithmetic3A_483 : vector<16xi32>
            %add3A_485 = vector.broadcast %add3A_481 : i32 to vector<16xi32>
            %add3A_486 = arith.addi %add3A_485, %shift_right_arithmetic3A_484 : vector<16xi32>
            %gather3A_487 = tpu.vector_load_idx %arg27[%add3A_486] : memref<576xi32, #tpu.memory_space<vmem>>[vector<16xi32>], vector<16xi32>,
            %shift_right_arithmetic3A_488 = arith.constant 12 : i32
            %shift_right_arithmetic3A_489 = vector.broadcast %shift_right_arithmetic3A_488 : i32 to vector<16xi32>
            %shift_right_arithmetic3A_490 = arith.shrsi %gather3A_487, %shift_right_arithmetic3A_489 : vector<16xi32>
            %add3A_491 = vector.broadcast %mul3A_127 : i32 to vector<16xi32>
            %add3A_492 = arith.addi %add3A_491, %shift_right_arithmetic3A_490 : vector<16xi32>
            %mul3A_493 = arith.constant 4 : i32
            %mul3A_494 = vector.broadcast %mul3A_493 : i32 to vector<16xi32>
            %mul3A_495 = arith.muli %add3A_492, %mul3A_494 : vector<16xi32>
            %and3A_496 = arith.constant 3 : i32
            %and3A_497 = vector.broadcast %and3A_496 : i32 to vector<16xi32>
            %and3A_498 = arith.andi %iota3A, %and3A_497 : vector<16xi32>
            %add3A_499 = arith.addi %mul3A_495, %and3A_498 : vector<16xi32>
            %swap3A_500 = arith.constant 160 : index
            %swap3A_501 = tpu.vector_load %arg29[%swap3A_500] {strides = array<i32>} : memref<192xi32, #tpu.memory_space<vmem>>, vector<16xi32>,
            tpu.vector_store %arg29[%swap3A_500], %add3A_499 {strides = array<i32>} : memref<192xi32, #tpu.memory_space<vmem>>, vector<16xi32>,
            %mul3A_502 = arith.constant 48 : i32
            %mul3A_503 = arith.muli %while3A_197, %mul3A_502 : i32
            %add3A_504 = arith.constant 44 : i32
            %add3A_505 = arith.addi %mul3A_503, %add3A_504 : i32
            %shift_right_arithmetic3A_506 = arith.constant 2 : i32
            %shift_right_arithmetic3A_507 = vector.broadcast %shift_right_arithmetic3A_506 : i32 to vector<16xi32>
            %shift_right_arithmetic3A_508 = arith.shrsi %iota3A, %shift_right_arithmetic3A_507 : vector<16xi32>
            %add3A_509 = vector.broadcast %add3A_505 : i32 to vector<16xi32>
            %add3A_510 = arith.addi %add3A_509, %shift_right_arithmetic3A_508 : vector<16xi32>
            %gather3A_511 = tpu.vector_load_idx %arg27[%add3A_510] : memref<576xi32, #tpu.memory_space<vmem>>[vector<16xi32>], vector<16xi32>,
            %shift_right_arithmetic3A_512 = arith.constant 12 : i32
            %shift_right_arithmetic3A_513 = vector.broadcast %shift_right_arithmetic3A_512 : i32 to vector<16xi32>
            %shift_right_arithmetic3A_514 = arith.shrsi %gather3A_511, %shift_right_arithmetic3A_513 : vector<16xi32>
            %add3A_515 = vector.broadcast %mul3A_127 : i32 to vector<16xi32>
            %add3A_516 = arith.addi %add3A_515, %shift_right_arithmetic3A_514 : vector<16xi32>
            %mul3A_517 = arith.constant 4 : i32
            %mul3A_518 = vector.broadcast %mul3A_517 : i32 to vector<16xi32>
            %mul3A_519 = arith.muli %add3A_516, %mul3A_518 : vector<16xi32>
            %and3A_520 = arith.constant 3 : i32
            %and3A_521 = vector.broadcast %and3A_520 : i32 to vector<16xi32>
            %and3A_522 = arith.andi %iota3A, %and3A_521 : vector<16xi32>
            %add3A_523 = arith.addi %mul3A_519, %and3A_522 : vector<16xi32>
            %swap3A_524 = arith.constant 176 : index
            %swap3A_525 = tpu.vector_load %arg29[%swap3A_524] {strides = array<i32>} : memref<192xi32, #tpu.memory_space<vmem>>, vector<16xi32>,
            tpu.vector_store %arg29[%swap3A_524], %add3A_523 {strides = array<i32>} : memref<192xi32, #tpu.memory_space<vmem>>, vector<16xi32>,
            %dma_start3A = arith.constant 0 : i32
            %dma_start3A_526 = arith.constant 0 : i32
            %dma_start3A_527 = tpu.memref_slice %arg9[%dma_start3A, %dma_start3A_526] : memref<201736x256xf32, #tpu.memory_space<hbm>> -> memref<201736x256xf32, #tpu.memory_space<hbm>>
            tpu.enqueue_indirect_dma source(%dma_start3A_527 : memref<201736x256xf32, #tpu.memory_space<hbm>>) target(%arg30 : memref<48x256xf32, #tpu.memory_space<vmem>>) offsets(%arg28 : memref<48xi32, #tpu.memory_space<vmem>>) semaphore(%arg36 : memref<!tpu.dma_semaphore, #tpu.memory_space<semaphore_mem>>)
            %dma_wait3A = arith.constant 0 : i32
            %dma_wait3A_528 = arith.constant 0 : i32
            %dma_wait3A_529 = tpu.memref_slice %arg9[%dma_wait3A, %dma_wait3A_528] : memref<201736x256xf32, #tpu.memory_space<hbm>> -> memref<201736x256xf32, #tpu.memory_space<hbm>>
            tpu.wait_indirect_dma semaphore(%arg36 : memref<!tpu.dma_semaphore, #tpu.memory_space<semaphore_mem>>) src(%dma_wait3A_529 : memref<201736x256xf32, #tpu.memory_space<hbm>>) dst(%arg30 : memref<48x256xf32, #tpu.memory_space<vmem>>)
            %dma_start3A_530 = arith.constant 0 : i32
            %dma_start3A_531 = tpu.memref_slice %arg10[%dma_start3A_530] : memref<806944xf32, #tpu.memory_space<hbm>> -> memref<806944xf32, #tpu.memory_space<hbm>>
            tpu.enqueue_indirect_dma source(%dma_start3A_531 : memref<806944xf32, #tpu.memory_space<hbm>>) target(%arg31 : memref<192xf32, #tpu.memory_space<vmem>>) offsets(%arg29 : memref<192xi32, #tpu.memory_space<vmem>>) semaphore(%arg36 : memref<!tpu.dma_semaphore, #tpu.memory_space<semaphore_mem>>)
            %dma_wait3A_532 = arith.constant 0 : i32
            %dma_wait3A_533 = tpu.memref_slice %arg10[%dma_wait3A_532] : memref<806944xf32, #tpu.memory_space<hbm>> -> memref<806944xf32, #tpu.memory_space<hbm>>
            tpu.wait_indirect_dma semaphore(%arg36 : memref<!tpu.dma_semaphore, #tpu.memory_space<semaphore_mem>>) src(%dma_wait3A_533 : memref<806944xf32, #tpu.memory_space<hbm>>) dst(%arg31 : memref<192xf32, #tpu.memory_space<vmem>>)
            %scan3A_534 = arith.constant 0 : i32
            %scan3A_535 = arith.constant 0 : i32
            %scan3A_536 = arith.constant 24 : i32
            %scan3A_537 = arith.addi %scan3A_535, %scan3A_536 : i32
            %scan3A_538 = arith.constant 1 : i32
            %scan3A_539 = scf.for %scan3A_542 = %scan3A_535 to %scan3A_537 step %scan3A_538 iter_args(%scan3A_543 = %scan3A_534) -> (i32)  : i32 {
              %mul3A_544 = arith.constant 2 : i32
              %mul3A_545 = arith.muli %mul3A_544, %scan3A_542 : i32
              %mul3A_546 = arith.constant 2 : i32
              %mul3A_547 = arith.muli %mul3A_546, %scan3A_542 : i32
              %add3A_548 = arith.constant 1 : i32
              %add3A_549 = arith.addi %mul3A_547, %add3A_548 : i32
              %mul3A_550 = arith.constant 48 : i32
              %mul3A_551 = arith.muli %while3A_197, %mul3A_550 : i32
              %add3A_552 = arith.addi %mul3A_551, %mul3A_545 : i32
              %broadcast_in_dim3A_553 = vector.broadcast %add3A_552 : i32 to vector<16xi32>
              %gather3A_554 = tpu.vector_load_idx %arg27[%broadcast_in_dim3A_553] : memref<576xi32, #tpu.memory_space<vmem>>[vector<16xi32>], vector<16xi32>,
              %and3A_555 = arith.constant 4095 : i32
              %and3A_556 = vector.broadcast %and3A_555 : i32 to vector<16xi32>
              %and3A_557 = arith.andi %gather3A_554, %and3A_556 : vector<16xi32>
              %reduce_max3A_558 = arith.constant true
              %reduce_max3A_559 = vector.broadcast %reduce_max3A_558 : i1 to vector<16xi1>
              %reduce_max3A_560 = arith.constant -2147483648 : i32
              %reduce_max3A_561 = vector.broadcast %reduce_max3A_560 : i32 to vector<16xi32>
              %reduce_max3A_562 = arith.xori %and3A_557, %reduce_max3A_561 : vector<16xi32>
              %reduce_max3A_563 = tpu.scan <max>, %reduce_max3A_562 masked %reduce_max3A_559 : vector<16xi32>, vector<16xi1> -> vector<16xi32>
              %reduce_max3A_564 = arith.xori %reduce_max3A_563, %reduce_max3A_561 : vector<16xi32>
              %reduce_max3A_565 = vector.extract %reduce_max3A_564[15] : i32 from vector<16xi32>
              %sub3A_566 = arith.subi %reduce_max3A_565, %mul3A_87 : i32
              %get3A_567 = arith.index_cast %sub3A_566 : i32 to index
              %get3A_568 = arith.constant 0 : index
              %get3A_569 = tpu.vector_load %arg25[%get3A_567, %get3A_568] {strides = array<i32>} : memref<168x272xf32, #tpu.memory_space<vmem>>, vector<16xf32>,
              %get3A_570 = arith.index_cast %mul3A_545 : i32 to index
              %get3A_571 = arith.constant 0 : index
              %get3A_572 = tpu.vector_load %arg30[%get3A_570, %get3A_571] {strides = array<i32>} : memref<48x256xf32, #tpu.memory_space<vmem>>, vector<16xf32>,
              %add3A_573 = arith.addf %get3A_569, %get3A_572 : vector<16xf32>
              %swap3A_574 = arith.index_cast %sub3A_566 : i32 to index
              %swap3A_575 = arith.constant 0 : index
              %swap3A_576 = tpu.vector_load %arg25[%swap3A_574, %swap3A_575] {strides = array<i32>} : memref<168x272xf32, #tpu.memory_space<vmem>>, vector<16xf32>,
              tpu.vector_store %arg25[%swap3A_574, %swap3A_575], %add3A_573 {strides = array<i32>} : memref<168x272xf32, #tpu.memory_space<vmem>>, vector<16xf32>,
              %get3A_577 = arith.index_cast %sub3A_566 : i32 to index
              %get3A_578 = arith.constant 16 : index
              %get3A_579 = tpu.vector_load %arg25[%get3A_577, %get3A_578] {strides = array<i32>} : memref<168x272xf32, #tpu.memory_space<vmem>>, vector<16xf32>,
              %get3A_580 = arith.index_cast %mul3A_545 : i32 to index
              %get3A_581 = arith.constant 16 : index
              %get3A_582 = tpu.vector_load %arg30[%get3A_580, %get3A_581] {strides = array<i32>} : memref<48x256xf32, #tpu.memory_space<vmem>>, vector<16xf32>,
              %add3A_583 = arith.addf %get3A_579, %get3A_582 : vector<16xf32>
              %swap3A_584 = arith.index_cast %sub3A_566 : i32 to index
              %swap3A_585 = arith.constant 16 : index
              %swap3A_586 = tpu.vector_load %arg25[%swap3A_584, %swap3A_585] {strides = array<i32>} : memref<168x272xf32, #tpu.memory_space<vmem>>, vector<16xf32>,
              tpu.vector_store %arg25[%swap3A_584, %swap3A_585], %add3A_583 {strides = array<i32>} : memref<168x272xf32, #tpu.memory_space<vmem>>, vector<16xf32>,
              %get3A_587 = arith.index_cast %sub3A_566 : i32 to index
              %get3A_588 = arith.constant 32 : index
              %get3A_589 = tpu.vector_load %arg25[%get3A_587, %get3A_588] {strides = array<i32>} : memref<168x272xf32, #tpu.memory_space<vmem>>, vector<16xf32>,
              %get3A_590 = arith.index_cast %mul3A_545 : i32 to index
              %get3A_591 = arith.constant 32 : index
              %get3A_592 = tpu.vector_load %arg30[%get3A_590, %get3A_591] {strides = array<i32>} : memref<48x256xf32, #tpu.memory_space<vmem>>, vector<16xf32>,
              %add3A_593 = arith.addf %get3A_589, %get3A_592 : vector<16xf32>
              %swap3A_594 = arith.index_cast %sub3A_566 : i32 to index
              %swap3A_595 = arith.constant 32 : index
              %swap3A_596 = tpu.vector_load %arg25[%swap3A_594, %swap3A_595] {strides = array<i32>} : memref<168x272xf32, #tpu.memory_space<vmem>>, vector<16xf32>,
              tpu.vector_store %arg25[%swap3A_594, %swap3A_595], %add3A_593 {strides = array<i32>} : memref<168x272xf32, #tpu.memory_space<vmem>>, vector<16xf32>,
              %get3A_597 = arith.index_cast %sub3A_566 : i32 to index
              %get3A_598 = arith.constant 48 : index
              %get3A_599 = tpu.vector_load %arg25[%get3A_597, %get3A_598] {strides = array<i32>} : memref<168x272xf32, #tpu.memory_space<vmem>>, vector<16xf32>,
              %get3A_600 = arith.index_cast %mul3A_545 : i32 to index
              %get3A_601 = arith.constant 48 : index
              %get3A_602 = tpu.vector_load %arg30[%get3A_600, %get3A_601] {strides = array<i32>} : memref<48x256xf32, #tpu.memory_space<vmem>>, vector<16xf32>,
              %add3A_603 = arith.addf %get3A_599, %get3A_602 : vector<16xf32>
              %swap3A_604 = arith.index_cast %sub3A_566 : i32 to index
              %swap3A_605 = arith.constant 48 : index
              %swap3A_606 = tpu.vector_load %arg25[%swap3A_604, %swap3A_605] {strides = array<i32>} : memref<168x272xf32, #tpu.memory_space<vmem>>, vector<16xf32>,
              tpu.vector_store %arg25[%swap3A_604, %swap3A_605], %add3A_603 {strides = array<i32>} : memref<168x272xf32, #tpu.memory_space<vmem>>, vector<16xf32>,
              %get3A_607 = arith.index_cast %sub3A_566 : i32 to index
              %get3A_608 = arith.constant 64 : index
              %get3A_609 = tpu.vector_load %arg25[%get3A_607, %get3A_608] {strides = array<i32>} : memref<168x272xf32, #tpu.memory_space<vmem>>, vector<16xf32>,
              %get3A_610 = arith.index_cast %mul3A_545 : i32 to index
              %get3A_611 = arith.constant 64 : index
              %get3A_612 = tpu.vector_load %arg30[%get3A_610, %get3A_611] {strides = array<i32>} : memref<48x256xf32, #tpu.memory_space<vmem>>, vector<16xf32>,
              %add3A_613 = arith.addf %get3A_609, %get3A_612 : vector<16xf32>
              %swap3A_614 = arith.index_cast %sub3A_566 : i32 to index
              %swap3A_615 = arith.constant 64 : index
              %swap3A_616 = tpu.vector_load %arg25[%swap3A_614, %swap3A_615] {strides = array<i32>} : memref<168x272xf32, #tpu.memory_space<vmem>>, vector<16xf32>,
              tpu.vector_store %arg25[%swap3A_614, %swap3A_615], %add3A_613 {strides = array<i32>} : memref<168x272xf32, #tpu.memory_space<vmem>>, vector<16xf32>,
              %get3A_617 = arith.index_cast %sub3A_566 : i32 to index
              %get3A_618 = arith.constant 80 : index
              %get3A_619 = tpu.vector_load %arg25[%get3A_617, %get3A_618] {strides = array<i32>} : memref<168x272xf32, #tpu.memory_space<vmem>>, vector<16xf32>,
              %get3A_620 = arith.index_cast %mul3A_545 : i32 to index
              %get3A_621 = arith.constant 80 : index
              %get3A_622 = tpu.vector_load %arg30[%get3A_620, %get3A_621] {strides = array<i32>} : memref<48x256xf32, #tpu.memory_space<vmem>>, vector<16xf32>,
              %add3A_623 = arith.addf %get3A_619, %get3A_622 : vector<16xf32>
              %swap3A_624 = arith.index_cast %sub3A_566 : i32 to index
              %swap3A_625 = arith.constant 80 : index
              %swap3A_626 = tpu.vector_load %arg25[%swap3A_624, %swap3A_625] {strides = array<i32>} : memref<168x272xf32, #tpu.memory_space<vmem>>, vector<16xf32>,
              tpu.vector_store %arg25[%swap3A_624, %swap3A_625], %add3A_623 {strides = array<i32>} : memref<168x272xf32, #tpu.memory_space<vmem>>, vector<16xf32>,
              %get3A_627 = arith.index_cast %sub3A_566 : i32 to index
              %get3A_628 = arith.constant 96 : index
              %get3A_629 = tpu.vector_load %arg25[%get3A_627, %get3A_628] {strides = array<i32>} : memref<168x272xf32, #tpu.memory_space<vmem>>, vector<16xf32>,
              %get3A_630 = arith.index_cast %mul3A_545 : i32 to index
              %get3A_631 = arith.constant 96 : index
              %get3A_632 = tpu.vector_load %arg30[%get3A_630, %get3A_631] {strides = array<i32>} : memref<48x256xf32, #tpu.memory_space<vmem>>, vector<16xf32>,
              %add3A_633 = arith.addf %get3A_629, %get3A_632 : vector<16xf32>
              %swap3A_634 = arith.index_cast %sub3A_566 : i32 to index
              %swap3A_635 = arith.constant 96 : index
              %swap3A_636 = tpu.vector_load %arg25[%swap3A_634, %swap3A_635] {strides = array<i32>} : memref<168x272xf32, #tpu.memory_space<vmem>>, vector<16xf32>,
              tpu.vector_store %arg25[%swap3A_634, %swap3A_635], %add3A_633 {strides = array<i32>} : memref<168x272xf32, #tpu.memory_space<vmem>>, vector<16xf32>,
              %get3A_637 = arith.index_cast %sub3A_566 : i32 to index
              %get3A_638 = arith.constant 112 : index
              %get3A_639 = tpu.vector_load %arg25[%get3A_637, %get3A_638] {strides = array<i32>} : memref<168x272xf32, #tpu.memory_space<vmem>>, vector<16xf32>,
              %get3A_640 = arith.index_cast %mul3A_545 : i32 to index
              %get3A_641 = arith.constant 112 : index
              %get3A_642 = tpu.vector_load %arg30[%get3A_640, %get3A_641] {strides = array<i32>} : memref<48x256xf32, #tpu.memory_space<vmem>>, vector<16xf32>,
              %add3A_643 = arith.addf %get3A_639, %get3A_642 : vector<16xf32>
              %swap3A_644 = arith.index_cast %sub3A_566 : i32 to index
              %swap3A_645 = arith.constant 112 : index
              %swap3A_646 = tpu.vector_load %arg25[%swap3A_644, %swap3A_645] {strides = array<i32>} : memref<168x272xf32, #tpu.memory_space<vmem>>, vector<16xf32>,
              tpu.vector_store %arg25[%swap3A_644, %swap3A_645], %add3A_643 {strides = array<i32>} : memref<168x272xf32, #tpu.memory_space<vmem>>, vector<16xf32>,
              %get3A_647 = arith.index_cast %sub3A_566 : i32 to index
              %get3A_648 = arith.constant 128 : index
              %get3A_649 = tpu.vector_load %arg25[%get3A_647, %get3A_648] {strides = array<i32>} : memref<168x272xf32, #tpu.memory_space<vmem>>, vector<16xf32>,
              %get3A_650 = arith.index_cast %mul3A_545 : i32 to index
              %get3A_651 = arith.constant 128 : index
              %get3A_652 = tpu.vector_load %arg30[%get3A_650, %get3A_651] {strides = array<i32>} : memref<48x256xf32, #tpu.memory_space<vmem>>, vector<16xf32>,
              %add3A_653 = arith.addf %get3A_649, %get3A_652 : vector<16xf32>
              %swap3A_654 = arith.index_cast %sub3A_566 : i32 to index
              %swap3A_655 = arith.constant 128 : index
              %swap3A_656 = tpu.vector_load %arg25[%swap3A_654, %swap3A_655] {strides = array<i32>} : memref<168x272xf32, #tpu.memory_space<vmem>>, vector<16xf32>,
              tpu.vector_store %arg25[%swap3A_654, %swap3A_655], %add3A_653 {strides = array<i32>} : memref<168x272xf32, #tpu.memory_space<vmem>>, vector<16xf32>,
              %get3A_657 = arith.index_cast %sub3A_566 : i32 to index
              %get3A_658 = arith.constant 144 : index
              %get3A_659 = tpu.vector_load %arg25[%get3A_657, %get3A_658] {strides = array<i32>} : memref<168x272xf32, #tpu.memory_space<vmem>>, vector<16xf32>,
              %get3A_660 = arith.index_cast %mul3A_545 : i32 to index
              %get3A_661 = arith.constant 144 : index
              %get3A_662 = tpu.vector_load %arg30[%get3A_660, %get3A_661] {strides = array<i32>} : memref<48x256xf32, #tpu.memory_space<vmem>>, vector<16xf32>,
              %add3A_663 = arith.addf %get3A_659, %get3A_662 : vector<16xf32>
              %swap3A_664 = arith.index_cast %sub3A_566 : i32 to index
              %swap3A_665 = arith.constant 144 : index
              %swap3A_666 = tpu.vector_load %arg25[%swap3A_664, %swap3A_665] {strides = array<i32>} : memref<168x272xf32, #tpu.memory_space<vmem>>, vector<16xf32>,
              tpu.vector_store %arg25[%swap3A_664, %swap3A_665], %add3A_663 {strides = array<i32>} : memref<168x272xf32, #tpu.memory_space<vmem>>, vector<16xf32>,
              %get3A_667 = arith.index_cast %sub3A_566 : i32 to index
              %get3A_668 = arith.constant 160 : index
              %get3A_669 = tpu.vector_load %arg25[%get3A_667, %get3A_668] {strides = array<i32>} : memref<168x272xf32, #tpu.memory_space<vmem>>, vector<16xf32>,
              %get3A_670 = arith.index_cast %mul3A_545 : i32 to index
              %get3A_671 = arith.constant 160 : index
              %get3A_672 = tpu.vector_load %arg30[%get3A_670, %get3A_671] {strides = array<i32>} : memref<48x256xf32, #tpu.memory_space<vmem>>, vector<16xf32>,
              %add3A_673 = arith.addf %get3A_669, %get3A_672 : vector<16xf32>
              %swap3A_674 = arith.index_cast %sub3A_566 : i32 to index
              %swap3A_675 = arith.constant 160 : index
              %swap3A_676 = tpu.vector_load %arg25[%swap3A_674, %swap3A_675] {strides = array<i32>} : memref<168x272xf32, #tpu.memory_space<vmem>>, vector<16xf32>,
              tpu.vector_store %arg25[%swap3A_674, %swap3A_675], %add3A_673 {strides = array<i32>} : memref<168x272xf32, #tpu.memory_space<vmem>>, vector<16xf32>,
              %get3A_677 = arith.index_cast %sub3A_566 : i32 to index
              %get3A_678 = arith.constant 176 : index
              %get3A_679 = tpu.vector_load %arg25[%get3A_677, %get3A_678] {strides = array<i32>} : memref<168x272xf32, #tpu.memory_space<vmem>>, vector<16xf32>,
              %get3A_680 = arith.index_cast %mul3A_545 : i32 to index
              %get3A_681 = arith.constant 176 : index
              %get3A_682 = tpu.vector_load %arg30[%get3A_680, %get3A_681] {strides = array<i32>} : memref<48x256xf32, #tpu.memory_space<vmem>>, vector<16xf32>,
              %add3A_683 = arith.addf %get3A_679, %get3A_682 : vector<16xf32>
              %swap3A_684 = arith.index_cast %sub3A_566 : i32 to index
              %swap3A_685 = arith.constant 176 : index
              %swap3A_686 = tpu.vector_load %arg25[%swap3A_684, %swap3A_685] {strides = array<i32>} : memref<168x272xf32, #tpu.memory_space<vmem>>, vector<16xf32>,
              tpu.vector_store %arg25[%swap3A_684, %swap3A_685], %add3A_683 {strides = array<i32>} : memref<168x272xf32, #tpu.memory_space<vmem>>, vector<16xf32>,
              %get3A_687 = arith.index_cast %sub3A_566 : i32 to index
              %get3A_688 = arith.constant 192 : index
              %get3A_689 = tpu.vector_load %arg25[%get3A_687, %get3A_688] {strides = array<i32>} : memref<168x272xf32, #tpu.memory_space<vmem>>, vector<16xf32>,
              %get3A_690 = arith.index_cast %mul3A_545 : i32 to index
              %get3A_691 = arith.constant 192 : index
              %get3A_692 = tpu.vector_load %arg30[%get3A_690, %get3A_691] {strides = array<i32>} : memref<48x256xf32, #tpu.memory_space<vmem>>, vector<16xf32>,
              %add3A_693 = arith.addf %get3A_689, %get3A_692 : vector<16xf32>
              %swap3A_694 = arith.index_cast %sub3A_566 : i32 to index
              %swap3A_695 = arith.constant 192 : index
              %swap3A_696 = tpu.vector_load %arg25[%swap3A_694, %swap3A_695] {strides = array<i32>} : memref<168x272xf32, #tpu.memory_space<vmem>>, vector<16xf32>,
              tpu.vector_store %arg25[%swap3A_694, %swap3A_695], %add3A_693 {strides = array<i32>} : memref<168x272xf32, #tpu.memory_space<vmem>>, vector<16xf32>,
              %get3A_697 = arith.index_cast %sub3A_566 : i32 to index
              %get3A_698 = arith.constant 208 : index
              %get3A_699 = tpu.vector_load %arg25[%get3A_697, %get3A_698] {strides = array<i32>} : memref<168x272xf32, #tpu.memory_space<vmem>>, vector<16xf32>,
              %get3A_700 = arith.index_cast %mul3A_545 : i32 to index
              %get3A_701 = arith.constant 208 : index
              %get3A_702 = tpu.vector_load %arg30[%get3A_700, %get3A_701] {strides = array<i32>} : memref<48x256xf32, #tpu.memory_space<vmem>>, vector<16xf32>,
              %add3A_703 = arith.addf %get3A_699, %get3A_702 : vector<16xf32>
              %swap3A_704 = arith.index_cast %sub3A_566 : i32 to index
              %swap3A_705 = arith.constant 208 : index
              %swap3A_706 = tpu.vector_load %arg25[%swap3A_704, %swap3A_705] {strides = array<i32>} : memref<168x272xf32, #tpu.memory_space<vmem>>, vector<16xf32>,
              tpu.vector_store %arg25[%swap3A_704, %swap3A_705], %add3A_703 {strides = array<i32>} : memref<168x272xf32, #tpu.memory_space<vmem>>, vector<16xf32>,
              %get3A_707 = arith.index_cast %sub3A_566 : i32 to index
              %get3A_708 = arith.constant 224 : index
              %get3A_709 = tpu.vector_load %arg25[%get3A_707, %get3A_708] {strides = array<i32>} : memref<168x272xf32, #tpu.memory_space<vmem>>, vector<16xf32>,
              %get3A_710 = arith.index_cast %mul3A_545 : i32 to index
              %get3A_711 = arith.constant 224 : index
              %get3A_712 = tpu.vector_load %arg30[%get3A_710, %get3A_711] {strides = array<i32>} : memref<48x256xf32, #tpu.memory_space<vmem>>, vector<16xf32>,
              %add3A_713 = arith.addf %get3A_709, %get3A_712 : vector<16xf32>
              %swap3A_714 = arith.index_cast %sub3A_566 : i32 to index
              %swap3A_715 = arith.constant 224 : index
              %swap3A_716 = tpu.vector_load %arg25[%swap3A_714, %swap3A_715] {strides = array<i32>} : memref<168x272xf32, #tpu.memory_space<vmem>>, vector<16xf32>,
              tpu.vector_store %arg25[%swap3A_714, %swap3A_715], %add3A_713 {strides = array<i32>} : memref<168x272xf32, #tpu.memory_space<vmem>>, vector<16xf32>,
              %get3A_717 = arith.index_cast %sub3A_566 : i32 to index
              %get3A_718 = arith.constant 240 : index
              %get3A_719 = tpu.vector_load %arg25[%get3A_717, %get3A_718] {strides = array<i32>} : memref<168x272xf32, #tpu.memory_space<vmem>>, vector<16xf32>,
              %get3A_720 = arith.index_cast %mul3A_545 : i32 to index
              %get3A_721 = arith.constant 240 : index
              %get3A_722 = tpu.vector_load %arg30[%get3A_720, %get3A_721] {strides = array<i32>} : memref<48x256xf32, #tpu.memory_space<vmem>>, vector<16xf32>,
              %add3A_723 = arith.addf %get3A_719, %get3A_722 : vector<16xf32>
              %swap3A_724 = arith.index_cast %sub3A_566 : i32 to index
              %swap3A_725 = arith.constant 240 : index
              %swap3A_726 = tpu.vector_load %arg25[%swap3A_724, %swap3A_725] {strides = array<i32>} : memref<168x272xf32, #tpu.memory_space<vmem>>, vector<16xf32>,
              tpu.vector_store %arg25[%swap3A_724, %swap3A_725], %add3A_723 {strides = array<i32>} : memref<168x272xf32, #tpu.memory_space<vmem>>, vector<16xf32>,
              %mul3A_727 = arith.constant 4 : i32
              %mul3A_728 = arith.muli %mul3A_545, %mul3A_727 : i32
              %min3A_729 = arith.constant 3 : i32
              %min3A_730 = vector.broadcast %min3A_729 : i32 to vector<16xi32>
              %min3A_731 = arith.minsi %iota3A, %min3A_730 : vector<16xi32>
              %add3A_732 = vector.broadcast %mul3A_728 : i32 to vector<16xi32>
              %add3A_733 = arith.addi %add3A_732, %min3A_731 : vector<16xi32>
              %gather3A_734 = tpu.vector_load_idx %arg31[%add3A_733] : memref<192xf32, #tpu.memory_space<vmem>>[vector<16xi32>], vector<16xf32>,
              %lt3A = arith.constant 4 : i32
              %lt3A_735 = vector.broadcast %lt3A : i32 to vector<16xi32>
              %lt3A_736 = arith.cmpi slt, %iota3A, %lt3A_735 : vector<16xi32>
              %select_n3A_737 = arith.select %lt3A_736, %gather3A_734, %broadcast_in_dim3A_8 : vector<16xi1>, vector<16xf32>
              %get3A_738 = arith.index_cast %sub3A_566 : i32 to index
              %get3A_739 = arith.constant 256 : index
              %get3A_740 = tpu.vector_load %arg25[%get3A_738, %get3A_739] {strides = array<i32>} : memref<168x272xf32, #tpu.memory_space<vmem>>, vector<16xf32>,
              %add3A_741 = arith.addf %get3A_740, %select_n3A_737 : vector<16xf32>
              %swap3A_742 = arith.index_cast %sub3A_566 : i32 to index
              %swap3A_743 = arith.constant 256 : index
              %swap3A_744 = tpu.vector_load %arg25[%swap3A_742, %swap3A_743] {strides = array<i32>} : memref<168x272xf32, #tpu.memory_space<vmem>>, vector<16xf32>,
              tpu.vector_store %arg25[%swap3A_742, %swap3A_743], %add3A_741 {strides = array<i32>} : memref<168x272xf32, #tpu.memory_space<vmem>>, vector<16xf32>,
              %mul3A_745 = arith.constant 48 : i32
              %mul3A_746 = arith.muli %while3A_197, %mul3A_745 : i32
              %add3A_747 = arith.addi %mul3A_746, %add3A_549 : i32
              %broadcast_in_dim3A_748 = vector.broadcast %add3A_747 : i32 to vector<16xi32>
              %gather3A_749 = tpu.vector_load_idx %arg27[%broadcast_in_dim3A_748] : memref<576xi32, #tpu.memory_space<vmem>>[vector<16xi32>], vector<16xi32>,
              %and3A_750 = arith.constant 4095 : i32
              %and3A_751 = vector.broadcast %and3A_750 : i32 to vector<16xi32>
              %and3A_752 = arith.andi %gather3A_749, %and3A_751 : vector<16xi32>
              %reduce_max3A_753 = arith.constant true
              %reduce_max3A_754 = vector.broadcast %reduce_max3A_753 : i1 to vector<16xi1>
              %reduce_max3A_755 = arith.constant -2147483648 : i32
              %reduce_max3A_756 = vector.broadcast %reduce_max3A_755 : i32 to vector<16xi32>
              %reduce_max3A_757 = arith.xori %and3A_752, %reduce_max3A_756 : vector<16xi32>
              %reduce_max3A_758 = tpu.scan <max>, %reduce_max3A_757 masked %reduce_max3A_754 : vector<16xi32>, vector<16xi1> -> vector<16xi32>
              %reduce_max3A_759 = arith.xori %reduce_max3A_758, %reduce_max3A_756 : vector<16xi32>
              %reduce_max3A_760 = vector.extract %reduce_max3A_759[15] : i32 from vector<16xi32>
              %sub3A_761 = arith.subi %reduce_max3A_760, %mul3A_87 : i32
              %get3A_762 = arith.index_cast %sub3A_761 : i32 to index
              %get3A_763 = arith.constant 0 : index
              %get3A_764 = tpu.vector_load %arg25[%get3A_762, %get3A_763] {strides = array<i32>} : memref<168x272xf32, #tpu.memory_space<vmem>>, vector<16xf32>,
              %get3A_765 = arith.index_cast %add3A_549 : i32 to index
              %get3A_766 = arith.constant 0 : index
              %get3A_767 = tpu.vector_load %arg30[%get3A_765, %get3A_766] {strides = array<i32>} : memref<48x256xf32, #tpu.memory_space<vmem>>, vector<16xf32>,
              %add3A_768 = arith.addf %get3A_764, %get3A_767 : vector<16xf32>
              %swap3A_769 = arith.index_cast %sub3A_761 : i32 to index
              %swap3A_770 = arith.constant 0 : index
              %swap3A_771 = tpu.vector_load %arg25[%swap3A_769, %swap3A_770] {strides = array<i32>} : memref<168x272xf32, #tpu.memory_space<vmem>>, vector<16xf32>,
              tpu.vector_store %arg25[%swap3A_769, %swap3A_770], %add3A_768 {strides = array<i32>} : memref<168x272xf32, #tpu.memory_space<vmem>>, vector<16xf32>,
              %get3A_772 = arith.index_cast %sub3A_761 : i32 to index
              %get3A_773 = arith.constant 16 : index
              %get3A_774 = tpu.vector_load %arg25[%get3A_772, %get3A_773] {strides = array<i32>} : memref<168x272xf32, #tpu.memory_space<vmem>>, vector<16xf32>,
              %get3A_775 = arith.index_cast %add3A_549 : i32 to index
              %get3A_776 = arith.constant 16 : index
              %get3A_777 = tpu.vector_load %arg30[%get3A_775, %get3A_776] {strides = array<i32>} : memref<48x256xf32, #tpu.memory_space<vmem>>, vector<16xf32>,
              %add3A_778 = arith.addf %get3A_774, %get3A_777 : vector<16xf32>
              %swap3A_779 = arith.index_cast %sub3A_761 : i32 to index
              %swap3A_780 = arith.constant 16 : index
              %swap3A_781 = tpu.vector_load %arg25[%swap3A_779, %swap3A_780] {strides = array<i32>} : memref<168x272xf32, #tpu.memory_space<vmem>>, vector<16xf32>,
              tpu.vector_store %arg25[%swap3A_779, %swap3A_780], %add3A_778 {strides = array<i32>} : memref<168x272xf32, #tpu.memory_space<vmem>>, vector<16xf32>,
              %get3A_782 = arith.index_cast %sub3A_761 : i32 to index
              %get3A_783 = arith.constant 32 : index
              %get3A_784 = tpu.vector_load %arg25[%get3A_782, %get3A_783] {strides = array<i32>} : memref<168x272xf32, #tpu.memory_space<vmem>>, vector<16xf32>,
              %get3A_785 = arith.index_cast %add3A_549 : i32 to index
              %get3A_786 = arith.constant 32 : index
              %get3A_787 = tpu.vector_load %arg30[%get3A_785, %get3A_786] {strides = array<i32>} : memref<48x256xf32, #tpu.memory_space<vmem>>, vector<16xf32>,
              %add3A_788 = arith.addf %get3A_784, %get3A_787 : vector<16xf32>
              %swap3A_789 = arith.index_cast %sub3A_761 : i32 to index
              %swap3A_790 = arith.constant 32 : index
              %swap3A_791 = tpu.vector_load %arg25[%swap3A_789, %swap3A_790] {strides = array<i32>} : memref<168x272xf32, #tpu.memory_space<vmem>>, vector<16xf32>,
              tpu.vector_store %arg25[%swap3A_789, %swap3A_790], %add3A_788 {strides = array<i32>} : memref<168x272xf32, #tpu.memory_space<vmem>>, vector<16xf32>,
              %get3A_792 = arith.index_cast %sub3A_761 : i32 to index
              %get3A_793 = arith.constant 48 : index
              %get3A_794 = tpu.vector_load %arg25[%get3A_792, %get3A_793] {strides = array<i32>} : memref<168x272xf32, #tpu.memory_space<vmem>>, vector<16xf32>,
              %get3A_795 = arith.index_cast %add3A_549 : i32 to index
              %get3A_796 = arith.constant 48 : index
              %get3A_797 = tpu.vector_load %arg30[%get3A_795, %get3A_796] {strides = array<i32>} : memref<48x256xf32, #tpu.memory_space<vmem>>, vector<16xf32>,
              %add3A_798 = arith.addf %get3A_794, %get3A_797 : vector<16xf32>
              %swap3A_799 = arith.index_cast %sub3A_761 : i32 to index
              %swap3A_800 = arith.constant 48 : index
              %swap3A_801 = tpu.vector_load %arg25[%swap3A_799, %swap3A_800] {strides = array<i32>} : memref<168x272xf32, #tpu.memory_space<vmem>>, vector<16xf32>,
              tpu.vector_store %arg25[%swap3A_799, %swap3A_800], %add3A_798 {strides = array<i32>} : memref<168x272xf32, #tpu.memory_space<vmem>>, vector<16xf32>,
              %get3A_802 = arith.index_cast %sub3A_761 : i32 to index
              %get3A_803 = arith.constant 64 : index
              %get3A_804 = tpu.vector_load %arg25[%get3A_802, %get3A_803] {strides = array<i32>} : memref<168x272xf32, #tpu.memory_space<vmem>>, vector<16xf32>,
              %get3A_805 = arith.index_cast %add3A_549 : i32 to index
              %get3A_806 = arith.constant 64 : index
              %get3A_807 = tpu.vector_load %arg30[%get3A_805, %get3A_806] {strides = array<i32>} : memref<48x256xf32, #tpu.memory_space<vmem>>, vector<16xf32>,
              %add3A_808 = arith.addf %get3A_804, %get3A_807 : vector<16xf32>
              %swap3A_809 = arith.index_cast %sub3A_761 : i32 to index
              %swap3A_810 = arith.constant 64 : index
              %swap3A_811 = tpu.vector_load %arg25[%swap3A_809, %swap3A_810] {strides = array<i32>} : memref<168x272xf32, #tpu.memory_space<vmem>>, vector<16xf32>,
              tpu.vector_store %arg25[%swap3A_809, %swap3A_810], %add3A_808 {strides = array<i32>} : memref<168x272xf32, #tpu.memory_space<vmem>>, vector<16xf32>,
              %get3A_812 = arith.index_cast %sub3A_761 : i32 to index
              %get3A_813 = arith.constant 80 : index
              %get3A_814 = tpu.vector_load %arg25[%get3A_812, %get3A_813] {strides = array<i32>} : memref<168x272xf32, #tpu.memory_space<vmem>>, vector<16xf32>,
              %get3A_815 = arith.index_cast %add3A_549 : i32 to index
              %get3A_816 = arith.constant 80 : index
              %get3A_817 = tpu.vector_load %arg30[%get3A_815, %get3A_816] {strides = array<i32>} : memref<48x256xf32, #tpu.memory_space<vmem>>, vector<16xf32>,
              %add3A_818 = arith.addf %get3A_814, %get3A_817 : vector<16xf32>
              %swap3A_819 = arith.index_cast %sub3A_761 : i32 to index
              %swap3A_820 = arith.constant 80 : index
              %swap3A_821 = tpu.vector_load %arg25[%swap3A_819, %swap3A_820] {strides = array<i32>} : memref<168x272xf32, #tpu.memory_space<vmem>>, vector<16xf32>,
              tpu.vector_store %arg25[%swap3A_819, %swap3A_820], %add3A_818 {strides = array<i32>} : memref<168x272xf32, #tpu.memory_space<vmem>>, vector<16xf32>,
              %get3A_822 = arith.index_cast %sub3A_761 : i32 to index
              %get3A_823 = arith.constant 96 : index
              %get3A_824 = tpu.vector_load %arg25[%get3A_822, %get3A_823] {strides = array<i32>} : memref<168x272xf32, #tpu.memory_space<vmem>>, vector<16xf32>,
              %get3A_825 = arith.index_cast %add3A_549 : i32 to index
              %get3A_826 = arith.constant 96 : index
              %get3A_827 = tpu.vector_load %arg30[%get3A_825, %get3A_826] {strides = array<i32>} : memref<48x256xf32, #tpu.memory_space<vmem>>, vector<16xf32>,
              %add3A_828 = arith.addf %get3A_824, %get3A_827 : vector<16xf32>
              %swap3A_829 = arith.index_cast %sub3A_761 : i32 to index
              %swap3A_830 = arith.constant 96 : index
              %swap3A_831 = tpu.vector_load %arg25[%swap3A_829, %swap3A_830] {strides = array<i32>} : memref<168x272xf32, #tpu.memory_space<vmem>>, vector<16xf32>,
              tpu.vector_store %arg25[%swap3A_829, %swap3A_830], %add3A_828 {strides = array<i32>} : memref<168x272xf32, #tpu.memory_space<vmem>>, vector<16xf32>,
              %get3A_832 = arith.index_cast %sub3A_761 : i32 to index
              %get3A_833 = arith.constant 112 : index
              %get3A_834 = tpu.vector_load %arg25[%get3A_832, %get3A_833] {strides = array<i32>} : memref<168x272xf32, #tpu.memory_space<vmem>>, vector<16xf32>,
              %get3A_835 = arith.index_cast %add3A_549 : i32 to index
              %get3A_836 = arith.constant 112 : index
              %get3A_837 = tpu.vector_load %arg30[%get3A_835, %get3A_836] {strides = array<i32>} : memref<48x256xf32, #tpu.memory_space<vmem>>, vector<16xf32>,
              %add3A_838 = arith.addf %get3A_834, %get3A_837 : vector<16xf32>
              %swap3A_839 = arith.index_cast %sub3A_761 : i32 to index
              %swap3A_840 = arith.constant 112 : index
              %swap3A_841 = tpu.vector_load %arg25[%swap3A_839, %swap3A_840] {strides = array<i32>} : memref<168x272xf32, #tpu.memory_space<vmem>>, vector<16xf32>,
              tpu.vector_store %arg25[%swap3A_839, %swap3A_840], %add3A_838 {strides = array<i32>} : memref<168x272xf32, #tpu.memory_space<vmem>>, vector<16xf32>,
              %get3A_842 = arith.index_cast %sub3A_761 : i32 to index
              %get3A_843 = arith.constant 128 : index
              %get3A_844 = tpu.vector_load %arg25[%get3A_842, %get3A_843] {strides = array<i32>} : memref<168x272xf32, #tpu.memory_space<vmem>>, vector<16xf32>,
              %get3A_845 = arith.index_cast %add3A_549 : i32 to index
              %get3A_846 = arith.constant 128 : index
              %get3A_847 = tpu.vector_load %arg30[%get3A_845, %get3A_846] {strides = array<i32>} : memref<48x256xf32, #tpu.memory_space<vmem>>, vector<16xf32>,
              %add3A_848 = arith.addf %get3A_844, %get3A_847 : vector<16xf32>
              %swap3A_849 = arith.index_cast %sub3A_761 : i32 to index
              %swap3A_850 = arith.constant 128 : index
              %swap3A_851 = tpu.vector_load %arg25[%swap3A_849, %swap3A_850] {strides = array<i32>} : memref<168x272xf32, #tpu.memory_space<vmem>>, vector<16xf32>,
              tpu.vector_store %arg25[%swap3A_849, %swap3A_850], %add3A_848 {strides = array<i32>} : memref<168x272xf32, #tpu.memory_space<vmem>>, vector<16xf32>,
              %get3A_852 = arith.index_cast %sub3A_761 : i32 to index
              %get3A_853 = arith.constant 144 : index
              %get3A_854 = tpu.vector_load %arg25[%get3A_852, %get3A_853] {strides = array<i32>} : memref<168x272xf32, #tpu.memory_space<vmem>>, vector<16xf32>,
              %get3A_855 = arith.index_cast %add3A_549 : i32 to index
              %get3A_856 = arith.constant 144 : index
              %get3A_857 = tpu.vector_load %arg30[%get3A_855, %get3A_856] {strides = array<i32>} : memref<48x256xf32, #tpu.memory_space<vmem>>, vector<16xf32>,
              %add3A_858 = arith.addf %get3A_854, %get3A_857 : vector<16xf32>
              %swap3A_859 = arith.index_cast %sub3A_761 : i32 to index
              %swap3A_860 = arith.constant 144 : index
              %swap3A_861 = tpu.vector_load %arg25[%swap3A_859, %swap3A_860] {strides = array<i32>} : memref<168x272xf32, #tpu.memory_space<vmem>>, vector<16xf32>,
              tpu.vector_store %arg25[%swap3A_859, %swap3A_860], %add3A_858 {strides = array<i32>} : memref<168x272xf32, #tpu.memory_space<vmem>>, vector<16xf32>,
              %get3A_862 = arith.index_cast %sub3A_761 : i32 to index
              %get3A_863 = arith.constant 160 : index
              %get3A_864 = tpu.vector_load %arg25[%get3A_862, %get3A_863] {strides = array<i32>} : memref<168x272xf32, #tpu.memory_space<vmem>>, vector<16xf32>,
              %get3A_865 = arith.index_cast %add3A_549 : i32 to index
              %get3A_866 = arith.constant 160 : index
              %get3A_867 = tpu.vector_load %arg30[%get3A_865, %get3A_866] {strides = array<i32>} : memref<48x256xf32, #tpu.memory_space<vmem>>, vector<16xf32>,
              %add3A_868 = arith.addf %get3A_864, %get3A_867 : vector<16xf32>
              %swap3A_869 = arith.index_cast %sub3A_761 : i32 to index
              %swap3A_870 = arith.constant 160 : index
              %swap3A_871 = tpu.vector_load %arg25[%swap3A_869, %swap3A_870] {strides = array<i32>} : memref<168x272xf32, #tpu.memory_space<vmem>>, vector<16xf32>,
              tpu.vector_store %arg25[%swap3A_869, %swap3A_870], %add3A_868 {strides = array<i32>} : memref<168x272xf32, #tpu.memory_space<vmem>>, vector<16xf32>,
              %get3A_872 = arith.index_cast %sub3A_761 : i32 to index
              %get3A_873 = arith.constant 176 : index
              %get3A_874 = tpu.vector_load %arg25[%get3A_872, %get3A_873] {strides = array<i32>} : memref<168x272xf32, #tpu.memory_space<vmem>>, vector<16xf32>,
              %get3A_875 = arith.index_cast %add3A_549 : i32 to index
              %get3A_876 = arith.constant 176 : index
              %get3A_877 = tpu.vector_load %arg30[%get3A_875, %get3A_876] {strides = array<i32>} : memref<48x256xf32, #tpu.memory_space<vmem>>, vector<16xf32>,
              %add3A_878 = arith.addf %get3A_874, %get3A_877 : vector<16xf32>
              %swap3A_879 = arith.index_cast %sub3A_761 : i32 to index
              %swap3A_880 = arith.constant 176 : index
              %swap3A_881 = tpu.vector_load %arg25[%swap3A_879, %swap3A_880] {strides = array<i32>} : memref<168x272xf32, #tpu.memory_space<vmem>>, vector<16xf32>,
              tpu.vector_store %arg25[%swap3A_879, %swap3A_880], %add3A_878 {strides = array<i32>} : memref<168x272xf32, #tpu.memory_space<vmem>>, vector<16xf32>,
              %get3A_882 = arith.index_cast %sub3A_761 : i32 to index
              %get3A_883 = arith.constant 192 : index
              %get3A_884 = tpu.vector_load %arg25[%get3A_882, %get3A_883] {strides = array<i32>} : memref<168x272xf32, #tpu.memory_space<vmem>>, vector<16xf32>,
              %get3A_885 = arith.index_cast %add3A_549 : i32 to index
              %get3A_886 = arith.constant 192 : index
              %get3A_887 = tpu.vector_load %arg30[%get3A_885, %get3A_886] {strides = array<i32>} : memref<48x256xf32, #tpu.memory_space<vmem>>, vector<16xf32>,
              %add3A_888 = arith.addf %get3A_884, %get3A_887 : vector<16xf32>
              %swap3A_889 = arith.index_cast %sub3A_761 : i32 to index
              %swap3A_890 = arith.constant 192 : index
              %swap3A_891 = tpu.vector_load %arg25[%swap3A_889, %swap3A_890] {strides = array<i32>} : memref<168x272xf32, #tpu.memory_space<vmem>>, vector<16xf32>,
              tpu.vector_store %arg25[%swap3A_889, %swap3A_890], %add3A_888 {strides = array<i32>} : memref<168x272xf32, #tpu.memory_space<vmem>>, vector<16xf32>,
              %get3A_892 = arith.index_cast %sub3A_761 : i32 to index
              %get3A_893 = arith.constant 208 : index
              %get3A_894 = tpu.vector_load %arg25[%get3A_892, %get3A_893] {strides = array<i32>} : memref<168x272xf32, #tpu.memory_space<vmem>>, vector<16xf32>,
              %get3A_895 = arith.index_cast %add3A_549 : i32 to index
              %get3A_896 = arith.constant 208 : index
              %get3A_897 = tpu.vector_load %arg30[%get3A_895, %get3A_896] {strides = array<i32>} : memref<48x256xf32, #tpu.memory_space<vmem>>, vector<16xf32>,
              %add3A_898 = arith.addf %get3A_894, %get3A_897 : vector<16xf32>
              %swap3A_899 = arith.index_cast %sub3A_761 : i32 to index
              %swap3A_900 = arith.constant 208 : index
              %swap3A_901 = tpu.vector_load %arg25[%swap3A_899, %swap3A_900] {strides = array<i32>} : memref<168x272xf32, #tpu.memory_space<vmem>>, vector<16xf32>,
              tpu.vector_store %arg25[%swap3A_899, %swap3A_900], %add3A_898 {strides = array<i32>} : memref<168x272xf32, #tpu.memory_space<vmem>>, vector<16xf32>,
              %get3A_902 = arith.index_cast %sub3A_761 : i32 to index
              %get3A_903 = arith.constant 224 : index
              %get3A_904 = tpu.vector_load %arg25[%get3A_902, %get3A_903] {strides = array<i32>} : memref<168x272xf32, #tpu.memory_space<vmem>>, vector<16xf32>,
              %get3A_905 = arith.index_cast %add3A_549 : i32 to index
              %get3A_906 = arith.constant 224 : index
              %get3A_907 = tpu.vector_load %arg30[%get3A_905, %get3A_906] {strides = array<i32>} : memref<48x256xf32, #tpu.memory_space<vmem>>, vector<16xf32>,
              %add3A_908 = arith.addf %get3A_904, %get3A_907 : vector<16xf32>
              %swap3A_909 = arith.index_cast %sub3A_761 : i32 to index
              %swap3A_910 = arith.constant 224 : index
              %swap3A_911 = tpu.vector_load %arg25[%swap3A_909, %swap3A_910] {strides = array<i32>} : memref<168x272xf32, #tpu.memory_space<vmem>>, vector<16xf32>,
              tpu.vector_store %arg25[%swap3A_909, %swap3A_910], %add3A_908 {strides = array<i32>} : memref<168x272xf32, #tpu.memory_space<vmem>>, vector<16xf32>,
              %get3A_912 = arith.index_cast %sub3A_761 : i32 to index
              %get3A_913 = arith.constant 240 : index
              %get3A_914 = tpu.vector_load %arg25[%get3A_912, %get3A_913] {strides = array<i32>} : memref<168x272xf32, #tpu.memory_space<vmem>>, vector<16xf32>,
              %get3A_915 = arith.index_cast %add3A_549 : i32 to index
              %get3A_916 = arith.constant 240 : index
              %get3A_917 = tpu.vector_load %arg30[%get3A_915, %get3A_916] {strides = array<i32>} : memref<48x256xf32, #tpu.memory_space<vmem>>, vector<16xf32>,
              %add3A_918 = arith.addf %get3A_914, %get3A_917 : vector<16xf32>
              %swap3A_919 = arith.index_cast %sub3A_761 : i32 to index
              %swap3A_920 = arith.constant 240 : index
              %swap3A_921 = tpu.vector_load %arg25[%swap3A_919, %swap3A_920] {strides = array<i32>} : memref<168x272xf32, #tpu.memory_space<vmem>>, vector<16xf32>,
              tpu.vector_store %arg25[%swap3A_919, %swap3A_920], %add3A_918 {strides = array<i32>} : memref<168x272xf32, #tpu.memory_space<vmem>>, vector<16xf32>,
              %mul3A_922 = arith.constant 4 : i32
              %mul3A_923 = arith.muli %add3A_549, %mul3A_922 : i32
              %min3A_924 = arith.constant 3 : i32
              %min3A_925 = vector.broadcast %min3A_924 : i32 to vector<16xi32>
              %min3A_926 = arith.minsi %iota3A, %min3A_925 : vector<16xi32>
              %add3A_927 = vector.broadcast %mul3A_923 : i32 to vector<16xi32>
              %add3A_928 = arith.addi %add3A_927, %min3A_926 : vector<16xi32>
              %gather3A_929 = tpu.vector_load_idx %arg31[%add3A_928] : memref<192xf32, #tpu.memory_space<vmem>>[vector<16xi32>], vector<16xf32>,
              %lt3A_930 = arith.constant 4 : i32
              %lt3A_931 = vector.broadcast %lt3A_930 : i32 to vector<16xi32>
              %lt3A_932 = arith.cmpi slt, %iota3A, %lt3A_931 : vector<16xi32>
              %select_n3A_933 = arith.select %lt3A_932, %gather3A_929, %broadcast_in_dim3A_8 : vector<16xi1>, vector<16xf32>
              %get3A_934 = arith.index_cast %sub3A_761 : i32 to index
              %get3A_935 = arith.constant 256 : index
              %get3A_936 = tpu.vector_load %arg25[%get3A_934, %get3A_935] {strides = array<i32>} : memref<168x272xf32, #tpu.memory_space<vmem>>, vector<16xf32>,
              %add3A_937 = arith.addf %get3A_936, %select_n3A_933 : vector<16xf32>
              %swap3A_938 = arith.index_cast %sub3A_761 : i32 to index
              %swap3A_939 = arith.constant 256 : index
              %swap3A_940 = tpu.vector_load %arg25[%swap3A_938, %swap3A_939] {strides = array<i32>} : memref<168x272xf32, #tpu.memory_space<vmem>>, vector<16xf32>,
              tpu.vector_store %arg25[%swap3A_938, %swap3A_939], %add3A_937 {strides = array<i32>} : memref<168x272xf32, #tpu.memory_space<vmem>>, vector<16xf32>,
              %scan3A_941 = arith.constant 0 : i32
              scf.yield %scan3A_941 : i32
            }
            %scan3A_540 = arith.constant 24 : i32
            %while3A_541 = arith.constant 0 : i32
            scf.yield %while3A_541 : i32
          }
          %add3A_195 = arith.constant 512 : i32
          %add3A_196 = arith.addi %while3A_131, %add3A_195 : i32
          scf.yield %add3A_196 : i32
        }
        %scan3A_130 = arith.constant 0 : i32
        scf.yield %scan3A_130 : i32
      }
      %scan3A_106 = arith.constant 16 : i32
      %add3A_107 = arith.addi %add3A_28, %mul3A_87 : i32
      %multiple_of3A_108 = tpu.assume_multiple %add3A_107, 8 : i32
      "tpu.region"() ({
        %run_scoped3A = tpu.sem_alloc : memref<!tpu.dma_semaphore, #tpu.memory_space<semaphore_mem>>
        %dma_start3A = arith.constant 0 : i32
        %dma_start3A_111 = arith.constant 0 : i32
        %dma_start3A_112 = tpu.memref_slice %arg25[%dma_start3A, %dma_start3A_111] : memref<168x272xf32, #tpu.memory_space<vmem>> -> memref<160x272xf32, #tpu.memory_space<vmem>>
        %dma_start3A_113 = arith.constant 0 : i32
        %dma_start3A_114 = tpu.memref_slice %arg8[%multiple_of3A_108, %dma_start3A_113] : memref<102400x272xf32, #tpu.memory_space<hbm>> -> memref<160x272xf32, #tpu.memory_space<hbm>>
        %dma_start3A_115 = arith.constant 0 : i32
        %dma_start3A_116 = tpu.memref_slice %arg8[%multiple_of3A_108, %dma_start3A_115] : memref<102400x272xf32, #tpu.memory_space<hbm>> -> memref<160x272xf32, #tpu.memory_space<hbm>>
        %dma_start3A_117 = arith.constant 0 : i32
        %dma_start3A_118 = arith.constant 0 : i32
        %dma_start3A_119 = tpu.memref_slice %arg25[%dma_start3A_117, %dma_start3A_118] : memref<168x272xf32, #tpu.memory_space<vmem>> -> memref<160x272xf32, #tpu.memory_space<vmem>>
        tpu.enqueue_dma source(%dma_start3A_119 : memref<160x272xf32, #tpu.memory_space<vmem>>) target(%dma_start3A_116 : memref<160x272xf32, #tpu.memory_space<hbm>>) target_semaphore(%run_scoped3A : memref<!tpu.dma_semaphore, #tpu.memory_space<semaphore_mem>>)
        %dma_wait3A = arith.constant 0 : i32
        %dma_wait3A_120 = arith.constant 0 : i32
        %dma_wait3A_121 = tpu.memref_slice %arg25[%dma_wait3A, %dma_wait3A_120] : memref<168x272xf32, #tpu.memory_space<vmem>> -> memref<160x272xf32, #tpu.memory_space<vmem>>
        %dma_wait3A_122 = arith.constant 0 : i32
        %dma_wait3A_123 = tpu.memref_slice %arg8[%multiple_of3A_108, %dma_wait3A_122] : memref<102400x272xf32, #tpu.memory_space<hbm>> -> memref<160x272xf32, #tpu.memory_space<hbm>>
        %dma_wait3A_124 = arith.constant 0 : i32
        %dma_wait3A_125 = tpu.memref_slice %arg8[%multiple_of3A_108, %dma_wait3A_124] : memref<102400x272xf32, #tpu.memory_space<hbm>> -> memref<160x272xf32, #tpu.memory_space<hbm>>
        %dma_wait3A_126 = arith.constant 0 : i32
        %dma_wait3A_127 = arith.constant 0 : i32
        %dma_wait3A_128 = tpu.memref_slice %arg25[%dma_wait3A_126, %dma_wait3A_127] : memref<168x272xf32, #tpu.memory_space<vmem>> -> memref<160x272xf32, #tpu.memory_space<vmem>>
        tpu.wait_dma2 semaphore(%run_scoped3A : memref<!tpu.dma_semaphore, #tpu.memory_space<semaphore_mem>>) src(%dma_wait3A_128 : memref<160x272xf32, #tpu.memory_space<vmem>>) dst(%dma_wait3A_125 : memref<160x272xf32, #tpu.memory_space<hbm>>)
        tpu.yield
      }) : () -> ()
      %barrier3A_109 = arith.constant 0 : index
      tpu.barrier barrier_id(%barrier3A_109)
      %scan3A_110 = arith.constant 0 : i32
      scf.yield %scan3A_110 : i32
    }
    %scan3A_21 = arith.constant 20 : i32
    return
  }
}

</mosaic_0001>

<sc_bundles>
// kernel: _sc_aggregate.3.cloned.1.call-start
scs
__scs_entry_jumppad:
0x0: {  	(pc) =	sbr.rel $0x88, $3  }
0x1: {  	(tag) =	ssettag $0x0;
	lr =	simm.s32 $0x1  }
0x2: {  	[smem:$0x3F9B] =	sst lr;
	_ =	strace $0xD0000000  }
0x3: {  	_ = 	snop  }
0x4: {  	_ = 	snop  }
0x5: {  	_ = 	snop  }
0x6: {  	_ = 	snop  }
0x7: {  	_ = 	snop  }
__scs_overlays_trampoline_lowered:
0x8: {  	[smem:$0x3FAA] =	sst s0  }
0x9: {  	[smem:$0x3FAB] =	sst s1  }
0xa: {  	[smem:$0x3FAC] =	sst s2  }
0xb: {  	[smem:$0x3FAD] =	sst s3  }
0xc: {  	[smem:$0x3FAE] =	sst s4  }
0xd: {  	[smem:$0x3FAF] =	sst s5  }
0xe: {  	[smem:$0x3FB0] =	sst s6  }
0xf: {  	[smem:$0x3FB1] =	sst s7  }
0x10: {  	[smem:$0x3FB2] =	sst s8  }
0x11: {  	[smem:$0x3FB3] =	sst s9;
	s0 =	simm.s32 @!p0 $0x0  }
0x12: {  	s1 =	sld [smem:$0x3F99];
	s0 =	simm.s32 @p0 $0x1  }
0x13: {  	[smem:$0x3FB4] =	sst s0;
	s0 =	simm.s32 @!p1 $0x0  }
0x14: {  	s2 =	sld [smem:$0x3F98];
	s0 =	simm.s32 @p1 $0x1  }
0x15: {  	[smem:$0x3FB5] =	sst s0;
	s0 =	simm.s32 @!p2 $0x0  }
0x16: {  	s3 =	sld [smem:$0x3FDB];
	s0 =	simm.s32 @p2 $0x1  }
0x17: {  	s4 =	simm.s32 $0x1BF5;
	[smem:$0x3FB7] =	sst s0  }
0x18: {  	s0 =	sld [smem:$0x3F9A];
	_ =	swait.ge [sflag:s4], $0x0  }
0x19: {  	s7 =	sld [smem:$0x3F9B]  }
0x1a: {  	s8 =	sadd.s32 $0xFFFFE003, lr  }
0x1b: {  	s9 =	sadd.s32 $0xFFFFFEF7, lr;
	s5 =	simm.s32 $0xFFFFFFFF;
	p2 =	slt.u32 s8, $0xFFFFF086  }
0x1c: {  	p1 =	slt.u32 s9, $0xF7A;
	s5 =	simm.s32 @!p2 $0x0  }
0x1d: {  	s5 =	simm.s32 @p1 $0x1;
	p0 =	seq.s32 s7, s2  }
0x1e: {  	s7 =	smul.u32 @!p0 $0xF7A, s2;
	p2 =	seq.s32 @!p0 s5, $0x0  }
0x1f: {  	s9 =	smul.u32 $0xF7A, s1;
	s8 =	simm.s32 @!p0 $0x1BF5;
	p2 =	por !p2, p0  }
0x20: {  	[sflag:s8] =	ssyncset.s32 @!p0 $0xFFFFF086;
	s6 =	sadd.s32 @!p0 s3, s7;
	s7 =	simm.s32 @!p0 $0x108  }
0x21: {  	s3 =	sadd.s32 s3, s9;
	s6 =	sadd.s32 @!p0 $0x88, s6;
	s7 =	simm.s32 @p2 $0x1082  }
0x22: {  	[simem:s7], [sflag:s8] =	dma.local @!p0 [hbm:s6], $0xF7A  }
0x23: {  	s9 =	sor.u32 $0xD0000000, s2;
	s6 =	simm.s32 $0x108;
	_ =	swait.ge @!p0 [sflag:s8], $0x0  }
0x24: {  	s3 =	sadd.s32 $0x88, s3;
	s6 =	simm.s32 @!p1 $0x1082;
	[sflag:s4] =	ssyncset.s32 $0xFFFFF086  }
0x25: {  	[simem:s6], [sflag:s4] =	dma.local [hbm:s3], $0xF7A  }
0x26: {  	[smem:$0x3F9B] =	sst s1;
	(tag) =	ssettag s2;
	_ =	strace s9  }
0x27: {  	s1 =	sld [smem:$0x3FAB]  }
0x28: {  	s2 =	sld [smem:$0x3FAC]  }
0x29: {  	s4 =	sld [smem:$0x3FAE]  }
0x2a: {  	p0 =	seq.s32 s5, $0x0;
	s5 =	sld [smem:$0x3FAF]  }
0x2b: {  	s6 =	sld [smem:$0x3FB0]  }
0x2c: {  	s7 =	sld [smem:$0x3FB1]  }
0x2d: {  	s3 =	simm.s32 $0x108;
	s8 =	sld [smem:$0x3FB2]  }
0x2e: {  	s3 =	simm.s32 @!p0 $0x1082;
	s9 =	sld [smem:$0x3FB3]  }
0x2f: {  	lr =	sadd.s32 s0, s3;
	s0 =	sld [smem:$0x3FAA]  }
0x30: {  	s3 =	sld [smem:$0x3FAD]  }
0x31: {  	[smem:$0x3FB6] =	sst s10  }
0x32: {  	s10 =	sld [smem:$0x3FB4];
	_ =	sdelay $0x3  }
0x33: {  	p0 =	seq.s32 s10, $0x1;
	s10 =	sld [smem:$0x3FB6];
	_ =	sdelay $0x3  }
0x34: {  	[smem:$0x3FB6] =	sst s10  }
0x35: {  	s10 =	sld [smem:$0x3FB5];
	_ =	sdelay $0x3  }
0x36: {  	p1 =	seq.s32 s10, $0x1;
	s10 =	sld [smem:$0x3FB6];
	_ =	sdelay $0x3  }
0x37: {  	[smem:$0x3FB6] =	sst s10  }
0x38: {  	s10 =	sld [smem:$0x3FB7]  }
0x39: {  	_ = 	snop;
	(pc) =	sbr.ind lr, $3  }
0x3a: {  	_ = 	snop  }
0x3b: {  	_ = 	snop  }
0x3c: {  	p2 =	seq.s32 s10, $0x1;
	s10 =	sld [smem:$0x3FB6]  }
0x3d: {  	_ =	shalt  }
0x3e: {  	_ =	shalt  }
0x3f: {  	_ =	shalt  }
0x40: {  	_ =	shalt  }
0x41: {  	_ =	shalt  }
0x42: {  	_ =	shalt  }
0x43: {  	_ =	shalt  }
0x44: {  	_ =	shalt  }
0x45: {  	_ =	shalt  }
0x46: {  	_ =	shalt  }
0x47: {  	_ =	shalt  }
0x48: {  	_ =	shalt  }
0x49: {  	_ =	shalt  }
0x4a: {  	_ =	shalt  }
0x4b: {  	_ =	shalt  }
0x4c: {  	_ =	shalt  }
0x4d: {  	_ =	shalt  }
0x4e: {  	_ =	shalt  }
0x4f: {  	_ =	shalt  }
0x50: {  	_ =	shalt  }
0x51: {  	_ =	shalt  }
0x52: {  	_ =	shalt  }
0x53: {  	_ =	shalt  }
0x54: {  	_ =	shalt  }
0x55: {  	_ =	shalt  }
0x56: {  	_ =	shalt  }
0x57: {  	_ =	shalt  }
0x58: {  	_ =	shalt  }
0x59: {  	_ =	shalt  }
0x5a: {  	_ =	shalt  }
0x5b: {  	_ =	shalt  }
0x5c: {  	_ =	shalt  }
0x5d: {  	_ =	shalt  }
0x5e: {  	_ =	shalt  }
0x5f: {  	_ =	shalt  }
0x60: {  	_ =	shalt  }
0x61: {  	_ =	shalt  }
0x62: {  	_ =	shalt  }
0x63: {  	_ =	shalt  }
0x64: {  	_ =	shalt  }
0x65: {  	_ =	shalt  }
0x66: {  	_ =	shalt  }
0x67: {  	_ =	shalt  }
0x68: {  	_ =	shalt  }
0x69: {  	_ =	shalt  }
0x6a: {  	_ =	shalt  }
0x6b: {  	_ =	shalt  }
0x6c: {  	_ =	shalt  }
0x6d: {  	_ =	shalt  }
0x6e: {  	_ =	shalt  }
0x6f: {  	_ =	shalt  }
0x70: {  	_ =	shalt  }
0x71: {  	_ =	shalt  }
0x72: {  	_ =	shalt  }
0x73: {  	_ =	shalt  }
0x74: {  	_ =	shalt  }
0x75: {  	_ =	shalt  }
0x76: {  	_ =	shalt  }
0x77: {  	_ =	shalt  }
0x78: {  	_ =	shalt  }
0x79: {  	_ =	shalt  }
0x7a: {  	_ =	shalt  }
0x7b: {  	_ =	shalt  }
0x7c: {  	_ =	shalt  }
0x7d: {  	_ =	shalt  }
0x7e: {  	_ =	shalt  }
0x7f: {  	_ =	shalt  }
0x80: {  	_ =	shalt  }
0x81: {  	_ =	shalt  }
0x82: {  	_ =	shalt  }
0x83: {  	_ =	shalt  }
0x84: {  	_ =	shalt  }
0x85: {  	_ =	shalt  }
0x86: {  	_ =	shalt  }
0x87: {  	_ =	shalt  }
.Lfunc_end0:
.L_simem_size_0:
called_computation_lowered:
.L_overlay_start_0:
0x88: {  	s2 =	sld [smem:$0x3FD9]  }
0x89: {  	s3 =	sld [smem:$0x3FFE];
	_ =	sdelay $0x1  }
0x8a: {  	s1 =	srdreg.scid  }
0x8b: {  	s0 =	sand.u32 $0x1, s1  }
0x8c: {  	s14 =	sshll.u32 s0, $0xA;
	s2 =	sadd.s32 s3, s2  }
0x8d: {  	s2 =	sadd.s32 s2, s14  }
0x8e: {  	[smem:$0x3FC2] =	sst s2  }
0x8f: {  	_ = 	snop  }
0x90: {  	s2 =	sld [smem:$0x3FC9]  }
0x91: {  	s15 =	sld [smem:$0x3FC8]  }
0x92: {  	s4 =	sld [smem:$0x3FC7]  }
0x93: {  	s5 =	sld [smem:$0x3FD0]  }
0x94: {  	s6 =	sld [smem:$0x3FC6]  }
0x95: {  	s7 =	sld [smem:$0x3FC5]  }
0x96: {  	s9 =	simm.s32 $0xA;
	s10 =	simm.s32 $0x10;
	s8 =	sld [smem:$0x3FC4]  }
0x97: {  	[smem:s10], [sflag:s9] =	dma.local [hbm:s5], $0x1  }
0x98: {  	_ =	swait.eq [sflag:s9], $0x1  }
0x99: {  	[sflag:s9] =	ssyncset.done $0x0  }
0x9a: {  	s16 =	sld [smem:$0x11];
	[sflag:s9] =	ssyncadd.s32 $0xFFFFFFFF  }
0x9b: {  	s17 =	sld [smem:$0x12];
	(tm) =	ssettm $0x1  }
0x9c: {  	s18 =	sld [smem:$0x3FFB];
	_ =	sdelay $0x3  }
0x9d: {  	_ =	strace s18  }
0x9e: {  	s10 =	sld [smem:$0x3FFC];
	_ =	sdelay $0x3  }
0x9f: {  	_ =	strace s10  }
0xa0: {  	s10 =	sld [smem:$0x3FFD];
	_ =	sdelay $0x3  }
0xa1: {  	_ =	strace s10  }
0xa2: {  	_ =	strace $0x8FFFFFFF  }
0xa3: {  	s19 =	sld [smem:$0x3FDB];
	_ =	sdelay $0x1  }
0xa4: {  	s11 =	simm.s32 $_scs_section_size  }
0xa5: {  	s12 =	simm.s32 $_size__tile_overlayer_lowered;
	s13 =	simm.s32 $_tile_overlayer_lowered  }
0xa6: {  	s22 =	simm.s32 $0x1BFF;
	s21 =	sshll.u32 s13, $0x1;
	s10 =	sadd.s32 s11, s19  }
0xa7: {  	s20 =	sshll.u32 s12, $0x1;
	s14 =	simm.s32 $0x0;
	s12 =	sadd.s32 s21, s10  }
0xa8: {  	[timem:s14], [sflag:s22] =	dma.local [hbm:s12], s20  }
0xa9: {  	_ =	swait.ge [sflag:s22], s20  }
0xaa: {  	s11 =	ssub.s32 $0x0, s20;
	[sflag:s22] =	ssyncset.done $0x0  }
0xab: {  	[sflag:s22] =	ssyncadd.s32 s11;
	_ =	sdelay $0x1  }
0xac: {  	s23 =	simm.s32 $0x1B8B  }
0xad: {  	_ =	swait.ge [sflag:s23], $0x1  }
0xae: {  	[sflag:s23] =	ssyncset.done $0x0  }
0xaf: {  	s25 =	simm.s32 $0x1B8E;
	s24 =	sld [smem:$0x3FFE];
	[sflag:s23] =	ssyncadd.s32 $0xFFFFFFFF  }
0xb0: {  	s26 =	simm.s32 $execute0_lowered;
	[smem:$0x3FD2] =	sst s25  }
0xb1: {  	s12 =	sshll.u32 s26, $0x1;
	_ =	strace $0x80000046;
	[dreg:$0x1] =	wrdreg $0xFFFFFFFF  }
0xb2: {  	s28 =	simm.s32 $_size_execute0_lowered;
	s10 =	sadd.s32 s10, s12;
	[dreg:$0x0] =	wrdreg $0x0  }
0xb3: {  	s12 =	sshll.u32 s28, $0x1;
	[dreg:$0x2] =	wrdreg s10  }
0xb4: {  	[dreg:$0x3] =	wrdreg s12  }
0xb5: {  	[dreg:$0x4] =	wrdreg $0xC0  }
0xb6: {  	_ =	task [dreg:s14], $0x5FFFF  }
0xb7: {  	[dreg:$0x1] =	wrdreg $0xFFFFFFFF  }
0xb8: {  	[dreg:$0x0] =	wrdreg $0x60  }
0xb9: {  	[dreg:$0x2] =	wrdreg s2  }
0xba: {  	[dreg:$0x3] =	wrdreg s15  }
0xbb: {  	[dreg:$0x4] =	wrdreg s4  }
0xbc: {  	[dreg:$0x5] =	wrdreg s6  }
0xbd: {  	[dreg:$0x6] =	wrdreg s7  }
0xbe: {  	[dreg:$0x7] =	wrdreg s8  }
0xbf: {  	[dreg:$0x8] =	wrdreg s24  }
0xc0: {  	[dreg:$0x9] =	wrdreg s16  }
0xc1: {  	[dreg:$0xa] =	wrdreg s17  }
0xc2: {  	[dreg:$0xb] =	wrdreg $0x1E5800  }
0xc3: {  	[dreg:$0xc] =	wrdreg $0x1FFF00  }
0xc4: {  	[dreg:$0xd] =	wrdreg $0x9  }
0xc5: {  	_ =	task.clear_ibuf [dreg:s14], $0xEFFFF;
	_ =	strace $0x90000046  }
0xc6: {  	s29 =	simm.s32 $0x9;
	_ =	strace $0x80000048  }
0xc7: {  	_ =	swait.ge [sflag:s29], $0x1  }
0xc8: {  	[sflag:s29] =	ssyncadd.s32 $0xFFFFFFFF  }
0xc9: {  	_ =	strace $0x90000048  }
0xca: {  	_ =	sfence  }
0xcb: {  	s30 =	sld [smem:$0x0];
	_ =	sdelay $0x2  }
0xcc: {  	s31 =	sshll.u32 s1, $0xD;
	s1 =	sshrl.u32 s1, $0x2  }
0xcd: {  	s3 =	sand.u32 $0x4000, s31;
	s1 =	sadd.s32 s1, s30  }
0xce: {  	s0 =	sor.u32 s3, s0;
	s1 =	sshll.u32 s1, $0x11  }
0xcf: {  	s0 =	sor.u32 s1, s0  }
0xd0: {  	s0 =	sadd.s32 $0x8F2B, s0  }
0xd1: {  	[sflag:s0] =	ssyncadd.remote.s32 $0x1  }
0xd2: {  	_ =	sfence.sel $0xFFFF  }
0xd3: {  	[dreg:$0x0] =	wrdreg $0xFFFFFFFF;
	(pc) =	sbr.abs _section_cstart, $3  }
0xd4: {  	[dreg:$0x1] =	wrdreg $0xFFFFFFFF  }
0xd5: {  	_ =	task.clear_ibuf [dreg:s14], $0x2FFFF;
	_ =	strace $0x9FFFFFFF  }
0xd6: {  	(tm) =	ssettm $0x7FFFFFFF  }
0xd7: {  	_ =	shalt  }
tec
execute0_lowered:
.L_overlay_start_1:
0x0: {  	(tag) =	ssettag $0x1  }
0x1: {  	s18 =	rddreg [dreg:$0x0]  }
0x2: {  	s0 =	rddreg [dreg:$0x1]  }
0x3: {  	s1 =	rddreg [dreg:$0x2]  }
0x4: {  	s19 =	rddreg [dreg:$0x3]  }
0x5: {  	s21 =	rddreg [dreg:$0x4]  }
0x6: {  	s2 =	rddreg [dreg:$0x6]  }
0x7: {  	s5 =	rddreg [dreg:$0x7]  }
0x8: {  	s6 =	rddreg [dreg:$0x8]  }
0x9: {  	s9 =	rddreg [dreg:$0x9]  }
0xa: {  	s10 =	rddreg [dreg:$0xa];
	s22 =	simm.s32 $0x0  }
0xb: {  	s3 =	srdreg.scid;
	s11 =	stileid.u32;
	s28 =	simm.s32 $0x1C380  }
0xc: {  	s29 =	simm.s32 $0x1CB80;
	s30 =	simm.s32 $0x1D380;
	s31 =	simm.s32 $0x1DB80  }
0xd: {  	[smem:$0x7FF] =	sst s22;
	s3 =	sand.u32 $0x1, s3;
	s7 =	smul.u32 $0x30E, s11  }
0xe: {  	s2 =	sadd.s32 $0x800, s2;
	s13 =	smul.u32 $0x69C0, s11;
	s17 =	sshll.u32 s11, $0x4  }
0xf: {  	s16 =	smul.u32 $0xA0, s11;
	_ =	strace $0x80000047;
	[dreg:$0xc] =	wrdreg s2  }
0x10: {  	s26 =	ssub.s32 $0x2, s3;
	s8 =	sshll.u32 s3, $0x4;
	s3 =	smul.u32 $0xC800, s3  }
0x11: {  	s20 =	sadd.s32 s17, s10;
	s10 =	simm.s32 $0x1E380;
	s4 =	sshrl.u32 s26, $0x1  }
0x12: {  	[dreg:$0xd] =	wrdreg s8;
	s12 =	sor.u32 s11, s8;
	s0 =	sadd.s32 s0, s7  }
0x13: {  	s14 =	sadd.s32 s1, s7;
	s15 =	sshrl.u32 s13, $0x2;
	[dreg:$0x13] =	wrdreg s20  }
0x14: {  	s23 =	sadd.s32 $0xA0, s16;
	s20 =	simm.s32 $0x2;
	s11 =	simm.s32 $0xAB00  }
0x15: {  	v2 =	vlaneseq.u32;
	v3 =	vimm.s32 $0x0;
	v5 =	vimm.s32 $0x1870;
	s1 =	simm.s32 $0x1AF80;
	s7 =	simm.s32 $0x1BB80;
	[dreg:$0xf] =	wrdreg s0  }
.Ltmp0:
0x16: {  	vm0 =	vmmov $0xffff;
	v8 =	vimm.s32 $0x3020100;
	vm1 =	vcmask $0xF00;
	s2 =	ssub.s32 s26, s4;
	[dreg:$0x10] =	wrdreg s14;
	(pc) =	sbr.rel .LBB2_1-.Ltmp0, $4  }
0x17: {  	v11 =	vimm.f32 $0.0e+00;
	v4 =	vand.u32 $0x3, v2;
	v6 =	vmul.u32 $0x1000, v2;
	s24 =	smul.u32 $0x18A0, s12;
	[dreg:$0x11] =	wrdreg s3;
	s25 =	sadd.s32 s15, s9  }
0x18: {  	v7 =	vshrl.u32 v2, $0x2;
	v9 =	vshrl.u32 v2, $0x3;
	v12 =	vunpack.c.0.s8.s32 v8;
	s14 =	simm.s32 $0x3100;
	s26 =	smax.u32 s2, $0x1;
	[dreg:$0x12] =	wrdreg s25  }
0x19: {  	v8 =	vand.u32 $0x7, v2;
	v10 =	vor.u32 $0x8, v2;
	v9 =	vmul.u32 $0x8, v9;
	s3 =	simm.s32 $0x1B280;
	s4 =	simm.s32 $0x0;
	[dreg:$0x14] =	wrdreg s26  }
0x1a: {  	v1 =	vmov s16;
	v12 =	vnsel vm1, $0x3, v12;
	v0 =	vmov s23;
	s2 =	simm.s32 $0x1B380;
	s26 =	simm.s32 $0xC0;
	[dreg:$0xe] =	wrdreg s24  }
.LBB2_23:
0x1b: {  	s4 =	rddreg [dreg:$0x15]  }
0x1c: {  	s0 =	rddreg [dreg:$0x14];
	s4 =	sadd.s32 $0x1, s4  }
0x1d: {  	p0 =	sne.s32 s4, s0  }
.Ltmp1:
0x1e: {  	_ = 	snop;
	(pc) =	sbr.rel @!p0 .LBB2_24-.Ltmp1, $1  }
0x1f: {  	_ =	sdelay $0x3  }
.LBB2_1:
0x20: {  	[dreg:$0x15] =	wrdreg s4  }
0x21: {  	s0 =	rddreg [dreg:$0xf];
	s13 =	simm.s32 $0x4  }
0x22: {  	[tilespmem:s22], [sflag:$0x4] =	stream.linear.gather [hbm4b:s0+s22], $0x1870, $0x38;
	v63 =	vld [tilespmem:$0x0]  }
0x23: {  	_ =	swait.ge [sflag:s13], $0x1870  }
0x24: {  	[sflag:s13] =	ssyncset.done $0x0  }
0x25: {  	s8 =	simm.s32 $0x1880;
	s15 =	rddreg [dreg:$0x10];
	[sflag:s13] =	ssyncadd.s32 $0xFFFFE790  }
0x26: {  	[tilespmem:s8], [sflag:$0x4] =	stream.linear.gather [hbm4b:s15+s22], $0x1870, $0x38;
	v63 =	vld [tilespmem:$0x0]  }
0x27: {  	_ =	swait.ge [sflag:s13], $0x1870  }
0x28: {  	[sflag:s13] =	ssyncset.done $0x0  }
0x29: {  	[sflag:s13] =	ssyncadd.s32 $0xFFFFE790  }
0x2a: {  	s23 =	simm.s32 $0xB000;
	s17 =	rddreg [dreg:$0x5]  }
0x2b: {  	[tilespmem:s23], [sflag:$0x4] =	stream.linear.gather [hbm4b:s17+s22], $0x80, $0x38;
	v63 =	vld [tilespmem:$0x0]  }
.Ltmp2:
0x2c: {  	_ =	swait.ge [sflag:s13], $0x80;
	(pc) =	sbr.rel .LBB2_2-.Ltmp2, $4  }
0x2d: {  	[sflag:s13] =	ssyncset.done $0x0  }
0x2e: {  	[sflag:s13] =	ssyncadd.s32 $0xFFFFFF80  }
0x2f: {  	[tilespmem:$0x1870] =	vst v3  }
0x30: {  	s4 =	simm.s32 $0x0;
	v13 =	vld.idx.msk [tilespmem:v4+s23+$0x0], $0xffff  }
.LBB2_22:
0x31: {  	s0 =	rddreg [dreg:$0x17]  }
0x32: {  	s0 =	sadd.s32 s16, s0  }
0x33: {  	s0 =	sshrl.u32 s0, $0x3  }
0x34: {  	s0 =	smul.u32 $0x180, s0  }
0x35: {  	s4 =	rddreg [dreg:$0xc];
	s22 =	simm.s32 $0x0  }
0x36: {  	s23 =	simm.s32 $0xB100;
	s24 =	simm.s32 $0x4;
	s0 =	sadd.s32 s4, s0  }
0x37: {  	[hbm4b:s0+s22] =	stream.linear.scatter [tilespmem:s23], [sflag:$0x4], $0xF000, $0x38;
	v63 =	vld [tilespmem:$0x0]  }
0x38: {  	_ =	swait.ge [sflag:s24], $0xF000  }
0x39: {  	[sflag:s24] =	ssyncset.done $0x0;
	s25 =	rddreg [dreg:$0x16]  }
0x3a: {  	s4 =	sadd.s32 $0x1, s25;
	[sflag:s24] =	ssyncadd.s32 $0xFFFF1000  }
0x3b: {  	p0 =	sne.s32 s4, $0x14;
	[bflag:$0x0] =	sbarrier.arrive $0xFFFF  }
.Ltmp3:
0x3c: {  	s18 =	rddreg [dreg:$0x0];
	(pc) =	sbr.rel @!p0 .LBB2_23-.Ltmp3, $4  }
0x3d: {  	s19 =	rddreg [dreg:$0x3]  }
0x3e: {  	s21 =	rddreg [dreg:$0x4]  }
0x3f: {  	s24 =	rddreg [dreg:$0xe]  }
0x40: {  	s14 =	simm.s32 $0x3100;
	s25 =	rddreg [dreg:$0x12]  }
.LBB2_2:
0x41: {  	s0 =	simm.s32 $0x1880  }
0x42: {  	v15 =	vld [tilespmem:s0+$0x0]  }
0x43: {  	s17 =	smul.u32 $0xA00, s4  }
0x44: {  	s23 =	rddreg [dreg:$0x11]  }
0x45: {  	s0 =	sadd.s32 s23, s17  }
0x46: {  	v14 =	vmov s0  }
0x47: {  	v15 =	vsub.s32 v15, v14  }
0x48: {  	vm1 =	vlt.u32 v15, $0xA00  }
0x49: {  	v15 =	vsel vm1, $0x1, v3  }
0x4a: {  	(xrf0) =	vadd.scan.msk.s32 $0xffff, v15;
	_ =	sdelay $0x5  }
0x4b: {  	v16, _, _ =	vpop (xrf0)  }
0x4c: {  	[dreg:$0x16] =	wrdreg s4;
	s4 =	simm.s32 $0x0;
	v17 =	vxor.u32 $0x80000000, v16  }
0x4d: {  	v15 =	vmov s4;
	(xrf0) =	vmax.scan.msk.u32 $0xffff, v17  }
0x4e: {  	v15 =	vadd.s32 $0xFFFFFFFF, v15  }
0x4f: {  	v15 =	vbroadcast v15, $0x0;
	_ =	sdelay $0x1  }
0x50: {  	v15 =	vadd.s32 v16, v15;
	_ =	sdelay $0x1  }
0x51: {  	v17, _, _ =	vpop (xrf0)  }
0x52: {  	(v2sf) =	vpush v17, $0xF  }
0x53: {  	v16 =	vor.u32 s4, v2  }
0x54: {  	s8 =	simm.s32 $0x1890;
	[tilespmem:v15+s14+$0x0] =	vst.idx.msk vm1, v16  }
0x55: {  	s9 =	simm.s32 $0x20;
	[dreg:$0x17] =	wrdreg s0;
	s0 =	simm.s32 $0x10;
	v15 =	vld [tilespmem:s8+$0x0]  }
.LBB2_3:
0x56: {  	p0 =	sne.s32 s9, $0x1860;
	_ =	sdelay $0x3  }
0x57: {  	v15 =	vsub.s32 v15, v14  }
0x58: {  	vm1 =	vlt.u32 v15, $0xA00  }
0x59: {  	v15 =	vsel vm1, $0x1, v3  }
0x5a: {  	(xrf0) =	vadd.scan.msk.s32 $0xffff, v15;
	_ =	sdelay $0x3  }
0x5b: {  	s12 =	spop (v2sf)  }
0x5c: {  	s4 =	sadd.s32 s12, s4  }
0x5d: {  	v15, _, _ =	vpop (xrf0);
	s4 =	sadd.s32 $0x80000000, s4  }
0x5e: {  	v16 =	vmov s4;
	v17 =	vxor.u32 $0x80000000, v15  }
0x5f: {  	v16 =	vadd.s32 $0xFFFFFFFF, v16;
	(xrf0) =	vmax.scan.msk.u32 $0xffff, v17  }
0x60: {  	v16 =	vbroadcast v16, $0x0;
	_ =	sdelay $0x1  }
0x61: {  	v15 =	vadd.s32 v15, v16;
	_ =	sdelay $0x2  }
.Ltmp4:
0x62: {  	v16, _, _ =	vpop (xrf0);
	(pc) =	sbr.rel @p0 .LBB2_3-.Ltmp4, $4  }
0x63: {  	v17 =	vor.u32 s0, v2;
	s0 =	smov.u32 s9;
	(v2sf) =	vpush v16, $0xF  }
0x64: {  	[tilespmem:v15+s14+$0x0] =	vst.idx.msk vm1, v17  }
0x65: {  	s8 =	sadd.s32 $0x10, s8  }
0x66: {  	s9 =	sadd.s32 $0x10, s9;
	v15 =	vld [tilespmem:s8+$0x0]  }
0x67: {  	_ =	sdelay $0x3  }
0x68: {  	v15 =	vsub.s32 v15, v14  }
0x69: {  	vm1 =	vlt.u32 v15, $0xA00  }
0x6a: {  	v15 =	vsel vm1, $0x1, v3  }
0x6b: {  	(xrf0) =	vadd.scan.msk.s32 $0xffff, v15;
	_ =	sdelay $0x5  }
0x6c: {  	v15, _, _ =	vpop (xrf0)  }
0x6d: {  	v16 =	vxor.u32 $0x80000000, v15  }
0x6e: {  	(xrf0) =	vmax.scan.msk.u32 $0xffff, v16;
	_ =	sdelay $0x5  }
0x6f: {  	v16, _, _ =	vpop (xrf0)  }
0x70: {  	(v2sf) =	vpush v16, $0xF;
	_ =	sdelay $0xc  }
0x71: {  	s8 =	spop (v2sf)  }
0x72: {  	s4 =	sadd.s32 s8, s4  }
0x73: {  	s8 =	sadd.s32 $0x80000000, s4;
	s15 =	spop (v2sf)  }
0x74: {  	s4 =	sadd.s32 s15, s8  }
0x75: {  	s4 =	sadd.s32 $0x80000000, s4  }
0x76: {  	s9 =	sadd.s32 $0x2F, s4  }
0x77: {  	s12 =	smulhi.u32 $0x2AAAAAAB, s9;
	s13 =	sshra.s32 s9, $0x1F  }
0x78: {  	s13 =	smul.u32 $0x2AAAAAAB, s13;
	_ =	sdelay $0x1  }
0x79: {  	s17 =	sadd.s32 s13, s12  }
0x7a: {  	v61 =	vmov s8;
	s12 =	sshrl.u32 s17, $0x1F;
	s8 =	sshra.s32 s17, $0x3  }
0x7b: {  	s8 =	sadd.s32 s12, s8  }
0x7c: {  	s12 =	smul.u32 $0xFFFFFFD0, s8  }
0x7d: {  	v16 =	vadd.s32 $0xFFFFFFFF, v61;
	s23 =	ssub.s32 $0xFFFFFFD1, s4  }
0x7e: {  	v16 =	vbroadcast v16, $0x0;
	p1 =	slt.s32 s9, $0x1;
	p0 =	sne.s32 s12, s23  }
0x7f: {  	p0 =	por !p1, !p0  }
0x80: {  	v62 =	vor.u32 s0, v2;
	s0 =	simm.s32 $0x1;
	v15 =	vadd.s32 v15, v16;
	p0 =	por !p0, !p0  }
0x81: {  	s0 =	simm.s32 @!p0 $0x0  }
0x82: {  	s23 =	ssub.s32 s8, s0  }
0x83: {  	p0 =	slt.s32 s23, $0x1  }
.Ltmp5:
0x84: {  	_ = 	snop;
	(pc) =	sbr.rel @p0 .LBB2_9-.Ltmp5, $4  }
0x85: {  	[tilespmem:v15+s14+$0x0] =	vst.idx.msk vm1, v62  }
0x86: {  	[tilespmem:s4+$0x3100] =	vst v5  }
0x87: {  	[tilespmem:s4+$0x3110] =	vst v5  }
0x88: {  	[tilespmem:s4+$0x3120] =	vst v5  }
0x89: {  	v14 =	vsub.s32 $0x0, v14  }
0x8a: {  	s14 =	simm.s32 $0x0;
	s15 =	simm.s32 $0x0;
	v14 =	vbroadcast v14, $0x0  }
.LBB2_6:
0x8b: {  	s17 =	smul.u32 $0x30, s15;
	_ =	sdelay $0x1  }
0x8c: {  	v15 =	vld [tilespmem:s17+$0x3100];
	_ =	sdelay $0x7  }
0x8d: {  	vm1 =	vlt.s32 v15, $0x186F;
	v16 =	vld.idx.msk [tilespmem:v15+s14+$0x0], $0xffff  }
0x8e: {  	v15 =	vnsel vm1, $0x186F, v15;
	_ =	sdelay $0x3  }
0x8f: {  	s12 =	simm.s32 $0x1880;
	[tilespmem:$0x4A00] =	vst v16  }
0x90: {  	v15 =	vld.idx.msk [tilespmem:v15+s12+$0x0], $0xffff  }
0x91: {  	v37 =	vmov s17  }
0x92: {  	v16 =	vshll.u32 v37, $0xC  }
0x93: {  	v16 =	vor.u32 v6, v16  }
0x94: {  	v16 =	vadd.s32 v14, v16  }
0x95: {  	v15 =	vadd.s32 v15, v16  }
0x96: {  	[tilespmem:$0x4A80] =	vst v15  }
0x97: {  	v15 =	vld [tilespmem:s17+$0x3110];
	_ =	sdelay $0x7  }
0x98: {  	vm1 =	vlt.s32 v15, $0x186F;
	v38 =	vld.idx.msk [tilespmem:v15+s14+$0x0], $0xffff  }
0x99: {  	v15 =	vnsel vm1, $0x186F, v15;
	_ =	sdelay $0x3  }
0x9a: {  	[tilespmem:$0x4A10] =	vst v38  }
0x9b: {  	s8 =	sadd.s32 $0x10, s17;
	v15 =	vld.idx.msk [tilespmem:v15+s12+$0x0], $0xffff  }
0x9c: {  	v39 =	vmov s8  }
0x9d: {  	v16 =	vshll.u32 v39, $0xC  }
0x9e: {  	v16 =	vor.u32 v6, v16  }
0x9f: {  	v16 =	vadd.s32 v14, v16  }
0xa0: {  	v15 =	vadd.s32 v15, v16  }
0xa1: {  	[tilespmem:$0x4A90] =	vst v15  }
0xa2: {  	v15 =	vld [tilespmem:s17+$0x3120];
	_ =	sdelay $0x7  }
0xa3: {  	vm1 =	vlt.s32 v15, $0x186F;
	v40 =	vld.idx.msk [tilespmem:v15+s14+$0x0], $0xffff  }
0xa4: {  	v15 =	vnsel vm1, $0x186F, v15;
	_ =	sdelay $0x3  }
0xa5: {  	[tilespmem:$0x4A20] =	vst v40  }
0xa6: {  	s0 =	sadd.s32 $0x20, s17;
	v15 =	vld.idx.msk [tilespmem:v15+s12+$0x0], $0xffff  }
0xa7: {  	v41 =	vmov s0  }
0xa8: {  	v17 =	vor.u32 s17, v7;
	v16 =	vshll.u32 v41, $0xC  }
0xa9: {  	v16 =	vor.u32 v6, v16  }
0xaa: {  	v16 =	vadd.s32 v14, v16  }
0xab: {  	v15 =	vadd.s32 v15, v16  }
0xac: {  	s13 =	simm.s32 $0x3100;
	[tilespmem:$0x4AA0] =	vst v15  }
0xad: {  	v15 =	vld.idx.msk [tilespmem:v17+s13+$0x0], $0xffff;
	_ =	sdelay $0x4  }
0xae: {  	vm1 =	vlt.s32 v15, $0x1870  }
0xaf: {  	v42 =	vnsel vm1, $0x1870, v15;
	_ =	sdelay $0x4  }
0xb0: {  	v16 =	vld.idx.msk [tilespmem:v42+s14+$0x0], $0xffff;
	_ =	sdelay $0x1  }
0xb1: {  	vm1 =	vlt.s32 v15, $0x186F  }
0xb2: {  	v15 =	vnsel vm1, $0x186F, v15;
	_ =	sdelay $0x1  }
0xb3: {  	v16 =	vshll.u32 v16, $0x2  }
0xb4: {  	v16 =	vor.u32 v4, v16  }
0xb5: {  	[tilespmem:$0xAE00] =	vst v16  }
0xb6: {  	v15 =	vld.idx.msk [tilespmem:v15+s12+$0x0], $0xffff;
	_ =	sdelay $0x1  }
0xb7: {  	s9 =	sor.u32 $0x4, s17  }
0xb8: {  	v43 =	vor.u32 s9, v7;
	_ =	sdelay $0x1  }
0xb9: {  	v15 =	vshll.u32 v15, $0x2  }
0xba: {  	v15 =	vor.u32 v4, v15  }
0xbb: {  	[tilespmem:$0xAF00] =	vst v15  }
0xbc: {  	v15 =	vld.idx.msk [tilespmem:v43+s13+$0x0], $0xffff;
	_ =	sdelay $0x4  }
0xbd: {  	vm1 =	vlt.s32 v15, $0x1870  }
0xbe: {  	v16 =	vnsel vm1, $0x1870, v15;
	_ =	sdelay $0x4  }
0xbf: {  	v16 =	vld.idx.msk [tilespmem:v16+s14+$0x0], $0xffff;
	_ =	sdelay $0x1  }
0xc0: {  	vm1 =	vlt.s32 v15, $0x186F  }
0xc1: {  	v15 =	vnsel vm1, $0x186F, v15;
	_ =	sdelay $0x1  }
0xc2: {  	v16 =	vshll.u32 v16, $0x2  }
0xc3: {  	v16 =	vor.u32 v4, v16  }
0xc4: {  	[tilespmem:$0xAE10] =	vst v16  }
0xc5: {  	v15 =	vld.idx.msk [tilespmem:v15+s12+$0x0], $0xffff;
	_ =	sdelay $0x1  }
0xc6: {  	s9 =	sor.u32 $0x8, s17  }
0xc7: {  	v44 =	vor.u32 s9, v7;
	_ =	sdelay $0x1  }
0xc8: {  	v15 =	vshll.u32 v15, $0x2  }
0xc9: {  	v15 =	vor.u32 v4, v15  }
0xca: {  	[tilespmem:$0xAF10] =	vst v15  }
0xcb: {  	v15 =	vld.idx.msk [tilespmem:v44+s13+$0x0], $0xffff;
	_ =	sdelay $0x4  }
0xcc: {  	vm1 =	vlt.s32 v15, $0x1870  }
0xcd: {  	v16 =	vnsel vm1, $0x1870, v15;
	_ =	sdelay $0x4  }
0xce: {  	v16 =	vld.idx.msk [tilespmem:v16+s14+$0x0], $0xffff;
	_ =	sdelay $0x1  }
0xcf: {  	vm1 =	vlt.s32 v15, $0x186F  }
0xd0: {  	v15 =	vnsel vm1, $0x186F, v15;
	_ =	sdelay $0x1  }
0xd1: {  	v16 =	vshll.u32 v16, $0x2  }
0xd2: {  	v16 =	vor.u32 v4, v16  }
0xd3: {  	[tilespmem:$0xAE20] =	vst v16  }
0xd4: {  	v15 =	vld.idx.msk [tilespmem:v15+s12+$0x0], $0xffff;
	_ =	sdelay $0x1  }
0xd5: {  	s9 =	sor.u32 $0xC, s17  }
0xd6: {  	v45 =	vor.u32 s9, v7;
	_ =	sdelay $0x1  }
0xd7: {  	v15 =	vshll.u32 v15, $0x2  }
0xd8: {  	v15 =	vor.u32 v4, v15  }
0xd9: {  	[tilespmem:$0xAF20] =	vst v15  }
0xda: {  	v15 =	vld.idx.msk [tilespmem:v45+s13+$0x0], $0xffff;
	_ =	sdelay $0x4  }
0xdb: {  	vm1 =	vlt.s32 v15, $0x1870  }
0xdc: {  	v16 =	vnsel vm1, $0x1870, v15;
	_ =	sdelay $0x4  }
0xdd: {  	v16 =	vld.idx.msk [tilespmem:v16+s14+$0x0], $0xffff;
	_ =	sdelay $0x1  }
0xde: {  	vm1 =	vlt.s32 v15, $0x186F  }
0xdf: {  	v15 =	vnsel vm1, $0x186F, v15;
	_ =	sdelay $0x1  }
0xe0: {  	v16 =	vshll.u32 v16, $0x2  }
0xe1: {  	v16 =	vor.u32 v4, v16  }
0xe2: {  	[tilespmem:$0xAE30] =	vst v16  }
0xe3: {  	v15 =	vld.idx.msk [tilespmem:v15+s12+$0x0], $0xffff;
	_ =	sdelay $0x2  }
0xe4: {  	v46 =	vor.u32 s8, v7;
	_ =	sdelay $0x1  }
0xe5: {  	v15 =	vshll.u32 v15, $0x2  }
0xe6: {  	v15 =	vor.u32 v4, v15  }
0xe7: {  	[tilespmem:$0xAF30] =	vst v15  }
0xe8: {  	v15 =	vld.idx.msk [tilespmem:v46+s13+$0x0], $0xffff;
	_ =	sdelay $0x4  }
0xe9: {  	vm1 =	vlt.s32 v15, $0x1870  }
0xea: {  	v16 =	vnsel vm1, $0x1870, v15;
	_ =	sdelay $0x4  }
0xeb: {  	v16 =	vld.idx.msk [tilespmem:v16+s14+$0x0], $0xffff;
	_ =	sdelay $0x1  }
0xec: {  	vm1 =	vlt.s32 v15, $0x186F  }
0xed: {  	v15 =	vnsel vm1, $0x186F, v15;
	_ =	sdelay $0x1  }
0xee: {  	v16 =	vshll.u32 v16, $0x2  }
0xef: {  	v16 =	vor.u32 v4, v16  }
0xf0: {  	[tilespmem:$0xAE40] =	vst v16  }
0xf1: {  	v15 =	vld.idx.msk [tilespmem:v15+s12+$0x0], $0xffff;
	_ =	sdelay $0x1  }
0xf2: {  	s9 =	sadd.s32 $0x14, s17  }
0xf3: {  	v47 =	vor.u32 s9, v7;
	_ =	sdelay $0x1  }
0xf4: {  	v15 =	vshll.u32 v15, $0x2  }
0xf5: {  	v15 =	vor.u32 v4, v15  }
0xf6: {  	[tilespmem:$0xAF40] =	vst v15  }
0xf7: {  	v15 =	vld.idx.msk [tilespmem:v47+s13+$0x0], $0xffff;
	_ =	sdelay $0x4  }
0xf8: {  	vm1 =	vlt.s32 v15, $0x1870  }
0xf9: {  	v16 =	vnsel vm1, $0x1870, v15;
	_ =	sdelay $0x4  }
0xfa: {  	v16 =	vld.idx.msk [tilespmem:v16+s14+$0x0], $0xffff;
	_ =	sdelay $0x1  }
0xfb: {  	vm1 =	vlt.s32 v15, $0x186F  }
0xfc: {  	v15 =	vnsel vm1, $0x186F, v15;
	_ =	sdelay $0x1  }
0xfd: {  	v16 =	vshll.u32 v16, $0x2  }
0xfe: {  	v16 =	vor.u32 v4, v16  }
0xff: {  	[tilespmem:$0xAE50] =	vst v16  }
0x100: {  	v15 =	vld.idx.msk [tilespmem:v15+s12+$0x0], $0xffff;
	_ =	sdelay $0x1  }
0x101: {  	s9 =	sadd.s32 $0x18, s17  }
0x102: {  	v48 =	vor.u32 s9, v7;
	_ =	sdelay $0x1  }
0x103: {  	v15 =	vshll.u32 v15, $0x2  }
0x104: {  	v15 =	vor.u32 v4, v15  }
0x105: {  	[tilespmem:$0xAF50] =	vst v15  }
0x106: {  	v15 =	vld.idx.msk [tilespmem:v48+s13+$0x0], $0xffff;
	_ =	sdelay $0x4  }
0x107: {  	vm1 =	vlt.s32 v15, $0x1870  }
0x108: {  	v16 =	vnsel vm1, $0x1870, v15;
	_ =	sdelay $0x4  }
0x109: {  	v16 =	vld.idx.msk [tilespmem:v16+s14+$0x0], $0xffff;
	_ =	sdelay $0x1  }
0x10a: {  	vm1 =	vlt.s32 v15, $0x186F  }
0x10b: {  	v15 =	vnsel vm1, $0x186F, v15;
	_ =	sdelay $0x1  }
0x10c: {  	v16 =	vshll.u32 v16, $0x2  }
0x10d: {  	v16 =	vor.u32 v4, v16  }
0x10e: {  	[tilespmem:$0xAE60] =	vst v16  }
0x10f: {  	v15 =	vld.idx.msk [tilespmem:v15+s12+$0x0], $0xffff;
	_ =	sdelay $0x1  }
0x110: {  	s9 =	sadd.s32 $0x1C, s17  }
0x111: {  	v49 =	vor.u32 s9, v7;
	_ =	sdelay $0x1  }
0x112: {  	v15 =	vshll.u32 v15, $0x2  }
0x113: {  	v15 =	vor.u32 v4, v15  }
0x114: {  	[tilespmem:$0xAF60] =	vst v15  }
0x115: {  	v15 =	vld.idx.msk [tilespmem:v49+s13+$0x0], $0xffff;
	_ =	sdelay $0x4  }
0x116: {  	vm1 =	vlt.s32 v15, $0x1870  }
0x117: {  	v16 =	vnsel vm1, $0x1870, v15;
	_ =	sdelay $0x4  }
0x118: {  	v16 =	vld.idx.msk [tilespmem:v16+s14+$0x0], $0xffff;
	_ =	sdelay $0x1  }
0x119: {  	vm1 =	vlt.s32 v15, $0x186F  }
0x11a: {  	v15 =	vnsel vm1, $0x186F, v15;
	_ =	sdelay $0x1  }
0x11b: {  	v16 =	vshll.u32 v16, $0x2  }
0x11c: {  	v16 =	vor.u32 v4, v16  }
0x11d: {  	[tilespmem:$0xAE70] =	vst v16  }
0x11e: {  	v15 =	vld.idx.msk [tilespmem:v15+s12+$0x0], $0xffff;
	_ =	sdelay $0x2  }
0x11f: {  	v50 =	vor.u32 s0, v7;
	_ =	sdelay $0x1  }
0x120: {  	v15 =	vshll.u32 v15, $0x2  }
0x121: {  	v15 =	vor.u32 v4, v15  }
0x122: {  	[tilespmem:$0xAF70] =	vst v15  }
0x123: {  	v15 =	vld.idx.msk [tilespmem:v50+s13+$0x0], $0xffff;
	_ =	sdelay $0x4  }
0x124: {  	vm1 =	vlt.s32 v15, $0x1870  }
0x125: {  	v16 =	vnsel vm1, $0x1870, v15;
	_ =	sdelay $0x4  }
0x126: {  	v16 =	vld.idx.msk [tilespmem:v16+s14+$0x0], $0xffff;
	_ =	sdelay $0x1  }
0x127: {  	vm1 =	vlt.s32 v15, $0x186F  }
0x128: {  	v15 =	vnsel vm1, $0x186F, v15;
	_ =	sdelay $0x1  }
0x129: {  	v16 =	vshll.u32 v16, $0x2  }
0x12a: {  	v16 =	vor.u32 v4, v16  }
0x12b: {  	[tilespmem:$0xAE80] =	vst v16  }
0x12c: {  	v15 =	vld.idx.msk [tilespmem:v15+s12+$0x0], $0xffff;
	_ =	sdelay $0x1  }
0x12d: {  	s9 =	sadd.s32 $0x24, s17  }
0x12e: {  	v51 =	vor.u32 s9, v7;
	_ =	sdelay $0x1  }
0x12f: {  	v15 =	vshll.u32 v15, $0x2  }
0x130: {  	v15 =	vor.u32 v4, v15  }
0x131: {  	[tilespmem:$0xAF80] =	vst v15  }
0x132: {  	v15 =	vld.idx.msk [tilespmem:v51+s13+$0x0], $0xffff;
	_ =	sdelay $0x4  }
0x133: {  	vm1 =	vlt.s32 v15, $0x1870  }
0x134: {  	v16 =	vnsel vm1, $0x1870, v15;
	_ =	sdelay $0x4  }
0x135: {  	v16 =	vld.idx.msk [tilespmem:v16+s14+$0x0], $0xffff;
	_ =	sdelay $0x1  }
0x136: {  	vm1 =	vlt.s32 v15, $0x186F  }
0x137: {  	v15 =	vnsel vm1, $0x186F, v15;
	_ =	sdelay $0x1  }
0x138: {  	v16 =	vshll.u32 v16, $0x2  }
0x139: {  	v16 =	vor.u32 v4, v16  }
0x13a: {  	[tilespmem:$0xAE90] =	vst v16  }
0x13b: {  	v15 =	vld.idx.msk [tilespmem:v15+s12+$0x0], $0xffff;
	_ =	sdelay $0x1  }
0x13c: {  	s8 =	sadd.s32 $0x28, s17  }
0x13d: {  	v52 =	vor.u32 s8, v7;
	_ =	sdelay $0x1  }
0x13e: {  	v15 =	vshll.u32 v15, $0x2  }
0x13f: {  	v15 =	vor.u32 v4, v15  }
0x140: {  	[tilespmem:$0xAF90] =	vst v15  }
0x141: {  	v15 =	vld.idx.msk [tilespmem:v52+s13+$0x0], $0xffff;
	_ =	sdelay $0x4  }
0x142: {  	vm1 =	vlt.s32 v15, $0x1870  }
0x143: {  	v16 =	vnsel vm1, $0x1870, v15;
	_ =	sdelay $0x4  }
0x144: {  	v16 =	vld.idx.msk [tilespmem:v16+s14+$0x0], $0xffff;
	_ =	sdelay $0x1  }
0x145: {  	vm1 =	vlt.s32 v15, $0x186F  }
0x146: {  	v15 =	vnsel vm1, $0x186F, v15;
	_ =	sdelay $0x1  }
0x147: {  	v16 =	vshll.u32 v16, $0x2  }
0x148: {  	v16 =	vor.u32 v4, v16  }
0x149: {  	[tilespmem:$0xAEA0] =	vst v16  }
0x14a: {  	v15 =	vld.idx.msk [tilespmem:v15+s12+$0x0], $0xffff;
	_ =	sdelay $0x1  }
0x14b: {  	s9 =	sadd.s32 $0x2C, s17  }
0x14c: {  	v53 =	vor.u32 s9, v7;
	_ =	sdelay $0x1  }
0x14d: {  	v15 =	vshll.u32 v15, $0x2  }
0x14e: {  	v15 =	vor.u32 v4, v15  }
0x14f: {  	[tilespmem:$0xAFA0] =	vst v15  }
0x150: {  	v15 =	vld.idx.msk [tilespmem:v53+s13+$0x0], $0xffff;
	_ =	sdelay $0x4  }
0x151: {  	vm1 =	vlt.s32 v15, $0x1870  }
0x152: {  	v16 =	vnsel vm1, $0x1870, v15;
	_ =	sdelay $0x4  }
0x153: {  	v16 =	vld.idx.msk [tilespmem:v16+s14+$0x0], $0xffff;
	_ =	sdelay $0x1  }
0x154: {  	vm1 =	vlt.s32 v15, $0x186F  }
0x155: {  	v15 =	vnsel vm1, $0x186F, v15;
	_ =	sdelay $0x1  }
0x156: {  	v16 =	vshll.u32 v16, $0x2  }
0x157: {  	v16 =	vor.u32 v4, v16  }
0x158: {  	[tilespmem:$0xAEB0] =	vst v16  }
0x159: {  	v15 =	vld.idx.msk [tilespmem:v15+s12+$0x0], $0xffff;
	_ =	sdelay $0x4  }
0x15a: {  	v15 =	vshll.u32 v15, $0x2  }
0x15b: {  	v15 =	vor.u32 v4, v15  }
0x15c: {  	s8 =	simm.s32 $0xAE00;
	s9 =	simm.s32 $0xAC00;
	[tilespmem:$0xAFB0] =	vst v15  }
0x15d: {  	[tilespmem:s9], [sflag:$0x2] =	stream.indirect.gather [hbm4b:s19+s26], $0x1, s8, s26, $0xb8;
	v63 =	vld [tilespmem:$0x0]  }
0x15e: {  	s13 =	simm.s32 $0xAD00;
	s12 =	simm.s32 $0xAF00  }
0x15f: {  	[tilespmem:s13], [sflag:$0x3] =	stream.indirect.gather [hbm4b:s21+s26], $0x1, s12, s26, $0xb8;
	v63 =	vld [tilespmem:$0x0]  }
0x160: {  	v15 =	vld [tilespmem:$0x4A00];
	_ =	sdelay $0x4  }
0x161: {  	v54 =	vshll.u32 v15, $0x1  }
0x162: {  	v15 =	vand.u32 $0x7, v15;
	v16 =	vand.u32 $0xFFFFFFF0, v54  }
0x163: {  	v15 =	vor.u32 v15, v16  }
0x164: {  	v16 =	vperm.xlane v15, v8;
	_ =	sdelay $0x1  }
0x165: {  	v15 =	vperm.xlane v15, v10;
	v16 =	vadd.s32 v9, v16;
	_ =	sdelay $0x1  }
0x166: {  	v15 =	vadd.s32 v9, v15;
	_ =	sdelay $0x1  }
0x167: {  	s8 =	simm.s32 $0x4B00  }
0x168: {  	[tilespmem:s8], [sflag:$0x1] =	stream.indirect_vreg.gather [hbm4b:s18+s14], $0x80, v16, vm0, $0xb8;
	v63 =	vld [tilespmem:$0x0]  }
0x169: {  	s9 =	simm.s32 $0x5300  }
0x16a: {  	[tilespmem:s9], [sflag:$0x1] =	stream.indirect_vreg.gather [hbm4b:s18+s14], $0x80, v15, vm0, $0xb8;
	v63 =	vld [tilespmem:$0x0]  }
0x16b: {  	v15 =	vld [tilespmem:$0x4A10];
	_ =	sdelay $0x4  }
0x16c: {  	v55 =	vshll.u32 v15, $0x1  }
0x16d: {  	v15 =	vand.u32 $0x7, v15;
	v16 =	vand.u32 $0xFFFFFFF0, v55  }
0x16e: {  	v15 =	vor.u32 v15, v16  }
0x16f: {  	v16 =	vperm.xlane v15, v8;
	_ =	sdelay $0x1  }
0x170: {  	v15 =	vperm.xlane v15, v10;
	v16 =	vadd.s32 v9, v16;
	_ =	sdelay $0x1  }
0x171: {  	v15 =	vadd.s32 v9, v15;
	_ =	sdelay $0x1  }
0x172: {  	s12 =	simm.s32 $0x5B00  }
0x173: {  	[tilespmem:s12], [sflag:$0x1] =	stream.indirect_vreg.gather [hbm4b:s18+s14], $0x80, v16, vm0, $0xb8;
	v63 =	vld [tilespmem:$0x0]  }
0x174: {  	s13 =	simm.s32 $0x6300  }
0x175: {  	[tilespmem:s13], [sflag:$0x1] =	stream.indirect_vreg.gather [hbm4b:s18+s14], $0x80, v15, vm0, $0xb8;
	v63 =	vld [tilespmem:$0x0]  }
0x176: {  	v15 =	vld [tilespmem:$0x4A20];
	_ =	sdelay $0x4  }
0x177: {  	v56 =	vshll.u32 v15, $0x1  }
0x178: {  	v15 =	vand.u32 $0x7, v15;
	v16 =	vand.u32 $0xFFFFFFF0, v56  }
0x179: {  	v15 =	vor.u32 v15, v16  }
0x17a: {  	v16 =	vperm.xlane v15, v8;
	_ =	sdelay $0x1  }
0x17b: {  	v15 =	vperm.xlane v15, v10;
	v16 =	vadd.s32 v9, v16;
	_ =	sdelay $0x1  }
0x17c: {  	v15 =	vadd.s32 v9, v15;
	_ =	sdelay $0x1  }
0x17d: {  	s8 =	simm.s32 $0x6B00  }
0x17e: {  	[tilespmem:s8], [sflag:$0x1] =	stream.indirect_vreg.gather [hbm4b:s18+s14], $0x80, v16, vm0, $0xb8;
	v63 =	vld [tilespmem:$0x0]  }
0x17f: {  	s9 =	simm.s32 $0x7300  }
0x180: {  	[tilespmem:s9], [sflag:$0x1] =	stream.indirect_vreg.gather [hbm4b:s18+s14], $0x80, v15, vm0, $0xb8;
	v63 =	vld [tilespmem:$0x0]  }
0x181: {  	_ =	swait.ge [sflag:s20], $0xC0  }
0x182: {  	[sflag:s20] =	ssyncset.done $0x0  }
0x183: {  	s12 =	simm.s32 $0x3;
	[sflag:s20] =	ssyncadd.s32 $0xFFFFFF40  }
0x184: {  	_ =	swait.ge [sflag:s12], $0xC0  }
0x185: {  	[sflag:s12] =	ssyncset.done $0x0  }
0x186: {  	[sflag:s12] =	ssyncadd.s32 $0xFFFFFF40  }
0x187: {  	v15 =	vld [tilespmem:$0xAC00]  }
0x188: {  	v57 =	vld [tilespmem:$0xAD00]  }
0x189: {  	v58 =	vld [tilespmem:$0xAC10]  }
0x18a: {  	v18 =	vld [tilespmem:$0xAD10]  }
0x18b: {  	v19 =	vld [tilespmem:$0xAC20]  }
0x18c: {  	v20 =	vld [tilespmem:$0xAD20]  }
0x18d: {  	v23 =	vld [tilespmem:$0xAC30]  }
0x18e: {  	v60 =	vld [tilespmem:$0xAD30]  }
0x18f: {  	v35 =	vld [tilespmem:$0xAD40]  }
0x190: {  	v45 =	vld [tilespmem:$0xAC70]  }
0x191: {  	v47 =	vld [tilespmem:$0xAD70]  }
0x192: {  	v15 =	vadd.f32 v57, v15  }
0x193: {  	v16 =	vadd.f32 v57, v13;
	v17 =	vadd.f32 v18, v58  }
0x194: {  	v18 =	vadd.f32 v18, v13;
	v19 =	vadd.f32 v20, v19  }
0x195: {  	v20 =	vadd.f32 v20, v13;
	v26 =	vadd.f32 v60, v23  }
0x196: {  	v39 =	vadd.f32 v35, v13;
	v54 =	vadd.f32 v47, v45  }
0x197: {  	v21 =	vmin.f32 v15, $0.0e+00;
	v22 =	vmin.f32 v16, $0.0e+00;
	v15 =	vmax.f32 v15, $0.0e+00  }
0x198: {  	v16 =	vmax.f32 v16, $0.0e+00;
	v59 =	vmin.f32 v17, $0.0e+00;
	v24 =	vmin.f32 v18, $0.0e+00  }
0x199: {  	v61 =	vmax.f32 v17, $0.0e+00;
	v18 =	vmax.f32 v18, $0.0e+00;
	v28 =	vmin.f32 v20, $0.0e+00  }
0x19a: {  	v29 =	vmin.f32 v26, $0.0e+00;
	v20 =	vmax.f32 v20, $0.0e+00;
	v31 =	vmax.f32 v26, $0.0e+00  }
0x19b: {  	v43 =	vmin.f32 v39, $0.0e+00;
	v21 =	vmul.f32 $2.000000030e-01, v21;
	v22 =	vmul.f32 $2.000000030e-01, v22  }
0x19c: {  	v62 =	vmul.f32 $2.000000030e-01, v24;
	v24 =	vmin.f32 v19, $0.0e+00;
	v19 =	vmax.f32 v19, $0.0e+00  }
0x19d: {  	v37 =	vld [tilespmem:$0xAD50];
	v25 =	vmul.f32 $2.000000030e-01, v24;
	v15 =	vadd.f32 v21, v15;
	v16 =	vadd.f32 v22, v16  }
0x19e: {  	v21 =	vmul.f32 $2.000000030e-01, v59;
	v17 =	vadd.f32 v62, v18;
	v22 =	vadd.f32 v60, v13  }
0x19f: {  	v36 =	vld [tilespmem:$0xAC50];
	v18 =	vmul.f32 $2.000000030e-01, v28;
	v59 =	vmin.f32 v54, $0.0e+00;
	v27 =	vadd.f32 v25, v19  }
0x1a0: {  	v19 =	vmul.f32 $2.000000030e-01, v29;
	v60 =	vmul.f32 $2.000000030e-01, v59;
	v15 =	vsub.f32 v15, v16  }
0x1a1: {  	v16 =	vadd.f32 v21, v61;
	v30 =	vmin.f32 v22, $0.0e+00;
	v18 =	vadd.f32 v18, v20  }
0x1a2: {  	v32 =	vmax.f32 v22, $0.0e+00;
	v22 =	vmul.f32 $2.000000030e-01, v43;
	v20 =	vadd.f32 v37, v13  }
0x1a3: {  	v33 =	vld [tilespmem:$0xAC40];
	v23 =	vmul.f32 $2.000000030e-01, v30;
	v19 =	vadd.f32 v19, v31;
	v16 =	vsub.f32 v16, v17  }
0x1a4: {  	v40 =	vld [tilespmem:$0xAC60];
	v15 =	vmul.f32 $1.442695020e+00, v15;
	v17 =	vsub.f32 v27, v18;
	v18 =	vadd.f32 v37, v36  }
0x1a5: {  	v41 =	vld [tilespmem:$0xAD60];
	v48 =	vmin.f32 v20, $0.0e+00;
	v20 =	vmax.f32 v20, $0.0e+00;
	v34 =	vadd.f32 v23, v32  }
0x1a6: {  	v58 =	vld [tilespmem:$0xAD80];
	v50 =	vmul.f32 $2.000000030e-01, v48;
	v23 =	vmax.f32 v54, $0.0e+00;
	v16 =	vmul.f32 $1.442695020e+00, v16  }
0x1a7: {  	v26 =	vld [tilespmem:$0xAC90];
	(erf) = vpow2.f32 v15;
	v15 =	vmul.f32 $1.442695020e+00, v17;
	v17 =	vmax.f32 v39, $0.0e+00  }
0x1a8: {  	v62 =	vld [tilespmem:$0xAD90];
	v44 =	vmin.f32 v18, $0.0e+00;
	v18 =	vmax.f32 v18, $0.0e+00;
	v19 =	vsub.f32 v19, v34  }
0x1a9: {  	v17 =	vadd.f32 v22, v17;
	v46 =	vmul.f32 $2.000000030e-01, v44;
	v22 =	vadd.f32 v47, v13  }
0x1aa: {  	(erf) = vpow2.f32 v16;
	v16 =	vadd.f32 v41, v13;
	v38 =	vmul.f32 $1.442695020e+00, v19  }
0x1ab: {  	(erf) = vpow2.f32 v15;
	v15 =	vadd.f32 v35, v33;
	v19 =	vadd.f32 v41, v40  }
0x1ac: {  	v49 =	vadd.f32 v46, v18;
	v18 =	vadd.f32 v50, v20;
	v25 =	vmin.f32 v22, $0.0e+00  }
0x1ad: {  	v22 =	vmax.f32 v22, $0.0e+00;
	v20 =	vadd.f32 v58, v13;
	v33 =	vadd.f32 v62, v26  }
0x1ae: {  	v53 =	vmin.f32 v16, $0.0e+00;
	v16 =	vmax.f32 v16, $0.0e+00;
	v61 =	vmul.f32 $2.000000030e-01, v25  }
0x1af: {  	v28 =	vld [tilespmem:$0xACA0];
	v25 =	vadd.f32 v62, v13;
	(erf) = vpow2.f32 v38;
	v42 =	vmin.f32 v15, $0.0e+00  }
0x1b0: {  	v30 =	vld [tilespmem:$0xADA0];
	v15 =	vmax.f32 v15, $0.0e+00;
	v51 =	vmin.f32 v19, $0.0e+00;
	v19 =	vmax.f32 v19, $0.0e+00  }
0x1b1: {  	v57 =	vmul.f32 $2.000000030e-01, v53;
	v32 =	vmin.f32 v20, $0.0e+00;
	v21 =	vmul.f32 $2.000000030e-01, v42  }
0x1b2: {  	v20 =	vmax.f32 v20, $0.0e+00;
	v34 =	vmin.f32 v33, $0.0e+00;
	v52 =	vmul.f32 $2.000000030e-01, v51  }
0x1b3: {  	v37 =	vmul.f32 $2.000000030e-01, v34;
	v16 =	vadd.f32 v57, v16;
	v15 =	vadd.f32 v21, v15  }
0x1b4: {  	v35 =	vld [tilespmem:$0xACB0];
	v39 =	vmin.f32 v25, $0.0e+00;
	v56 =	vadd.f32 v52, v19;
	v19 =	vadd.f32 v60, v23  }
0x1b5: {  	v38 =	vld [tilespmem:$0xADB0];
	v21 =	vadd.f32 v61, v22;
	v23 =	vmax.f32 v33, $0.0e+00;
	v22 =	vadd.f32 v30, v28  }
0x1b6: {  	v55 =	vld [tilespmem:$0xAC80];
	v42 =	vmax.f32 v25, $0.0e+00;
	v40 =	vadd.f32 v37, v23;
	v15 =	vsub.f32 v15, v17  }
0x1b7: {  	v41 =	vmul.f32 $2.000000030e-01, v39;
	v17 =	vsub.f32 v49, v18;
	v16 =	vsub.f32 v56, v16  }
0x1b8: {  	v29 =	vsub.f32 v19, v21;
	v21 =	vmul.f32 $2.000000030e-01, v32;
	v43 =	vmin.f32 v22, $0.0e+00  }
0x1b9: {  	v18 =	vadd.f32 v30, v13;
	v22 =	vmax.f32 v22, $0.0e+00;
	v15 =	vmul.f32 $1.442695020e+00, v15  }
0x1ba: {  	v46 =	vadd.f32 v38, v35;
	v44 =	vmul.f32 $2.000000030e-01, v43;
	v17 =	vmul.f32 $1.442695020e+00, v17  }
0x1bb: {  	v36 =	vadd.f32 v21, v20;
	(erf) = vpow2.f32 v15;
	v15 =	vadd.f32 v58, v55  }
0x1bc: {  	v20 =	vadd.f32 v41, v42;
	v45 =	vmin.f32 v18, $0.0e+00;
	v21 =	vadd.f32 v38, v13  }
0x1bd: {  	v18 =	vmax.f32 v18, $0.0e+00;
	v49 =	vmin.f32 v46, $0.0e+00;
	v31 =	vmin.f32 v15, $0.0e+00  }
0x1be: {  	v16 =	vmul.f32 $1.442695020e+00, v16;
	v53 =	vmax.f32 v46, $0.0e+00;
	v19 =	vmul.f32 $2.000000030e-01, v31  }
0x1bf: {  	v47 =	vadd.f32 v44, v22;
	v48 =	vmul.f32 $2.000000030e-01, v45;
	v15 =	vmax.f32 v15, $0.0e+00  }
0x1c0: {  	v51 =	vmul.f32 $2.000000030e-01, v49;
	v50 =	vmin.f32 v21, $0.0e+00;
	v15 =	vadd.f32 v19, v15  }
0x1c1: {  	v21 =	vmax.f32 v21, $0.0e+00;
	(erf) = vpow2.f32 v17;
	v18 =	vadd.f32 v48, v18  }
0x1c2: {  	v52 =	vmul.f32 $2.000000030e-01, v50;
	v22 =	vadd.f32 v51, v53;
	v15 =	vsub.f32 v15, v36  }
0x1c3: {  	v17 =	vmul.f32 $1.442695020e+00, v29;
	(erf) = vpow2.f32 v16;
	v19 =	vsub.f32 v40, v20  }
0x1c4: {  	v21 =	vadd.f32 v52, v21;
	v54 =	vsub.f32 v47, v18;
	v15 =	vmul.f32 $1.442695020e+00, v15  }
0x1c5: {  	(erf) = vpow2.f32 v17;
	v56 =	vmul.f32 $1.442695020e+00, v19  }
0x1c6: {  	v55 =	vsub.f32 v22, v21;
	(erf) = vpow2.f32 v15;
	v15 =	vmul.f32 $1.442695020e+00, v54;
	_ =	sdelay $0x1  }
0x1c7: {  	v57 =	vpop (erf);
	v17 =	vmul.f32 $1.442695020e+00, v55;
	(erf) = vpow2.f32 v56  }
0x1c8: {  	[tilespmem:$0xAB00] =	vst v57;
	v58 =	vpop (erf);
	(erf) = vpow2.f32 v15  }
0x1c9: {  	[tilespmem:$0xAB10] =	vst v58;
	v15 =	vpop (erf);
	(erf) = vpow2.f32 v17  }
0x1ca: {  	v59 =	vpop (erf);
	[tilespmem:$0xAB20] =	vst v15  }
0x1cb: {  	v15 =	vpop (erf);
	[tilespmem:$0xAB30] =	vst v59  }
0x1cc: {  	v60 =	vpop (erf);
	[tilespmem:$0xAB40] =	vst v15  }
0x1cd: {  	v15 =	vpop (erf);
	[tilespmem:$0xAB50] =	vst v60  }
0x1ce: {  	v61 =	vpop (erf);
	[tilespmem:$0xAB60] =	vst v15  }
0x1cf: {  	v15 =	vpop (erf);
	[tilespmem:$0xAB70] =	vst v61  }
0x1d0: {  	v62 =	vpop (erf);
	[tilespmem:$0xAB80] =	vst v15  }
0x1d1: {  	v15 =	vpop (erf);
	[tilespmem:$0xAB90] =	vst v62  }
0x1d2: {  	[tilespmem:$0xABA0] =	vst v15;
	v15 =	vpop (erf)  }
0x1d3: {  	s13 =	simm.s32 $0x1;
	[tilespmem:$0xABB0] =	vst v15  }
0x1d4: {  	_ =	swait.ge [sflag:s13], $0x3000  }
0x1d5: {  	s0 =	simm.s32 $0x4;
	[sflag:s13] =	ssyncset.done $0x0  }
0x1d6: {  	s8 =	simm.s32 $0x0;
	s9 =	simm.s32 $0x0;
	[sflag:s13] =	ssyncadd.s32 $0xFFFFD000  }
.LBB2_7:
0x1d7: {  	s12 =	sadd.s32 $0xFFFFFFFC, s0  }
0x1d8: {  	s13 =	sand.u32 $0x300, s9;
	v15 =	vmov s12;
	s12 =	sand.u32 $0x3800, s8  }
0x1d9: {  	s13 =	sor.u32 s13, s12  }
0x1da: {  	v19 =	vld [tilespmem:s13+$0x4B00]  }
0x1db: {  	v20 =	vld [tilespmem:s13+$0x4B10]  }
0x1dc: {  	v21 =	vld [tilespmem:s13+$0x4B20]  }
0x1dd: {  	v16 =	vor.u32 $0x1, v15;
	v22 =	vld [tilespmem:s13+$0x4B30]  }
0x1de: {  	v17 =	vor.u32 $0x2, v15;
	v18 =	vor.u32 $0x3, v15;
	v15 =	vld.idx.msk [tilespmem:v15+s11+$0x0], $0xffff  }
0x1df: {  	v23 =	vld [tilespmem:s13+$0x4B40]  }
0x1e0: {  	v24 =	vld [tilespmem:s13+$0x4B50]  }
0x1e1: {  	v25 =	vld [tilespmem:s13+$0x4B60]  }
0x1e2: {  	v16 =	vld.idx.msk [tilespmem:v16+s11+$0x0], $0xffff  }
0x1e3: {  	v57 =	vld [tilespmem:s13+$0x4B70];
	v19 =	vmul.f32 v19, v15  }
0x1e4: {  	v17 =	vld.idx.msk [tilespmem:v17+s11+$0x0], $0xffff;
	v20 =	vmul.f32 v20, v15  }
0x1e5: {  	v18 =	vld.idx.msk [tilespmem:v18+s11+$0x0], $0xffff;
	v56 =	vmul.f32 v21, v15;
	[tilespmem:s13+$0x7B00] =	vst v19  }
0x1e6: {  	v58 =	vld [tilespmem:s13+$0x4F00];
	v15 =	vmul.f32 v22, v15;
	[tilespmem:s13+$0x7B10] =	vst v20  }
0x1e7: {  	v60 =	vld [tilespmem:s13+$0x4F10];
	v59 =	vmul.f32 v23, v16;
	[tilespmem:s13+$0x7B20] =	vst v56  }
0x1e8: {  	v61 =	vld [tilespmem:s13+$0x4F20];
	[tilespmem:s13+$0x7B30] =	vst v15;
	v15 =	vmul.f32 v24, v16  }
0x1e9: {  	v28 =	vld [tilespmem:s13+$0x4F30];
	v62 =	vmul.f32 v25, v16;
	[tilespmem:s13+$0x7B40] =	vst v59  }
0x1ea: {  	v32 =	vld [tilespmem:s13+$0x4F60];
	[tilespmem:s13+$0x7B50] =	vst v15;
	v15 =	vmul.f32 v57, v16  }
0x1eb: {  	v31 =	vld [tilespmem:s13+$0x4F50];
	v30 =	vmul.f32 v58, v17;
	[tilespmem:s13+$0x7B60] =	vst v62  }
0x1ec: {  	v29 =	vld [tilespmem:s13+$0x4F40];
	[tilespmem:s13+$0x7B70] =	vst v15;
	v15 =	vmul.f32 v60, v17  }
0x1ed: {  	v34 =	vld [tilespmem:s13+$0x4F70];
	v33 =	vmul.f32 v61, v17;
	[tilespmem:s13+$0x7F00] =	vst v30  }
0x1ee: {  	[tilespmem:s13+$0x7F10] =	vst v15;
	v15 =	vmul.f32 v28, v17  }
0x1ef: {  	v36 =	vmul.f32 v32, v18;
	[tilespmem:s13+$0x7F20] =	vst v33  }
0x1f0: {  	v35 =	vmov s0;
	[tilespmem:s13+$0x7F30] =	vst v15;
	v15 =	vmul.f32 v31, v18  }
0x1f1: {  	v37 =	vor.u32 $0x1, v35;
	[tilespmem:s13+$0x7F60] =	vst v36;
	v16 =	vmul.f32 v29, v18  }
0x1f2: {  	v38 =	vor.u32 $0x2, v35;
	[tilespmem:s13+$0x7F50] =	vst v15;
	v15 =	vmul.f32 v34, v18  }
0x1f3: {  	v39 =	vor.u32 $0x3, v35;
	[tilespmem:s13+$0x7F40] =	vst v16  }
0x1f4: {  	[tilespmem:s13+$0x7F70] =	vst v15  }
0x1f5: {  	v15 =	vld.idx.msk [tilespmem:v35+s11+$0x0], $0xffff  }
0x1f6: {  	s13 =	sadd.s32 $0x80, s9;
	v40 =	vld.idx.msk [tilespmem:v37+s11+$0x0], $0xffff  }
0x1f7: {  	v18 =	vld.idx.msk [tilespmem:v38+s11+$0x0], $0xffff;
	s13 =	sand.u32 $0x380, s13  }
0x1f8: {  	v16 =	vld.idx.msk [tilespmem:v39+s11+$0x0], $0xffff;
	s12 =	sor.u32 s12, s13  }
0x1f9: {  	v41 =	vld [tilespmem:s12+$0x4B00]  }
0x1fa: {  	v42 =	vld [tilespmem:s12+$0x4B10]  }
0x1fb: {  	v43 =	vld [tilespmem:s12+$0x4B20]  }
0x1fc: {  	v44 =	vld [tilespmem:s12+$0x4B30]  }
0x1fd: {  	v45 =	vld [tilespmem:s12+$0x4B40]  }
0x1fe: {  	v46 =	vld [tilespmem:s12+$0x4B50];
	v19 =	vmul.f32 v41, v15  }
0x1ff: {  	v47 =	vld [tilespmem:s12+$0x4B60];
	v20 =	vmul.f32 v42, v15  }
0x200: {  	v49 =	vld [tilespmem:s12+$0x4B70];
	v48 =	vmul.f32 v43, v15;
	[tilespmem:s12+$0x7B00] =	vst v19  }
0x201: {  	v50 =	vld [tilespmem:s12+$0x4F00];
	v15 =	vmul.f32 v44, v15;
	[tilespmem:s12+$0x7B10] =	vst v20  }
0x202: {  	v52 =	vld [tilespmem:s12+$0x4F10];
	v51 =	vmul.f32 v45, v40;
	[tilespmem:s12+$0x7B20] =	vst v48  }
0x203: {  	v53 =	vld [tilespmem:s12+$0x4F20];
	[tilespmem:s12+$0x7B30] =	vst v15;
	v15 =	vmul.f32 v46, v40  }
0x204: {  	v55 =	vld [tilespmem:s12+$0x4F30];
	v54 =	vmul.f32 v47, v40;
	[tilespmem:s12+$0x7B40] =	vst v51  }
0x205: {  	v56 =	vld [tilespmem:s12+$0x4F40];
	[tilespmem:s12+$0x7B50] =	vst v15;
	v15 =	vmul.f32 v49, v40  }
0x206: {  	v58 =	vld [tilespmem:s12+$0x4F50];
	v57 =	vmul.f32 v50, v18;
	[tilespmem:s12+$0x7B60] =	vst v54  }
0x207: {  	v59 =	vld [tilespmem:s12+$0x4F60];
	[tilespmem:s12+$0x7B70] =	vst v15;
	v15 =	vmul.f32 v52, v18  }
0x208: {  	v61 =	vld [tilespmem:s12+$0x4F70];
	v60 =	vmul.f32 v53, v18;
	[tilespmem:s12+$0x7F00] =	vst v57  }
0x209: {  	[tilespmem:s12+$0x7F10] =	vst v15;
	v15 =	vmul.f32 v55, v18  }
0x20a: {  	p0 =	sne.s32 s0, $0xBC;
	v17 =	vmul.f32 v56, v16;
	[tilespmem:s12+$0x7F20] =	vst v60  }
.Ltmp6:
0x20b: {  	[tilespmem:s12+$0x7F30] =	vst v15;
	v15 =	vmul.f32 v58, v16;
	(pc) =	sbr.rel @p0 .LBB2_7-.Ltmp6, $4  }
0x20c: {  	v62 =	vmul.f32 v59, v16;
	[tilespmem:s12+$0x7F40] =	vst v17  }
0x20d: {  	[tilespmem:s12+$0x7F50] =	vst v15;
	v15 =	vmul.f32 v61, v16  }
0x20e: {  	[tilespmem:s12+$0x7F60] =	vst v62  }
0x20f: {  	s0 =	sadd.s32 $0x8, s0;
	s8 =	sadd.s32 $0x200, s8;
	s9 =	sadd.s32 $0x100, s9;
	[tilespmem:s12+$0x7F70] =	vst v15  }
0x210: {  	s0 =	sadd.s32 s24, s17  }
0x211: {  	s8 =	sshll.u32 s0, $0x5  }
0x212: {  	s9 =	simm.s32 $0x7B00;
	s12 =	simm.s32 $0x4;
	s8 =	sadd.s32 s5, s8  }
0x213: {  	[hbm4b:s8+s22] =	stream.linear.scatter [tilespmem:s9], [sflag:$0x4], $0x3000, $0x38;
	v63 =	vld [tilespmem:$0x0]  }
0x214: {  	s0 =	sshrl.u32 s0, $0x1;
	_ =	swait.ge [sflag:s12], $0x3000  }
0x215: {  	s0 =	sand.u32 $0x1FFFFFF8, s0;
	[sflag:s12] =	ssyncset.done $0x0  }
0x216: {  	s0 =	sadd.s32 s6, s0;
	[sflag:s12] =	ssyncadd.s32 $0xFFFFD000  }
0x217: {  	[hbm4b:s0+s22] =	stream.linear.scatter [tilespmem:s11], [sflag:$0x4], $0xC0, $0x38;
	v63 =	vld [tilespmem:$0x0]  }
0x218: {  	s15 =	sadd.s32 $0x1, s15;
	_ =	swait.ge [sflag:s12], $0xC0  }
0x219: {  	s13 =	sadd.s32 s17, s25;
	p0 =	sne.s32 s15, s23;
	[sflag:s12] =	ssyncset.done $0x0  }
.Ltmp7:
0x21a: {  	s17 =	simm.s32 $0x4A80;
	[sflag:s12] =	ssyncadd.s32 $0xFFFFFF40;
	(pc) =	sbr.rel @p0 .LBB2_6-.Ltmp7, $4  }
0x21b: {  	[spmem:s13] =	stream.linear.scatter [tilespmem:s17], [sflag:$0x4], $0x30, $0x38;
	v63 =	vld [tilespmem:$0x0]  }
0x21c: {  	_ =	swait.ge [sflag:s12], $0x30  }
0x21d: {  	[sflag:s12] =	ssyncset.done $0x0  }
0x21e: {  	[sflag:s12] =	ssyncadd.s32 $0xFFFFFFD0  }
.LBB2_9:
0x21f: {  	v14 =	vmov s4;
	s0 =	rddreg [dreg:$0x13]  }
0x220: {  	s22 =	simm.s32 $0xB080;
	s23 =	simm.s32 $0x0;
	s8 =	simm.s32 $0x4;
	[tilespmem:$0xB080] =	vst v14  }
0x221: {  	[spmem:s0] =	stream.linear.scatter [tilespmem:s22], [sflag:$0x4], $0x10, $0x38;
	v63 =	vld [tilespmem:$0x0]  }
0x222: {  	s24 =	smul.u32 $0x3000, s23;
	_ =	swait.ge [sflag:s8], $0x10  }
0x223: {  	s0 =	simm.s32 $0x0;
	[sflag:s8] =	ssyncset.done $0x0  }
0x224: {  	s25 =	sand.u32 $0x380, s0;
	s4 =	sshra.s32 s24, $0x2;
	[sflag:s8] =	ssyncadd.s32 $0xFFFFFFF0  }
0x225: {  	s4 =	sor.u32 s25, s4;
	[bflag:$0x0] =	sbarrier.arrive $0xFFFF  }
0x226: {  	[tilespmem:s4+$0xB900] =	vst v11  }
0x227: {  	[tilespmem:s4+$0xB100] =	vst v11  }
0x228: {  	[tilespmem:s4+$0xB110] =	vst v11  }
0x229: {  	[tilespmem:s4+$0xB120] =	vst v11  }
0x22a: {  	[tilespmem:s4+$0xB130] =	vst v11  }
0x22b: {  	[tilespmem:s4+$0xB140] =	vst v11  }
0x22c: {  	[tilespmem:s4+$0xB150] =	vst v11  }
0x22d: {  	[tilespmem:s4+$0xB160] =	vst v11  }
0x22e: {  	[tilespmem:s4+$0xB170] =	vst v11  }
0x22f: {  	[tilespmem:s4+$0xB500] =	vst v11  }
0x230: {  	[tilespmem:s4+$0xB510] =	vst v11  }
0x231: {  	[tilespmem:s4+$0xB520] =	vst v11  }
0x232: {  	s9 =	simm.s32 $0x0;
	s8 =	simm.s32 $0x2;
	[tilespmem:s4+$0xB530] =	vst v11  }
.LBB2_10:
0x233: {  	p0 =	sne.s32 s8, $0x9F;
	s9 =	smul.u32 $0x3000, s9;
	[tilespmem:s4+$0xB540] =	vst v11  }
0x234: {  	s0 =	sadd.s32 $0x80, s0;
	[tilespmem:s4+$0xB550] =	vst v11  }
0x235: {  	s12 =	sand.u32 $0x380, s0;
	s9 =	sshra.s32 s9, $0x2;
	[tilespmem:s4+$0xB560] =	vst v11  }
0x236: {  	[tilespmem:s4+$0xB570] =	vst v11;
	s4 =	sor.u32 s12, s9  }
0x237: {  	[tilespmem:s4+$0xB900] =	vst v11  }
0x238: {  	[tilespmem:s4+$0xB100] =	vst v11  }
0x239: {  	[tilespmem:s4+$0xB110] =	vst v11  }
0x23a: {  	[tilespmem:s4+$0xB120] =	vst v11  }
0x23b: {  	[tilespmem:s4+$0xB130] =	vst v11  }
0x23c: {  	[tilespmem:s4+$0xB140] =	vst v11  }
0x23d: {  	[tilespmem:s4+$0xB150] =	vst v11  }
0x23e: {  	[tilespmem:s4+$0xB160] =	vst v11  }
.Ltmp8:
0x23f: {  	[tilespmem:s4+$0xB170] =	vst v11;
	(pc) =	sbr.rel @p0 .LBB2_10-.Ltmp8, $4  }
0x240: {  	[tilespmem:s4+$0xB500] =	vst v11  }
0x241: {  	[tilespmem:s4+$0xB510] =	vst v11  }
0x242: {  	[tilespmem:s4+$0xB520] =	vst v11  }
0x243: {  	s9 =	sshrl.u32 s8, $0x3;
	s8 =	sadd.s32 $0x1, s8;
	[tilespmem:s4+$0xB530] =	vst v11  }
0x244: {  	s8 =	smul.u32 $0x3000, s9;
	[tilespmem:s4+$0xB540] =	vst v11  }
0x245: {  	[tilespmem:s4+$0xB550] =	vst v11;
	s0 =	sadd.s32 $0x80, s0  }
0x246: {  	[tilespmem:s4+$0xB560] =	vst v11;
	s0 =	sand.u32 $0x380, s0;
	s8 =	sshra.s32 s8, $0x2  }
0x247: {  	[tilespmem:s4+$0xB570] =	vst v11;
	s0 =	sor.u32 s0, s8  }
0x248: {  	[tilespmem:s0+$0xB900] =	vst v11  }
0x249: {  	[tilespmem:s0+$0xB100] =	vst v11  }
0x24a: {  	[tilespmem:s0+$0xB110] =	vst v11  }
0x24b: {  	[tilespmem:s0+$0xB120] =	vst v11  }
0x24c: {  	[tilespmem:s0+$0xB130] =	vst v11  }
0x24d: {  	[tilespmem:s0+$0xB140] =	vst v11  }
0x24e: {  	[tilespmem:s0+$0xB150] =	vst v11  }
0x24f: {  	[tilespmem:s0+$0xB160] =	vst v11  }
0x250: {  	[tilespmem:s0+$0xB170] =	vst v11  }
0x251: {  	[tilespmem:s0+$0xB500] =	vst v11  }
0x252: {  	[tilespmem:s0+$0xB510] =	vst v11  }
0x253: {  	[tilespmem:s0+$0xB520] =	vst v11  }
0x254: {  	[tilespmem:s0+$0xB530] =	vst v11  }
0x255: {  	[tilespmem:s0+$0xB540] =	vst v11  }
0x256: {  	[tilespmem:s0+$0xB550] =	vst v11  }
0x257: {  	s23 =	rddreg [dreg:$0xa];
	[tilespmem:s0+$0xB560] =	vst v11  }
.Ltmp9:
0x258: {  	s24 =	simm.s32 $0x1E480;
	s25 =	simm.s32 $0x4;
	[tilespmem:s0+$0xB570] =	vst v11;
	(pc) =	sbr.rel .LBB2_12-.Ltmp9, $4  }
0x259: {  	[tilespmem:s24], [sflag:$0x4] =	stream.linear.gather [spmem:s23], $0x100, $0x38;
	v63 =	vld [tilespmem:$0x0]  }
0x25a: {  	_ =	swait.ge [sflag:s25], $0x100  }
0x25b: {  	[sflag:s25] =	ssyncset.done $0x0  }
0x25c: {  	s0 =	simm.s32 $0x0;
	[sflag:s25] =	ssyncadd.s32 $0xFFFFFF00  }
.LBB2_21:
0x25d: {  	s0 =	rddreg [dreg:$0x18]  }
0x25e: {  	s0 =	sadd.s32 $0x1, s0  }
0x25f: {  	p0 =	sne.s32 s0, $0x10  }
.Ltmp10:
0x260: {  	_ = 	snop;
	(pc) =	sbr.rel @!p0 .LBB2_22-.Ltmp10, $1  }
0x261: {  	_ =	sdelay $0x3  }
.LBB2_12:
0x262: {  	s24 =	sshll.u32 s0, $0x4  }
0x263: {  	[dreg:$0x18] =	wrdreg s0;
	s0 =	sand.u32 $0x3FFFFFF0, s24  }
0x264: {  	v14 =	vld [tilespmem:s0+$0x1E480];
	_ =	sdelay $0x4  }
0x265: {  	v14 =	vxor.u32 $0x80000000, v14  }
0x266: {  	(xrf0) =	vmax.scan.msk.u32 $0xffff, v14;
	_ =	sdelay $0x5  }
0x267: {  	v14, _, _ =	vpop (xrf0)  }
0x268: {  	(v2sf) =	vpush v14, $0xF;
	_ =	sdelay $0xe  }
0x269: {  	s25 =	spop (v2sf)  }
0x26a: {  	s14 =	sxor.u32 $0x80000000, s25  }
0x26b: {  	p0 =	slt.s32 s14, $0x1  }
.Ltmp11:
0x26c: {  	_ = 	snop;
	(pc) =	sbr.rel @p0 .LBB2_21-.Ltmp11, $1  }
0x26d: {  	_ =	sdelay $0x3  }
0x26e: {  	s0 =	rddreg [dreg:$0xd]  }
.Ltmp12:
0x26f: {  	s4 =	rddreg [dreg:$0x18];
	(pc) =	sbr.rel .LBB2_14-.Ltmp12, $4  }
0x270: {  	s0 =	sadd.s32 s0, s4;
	s8 =	smul.u32 $0x69C0, s4  }
0x271: {  	s0 =	smul.u32 $0x18A0, s0  }
0x272: {  	s25 =	rddreg [dreg:$0x9];
	s8 =	sshra.s32 s8, $0x2  }
0x273: {  	s23 =	simm.s32 $0x0;
	s15 =	sadd.s32 s8, s25;
	v14 =	vmov s0  }
.LBB2_20:
0x274: {  	s23 =	sadd.s32 $0x200, s23  }
0x275: {  	p0 =	slt.s32 s23, s14  }
.Ltmp13:
0x276: {  	_ = 	snop;
	(pc) =	sbr.rel @!p0 .LBB2_21-.Ltmp13, $1  }
0x277: {  	_ =	sdelay $0x3  }
.LBB2_14:
0x278: {  	s0 =	sadd.s32 s23, s15;
	s8 =	simm.s32 $0x1AD00;
	s24 =	simm.s32 $0x4  }
0x279: {  	[tilespmem:s8], [sflag:$0x4] =	stream.linear.gather [spmem:s0], $0x200, $0x38;
	v63 =	vld [tilespmem:$0x0]  }
0x27a: {  	_ =	swait.ge [sflag:s24], $0x200  }
0x27b: {  	[sflag:s24] =	ssyncset.done $0x0  }
0x27c: {  	[sflag:s24] =	ssyncadd.s32 $0xFFFFFE00  }
0x27d: {  	v15 =	vld [tilespmem:s8+$0x0];
	_ =	sdelay $0x1  }
0x27e: {  	s0 =	ssub.s32 s14, s23  }
0x27f: {  	p0 =	slt.s32 s0, $0x200  }
0x280: {  	s25 =	simm.s32 $0x0;
	s0 =	simm.s32 @!p0 $0x200  }
0x281: {  	v18 =	vor.u32 s25, v2;
	v16 =	vmov s0;
	v17 =	vand.u32 $0xFFF, v15  }
0x282: {  	vm1 =	vlt.s32 v18, v16;
	vm2 =	vge.u32 v17, v1  }
0x283: {  	vm1 =	vmand vm1, vm2;
	vm2 =	vlt.u32 v17, v0  }
0x284: {  	vm1 =	vmand vm2, vm1  }
0x285: {  	v17 =	vsel vm1, $0x1, v3  }
0x286: {  	(xrf0) =	vadd.scan.msk.s32 $0xffff, v17;
	_ =	sdelay $0x5  }
0x287: {  	v18, _, _ =	vpop (xrf0)  }
0x288: {  	v17 =	vmov s25;
	v19 =	vxor.u32 $0x80000000, v18  }
0x289: {  	v17 =	vadd.s32 $0xFFFFFFFF, v17;
	(xrf0) =	vmax.scan.msk.u32 $0xffff, v19  }
0x28a: {  	v17 =	vbroadcast v17, $0x0;
	_ =	sdelay $0x1  }
0x28b: {  	v17 =	vadd.s32 v18, v17;
	_ =	sdelay $0x2  }
0x28c: {  	v18, _, _ =	vpop (xrf0)  }
0x28d: {  	(v2sf) =	vpush v18, $0xF  }
0x28e: {  	s9 =	simm.s32 $0x1AD10;
	[tilespmem:v17+s1+$0x0] =	vst.idx.msk vm1, v15  }
0x28f: {  	s12 =	simm.s32 $0x20;
	s0 =	simm.s32 $0x0;
	s8 =	simm.s32 $0x10;
	v15 =	vld [tilespmem:s9+$0x0]  }
.LBB2_15:
0x290: {  	p0 =	sne.s32 s12, $0x1F0;
	_ =	sdelay $0x3  }
0x291: {  	v18 =	vor.u32 s8, v2;
	s8 =	smov.u32 s12;
	v17 =	vand.u32 $0xFFF, v15  }
0x292: {  	vm1 =	vlt.s32 v18, v16;
	vm2 =	vge.u32 v17, v1  }
0x293: {  	vm1 =	vmand vm1, vm2;
	vm2 =	vlt.u32 v17, v0  }
0x294: {  	vm1 =	vmand vm2, vm1  }
0x295: {  	v17 =	vsel vm1, $0x1, v3  }
0x296: {  	(xrf0) =	vadd.scan.msk.s32 $0xffff, v17;
	_ =	sdelay $0x2  }
0x297: {  	s13 =	spop (v2sf)  }
0x298: {  	s0 =	sadd.s32 s13, s0  }
0x299: {  	s0 =	sadd.s32 $0x80000000, s0  }
0x29a: {  	v17 =	vmov s0;
	v18, _, _ =	vpop (xrf0)  }
0x29b: {  	v17 =	vadd.s32 $0xFFFFFFFF, v17;
	v19 =	vxor.u32 $0x80000000, v18  }
0x29c: {  	v17 =	vbroadcast v17, $0x0;
	(xrf0) =	vmax.scan.msk.u32 $0xffff, v19;
	_ =	sdelay $0x1  }
0x29d: {  	v17 =	vadd.s32 v18, v17;
	_ =	sdelay $0x2  }
.Ltmp14:
0x29e: {  	(pc) =	sbr.rel @p0 .LBB2_15-.Ltmp14, $4  }
0x29f: {  	v18, _, _ =	vpop (xrf0)  }
0x2a0: {  	[tilespmem:v17+s1+$0x0] =	vst.idx.msk vm1, v15;
	(v2sf) =	vpush v18, $0xF  }
0x2a1: {  	s9 =	sadd.s32 $0x10, s9  }
0x2a2: {  	s12 =	sadd.s32 $0x10, s12;
	v15 =	vld [tilespmem:s9+$0x0]  }
0x2a3: {  	_ =	sdelay $0x3  }
0x2a4: {  	v18 =	vor.u32 s8, v2;
	v17 =	vand.u32 $0xFFF, v15  }
0x2a5: {  	vm1 =	vlt.s32 v18, v16;
	vm2 =	vge.u32 v17, v1  }
0x2a6: {  	vm1 =	vmand vm1, vm2;
	vm2 =	vlt.u32 v17, v0  }
0x2a7: {  	vm1 =	vmand vm2, vm1  }
0x2a8: {  	v60 =	vsel vm1, $0x1, v3  }
0x2a9: {  	(xrf0) =	vadd.scan.msk.s32 $0xffff, v60;
	_ =	sdelay $0x5  }
0x2aa: {  	v16, _, _ =	vpop (xrf0)  }
0x2ab: {  	v61 =	vxor.u32 $0x80000000, v16  }
0x2ac: {  	(xrf0) =	vmax.scan.msk.u32 $0xffff, v61;
	_ =	sdelay $0x5  }
0x2ad: {  	v17, _, _ =	vpop (xrf0)  }
0x2ae: {  	(v2sf) =	vpush v17, $0xF;
	_ =	sdelay $0xc  }
0x2af: {  	s21 =	spop (v2sf)  }
0x2b0: {  	s0 =	sadd.s32 s21, s0  }
0x2b1: {  	s0 =	sadd.s32 $0x80000000, s0;
	s22 =	spop (v2sf)  }
0x2b2: {  	s8 =	sadd.s32 s22, s0  }
0x2b3: {  	s8 =	sadd.s32 $0x80000000, s8  }
0x2b4: {  	s9 =	sadd.s32 $0x2F, s8  }
0x2b5: {  	s12 =	smulhi.u32 $0x2AAAAAAB, s9;
	s13 =	sshra.s32 s9, $0x1F  }
0x2b6: {  	s13 =	smul.u32 $0x2AAAAAAB, s13;
	_ =	sdelay $0x1  }
0x2b7: {  	s24 =	sadd.s32 s13, s12  }
0x2b8: {  	v62 =	vmov s0;
	s12 =	sshrl.u32 s24, $0x1F;
	s0 =	sshra.s32 s24, $0x3  }
0x2b9: {  	s0 =	sadd.s32 s12, s0  }
0x2ba: {  	s12 =	smul.u32 $0xFFFFFFD0, s0  }
0x2bb: {  	v17 =	vadd.s32 $0xFFFFFFFF, v62;
	s25 =	ssub.s32 $0xFFFFFFD1, s8  }
0x2bc: {  	v17 =	vbroadcast v17, $0x0;
	p0 =	slt.s32 s9, $0x1;
	p1 =	sne.s32 s12, s25  }
0x2bd: {  	p0 =	por !p0, !p1  }
0x2be: {  	v16 =	vadd.s32 v16, v17;
	s9 =	simm.s32 $0x1;
	p0 =	por !p0, !p0  }
0x2bf: {  	s9 =	simm.s32 @!p0 $0x0  }
0x2c0: {  	s19 =	ssub.s32 s0, s9  }
0x2c1: {  	p0 =	slt.s32 s19, $0x1  }
.Ltmp15:
0x2c2: {  	_ = 	snop;
	(pc) =	sbr.rel @p0 .LBB2_20-.Ltmp15, $4  }
0x2c3: {  	[tilespmem:v16+s1+$0x0] =	vst.idx.msk vm1, v15  }
0x2c4: {  	[tilespmem:s8+$0x1AF80] =	vst v0  }
0x2c5: {  	[tilespmem:s8+$0x1AF90] =	vst v0  }
0x2c6: {  	s18 =	simm.s32 $0x0;
	[tilespmem:s8+$0x1AFA0] =	vst v0;
	s12 =	simm.s32 $0x0;
	s25 =	simm.s32 $0x1  }
.LBB2_17:
0x2c7: {  	s0 =	smul.u32 $0x30, s18;
	_ =	sdelay $0x1  }
0x2c8: {  	v15 =	vld [tilespmem:s0+$0x1AF80];
	_ =	sdelay $0x4  }
0x2c9: {  	v15 =	vshra.s32 v15, $0xC  }
0x2ca: {  	v15 =	vadd.s32 v14, v15  }
0x2cb: {  	[tilespmem:$0x1B200] =	vst v15  }
0x2cc: {  	v15 =	vld [tilespmem:s0+$0x1AF90];
	_ =	sdelay $0x4  }
0x2cd: {  	v15 =	vshra.s32 v15, $0xC  }
0x2ce: {  	v15 =	vadd.s32 v14, v15  }
0x2cf: {  	[tilespmem:$0x1B210] =	vst v15  }
0x2d0: {  	v15 =	vld [tilespmem:s0+$0x1AFA0];
	_ =	sdelay $0x2  }
0x2d1: {  	v16 =	vor.u32 s0, v7;
	_ =	sdelay $0x1  }
0x2d2: {  	v15 =	vshra.s32 v15, $0xC  }
0x2d3: {  	v15 =	vadd.s32 v14, v15  }
0x2d4: {  	[tilespmem:$0x1B220] =	vst v15  }
0x2d5: {  	v15 =	vld.idx.msk [tilespmem:v16+s1+$0x0], $0xffff;
	_ =	sdelay $0x3  }
0x2d6: {  	s8 =	sor.u32 $0x4, s0  }
0x2d7: {  	v49 =	vor.u32 s8, v7;
	v15 =	vshra.s32 v15, $0xC  }
0x2d8: {  	v15 =	vadd.s32 v14, v15  }
0x2d9: {  	v15 =	vshll.u32 v15, $0x2  }
0x2da: {  	v15 =	vor.u32 v4, v15  }
0x2db: {  	[tilespmem:$0x1B280] =	vst v15  }
0x2dc: {  	v15 =	vld.idx.msk [tilespmem:v49+s1+$0x0], $0xffff;
	_ =	sdelay $0x3  }
0x2dd: {  	s22 =	sor.u32 $0x8, s0  }
0x2de: {  	v50 =	vor.u32 s22, v7;
	v15 =	vshra.s32 v15, $0xC  }
0x2df: {  	v15 =	vadd.s32 v14, v15  }
0x2e0: {  	v15 =	vshll.u32 v15, $0x2  }
0x2e1: {  	v15 =	vor.u32 v4, v15  }
0x2e2: {  	[tilespmem:$0x1B290] =	vst v15  }
0x2e3: {  	v15 =	vld.idx.msk [tilespmem:v50+s1+$0x0], $0xffff;
	_ =	sdelay $0x3  }
0x2e4: {  	s24 =	sor.u32 $0xC, s0  }
0x2e5: {  	v51 =	vor.u32 s24, v7;
	v15 =	vshra.s32 v15, $0xC  }
0x2e6: {  	v15 =	vadd.s32 v14, v15  }
0x2e7: {  	v15 =	vshll.u32 v15, $0x2  }
0x2e8: {  	v15 =	vor.u32 v4, v15  }
0x2e9: {  	[tilespmem:$0x1B2A0] =	vst v15  }
0x2ea: {  	v15 =	vld.idx.msk [tilespmem:v51+s1+$0x0], $0xffff;
	_ =	sdelay $0x3  }
0x2eb: {  	s4 =	sadd.s32 $0x10, s0  }
0x2ec: {  	v52 =	vor.u32 s4, v7;
	v15 =	vshra.s32 v15, $0xC  }
0x2ed: {  	v15 =	vadd.s32 v14, v15  }
0x2ee: {  	v15 =	vshll.u32 v15, $0x2  }
0x2ef: {  	v15 =	vor.u32 v4, v15  }
0x2f0: {  	[tilespmem:$0x1B2B0] =	vst v15  }
0x2f1: {  	v15 =	vld.idx.msk [tilespmem:v52+s1+$0x0], $0xffff;
	_ =	sdelay $0x3  }
0x2f2: {  	s9 =	sadd.s32 $0x14, s0  }
0x2f3: {  	v53 =	vor.u32 s9, v7;
	v15 =	vshra.s32 v15, $0xC  }
0x2f4: {  	v15 =	vadd.s32 v14, v15  }
0x2f5: {  	v15 =	vshll.u32 v15, $0x2  }
0x2f6: {  	v15 =	vor.u32 v4, v15  }
0x2f7: {  	[tilespmem:$0x1B2C0] =	vst v15  }
0x2f8: {  	v15 =	vld.idx.msk [tilespmem:v53+s1+$0x0], $0xffff;
	_ =	sdelay $0x3  }
0x2f9: {  	s13 =	sadd.s32 $0x18, s0  }
0x2fa: {  	v54 =	vor.u32 s13, v7;
	v15 =	vshra.s32 v15, $0xC  }
0x2fb: {  	v15 =	vadd.s32 v14, v15  }
0x2fc: {  	v15 =	vshll.u32 v15, $0x2  }
0x2fd: {  	v15 =	vor.u32 v4, v15  }
0x2fe: {  	[tilespmem:$0x1B2D0] =	vst v15  }
0x2ff: {  	v15 =	vld.idx.msk [tilespmem:v54+s1+$0x0], $0xffff;
	_ =	sdelay $0x3  }
0x300: {  	s17 =	sadd.s32 $0x1C, s0  }
0x301: {  	v55 =	vor.u32 s17, v7;
	v15 =	vshra.s32 v15, $0xC  }
0x302: {  	v15 =	vadd.s32 v14, v15  }
0x303: {  	v15 =	vshll.u32 v15, $0x2  }
0x304: {  	v15 =	vor.u32 v4, v15  }
0x305: {  	[tilespmem:$0x1B2E0] =	vst v15  }
0x306: {  	v15 =	vld.idx.msk [tilespmem:v55+s1+$0x0], $0xffff;
	_ =	sdelay $0x3  }
0x307: {  	s21 =	sadd.s32 $0x20, s0  }
0x308: {  	v56 =	vor.u32 s21, v7;
	v15 =	vshra.s32 v15, $0xC  }
0x309: {  	v15 =	vadd.s32 v14, v15  }
0x30a: {  	v15 =	vshll.u32 v15, $0x2  }
0x30b: {  	v15 =	vor.u32 v4, v15  }
0x30c: {  	[tilespmem:$0x1B2F0] =	vst v15  }
0x30d: {  	v15 =	vld.idx.msk [tilespmem:v56+s1+$0x0], $0xffff;
	_ =	sdelay $0x3  }
0x30e: {  	s22 =	sadd.s32 $0x24, s0  }
0x30f: {  	v57 =	vor.u32 s22, v7;
	v15 =	vshra.s32 v15, $0xC  }
0x310: {  	v15 =	vadd.s32 v14, v15  }
0x311: {  	v15 =	vshll.u32 v15, $0x2  }
0x312: {  	v15 =	vor.u32 v4, v15  }
0x313: {  	[tilespmem:$0x1B300] =	vst v15  }
0x314: {  	v15 =	vld.idx.msk [tilespmem:v57+s1+$0x0], $0xffff;
	_ =	sdelay $0x3  }
0x315: {  	s24 =	sadd.s32 $0x28, s0  }
0x316: {  	v58 =	vor.u32 s24, v7;
	v15 =	vshra.s32 v15, $0xC  }
0x317: {  	v15 =	vadd.s32 v14, v15  }
0x318: {  	v15 =	vshll.u32 v15, $0x2  }
0x319: {  	v15 =	vor.u32 v4, v15  }
0x31a: {  	[tilespmem:$0x1B310] =	vst v15  }
0x31b: {  	v15 =	vld.idx.msk [tilespmem:v58+s1+$0x0], $0xffff;
	_ =	sdelay $0x3  }
0x31c: {  	s0 =	sadd.s32 $0x2C, s0  }
0x31d: {  	v17 =	vld [tilespmem:$0x1B200];
	v59 =	vor.u32 s0, v7;
	v15 =	vshra.s32 v15, $0xC  }
0x31e: {  	v15 =	vadd.s32 v14, v15  }
0x31f: {  	v15 =	vshll.u32 v15, $0x2  }
0x320: {  	v15 =	vor.u32 v4, v15  }
0x321: {  	[tilespmem:$0x1B320] =	vst v15  }
0x322: {  	v60 =	vshll.u32 v17, $0x1;
	v15 =	vld.idx.msk [tilespmem:v59+s1+$0x0], $0xffff  }
0x323: {  	v17 =	vand.u32 $0x7, v17;
	v16 =	vand.u32 $0xFFFFFFF0, v60  }
0x324: {  	v16 =	vor.u32 v17, v16  }
0x325: {  	v17 =	vperm.xlane v16, v8;
	_ =	sdelay $0x1  }
0x326: {  	v16 =	vperm.xlane v16, v10;
	v17 =	vadd.s32 v9, v17;
	v15 =	vshra.s32 v15, $0xC  }
0x327: {  	v15 =	vadd.s32 v14, v15  }
0x328: {  	v16 =	vadd.s32 v9, v16;
	v15 =	vshll.u32 v15, $0x2  }
0x329: {  	v15 =	vor.u32 v4, v15  }
0x32a: {  	[tilespmem:$0x1B330] =	vst v15  }
0x32b: {  	[tilespmem:s2], [sflag:$0x2] =	stream.indirect_vreg.gather [hbm4b:s5+s12], $0x80, v17, vm0, $0xb8;
	v63 =	vld [tilespmem:$0x0]  }
0x32c: {  	_ = 	snop  }
0x32d: {  	[tilespmem:s7], [sflag:$0x2] =	stream.indirect_vreg.gather [hbm4b:s5+s12], $0x80, v16, vm0, $0xb8;
	v63 =	vld [tilespmem:$0x0]  }
0x32e: {  	v15 =	vld [tilespmem:$0x1B210];
	_ =	sdelay $0x4  }
0x32f: {  	v61 =	vshll.u32 v15, $0x1  }
0x330: {  	v15 =	vand.u32 $0x7, v15;
	v16 =	vand.u32 $0xFFFFFFF0, v61  }
0x331: {  	v15 =	vor.u32 v15, v16  }
0x332: {  	v16 =	vperm.xlane v15, v8;
	_ =	sdelay $0x1  }
0x333: {  	v15 =	vperm.xlane v15, v10;
	v16 =	vadd.s32 v9, v16;
	_ =	sdelay $0x1  }
0x334: {  	v15 =	vadd.s32 v9, v15;
	_ =	sdelay $0x2  }
0x335: {  	[tilespmem:s28], [sflag:$0x2] =	stream.indirect_vreg.gather [hbm4b:s5+s12], $0x80, v16, vm0, $0xb8;
	v63 =	vld [tilespmem:$0x0]  }
0x336: {  	_ = 	snop  }
0x337: {  	[tilespmem:s29], [sflag:$0x2] =	stream.indirect_vreg.gather [hbm4b:s5+s12], $0x80, v15, vm0, $0xb8;
	v63 =	vld [tilespmem:$0x0]  }
0x338: {  	v15 =	vld [tilespmem:$0x1B220];
	_ =	sdelay $0x4  }
0x339: {  	v62 =	vshll.u32 v15, $0x1  }
0x33a: {  	v15 =	vand.u32 $0x7, v15;
	v16 =	vand.u32 $0xFFFFFFF0, v62  }
0x33b: {  	v15 =	vor.u32 v15, v16  }
0x33c: {  	v16 =	vperm.xlane v15, v8;
	_ =	sdelay $0x1  }
0x33d: {  	v15 =	vperm.xlane v15, v10;
	v16 =	vadd.s32 v9, v16;
	_ =	sdelay $0x1  }
0x33e: {  	v15 =	vadd.s32 v9, v15;
	_ =	sdelay $0x2  }
0x33f: {  	[tilespmem:s30], [sflag:$0x2] =	stream.indirect_vreg.gather [hbm4b:s5+s12], $0x80, v16, vm0, $0xb8;
	v63 =	vld [tilespmem:$0x0]  }
0x340: {  	_ = 	snop  }
0x341: {  	[tilespmem:s31], [sflag:$0x2] =	stream.indirect_vreg.gather [hbm4b:s5+s12], $0x80, v15, vm0, $0xb8;
	v63 =	vld [tilespmem:$0x0]  }
0x342: {  	_ =	swait.ge [sflag:s20], $0x3000  }
0x343: {  	[sflag:s20] =	ssyncset.done $0x0  }
0x344: {  	[sflag:s20] =	ssyncadd.s32 $0xFFFFD000  }
0x345: {  	[tilespmem:s10], [sflag:$0x2] =	stream.indirect.gather [hbm4b:s6+s26], $0x1, s3, s26, $0xb8;
	v63 =	vld [tilespmem:$0x0]  }
0x346: {  	_ =	swait.ge [sflag:s20], $0xC0  }
0x347: {  	s9 =	simm.s32 $0x4;
	s13 =	smov.u32 s25;
	[sflag:s20] =	ssyncset.done $0x0  }
0x348: {  	s8 =	simm.s32 $0x0;
	s0 =	simm.s32 $0x0;
	[sflag:s20] =	ssyncadd.s32 $0xFFFFFF40  }
.LBB2_18:
0x349: {  	s22 =	sadd.s32 $0xFFFFFFFF, s13  }
0x34a: {  	v15 =	vmov s22  }
0x34b: {  	v15 =	vand.u32 $0xFFFFFFFE, v15  }
0x34c: {  	v15 =	vbroadcast v15, $0x0;
	_ =	sdelay $0x5  }
0x34d: {  	v15 =	vld.idx.msk [tilespmem:v15+s1+$0x0], $0xffff;
	_ =	sdelay $0x4  }
0x34e: {  	v15 =	vand.u32 $0xFFF, v15  }
0x34f: {  	v15 =	vor.u32 $0x80000000, v15  }
0x350: {  	(xrf0) =	vmax.scan.msk.u32 $0xffff, v15;
	_ =	sdelay $0x5  }
0x351: {  	v15, _, _ =	vpop (xrf0)  }
0x352: {  	(v2sf) =	vpush v15, $0xF;
	_ =	sdelay $0xe  }
0x353: {  	s17 =	spop (v2sf)  }
0x354: {  	s24 =	ssub.s32 s17, s16  }
0x355: {  	s24 =	sshrl.u32 s24, $0x3  }
0x356: {  	s24 =	smul.u32 $0x3000, s24  }
0x357: {  	s22 =	sshll.u32 s17, $0x7  }
0x358: {  	s4 =	sand.u32 $0x3800, s8;
	s22 =	sand.u32 $0x380, s22;
	s24 =	sshra.s32 s24, $0x2  }
0x359: {  	s21 =	sand.u32 $0x300, s0;
	s24 =	sor.u32 s22, s24;
	s22 =	sadd.s32 $0x1B380, s4  }
0x35a: {  	v15 =	vld [tilespmem:s24+$0xB100];
	s4 =	sadd.s32 s21, s22  }
0x35b: {  	v16 =	vld [tilespmem:s4+$0x0];
	_ =	sdelay $0x4  }
0x35c: {  	v15 =	vadd.f32 v16, v15;
	_ =	sdelay $0x1  }
0x35d: {  	[tilespmem:s24+$0xB100] =	vst v15;
	v15 =	vld [tilespmem:s24+$0xB110]  }
0x35e: {  	v28 =	vld [tilespmem:s4+$0x10];
	_ =	sdelay $0x4  }
0x35f: {  	v15 =	vadd.f32 v28, v15;
	_ =	sdelay $0x1  }
0x360: {  	[tilespmem:s24+$0xB110] =	vst v15;
	v15 =	vld [tilespmem:s24+$0xB120]  }
0x361: {  	v29 =	vld [tilespmem:s4+$0x20];
	_ =	sdelay $0x4  }
0x362: {  	v15 =	vadd.f32 v29, v15;
	_ =	sdelay $0x1  }
0x363: {  	[tilespmem:s24+$0xB120] =	vst v15;
	v15 =	vld [tilespmem:s24+$0xB130]  }
0x364: {  	v30 =	vld [tilespmem:s4+$0x30];
	_ =	sdelay $0x4  }
0x365: {  	v15 =	vadd.f32 v30, v15;
	_ =	sdelay $0x1  }
0x366: {  	[tilespmem:s24+$0xB130] =	vst v15;
	v15 =	vld [tilespmem:s24+$0xB140]  }
0x367: {  	v31 =	vld [tilespmem:s4+$0x40];
	_ =	sdelay $0x4  }
0x368: {  	v15 =	vadd.f32 v31, v15;
	_ =	sdelay $0x1  }
0x369: {  	[tilespmem:s24+$0xB140] =	vst v15;
	v15 =	vld [tilespmem:s24+$0xB150]  }
0x36a: {  	v32 =	vld [tilespmem:s4+$0x50];
	_ =	sdelay $0x4  }
0x36b: {  	v15 =	vadd.f32 v32, v15;
	_ =	sdelay $0x1  }
0x36c: {  	[tilespmem:s24+$0xB150] =	vst v15;
	v15 =	vld [tilespmem:s24+$0xB160]  }
0x36d: {  	v33 =	vld [tilespmem:s4+$0x60];
	_ =	sdelay $0x4  }
0x36e: {  	v15 =	vadd.f32 v33, v15;
	_ =	sdelay $0x1  }
0x36f: {  	[tilespmem:s24+$0xB160] =	vst v15;
	v15 =	vld [tilespmem:s24+$0xB170]  }
0x370: {  	v34 =	vld [tilespmem:s4+$0x70];
	_ =	sdelay $0x4  }
0x371: {  	v15 =	vadd.f32 v34, v15;
	_ =	sdelay $0x1  }
0x372: {  	[tilespmem:s24+$0xB170] =	vst v15;
	v15 =	vld [tilespmem:s24+$0xB500]  }
0x373: {  	v35 =	vld [tilespmem:s4+$0x400];
	_ =	sdelay $0x4  }
0x374: {  	v15 =	vadd.f32 v35, v15;
	_ =	sdelay $0x1  }
0x375: {  	[tilespmem:s24+$0xB500] =	vst v15;
	v15 =	vld [tilespmem:s24+$0xB510]  }
0x376: {  	v36 =	vld [tilespmem:s4+$0x410];
	_ =	sdelay $0x4  }
0x377: {  	v15 =	vadd.f32 v36, v15;
	_ =	sdelay $0x1  }
0x378: {  	[tilespmem:s24+$0xB510] =	vst v15;
	v15 =	vld [tilespmem:s24+$0xB520]  }
0x379: {  	v37 =	vld [tilespmem:s4+$0x420];
	_ =	sdelay $0x4  }
0x37a: {  	v15 =	vadd.f32 v37, v15;
	_ =	sdelay $0x1  }
0x37b: {  	[tilespmem:s24+$0xB520] =	vst v15;
	v15 =	vld [tilespmem:s24+$0xB530]  }
0x37c: {  	v38 =	vld [tilespmem:s4+$0x430];
	_ =	sdelay $0x4  }
0x37d: {  	v15 =	vadd.f32 v38, v15;
	_ =	sdelay $0x1  }
0x37e: {  	[tilespmem:s24+$0xB530] =	vst v15;
	v15 =	vld [tilespmem:s24+$0xB540]  }
0x37f: {  	v39 =	vld [tilespmem:s4+$0x440];
	_ =	sdelay $0x4  }
0x380: {  	v15 =	vadd.f32 v39, v15;
	_ =	sdelay $0x1  }
0x381: {  	[tilespmem:s24+$0xB540] =	vst v15;
	v15 =	vld [tilespmem:s24+$0xB550]  }
0x382: {  	v40 =	vld [tilespmem:s4+$0x450];
	_ =	sdelay $0x4  }
0x383: {  	v15 =	vadd.f32 v40, v15;
	_ =	sdelay $0x1  }
0x384: {  	[tilespmem:s24+$0xB550] =	vst v15;
	v15 =	vld [tilespmem:s24+$0xB560]  }
0x385: {  	v41 =	vld [tilespmem:s4+$0x460];
	_ =	sdelay $0x4  }
0x386: {  	v15 =	vadd.f32 v41, v15;
	_ =	sdelay $0x1  }
0x387: {  	[tilespmem:s24+$0xB560] =	vst v15;
	v15 =	vld [tilespmem:s24+$0xB570]  }
0x388: {  	v42 =	vld [tilespmem:s4+$0x470];
	_ =	sdelay $0x1  }
0x389: {  	s21 =	sadd.s32 $0xFFFFFFFC, s9  }
0x38a: {  	v17 =	vor.u32 s21, v12;
	_ =	sdelay $0x1  }
0x38b: {  	v15 =	vadd.f32 v42, v15;
	_ =	sdelay $0x1  }
0x38c: {  	[tilespmem:s24+$0xB570] =	vst v15  }
0x38d: {  	v15 =	vld.idx.msk [tilespmem:v17+s10+$0x0], $0xffff  }
0x38e: {  	v43 =	vld [tilespmem:s24+$0xB900];
	_ =	sdelay $0x2  }
0x38f: {  	vm1 =	vmmov $0xf;
	v44 =	vmov s13  }
0x390: {  	v15 =	vnsel vm1, $0x0, v15  }
0x391: {  	v15 =	vadd.f32 v15, v43;
	_ =	sdelay $0x1  }
0x392: {  	[tilespmem:s24+$0xB900] =	vst v15  }
0x393: {  	v15 =	vld.idx.msk [tilespmem:v44+s1+$0x0], $0xffff;
	_ =	sdelay $0x4  }
0x394: {  	v15 =	vand.u32 $0xFFF, v15  }
0x395: {  	v15 =	vor.u32 $0x80000000, v15  }
0x396: {  	(xrf0) =	vmax.scan.msk.u32 $0xffff, v15;
	_ =	sdelay $0x5  }
0x397: {  	v15, _, _ =	vpop (xrf0)  }
0x398: {  	(v2sf) =	vpush v15, $0xF;
	_ =	sdelay $0xe  }
0x399: {  	s24 =	spop (v2sf)  }
0x39a: {  	s17 =	ssub.s32 s24, s16  }
0x39b: {  	s21 =	sshrl.u32 s17, $0x3  }
0x39c: {  	s21 =	smul.u32 $0x3000, s21  }
0x39d: {  	s4 =	sshll.u32 s24, $0x7  }
0x39e: {  	s4 =	sand.u32 $0x380, s4;
	s17 =	sadd.s32 $0x80, s0;
	s21 =	sshra.s32 s21, $0x2  }
0x39f: {  	s24 =	sor.u32 s4, s21;
	s21 =	sand.u32 $0x380, s17  }
0x3a0: {  	v15 =	vld [tilespmem:s24+$0xB100];
	s4 =	sadd.s32 s21, s22  }
0x3a1: {  	v45 =	vld [tilespmem:s4+$0x0];
	_ =	sdelay $0x4  }
0x3a2: {  	v15 =	vadd.f32 v45, v15;
	_ =	sdelay $0x1  }
0x3a3: {  	[tilespmem:s24+$0xB100] =	vst v15;
	v15 =	vld [tilespmem:s24+$0xB110]  }
0x3a4: {  	v46 =	vld [tilespmem:s4+$0x10];
	_ =	sdelay $0x4  }
0x3a5: {  	v15 =	vadd.f32 v46, v15;
	_ =	sdelay $0x1  }
0x3a6: {  	[tilespmem:s24+$0xB110] =	vst v15;
	v15 =	vld [tilespmem:s24+$0xB120]  }
0x3a7: {  	v47 =	vld [tilespmem:s4+$0x20];
	_ =	sdelay $0x4  }
0x3a8: {  	v15 =	vadd.f32 v47, v15;
	_ =	sdelay $0x1  }
0x3a9: {  	[tilespmem:s24+$0xB120] =	vst v15;
	v15 =	vld [tilespmem:s24+$0xB130]  }
0x3aa: {  	v48 =	vld [tilespmem:s4+$0x30];
	_ =	sdelay $0x4  }
0x3ab: {  	v15 =	vadd.f32 v48, v15;
	_ =	sdelay $0x1  }
0x3ac: {  	[tilespmem:s24+$0xB130] =	vst v15;
	v15 =	vld [tilespmem:s24+$0xB140]  }
0x3ad: {  	v49 =	vld [tilespmem:s4+$0x40];
	_ =	sdelay $0x4  }
0x3ae: {  	v15 =	vadd.f32 v49, v15;
	_ =	sdelay $0x1  }
0x3af: {  	[tilespmem:s24+$0xB140] =	vst v15;
	v15 =	vld [tilespmem:s24+$0xB150]  }
0x3b0: {  	v50 =	vld [tilespmem:s4+$0x50];
	_ =	sdelay $0x4  }
0x3b1: {  	v15 =	vadd.f32 v50, v15;
	_ =	sdelay $0x1  }
0x3b2: {  	[tilespmem:s24+$0xB150] =	vst v15;
	v15 =	vld [tilespmem:s24+$0xB160]  }
0x3b3: {  	v51 =	vld [tilespmem:s4+$0x60];
	_ =	sdelay $0x4  }
0x3b4: {  	v15 =	vadd.f32 v51, v15;
	_ =	sdelay $0x1  }
0x3b5: {  	[tilespmem:s24+$0xB160] =	vst v15;
	v15 =	vld [tilespmem:s24+$0xB170]  }
0x3b6: {  	v52 =	vld [tilespmem:s4+$0x70];
	_ =	sdelay $0x4  }
0x3b7: {  	v15 =	vadd.f32 v52, v15;
	_ =	sdelay $0x1  }
0x3b8: {  	[tilespmem:s24+$0xB170] =	vst v15;
	v15 =	vld [tilespmem:s24+$0xB500]  }
0x3b9: {  	v53 =	vld [tilespmem:s4+$0x400];
	_ =	sdelay $0x4  }
0x3ba: {  	v15 =	vadd.f32 v53, v15;
	_ =	sdelay $0x1  }
0x3bb: {  	[tilespmem:s24+$0xB500] =	vst v15;
	v15 =	vld [tilespmem:s24+$0xB510]  }
0x3bc: {  	v54 =	vld [tilespmem:s4+$0x410];
	_ =	sdelay $0x4  }
0x3bd: {  	v15 =	vadd.f32 v54, v15;
	_ =	sdelay $0x1  }
0x3be: {  	[tilespmem:s24+$0xB510] =	vst v15;
	v15 =	vld [tilespmem:s24+$0xB520]  }
0x3bf: {  	v55 =	vld [tilespmem:s4+$0x420];
	_ =	sdelay $0x4  }
0x3c0: {  	v15 =	vadd.f32 v55, v15;
	_ =	sdelay $0x1  }
0x3c1: {  	[tilespmem:s24+$0xB520] =	vst v15;
	v15 =	vld [tilespmem:s24+$0xB530]  }
0x3c2: {  	v56 =	vld [tilespmem:s4+$0x430];
	_ =	sdelay $0x4  }
0x3c3: {  	v15 =	vadd.f32 v56, v15;
	_ =	sdelay $0x1  }
0x3c4: {  	[tilespmem:s24+$0xB530] =	vst v15;
	v15 =	vld [tilespmem:s24+$0xB540]  }
0x3c5: {  	v57 =	vld [tilespmem:s4+$0x440];
	_ =	sdelay $0x4  }
0x3c6: {  	v15 =	vadd.f32 v57, v15;
	_ =	sdelay $0x1  }
0x3c7: {  	[tilespmem:s24+$0xB540] =	vst v15;
	v15 =	vld [tilespmem:s24+$0xB550]  }
0x3c8: {  	v58 =	vld [tilespmem:s4+$0x450];
	_ =	sdelay $0x4  }
0x3c9: {  	v15 =	vadd.f32 v58, v15;
	_ =	sdelay $0x1  }
0x3ca: {  	[tilespmem:s24+$0xB550] =	vst v15;
	v15 =	vld [tilespmem:s24+$0xB560]  }
0x3cb: {  	v59 =	vld [tilespmem:s4+$0x460];
	_ =	sdelay $0x4  }
0x3cc: {  	v15 =	vadd.f32 v59, v15;
	_ =	sdelay $0x1  }
0x3cd: {  	[tilespmem:s24+$0xB560] =	vst v15;
	v15 =	vld [tilespmem:s24+$0xB570]  }
0x3ce: {  	v60 =	vld [tilespmem:s4+$0x470];
	_ =	sdelay $0x2  }
0x3cf: {  	v61 =	vor.u32 s9, v12;
	_ =	sdelay $0x1  }
0x3d0: {  	v15 =	vadd.f32 v60, v15;
	_ =	sdelay $0x1  }
0x3d1: {  	[tilespmem:s24+$0xB570] =	vst v15  }
0x3d2: {  	v15 =	vld.idx.msk [tilespmem:v61+s10+$0x0], $0xffff  }
0x3d3: {  	v62 =	vld [tilespmem:s24+$0xB900];
	_ =	sdelay $0x1  }
0x3d4: {  	p0 =	sne.s32 s9, $0xBC  }
.Ltmp16:
0x3d5: {  	_ = 	snop;
	(pc) =	sbr.rel @p0 .LBB2_18-.Ltmp16, $4  }
0x3d6: {  	v15 =	vnsel vm1, $0x0, v15  }
0x3d7: {  	v15 =	vadd.f32 v15, v62  }
0x3d8: {  	s8 =	sadd.s32 $0x200, s8  }
0x3d9: {  	s13 =	sadd.s32 $0x2, s13;
	s9 =	sadd.s32 $0x8, s9;
	s0 =	sadd.s32 $0x100, s0;
	[tilespmem:s24+$0xB900] =	vst v15  }
0x3da: {  	s18 =	sadd.s32 $0x1, s18  }
0x3db: {  	p0 =	sne.s32 s18, s19  }
.Ltmp17:
0x3dc: {  	_ = 	snop;
	(pc) =	sbr.rel @p0 .LBB2_17-.Ltmp17, $4  }
.Ltmp18:
0x3dd: {  	_ = 	snop;
	(pc) =	sbr.rel @!p0 .LBB2_20-.Ltmp18, $4  }
0x3de: {  	_ = 	snop  }
0x3df: {  	_ = 	snop  }
0x3e0: {  	s25 =	sadd.s32 $0x30, s25  }
0x3e1: {  	_ = 	snop  }
.LBB2_24:
0x3e2: {  	_ =	sfence.sel $0x180000  }
0x3e3: {  	[bflag:$0x0] =	sbarrier.arrive $0xFFFF  }
0x3e4: {  	_ =	strace $0x90000047  }
0x3e5: {  	s0 =	stileid.u32;
	[bflag:$0x2] =	sbarrier.arrive $0xFFFF  }
0x3e6: {  	p0 =	sne.s32 s0, $0x0;
	s0 =	rddreg [dreg:$0xb]  }
0x3e7: {  	s0 =	sadd.s32 @!p0 $0x100000, s0  }
0x3e8: {  	[sflag:s0] =	ssyncadd.tile.s32 @!p0 $0x1;
	_ =	shalt  }
.Lfunc_end2:
_tile_overlayer_lowered:
.L_overlay_start_2:
0x3e9: {  	(tag) =	ssettag $0x2  }
0x3ea: {  	s0 =	rddreg [dreg:$0x0];
	s2 =	stileid.u32  }
0x3eb: {  	s1 =	rddreg [dreg:$0x1];
	p0 =	sne.s32 s2, $0x0  }
0x3ec: {  	s3 =	rddreg [dreg:$0x2];
	[bflag:$0x3] =	sbarrier.arrive $0xFFFF;
	s2 =	simm.s32 @!p0 $0x1C04  }
0x3ed: {  	[timem:s3], [sflag:s2] =	dma.local @!p0 [hbm:s0], s1  }
0x3ee: {  	s0 =	simm.s32 @!p0 $0x4  }
0x3ef: {  	_ =	swait.ge @!p0 [sflag:s0], s1  }
0x3f0: {  	s1 =	ssub.s32 @!p0 $0x0, s1;
	[sflag:s0] =	ssyncset.done @!p0 $0x0  }
0x3f1: {  	[sflag:s0] =	ssyncadd.s32 @!p0 s1  }
0x3f2: {  	[bflag:$0x3] =	sbarrier.arrive $0xFFFF  }
0x3f3: {  	_ =	shalt  }

</sc_bundles>
